<compile_context>
chip_gen: v7x
topology: tpu7x:2x2x1
jax: 0.10.2.dev20260603
libtpu: 0.0.44.dev20260713+nightly
codegen_flags: <defaults>
</compile_context>

<pallas_src>
import functools

import jax
import jax.numpy as jnp
from jax import lax
from jax.experimental import pallas as pl
from jax.experimental.pallas import tpu as pltpu
from jax.experimental.pallas import tpu_sc as plsc

_SC_PARAMS = dict(
    compiler_params=pltpu.CompilerParams(
        needs_layout_passes=False, use_tc_tiling_on_sc=False
    ),
)


def _build_relayout(H, W, D):
    info = plsc.get_sparse_core_info()
    NW = info.num_cores * info.num_subcores
    L = info.num_lanes
    v_per_w = H // NW
    row_words = W * D

    mesh = plsc.VectorSubcoreMesh(core_axis_name="c", subcore_axis_name="s")

    @functools.partial(
        pl.kernel,
        mesh=mesh,
        **_SC_PARAMS,
        out_type=jax.ShapeDtypeStruct((H * W * D,), jnp.float32),
        scratch_types=[
            pltpu.VMEM((2, row_words), jnp.float32),
            pltpu.VMEM((2, row_words), jnp.float32),
            pltpu.SemaphoreType.DMA,
            pltpu.SemaphoreType.DMA,
            pltpu.SemaphoreType.DMA,
            pltpu.SemaphoreType.DMA,
        ],
    )
    def relayout(grid_hbm, table_hbm, in_v, out_v, si0, si1, so0, so1):
        wid = lax.axis_index("s") * info.num_cores + lax.axis_index("c")
        iota = lax.iota(jnp.int32, L)
        sin = (si0, si1)
        sout = (so0, so1)
        vbase = wid * v_per_w

        def fire_in(k, g):
            pltpu.async_copy(grid_hbm.at[vbase + k], in_v.at[g], sin[g])

        def stage(i, k, g):
            pltpu.make_async_copy(grid_hbm.at[vbase + k], in_v.at[g], sin[g]).wait()

            @pl.when(i > 0)
            def _():
                pltpu.make_async_copy(
                    out_v.at[g], table_hbm.at[pl.ds(0, row_words)], sout[g]
                ).wait()

            @plsc.parallel_loop(0, row_words // L, unroll=8)
            def t_body(kk):
                j = kk >> 6
                d = (kk >> 3) & 7
                r0 = (kk & 7) * L
                val = in_v[g, pl.ds(j * 1024 + d * 128 + r0, L)]
                oidx = j * 1024 + r0 * 8 + iota * 8 + d
                plsc.store_scatter(out_v.at[g], [oidx], val)

            pltpu.async_copy(
                out_v.at[g],
                table_hbm.at[pl.ds((vbase + k) * row_words, row_words)],
                sout[g],
            )

            @pl.when(k + 2 < v_per_w)
            def _():
                fire_in(k + 2, g)

        fire_in(0, 0)
        fire_in(1, 1)

        def pipe_body(i, _):
            stage(i, 2 * i, 0)
            stage(i, 2 * i + 1, 1)
            return 0

        lax.fori_loop(0, v_per_w // 2, pipe_body, 0)
        pltpu.make_async_copy(
            out_v.at[0], table_hbm.at[pl.ds(0, row_words)], sout[0]
        ).wait()
        pltpu.make_async_copy(
            out_v.at[1], table_hbm.at[pl.ds(0, row_words)], sout[1]
        ).wait()

    return relayout


def _build_gather(N, H, W, D, C):
    info = plsc.get_sparse_core_info()
    NC, NS, L = info.num_cores, info.num_subcores, info.num_lanes
    NW = NC * NS
    NQP = -(-N // 128) * 128
    span = -(-NQP // NW)
    span += (-span) % 128
    n_chunks = -(-span // C)
    n_chunks += n_chunks % 2
    scale_u = float(W - 1)
    scale_v = float(H - 1)
    row_max = H * W - W - 2

    mesh = plsc.VectorSubcoreMesh(core_axis_name="c", subcore_axis_name="s")

    @functools.partial(
        pl.kernel,
        mesh=mesh,
        **_SC_PARAMS,
        out_type=jax.ShapeDtypeStruct((NQP * D,), jnp.float32),
        scratch_types=[
            pltpu.VMEM((2, C // 128, 2, 128), jnp.float32),
            pltpu.VMEM((2, C), jnp.int32),
            pltpu.VMEM((2, C), jnp.int32),
            pltpu.VMEM((2, C), jnp.int32),
            pltpu.VMEM((2, C), jnp.int32),
            pltpu.VMEM((2, C), jnp.float32),
            pltpu.VMEM((2, C), jnp.float32),
            pltpu.VMEM((2, C, D), jnp.float32),
            pltpu.VMEM((2, C, D), jnp.float32),
            pltpu.VMEM((2, C, D), jnp.float32),
            pltpu.VMEM((2, C, D), jnp.float32),
            pltpu.VMEM((2, C * D), jnp.float32),
            pltpu.SemaphoreType.DMA,
            pltpu.SemaphoreType.DMA,
        ],
    )
    def gather_blend(uv_hbm, table_hbm, out_hbm,
                     uv_v, ia_v, ib_v, ic_v, id_v, al_v, be_v,
                     ra_v, rb_v, rc_v, rd_v, out_v, sem0, sem1):
        wid = lax.axis_index("s") * NC + lax.axis_index("c")
        iota = lax.iota(jnp.int32, L)
        sems = (sem0, sem1)

        wbase = jnp.minimum(wid * span, NQP - span)

        def prep(ci, g):
            base = wbase + jnp.minimum(ci * C, span - C)
            pltpu.sync_copy(uv_hbm.at[pl.ds(base // 128, C // 128)], uv_v.at[g])

            @plsc.parallel_loop(0, C // L, unroll=4)
            def idx_body(t):
                off = t * L
                u = uv_v[g, off >> 7, 0, pl.ds(off & 127, L)]
                v = uv_v[g, off >> 7, 1, pl.ds(off & 127, L)]
                xf = u * scale_u
                ix = xf.astype(jnp.int32)
                fx = xf - ix.astype(jnp.float32)
                yf = v * scale_v
                iy = yf.astype(jnp.int32)
                fy = yf - iy.astype(jnp.float32)
                row = jnp.minimum(jnp.maximum(iy * W + ix, 0), row_max)
                ia_v[g, pl.ds(off, L)] = row
                ib_v[g, pl.ds(off, L)] = row + 1
                ic_v[g, pl.ds(off, L)] = row + W
                id_v[g, pl.ds(off, L)] = row + (W + 1)
                al_v[g, pl.ds(off, L)] = fx
                be_v[g, pl.ds(off, L)] = fy

            pltpu.async_copy(table_hbm.at[ia_v.at[g]], ra_v.at[g], sems[g])
            pltpu.async_copy(table_hbm.at[ib_v.at[g]], rb_v.at[g], sems[g])
            pltpu.async_copy(table_hbm.at[ic_v.at[g]], rc_v.at[g], sems[g])
            pltpu.async_copy(table_hbm.at[id_v.at[g]], rd_v.at[g], sems[g])

        def blend(ci, g):
            base = wbase + jnp.minimum(ci * C, span - C)
            pltpu.make_async_copy(table_hbm.at[ia_v.at[g]], ra_v.at[g], sems[g]).wait()
            pltpu.make_async_copy(table_hbm.at[ib_v.at[g]], rb_v.at[g], sems[g]).wait()
            pltpu.make_async_copy(table_hbm.at[ic_v.at[g]], rc_v.at[g], sems[g]).wait()
            pltpu.make_async_copy(table_hbm.at[id_v.at[g]], rd_v.at[g], sems[g]).wait()

            @plsc.parallel_loop(0, C // L, unroll=2)
            def blend_body(k):
                b = k >> 3
                s = k & 7
                qs = b * 128 + s * L
                rid = qs + iota
                al = al_v[g, pl.ds(qs, L)]
                be = be_v[g, pl.ds(qs, L)]
                nal = 1.0 - al
                nbe = 1.0 - be
                wa = nal * nbe
                wb = al * nbe
                wc = nal * be
                wd = al * be
                for d in range(D):
                    dvec = iota * 0 + d
                    a = plsc.load_gather(ra_v.at[g], [rid, dvec])
                    bb = plsc.load_gather(rb_v.at[g], [rid, dvec])
                    c = plsc.load_gather(rc_v.at[g], [rid, dvec])
                    dd = plsc.load_gather(rd_v.at[g], [rid, dvec])
                    o = a * wa + bb * wb + c * wc + dd * wd
                    out_v[g, pl.ds(b * 1024 + d * 128 + s * L, L)] = o

            pltpu.sync_copy(out_v.at[g], out_hbm.at[pl.ds(base * D, C * D)])

        prep(0, 0)

        def pipe_body(i, _):
            prep(2 * i + 1, 1)
            blend(2 * i, 0)

            @pl.when(i < n_chunks // 2 - 1)
            def _():
                prep(2 * i + 2, 0)

            blend(2 * i + 1, 1)
            return 0

        lax.fori_loop(0, n_chunks // 2, pipe_body, 0)

    return gather_blend


def kernel(uvList, grid):
    N = uvList.shape[0]
    H, W, D = grid.shape
    grid_native = (
        grid.transpose(0, 2, 1)
        .reshape(H, D, W // 128, 128)
        .transpose(0, 2, 1, 3)
        .reshape(H, W * D)
    )
    table_flat = _build_relayout(H, W, D)(grid_native)
    table = table_flat.reshape(H * W, D)
    NQP = -(-N // 128) * 128
    uv_native = (
        jnp.pad(uvList, ((0, NQP - N), (0, 0)))
        .reshape(NQP // 128, 128, 2)
        .transpose(0, 2, 1)
    )
    out_flat = _build_gather(N, H, W, D, 1024)(uv_native, table)
    NQP = -(-N // 128) * 128
    out = (
        out_flat.reshape(NQP // 128, D, 128)
        .transpose(0, 2, 1)
        .reshape(NQP, D)
    )
    return out[:N]

# --- scband reference (transcript-rebuilt; emitter-appended) ---
"""Pipeline reference for scband-spatial-grid2-d-21234318312197 (READ-ONLY COPY).

The authoritative reference and input builder live on the scoring server;
editing this copy changes nothing except your own understanding.
"""

import jax, jax.numpy as jnp
import numpy as np

U_DIM = 2048
V_DIM = 2048
LATENT = 8
N_QUERIES = 1000000


def bilinear2d(uvList, array2D):
    H = array2D.shape[0]
    W = array2D.shape[1]
    scale = jnp.array([W - 1, H - 1], dtype=uvList.dtype)
    indexFloat = uvList * scale
    frac = indexFloat - jnp.floor(indexFloat)
    index = indexFloat.astype(jnp.int32)
    alpha = frac[:, 0].reshape((-1, 1))
    beta = frac[:, 1].reshape((-1, 1))
    a = array2D[index[:, 1], index[:, 0]]
    b = array2D[index[:, 1], index[:, 0] + 1]
    c = array2D[index[:, 1] + 1, index[:, 0]]
    d = array2D[index[:, 1] + 1, index[:, 0] + 1]
    p = a * (1 - alpha) + alpha * b
    q = c * (1 - alpha) + alpha * d
    return p * (1 - beta) + beta * q


def setup_inputs(seed: int = 0) -> dict:
    key = jax.random.key(seed)
    k1, k2 = jax.random.split(key)
    uvList = jax.random.uniform(k1, (N_QUERIES, 2), dtype=jnp.float32)
    grid = jax.random.normal(k2, (V_DIM, U_DIM, LATENT), dtype=jnp.float32)
    return {"uvList": uvList, "grid": grid}


def reference(uvList, grid):
    # SpatialGrid2D.forward with bilinear=True, normalize=False:
    # Array2DBilinearLookup.apply(uvList, grid)
    return bilinear2d(uvList, grid)

if __name__ == "__main__":
    import jax
    _d = setup_inputs()
    print(jax.jit(kernel)(*tuple(_d.values())))

</pallas_src>

<mosaic_0001>
#map = affine_map<(d0, d1) -> (0, 0)>
#map1 = affine_map<(d0, d1) -> (0)>
module attributes {stable_mosaic.version = 14 : i64} {
  func.func @relayout(%arg0: i32, %arg1: i32, %arg2: memref<2048x16384xf32, #tpu.memory_space<hbm>>, %arg3: memref<33554432xf32, #tpu.memory_space<hbm>>, %arg4: memref<2x16384xf32, #tpu.memory_space<vmem>>, %arg5: memref<2x16384xf32, #tpu.memory_space<vmem>>, %arg6: memref<!tpu.dma_semaphore, #tpu.memory_space<semaphore_mem>>, %arg7: memref<!tpu.dma_semaphore, #tpu.memory_space<semaphore_mem>>, %arg8: memref<!tpu.dma_semaphore, #tpu.memory_space<semaphore_mem>>, %arg9: memref<!tpu.dma_semaphore, #tpu.memory_space<semaphore_mem>>) attributes {dimension_semantics = [#tpu.dimension_semantics<core_parallel>, #tpu.dimension_semantics<subcore_parallel>], iteration_bounds = array<i64: 2, 16>, scalar_prefetch = 0 : i64, scratch_operands = 6 : i64, tpu.core_type = #tpu.core_type<sc_vector_subcore>, window_params = [{transform_indices = #map}, {transform_indices = #map1}]} {
    %mul3A = arith.constant 2 : i32
    %mul3A_0 = arith.muli %arg1, %mul3A : i32
    %add3A = arith.addi %mul3A_0, %arg0 : i32
    %iota3A = tpu.iota {dimensions = array<i32: 0>} : vector<16xi32>
    %mul3A_1 = arith.constant 64 : i32
    %mul3A_2 = arith.muli %add3A, %mul3A_1 : i32
    %add3A_3 = arith.constant 0 : i32
    %add3A_4 = arith.addi %mul3A_2, %add3A_3 : i32
    %dma_start3A = arith.constant 0 : i32
    %dma_start3A_5 = arith.constant 0 : i32
    %dma_start3A_6 = tpu.memref_slice %arg4[%dma_start3A, %dma_start3A_5] : memref<2x16384xf32, #tpu.memory_space<vmem>> -> memref<1x16384xf32, #tpu.memory_space<vmem>>
    %dma_start3A_7 = tpu.memref_squeeze %dma_start3A_6 : memref<1x16384xf32, #tpu.memory_space<vmem>> -> memref<16384xf32, #tpu.memory_space<vmem>>
    %dma_start3A_8 = arith.constant 0 : i32
    %dma_start3A_9 = tpu.memref_slice %arg2[%add3A_4, %dma_start3A_8] : memref<2048x16384xf32, #tpu.memory_space<hbm>> -> memref<1x16384xf32, #tpu.memory_space<hbm>>
    %dma_start3A_10 = tpu.memref_squeeze %dma_start3A_9 : memref<1x16384xf32, #tpu.memory_space<hbm>> -> memref<16384xf32, #tpu.memory_space<hbm>>
    %dma_start3A_11 = arith.constant 0 : i32
    %dma_start3A_12 = tpu.memref_slice %arg4[%dma_start3A, %dma_start3A_11] : memref<2x16384xf32, #tpu.memory_space<vmem>> -> memref<1x16384xf32, #tpu.memory_space<vmem>>
    %dma_start3A_13 = tpu.memref_squeeze %dma_start3A_12 : memref<1x16384xf32, #tpu.memory_space<vmem>> -> memref<16384xf32, #tpu.memory_space<vmem>>
    %dma_start3A_14 = arith.constant 0 : i32
    %dma_start3A_15 = tpu.memref_slice %arg2[%add3A_4, %dma_start3A_14] : memref<2048x16384xf32, #tpu.memory_space<hbm>> -> memref<1x16384xf32, #tpu.memory_space<hbm>>
    %dma_start3A_16 = tpu.memref_squeeze %dma_start3A_15 : memref<1x16384xf32, #tpu.memory_space<hbm>> -> memref<16384xf32, #tpu.memory_space<hbm>>
    tpu.enqueue_dma source(%dma_start3A_16 : memref<16384xf32, #tpu.memory_space<hbm>>) target(%dma_start3A_13 : memref<16384xf32, #tpu.memory_space<vmem>>) target_semaphore(%arg6 : memref<!tpu.dma_semaphore, #tpu.memory_space<semaphore_mem>>)
    %add3A_17 = arith.constant 1 : i32
    %add3A_18 = arith.addi %mul3A_2, %add3A_17 : i32
    %dma_start3A_19 = arith.constant 1 : i32
    %dma_start3A_20 = arith.constant 0 : i32
    %dma_start3A_21 = tpu.memref_slice %arg4[%dma_start3A_19, %dma_start3A_20] : memref<2x16384xf32, #tpu.memory_space<vmem>> -> memref<1x16384xf32, #tpu.memory_space<vmem>>
    %dma_start3A_22 = tpu.memref_squeeze %dma_start3A_21 : memref<1x16384xf32, #tpu.memory_space<vmem>> -> memref<16384xf32, #tpu.memory_space<vmem>>
    %dma_start3A_23 = arith.constant 0 : i32
    %dma_start3A_24 = tpu.memref_slice %arg2[%add3A_18, %dma_start3A_23] : memref<2048x16384xf32, #tpu.memory_space<hbm>> -> memref<1x16384xf32, #tpu.memory_space<hbm>>
    %dma_start3A_25 = tpu.memref_squeeze %dma_start3A_24 : memref<1x16384xf32, #tpu.memory_space<hbm>> -> memref<16384xf32, #tpu.memory_space<hbm>>
    %dma_start3A_26 = arith.constant 0 : i32
    %dma_start3A_27 = tpu.memref_slice %arg4[%dma_start3A_19, %dma_start3A_26] : memref<2x16384xf32, #tpu.memory_space<vmem>> -> memref<1x16384xf32, #tpu.memory_space<vmem>>
    %dma_start3A_28 = tpu.memref_squeeze %dma_start3A_27 : memref<1x16384xf32, #tpu.memory_space<vmem>> -> memref<16384xf32, #tpu.memory_space<vmem>>
    %dma_start3A_29 = arith.constant 0 : i32
    %dma_start3A_30 = tpu.memref_slice %arg2[%add3A_18, %dma_start3A_29] : memref<2048x16384xf32, #tpu.memory_space<hbm>> -> memref<1x16384xf32, #tpu.memory_space<hbm>>
    %dma_start3A_31 = tpu.memref_squeeze %dma_start3A_30 : memref<1x16384xf32, #tpu.memory_space<hbm>> -> memref<16384xf32, #tpu.memory_space<hbm>>
    tpu.enqueue_dma source(%dma_start3A_31 : memref<16384xf32, #tpu.memory_space<hbm>>) target(%dma_start3A_28 : memref<16384xf32, #tpu.memory_space<vmem>>) target_semaphore(%arg7 : memref<!tpu.dma_semaphore, #tpu.memory_space<semaphore_mem>>)
    %scan3A = arith.constant 0 : i32
    %scan3A_32 = arith.constant 0 : i32
    %scan3A_33 = arith.constant 32 : i32
    %scan3A_34 = arith.addi %scan3A_32, %scan3A_33 : i32
    %scan3A_35 = arith.constant 1 : i32
    %scan3A_36 = scf.for %scan3A_59 = %scan3A_32 to %scan3A_34 step %scan3A_35 iter_args(%scan3A_60 = %scan3A) -> (i32)  : i32 {
      %mul3A_61 = arith.constant 2 : i32
      %mul3A_62 = arith.muli %mul3A_61, %scan3A_59 : i32
      %add3A_63 = arith.addi %mul3A_2, %mul3A_62 : i32
      %dma_wait3A_64 = arith.constant 0 : i32
      %dma_wait3A_65 = arith.constant 0 : i32
      %dma_wait3A_66 = tpu.memref_slice %arg4[%dma_wait3A_64, %dma_wait3A_65] : memref<2x16384xf32, #tpu.memory_space<vmem>> -> memref<1x16384xf32, #tpu.memory_space<vmem>>
      %dma_wait3A_67 = tpu.memref_squeeze %dma_wait3A_66 : memref<1x16384xf32, #tpu.memory_space<vmem>> -> memref<16384xf32, #tpu.memory_space<vmem>>
      %dma_wait3A_68 = arith.constant 0 : i32
      %dma_wait3A_69 = tpu.memref_slice %arg2[%add3A_63, %dma_wait3A_68] : memref<2048x16384xf32, #tpu.memory_space<hbm>> -> memref<1x16384xf32, #tpu.memory_space<hbm>>
      %dma_wait3A_70 = tpu.memref_squeeze %dma_wait3A_69 : memref<1x16384xf32, #tpu.memory_space<hbm>> -> memref<16384xf32, #tpu.memory_space<hbm>>
      %dma_wait3A_71 = arith.constant 0 : i32
      %dma_wait3A_72 = tpu.memref_slice %arg4[%dma_wait3A_64, %dma_wait3A_71] : memref<2x16384xf32, #tpu.memory_space<vmem>> -> memref<1x16384xf32, #tpu.memory_space<vmem>>
      %dma_wait3A_73 = tpu.memref_squeeze %dma_wait3A_72 : memref<1x16384xf32, #tpu.memory_space<vmem>> -> memref<16384xf32, #tpu.memory_space<vmem>>
      %dma_wait3A_74 = arith.constant 0 : i32
      %dma_wait3A_75 = tpu.memref_slice %arg2[%add3A_63, %dma_wait3A_74] : memref<2048x16384xf32, #tpu.memory_space<hbm>> -> memref<1x16384xf32, #tpu.memory_space<hbm>>
      %dma_wait3A_76 = tpu.memref_squeeze %dma_wait3A_75 : memref<1x16384xf32, #tpu.memory_space<hbm>> -> memref<16384xf32, #tpu.memory_space<hbm>>
      tpu.wait_dma2 semaphore(%arg6 : memref<!tpu.dma_semaphore, #tpu.memory_space<semaphore_mem>>) src(%dma_wait3A_76 : memref<16384xf32, #tpu.memory_space<hbm>>) dst(%dma_wait3A_73 : memref<16384xf32, #tpu.memory_space<vmem>>)
      %gt3A = arith.constant 0 : i32
      %gt3A_77 = arith.cmpi sgt, %scan3A_59, %gt3A : i32
      %convert_element_type3A = arith.extui %gt3A_77 : i1 to i32
      %cond3A = arith.constant 0 : i32
      %cond3A_78 = arith.cmpi ne, %convert_element_type3A, %cond3A : i32
      scf.if %cond3A_78 {
        %dma_wait3A_145 = arith.constant 0 : i32
        %dma_wait3A_146 = arith.constant 0 : i32
        %dma_wait3A_147 = tpu.memref_slice %arg5[%dma_wait3A_145, %dma_wait3A_146] : memref<2x16384xf32, #tpu.memory_space<vmem>> -> memref<1x16384xf32, #tpu.memory_space<vmem>>
        %dma_wait3A_148 = tpu.memref_squeeze %dma_wait3A_147 : memref<1x16384xf32, #tpu.memory_space<vmem>> -> memref<16384xf32, #tpu.memory_space<vmem>>
        %dma_wait3A_149 = arith.constant 0 : i32
        %dma_wait3A_150 = tpu.memref_slice %arg3[%dma_wait3A_149] : memref<33554432xf32, #tpu.memory_space<hbm>> -> memref<16384xf32, #tpu.memory_space<hbm>>
        %dma_wait3A_151 = arith.constant 0 : i32
        %dma_wait3A_152 = tpu.memref_slice %arg3[%dma_wait3A_151] : memref<33554432xf32, #tpu.memory_space<hbm>> -> memref<16384xf32, #tpu.memory_space<hbm>>
        %dma_wait3A_153 = arith.constant 0 : i32
        %dma_wait3A_154 = tpu.memref_slice %arg5[%dma_wait3A_145, %dma_wait3A_153] : memref<2x16384xf32, #tpu.memory_space<vmem>> -> memref<1x16384xf32, #tpu.memory_space<vmem>>
        %dma_wait3A_155 = tpu.memref_squeeze %dma_wait3A_154 : memref<1x16384xf32, #tpu.memory_space<vmem>> -> memref<16384xf32, #tpu.memory_space<vmem>>
        tpu.wait_dma2 semaphore(%arg8 : memref<!tpu.dma_semaphore, #tpu.memory_space<semaphore_mem>>) src(%dma_wait3A_155 : memref<16384xf32, #tpu.memory_space<vmem>>) dst(%dma_wait3A_152 : memref<16384xf32, #tpu.memory_space<hbm>>)
      } else {
      }
      %parallel_loop3A = arith.constant 0 : i32
      %parallel_loop3A_79 = arith.constant 1024 : i32
      %parallel_loop3A_80 = arith.constant 1 : i32
      scf.for %parallel_loop3A_145 = %parallel_loop3A to %parallel_loop3A_79 step %parallel_loop3A_80  : i32 {
        %parallel_loop3A_146 = arith.constant 6 : i32
        %parallel_loop3A_147 = arith.shrsi %parallel_loop3A_145, %parallel_loop3A_146 : i32
        %parallel_loop3A_148 = arith.constant 3 : i32
        %parallel_loop3A_149 = arith.shrsi %parallel_loop3A_145, %parallel_loop3A_148 : i32
        %parallel_loop3A_150 = arith.constant 7 : i32
        %parallel_loop3A_151 = arith.andi %parallel_loop3A_149, %parallel_loop3A_150 : i32
        %parallel_loop3A_152 = arith.constant 7 : i32
        %parallel_loop3A_153 = arith.andi %parallel_loop3A_145, %parallel_loop3A_152 : i32
        %parallel_loop3A_154 = arith.constant 16 : i32
        %parallel_loop3A_155 = arith.muli %parallel_loop3A_153, %parallel_loop3A_154 : i32
        %parallel_loop3A_156 = arith.constant 1024 : i32
        %parallel_loop3A_157 = arith.muli %parallel_loop3A_147, %parallel_loop3A_156 : i32
        %parallel_loop3A_158 = arith.constant 128 : i32
        %parallel_loop3A_159 = arith.muli %parallel_loop3A_151, %parallel_loop3A_158 : i32
        %parallel_loop3A_160 = arith.addi %parallel_loop3A_157, %parallel_loop3A_159 : i32
        %parallel_loop3A_161 = arith.addi %parallel_loop3A_160, %parallel_loop3A_155 : i32
        %parallel_loop3A_162 = arith.constant 0 : i32
        %parallel_loop3A_163 = arith.index_cast %parallel_loop3A_162 : i32 to index
        %parallel_loop3A_164 = arith.index_cast %parallel_loop3A_161 : i32 to index
        %parallel_loop3A_165 = tpu.vector_load %arg4[%parallel_loop3A_163, %parallel_loop3A_164] {strides = array<i32>} : memref<2x16384xf32, #tpu.memory_space<vmem>>, vector<16xf32>,
        %parallel_loop3A_166 = arith.constant 1024 : i32
        %parallel_loop3A_167 = arith.muli %parallel_loop3A_147, %parallel_loop3A_166 : i32
        %parallel_loop3A_168 = arith.constant 8 : i32
        %parallel_loop3A_169 = arith.muli %parallel_loop3A_155, %parallel_loop3A_168 : i32
        %parallel_loop3A_170 = arith.addi %parallel_loop3A_167, %parallel_loop3A_169 : i32
        %parallel_loop3A_171 = arith.constant 8 : i32
        %parallel_loop3A_172 = vector.broadcast %parallel_loop3A_171 : i32 to vector<16xi32>
        %parallel_loop3A_173 = arith.muli %iota3A, %parallel_loop3A_172 : vector<16xi32>
        %parallel_loop3A_174 = vector.broadcast %parallel_loop3A_170 : i32 to vector<16xi32>
        %parallel_loop3A_175 = arith.addi %parallel_loop3A_174, %parallel_loop3A_173 : vector<16xi32>
        %parallel_loop3A_176 = vector.broadcast %parallel_loop3A_151 : i32 to vector<16xi32>
        %parallel_loop3A_177 = arith.addi %parallel_loop3A_175, %parallel_loop3A_176 : vector<16xi32>
        %parallel_loop3A_178 = arith.constant 0 : i32
        %parallel_loop3A_179 = arith.constant 0 : i32
        %parallel_loop3A_180 = tpu.memref_slice %arg5[%parallel_loop3A_178, %parallel_loop3A_179] : memref<2x16384xf32, #tpu.memory_space<vmem>> -> memref<1x16384xf32, #tpu.memory_space<vmem>>
        %parallel_loop3A_181 = tpu.memref_squeeze %parallel_loop3A_180 : memref<1x16384xf32, #tpu.memory_space<vmem>> -> memref<16384xf32, #tpu.memory_space<vmem>>
        tpu.vector_store_idx %parallel_loop3A_181[%parallel_loop3A_177], %parallel_loop3A_165 : memref<16384xf32, #tpu.memory_space<vmem>>[vector<16xi32>], vector<16xf32>,
      } {sc.loop_unroll_factor = 8 : i64, sc.parallel_access}
      %add3A_81 = arith.addi %mul3A_2, %mul3A_62 : i32
      %mul3A_82 = arith.constant 16384 : i32
      %mul3A_83 = arith.muli %add3A_81, %mul3A_82 : i32
      %dma_start3A_84 = arith.constant 0 : i32
      %dma_start3A_85 = arith.constant 0 : i32
      %dma_start3A_86 = tpu.memref_slice %arg5[%dma_start3A_84, %dma_start3A_85] : memref<2x16384xf32, #tpu.memory_space<vmem>> -> memref<1x16384xf32, #tpu.memory_space<vmem>>
      %dma_start3A_87 = tpu.memref_squeeze %dma_start3A_86 : memref<1x16384xf32, #tpu.memory_space<vmem>> -> memref<16384xf32, #tpu.memory_space<vmem>>
      %dma_start3A_88 = tpu.memref_slice %arg3[%mul3A_83] : memref<33554432xf32, #tpu.memory_space<hbm>> -> memref<16384xf32, #tpu.memory_space<hbm>>
      %dma_start3A_89 = tpu.memref_slice %arg3[%mul3A_83] : memref<33554432xf32, #tpu.memory_space<hbm>> -> memref<16384xf32, #tpu.memory_space<hbm>>
      %dma_start3A_90 = arith.constant 0 : i32
      %dma_start3A_91 = tpu.memref_slice %arg5[%dma_start3A_84, %dma_start3A_90] : memref<2x16384xf32, #tpu.memory_space<vmem>> -> memref<1x16384xf32, #tpu.memory_space<vmem>>
      %dma_start3A_92 = tpu.memref_squeeze %dma_start3A_91 : memref<1x16384xf32, #tpu.memory_space<vmem>> -> memref<16384xf32, #tpu.memory_space<vmem>>
      tpu.enqueue_dma source(%dma_start3A_92 : memref<16384xf32, #tpu.memory_space<vmem>>) target(%dma_start3A_89 : memref<16384xf32, #tpu.memory_space<hbm>>) target_semaphore(%arg8 : memref<!tpu.dma_semaphore, #tpu.memory_space<semaphore_mem>>)
      %add3A_93 = arith.constant 2 : i32
      %add3A_94 = arith.addi %mul3A_62, %add3A_93 : i32
      %lt3A = arith.constant 64 : i32
      %lt3A_95 = arith.cmpi slt, %add3A_94, %lt3A : i32
      %convert_element_type3A_96 = arith.extui %lt3A_95 : i1 to i32
      %cond3A_97 = arith.constant 0 : i32
      %cond3A_98 = arith.cmpi ne, %convert_element_type3A_96, %cond3A_97 : i32
      scf.if %cond3A_98 {
        %add3A_145 = arith.constant 2 : i32
        %add3A_146 = arith.addi %mul3A_62, %add3A_145 : i32
        %add3A_147 = arith.addi %mul3A_2, %add3A_146 : i32
        %dma_start3A_148 = arith.constant 0 : i32
        %dma_start3A_149 = arith.constant 0 : i32
        %dma_start3A_150 = tpu.memref_slice %arg4[%dma_start3A_148, %dma_start3A_149] : memref<2x16384xf32, #tpu.memory_space<vmem>> -> memref<1x16384xf32, #tpu.memory_space<vmem>>
        %dma_start3A_151 = tpu.memref_squeeze %dma_start3A_150 : memref<1x16384xf32, #tpu.memory_space<vmem>> -> memref<16384xf32, #tpu.memory_space<vmem>>
        %dma_start3A_152 = arith.constant 0 : i32
        %dma_start3A_153 = tpu.memref_slice %arg2[%add3A_147, %dma_start3A_152] : memref<2048x16384xf32, #tpu.memory_space<hbm>> -> memref<1x16384xf32, #tpu.memory_space<hbm>>
        %dma_start3A_154 = tpu.memref_squeeze %dma_start3A_153 : memref<1x16384xf32, #tpu.memory_space<hbm>> -> memref<16384xf32, #tpu.memory_space<hbm>>
        %dma_start3A_155 = arith.constant 0 : i32
        %dma_start3A_156 = tpu.memref_slice %arg4[%dma_start3A_148, %dma_start3A_155] : memref<2x16384xf32, #tpu.memory_space<vmem>> -> memref<1x16384xf32, #tpu.memory_space<vmem>>
        %dma_start3A_157 = tpu.memref_squeeze %dma_start3A_156 : memref<1x16384xf32, #tpu.memory_space<vmem>> -> memref<16384xf32, #tpu.memory_space<vmem>>
        %dma_start3A_158 = arith.constant 0 : i32
        %dma_start3A_159 = tpu.memref_slice %arg2[%add3A_147, %dma_start3A_158] : memref<2048x16384xf32, #tpu.memory_space<hbm>> -> memref<1x16384xf32, #tpu.memory_space<hbm>>
        %dma_start3A_160 = tpu.memref_squeeze %dma_start3A_159 : memref<1x16384xf32, #tpu.memory_space<hbm>> -> memref<16384xf32, #tpu.memory_space<hbm>>
        tpu.enqueue_dma source(%dma_start3A_160 : memref<16384xf32, #tpu.memory_space<hbm>>) target(%dma_start3A_157 : memref<16384xf32, #tpu.memory_space<vmem>>) target_semaphore(%arg6 : memref<!tpu.dma_semaphore, #tpu.memory_space<semaphore_mem>>)
      } else {
      }
      %mul3A_99 = arith.constant 2 : i32
      %mul3A_100 = arith.muli %mul3A_99, %scan3A_59 : i32
      %add3A_101 = arith.constant 1 : i32
      %add3A_102 = arith.addi %mul3A_100, %add3A_101 : i32
      %add3A_103 = arith.addi %mul3A_2, %add3A_102 : i32
      %dma_wait3A_104 = arith.constant 1 : i32
      %dma_wait3A_105 = arith.constant 0 : i32
      %dma_wait3A_106 = tpu.memref_slice %arg4[%dma_wait3A_104, %dma_wait3A_105] : memref<2x16384xf32, #tpu.memory_space<vmem>> -> memref<1x16384xf32, #tpu.memory_space<vmem>>
      %dma_wait3A_107 = tpu.memref_squeeze %dma_wait3A_106 : memref<1x16384xf32, #tpu.memory_space<vmem>> -> memref<16384xf32, #tpu.memory_space<vmem>>
      %dma_wait3A_108 = arith.constant 0 : i32
      %dma_wait3A_109 = tpu.memref_slice %arg2[%add3A_103, %dma_wait3A_108] : memref<2048x16384xf32, #tpu.memory_space<hbm>> -> memref<1x16384xf32, #tpu.memory_space<hbm>>
      %dma_wait3A_110 = tpu.memref_squeeze %dma_wait3A_109 : memref<1x16384xf32, #tpu.memory_space<hbm>> -> memref<16384xf32, #tpu.memory_space<hbm>>
      %dma_wait3A_111 = arith.constant 0 : i32
      %dma_wait3A_112 = tpu.memref_slice %arg4[%dma_wait3A_104, %dma_wait3A_111] : memref<2x16384xf32, #tpu.memory_space<vmem>> -> memref<1x16384xf32, #tpu.memory_space<vmem>>
      %dma_wait3A_113 = tpu.memref_squeeze %dma_wait3A_112 : memref<1x16384xf32, #tpu.memory_space<vmem>> -> memref<16384xf32, #tpu.memory_space<vmem>>
      %dma_wait3A_114 = arith.constant 0 : i32
      %dma_wait3A_115 = tpu.memref_slice %arg2[%add3A_103, %dma_wait3A_114] : memref<2048x16384xf32, #tpu.memory_space<hbm>> -> memref<1x16384xf32, #tpu.memory_space<hbm>>
      %dma_wait3A_116 = tpu.memref_squeeze %dma_wait3A_115 : memref<1x16384xf32, #tpu.memory_space<hbm>> -> memref<16384xf32, #tpu.memory_space<hbm>>
      tpu.wait_dma2 semaphore(%arg7 : memref<!tpu.dma_semaphore, #tpu.memory_space<semaphore_mem>>) src(%dma_wait3A_116 : memref<16384xf32, #tpu.memory_space<hbm>>) dst(%dma_wait3A_113 : memref<16384xf32, #tpu.memory_space<vmem>>)
      %gt3A_117 = arith.constant 0 : i32
      %gt3A_118 = arith.cmpi sgt, %scan3A_59, %gt3A_117 : i32
      %convert_element_type3A_119 = arith.extui %gt3A_118 : i1 to i32
      %cond3A_120 = arith.constant 0 : i32
      %cond3A_121 = arith.cmpi ne, %convert_element_type3A_119, %cond3A_120 : i32
      scf.if %cond3A_121 {
        %dma_wait3A_145 = arith.constant 1 : i32
        %dma_wait3A_146 = arith.constant 0 : i32
        %dma_wait3A_147 = tpu.memref_slice %arg5[%dma_wait3A_145, %dma_wait3A_146] : memref<2x16384xf32, #tpu.memory_space<vmem>> -> memref<1x16384xf32, #tpu.memory_space<vmem>>
        %dma_wait3A_148 = tpu.memref_squeeze %dma_wait3A_147 : memref<1x16384xf32, #tpu.memory_space<vmem>> -> memref<16384xf32, #tpu.memory_space<vmem>>
        %dma_wait3A_149 = arith.constant 0 : i32
        %dma_wait3A_150 = tpu.memref_slice %arg3[%dma_wait3A_149] : memref<33554432xf32, #tpu.memory_space<hbm>> -> memref<16384xf32, #tpu.memory_space<hbm>>
        %dma_wait3A_151 = arith.constant 0 : i32
        %dma_wait3A_152 = tpu.memref_slice %arg3[%dma_wait3A_151] : memref<33554432xf32, #tpu.memory_space<hbm>> -> memref<16384xf32, #tpu.memory_space<hbm>>
        %dma_wait3A_153 = arith.constant 0 : i32
        %dma_wait3A_154 = tpu.memref_slice %arg5[%dma_wait3A_145, %dma_wait3A_153] : memref<2x16384xf32, #tpu.memory_space<vmem>> -> memref<1x16384xf32, #tpu.memory_space<vmem>>
        %dma_wait3A_155 = tpu.memref_squeeze %dma_wait3A_154 : memref<1x16384xf32, #tpu.memory_space<vmem>> -> memref<16384xf32, #tpu.memory_space<vmem>>
        tpu.wait_dma2 semaphore(%arg9 : memref<!tpu.dma_semaphore, #tpu.memory_space<semaphore_mem>>) src(%dma_wait3A_155 : memref<16384xf32, #tpu.memory_space<vmem>>) dst(%dma_wait3A_152 : memref<16384xf32, #tpu.memory_space<hbm>>)
      } else {
      }
      %parallel_loop3A_122 = arith.constant 0 : i32
      %parallel_loop3A_123 = arith.constant 1024 : i32
      %parallel_loop3A_124 = arith.constant 1 : i32
      scf.for %parallel_loop3A_145 = %parallel_loop3A_122 to %parallel_loop3A_123 step %parallel_loop3A_124  : i32 {
        %parallel_loop3A_146 = arith.constant 6 : i32
        %parallel_loop3A_147 = arith.shrsi %parallel_loop3A_145, %parallel_loop3A_146 : i32
        %parallel_loop3A_148 = arith.constant 3 : i32
        %parallel_loop3A_149 = arith.shrsi %parallel_loop3A_145, %parallel_loop3A_148 : i32
        %parallel_loop3A_150 = arith.constant 7 : i32
        %parallel_loop3A_151 = arith.andi %parallel_loop3A_149, %parallel_loop3A_150 : i32
        %parallel_loop3A_152 = arith.constant 7 : i32
        %parallel_loop3A_153 = arith.andi %parallel_loop3A_145, %parallel_loop3A_152 : i32
        %parallel_loop3A_154 = arith.constant 16 : i32
        %parallel_loop3A_155 = arith.muli %parallel_loop3A_153, %parallel_loop3A_154 : i32
        %parallel_loop3A_156 = arith.constant 1024 : i32
        %parallel_loop3A_157 = arith.muli %parallel_loop3A_147, %parallel_loop3A_156 : i32
        %parallel_loop3A_158 = arith.constant 128 : i32
        %parallel_loop3A_159 = arith.muli %parallel_loop3A_151, %parallel_loop3A_158 : i32
        %parallel_loop3A_160 = arith.addi %parallel_loop3A_157, %parallel_loop3A_159 : i32
        %parallel_loop3A_161 = arith.addi %parallel_loop3A_160, %parallel_loop3A_155 : i32
        %parallel_loop3A_162 = arith.constant 1 : i32
        %parallel_loop3A_163 = arith.index_cast %parallel_loop3A_162 : i32 to index
        %parallel_loop3A_164 = arith.index_cast %parallel_loop3A_161 : i32 to index
        %parallel_loop3A_165 = tpu.vector_load %arg4[%parallel_loop3A_163, %parallel_loop3A_164] {strides = array<i32>} : memref<2x16384xf32, #tpu.memory_space<vmem>>, vector<16xf32>,
        %parallel_loop3A_166 = arith.constant 1024 : i32
        %parallel_loop3A_167 = arith.muli %parallel_loop3A_147, %parallel_loop3A_166 : i32
        %parallel_loop3A_168 = arith.constant 8 : i32
        %parallel_loop3A_169 = arith.muli %parallel_loop3A_155, %parallel_loop3A_168 : i32
        %parallel_loop3A_170 = arith.addi %parallel_loop3A_167, %parallel_loop3A_169 : i32
        %parallel_loop3A_171 = arith.constant 8 : i32
        %parallel_loop3A_172 = vector.broadcast %parallel_loop3A_171 : i32 to vector<16xi32>
        %parallel_loop3A_173 = arith.muli %iota3A, %parallel_loop3A_172 : vector<16xi32>
        %parallel_loop3A_174 = vector.broadcast %parallel_loop3A_170 : i32 to vector<16xi32>
        %parallel_loop3A_175 = arith.addi %parallel_loop3A_174, %parallel_loop3A_173 : vector<16xi32>
        %parallel_loop3A_176 = vector.broadcast %parallel_loop3A_151 : i32 to vector<16xi32>
        %parallel_loop3A_177 = arith.addi %parallel_loop3A_175, %parallel_loop3A_176 : vector<16xi32>
        %parallel_loop3A_178 = arith.constant 1 : i32
        %parallel_loop3A_179 = arith.constant 0 : i32
        %parallel_loop3A_180 = tpu.memref_slice %arg5[%parallel_loop3A_178, %parallel_loop3A_179] : memref<2x16384xf32, #tpu.memory_space<vmem>> -> memref<1x16384xf32, #tpu.memory_space<vmem>>
        %parallel_loop3A_181 = tpu.memref_squeeze %parallel_loop3A_180 : memref<1x16384xf32, #tpu.memory_space<vmem>> -> memref<16384xf32, #tpu.memory_space<vmem>>
        tpu.vector_store_idx %parallel_loop3A_181[%parallel_loop3A_177], %parallel_loop3A_165 : memref<16384xf32, #tpu.memory_space<vmem>>[vector<16xi32>], vector<16xf32>,
      } {sc.loop_unroll_factor = 8 : i64, sc.parallel_access}
      %add3A_125 = arith.addi %mul3A_2, %add3A_102 : i32
      %mul3A_126 = arith.constant 16384 : i32
      %mul3A_127 = arith.muli %add3A_125, %mul3A_126 : i32
      %dma_start3A_128 = arith.constant 1 : i32
      %dma_start3A_129 = arith.constant 0 : i32
      %dma_start3A_130 = tpu.memref_slice %arg5[%dma_start3A_128, %dma_start3A_129] : memref<2x16384xf32, #tpu.memory_space<vmem>> -> memref<1x16384xf32, #tpu.memory_space<vmem>>
      %dma_start3A_131 = tpu.memref_squeeze %dma_start3A_130 : memref<1x16384xf32, #tpu.memory_space<vmem>> -> memref<16384xf32, #tpu.memory_space<vmem>>
      %dma_start3A_132 = tpu.memref_slice %arg3[%mul3A_127] : memref<33554432xf32, #tpu.memory_space<hbm>> -> memref<16384xf32, #tpu.memory_space<hbm>>
      %dma_start3A_133 = tpu.memref_slice %arg3[%mul3A_127] : memref<33554432xf32, #tpu.memory_space<hbm>> -> memref<16384xf32, #tpu.memory_space<hbm>>
      %dma_start3A_134 = arith.constant 0 : i32
      %dma_start3A_135 = tpu.memref_slice %arg5[%dma_start3A_128, %dma_start3A_134] : memref<2x16384xf32, #tpu.memory_space<vmem>> -> memref<1x16384xf32, #tpu.memory_space<vmem>>
      %dma_start3A_136 = tpu.memref_squeeze %dma_start3A_135 : memref<1x16384xf32, #tpu.memory_space<vmem>> -> memref<16384xf32, #tpu.memory_space<vmem>>
      tpu.enqueue_dma source(%dma_start3A_136 : memref<16384xf32, #tpu.memory_space<vmem>>) target(%dma_start3A_133 : memref<16384xf32, #tpu.memory_space<hbm>>) target_semaphore(%arg9 : memref<!tpu.dma_semaphore, #tpu.memory_space<semaphore_mem>>)
      %add3A_137 = arith.constant 2 : i32
      %add3A_138 = arith.addi %add3A_102, %add3A_137 : i32
      %lt3A_139 = arith.constant 64 : i32
      %lt3A_140 = arith.cmpi slt, %add3A_138, %lt3A_139 : i32
      %convert_element_type3A_141 = arith.extui %lt3A_140 : i1 to i32
      %cond3A_142 = arith.constant 0 : i32
      %cond3A_143 = arith.cmpi ne, %convert_element_type3A_141, %cond3A_142 : i32
      scf.if %cond3A_143 {
        %add3A_145 = arith.constant 2 : i32
        %add3A_146 = arith.addi %add3A_102, %add3A_145 : i32
        %add3A_147 = arith.addi %mul3A_2, %add3A_146 : i32
        %dma_start3A_148 = arith.constant 1 : i32
        %dma_start3A_149 = arith.constant 0 : i32
        %dma_start3A_150 = tpu.memref_slice %arg4[%dma_start3A_148, %dma_start3A_149] : memref<2x16384xf32, #tpu.memory_space<vmem>> -> memref<1x16384xf32, #tpu.memory_space<vmem>>
        %dma_start3A_151 = tpu.memref_squeeze %dma_start3A_150 : memref<1x16384xf32, #tpu.memory_space<vmem>> -> memref<16384xf32, #tpu.memory_space<vmem>>
        %dma_start3A_152 = arith.constant 0 : i32
        %dma_start3A_153 = tpu.memref_slice %arg2[%add3A_147, %dma_start3A_152] : memref<2048x16384xf32, #tpu.memory_space<hbm>> -> memref<1x16384xf32, #tpu.memory_space<hbm>>
        %dma_start3A_154 = tpu.memref_squeeze %dma_start3A_153 : memref<1x16384xf32, #tpu.memory_space<hbm>> -> memref<16384xf32, #tpu.memory_space<hbm>>
        %dma_start3A_155 = arith.constant 0 : i32
        %dma_start3A_156 = tpu.memref_slice %arg4[%dma_start3A_148, %dma_start3A_155] : memref<2x16384xf32, #tpu.memory_space<vmem>> -> memref<1x16384xf32, #tpu.memory_space<vmem>>
        %dma_start3A_157 = tpu.memref_squeeze %dma_start3A_156 : memref<1x16384xf32, #tpu.memory_space<vmem>> -> memref<16384xf32, #tpu.memory_space<vmem>>
        %dma_start3A_158 = arith.constant 0 : i32
        %dma_start3A_159 = tpu.memref_slice %arg2[%add3A_147, %dma_start3A_158] : memref<2048x16384xf32, #tpu.memory_space<hbm>> -> memref<1x16384xf32, #tpu.memory_space<hbm>>
        %dma_start3A_160 = tpu.memref_squeeze %dma_start3A_159 : memref<1x16384xf32, #tpu.memory_space<hbm>> -> memref<16384xf32, #tpu.memory_space<hbm>>
        tpu.enqueue_dma source(%dma_start3A_160 : memref<16384xf32, #tpu.memory_space<hbm>>) target(%dma_start3A_157 : memref<16384xf32, #tpu.memory_space<vmem>>) target_semaphore(%arg7 : memref<!tpu.dma_semaphore, #tpu.memory_space<semaphore_mem>>)
      } else {
      }
      %scan3A_144 = arith.constant 0 : i32
      scf.yield %scan3A_144 : i32
    }
    %scan3A_37 = arith.constant 32 : i32
    %dma_wait3A = arith.constant 0 : i32
    %dma_wait3A_38 = arith.constant 0 : i32
    %dma_wait3A_39 = tpu.memref_slice %arg5[%dma_wait3A, %dma_wait3A_38] : memref<2x16384xf32, #tpu.memory_space<vmem>> -> memref<1x16384xf32, #tpu.memory_space<vmem>>
    %dma_wait3A_40 = tpu.memref_squeeze %dma_wait3A_39 : memref<1x16384xf32, #tpu.memory_space<vmem>> -> memref<16384xf32, #tpu.memory_space<vmem>>
    %dma_wait3A_41 = arith.constant 0 : i32
    %dma_wait3A_42 = tpu.memref_slice %arg3[%dma_wait3A_41] : memref<33554432xf32, #tpu.memory_space<hbm>> -> memref<16384xf32, #tpu.memory_space<hbm>>
    %dma_wait3A_43 = arith.constant 0 : i32
    %dma_wait3A_44 = tpu.memref_slice %arg3[%dma_wait3A_43] : memref<33554432xf32, #tpu.memory_space<hbm>> -> memref<16384xf32, #tpu.memory_space<hbm>>
    %dma_wait3A_45 = arith.constant 0 : i32
    %dma_wait3A_46 = tpu.memref_slice %arg5[%dma_wait3A, %dma_wait3A_45] : memref<2x16384xf32, #tpu.memory_space<vmem>> -> memref<1x16384xf32, #tpu.memory_space<vmem>>
    %dma_wait3A_47 = tpu.memref_squeeze %dma_wait3A_46 : memref<1x16384xf32, #tpu.memory_space<vmem>> -> memref<16384xf32, #tpu.memory_space<vmem>>
    tpu.wait_dma2 semaphore(%arg8 : memref<!tpu.dma_semaphore, #tpu.memory_space<semaphore_mem>>) src(%dma_wait3A_47 : memref<16384xf32, #tpu.memory_space<vmem>>) dst(%dma_wait3A_44 : memref<16384xf32, #tpu.memory_space<hbm>>)
    %dma_wait3A_48 = arith.constant 1 : i32
    %dma_wait3A_49 = arith.constant 0 : i32
    %dma_wait3A_50 = tpu.memref_slice %arg5[%dma_wait3A_48, %dma_wait3A_49] : memref<2x16384xf32, #tpu.memory_space<vmem>> -> memref<1x16384xf32, #tpu.memory_space<vmem>>
    %dma_wait3A_51 = tpu.memref_squeeze %dma_wait3A_50 : memref<1x16384xf32, #tpu.memory_space<vmem>> -> memref<16384xf32, #tpu.memory_space<vmem>>
    %dma_wait3A_52 = arith.constant 0 : i32
    %dma_wait3A_53 = tpu.memref_slice %arg3[%dma_wait3A_52] : memref<33554432xf32, #tpu.memory_space<hbm>> -> memref<16384xf32, #tpu.memory_space<hbm>>
    %dma_wait3A_54 = arith.constant 0 : i32
    %dma_wait3A_55 = tpu.memref_slice %arg3[%dma_wait3A_54] : memref<33554432xf32, #tpu.memory_space<hbm>> -> memref<16384xf32, #tpu.memory_space<hbm>>
    %dma_wait3A_56 = arith.constant 0 : i32
    %dma_wait3A_57 = tpu.memref_slice %arg5[%dma_wait3A_48, %dma_wait3A_56] : memref<2x16384xf32, #tpu.memory_space<vmem>> -> memref<1x16384xf32, #tpu.memory_space<vmem>>
    %dma_wait3A_58 = tpu.memref_squeeze %dma_wait3A_57 : memref<1x16384xf32, #tpu.memory_space<vmem>> -> memref<16384xf32, #tpu.memory_space<vmem>>
    tpu.wait_dma2 semaphore(%arg9 : memref<!tpu.dma_semaphore, #tpu.memory_space<semaphore_mem>>) src(%dma_wait3A_58 : memref<16384xf32, #tpu.memory_space<vmem>>) dst(%dma_wait3A_55 : memref<16384xf32, #tpu.memory_space<hbm>>)
    return
  }
}

#map = affine_map<(d0, d1) -> (0, 0, 0)>
#map1 = affine_map<(d0, d1) -> (0, 0)>
#map2 = affine_map<(d0, d1) -> (0)>
module attributes {stable_mosaic.version = 14 : i64} {
  func.func @gather_blend(%arg0: i32, %arg1: i32, %arg2: memref<7813x2x128xf32, #tpu.memory_space<hbm>>, %arg3: memref<4194304x8xf32, #tpu.memory_space<hbm>>, %arg4: memref<8000512xf32, #tpu.memory_space<hbm>>, %arg5: memref<2x8x2x128xf32, #tpu.memory_space<vmem>>, %arg6: memref<2x1024xi32, #tpu.memory_space<vmem>>, %arg7: memref<2x1024xi32, #tpu.memory_space<vmem>>, %arg8: memref<2x1024xi32, #tpu.memory_space<vmem>>, %arg9: memref<2x1024xi32, #tpu.memory_space<vmem>>, %arg10: memref<2x1024xf32, #tpu.memory_space<vmem>>, %arg11: memref<2x1024xf32, #tpu.memory_space<vmem>>, %arg12: memref<2x1024x8xf32, #tpu.memory_space<vmem>>, %arg13: memref<2x1024x8xf32, #tpu.memory_space<vmem>>, %arg14: memref<2x1024x8xf32, #tpu.memory_space<vmem>>, %arg15: memref<2x1024x8xf32, #tpu.memory_space<vmem>>, %arg16: memref<2x8192xf32, #tpu.memory_space<vmem>>, %arg17: memref<!tpu.dma_semaphore, #tpu.memory_space<semaphore_mem>>, %arg18: memref<!tpu.dma_semaphore, #tpu.memory_space<semaphore_mem>>) attributes {dimension_semantics = [#tpu.dimension_semantics<core_parallel>, #tpu.dimension_semantics<subcore_parallel>], iteration_bounds = array<i64: 2, 16>, scalar_prefetch = 0 : i64, scratch_operands = 14 : i64, tpu.core_type = #tpu.core_type<sc_vector_subcore>, window_params = [{transform_indices = #map}, {transform_indices = #map1}, {transform_indices = #map2}]} {
    %mul3A = arith.constant 2 : i32
    %mul3A_0 = arith.muli %arg1, %mul3A : i32
    %add3A = arith.addi %mul3A_0, %arg0 : i32
    %iota3A = tpu.iota {dimensions = array<i32: 0>} : vector<16xi32>
    %mul3A_1 = arith.constant 31360 : i32
    %mul3A_2 = arith.muli %add3A, %mul3A_1 : i32
    %min3A = arith.constant 968704 : i32
    %min3A_3 = arith.minsi %mul3A_2, %min3A : i32
    %min3A_4 = arith.constant 0 : i32
    %min3A_5 = arith.constant 30336 : i32
    %min3A_6 = arith.minsi %min3A_4, %min3A_5 : i32
    %add3A_7 = arith.addi %min3A_3, %min3A_6 : i32
    %jit3A = arith.constant 128 : i32
    %div3A = arith.divsi %add3A_7, %jit3A : i32
    %sign3A = arith.constant 0 : i32
    %sign3A_8 = arith.cmpi sgt, %add3A_7, %sign3A : i32
    %sign3A_9 = arith.extui %sign3A_8 : i1 to i32
    %sign3A_10 = arith.constant 0 : i32
    %sign3A_11 = arith.cmpi slt, %add3A_7, %sign3A_10 : i32
    %sign3A_12 = arith.extui %sign3A_11 : i1 to i32
    %sign3A_13 = arith.subi %sign3A_9, %sign3A_12 : i32
    %sign3A_14 = arith.constant 0 : i32
    %sign3A_15 = arith.cmpi sgt, %jit3A, %sign3A_14 : i32
    %sign3A_16 = arith.extui %sign3A_15 : i1 to i32
    %sign3A_17 = arith.constant 0 : i32
    %sign3A_18 = arith.cmpi slt, %jit3A, %sign3A_17 : i32
    %sign3A_19 = arith.extui %sign3A_18 : i1 to i32
    %sign3A_20 = arith.subi %sign3A_16, %sign3A_19 : i32
    %ne3A = arith.cmpi ne, %sign3A_13, %sign3A_20 : i32
    %rem3A = arith.remsi %add3A_7, %jit3A : i32
    %ne3A_21 = arith.constant 0 : i32
    %ne3A_22 = arith.cmpi ne, %rem3A, %ne3A_21 : i32
    %and3A = arith.andi %ne3A, %ne3A_22 : i1
    %sub3A = arith.constant 1 : i32
    %sub3A_23 = arith.subi %div3A, %sub3A : i32
    %select_n3A = arith.select %and3A, %sub3A_23, %div3A : i32
    %run_scoped3A = arith.constant 0 : i32
    "tpu.region"() ({
      %run_scoped3A_79 = tpu.sem_alloc : memref<!tpu.dma_semaphore, #tpu.memory_space<semaphore_mem>>
      %dma_start3A_80 = arith.constant 0 : i32
      %dma_start3A_81 = arith.constant 0 : i32
      %dma_start3A_82 = arith.constant 0 : i32
      %dma_start3A_83 = tpu.memref_slice %arg5[%run_scoped3A, %dma_start3A_80, %dma_start3A_81, %dma_start3A_82] : memref<2x8x2x128xf32, #tpu.memory_space<vmem>> -> memref<1x8x2x128xf32, #tpu.memory_space<vmem>>
      %dma_start3A_84 = tpu.memref_squeeze %dma_start3A_83 : memref<1x8x2x128xf32, #tpu.memory_space<vmem>> -> memref<8x2x128xf32, #tpu.memory_space<vmem>>
      %dma_start3A_85 = arith.constant 0 : i32
      %dma_start3A_86 = arith.constant 0 : i32
      %dma_start3A_87 = tpu.memref_slice %arg2[%select_n3A, %dma_start3A_85, %dma_start3A_86] : memref<7813x2x128xf32, #tpu.memory_space<hbm>> -> memref<8x2x128xf32, #tpu.memory_space<hbm>>
      %dma_start3A_88 = arith.constant 0 : i32
      %dma_start3A_89 = arith.constant 0 : i32
      %dma_start3A_90 = arith.constant 0 : i32
      %dma_start3A_91 = tpu.memref_slice %arg5[%run_scoped3A, %dma_start3A_88, %dma_start3A_89, %dma_start3A_90] : memref<2x8x2x128xf32, #tpu.memory_space<vmem>> -> memref<1x8x2x128xf32, #tpu.memory_space<vmem>>
      %dma_start3A_92 = tpu.memref_squeeze %dma_start3A_91 : memref<1x8x2x128xf32, #tpu.memory_space<vmem>> -> memref<8x2x128xf32, #tpu.memory_space<vmem>>
      %dma_start3A_93 = arith.constant 0 : i32
      %dma_start3A_94 = arith.constant 0 : i32
      %dma_start3A_95 = tpu.memref_slice %arg2[%select_n3A, %dma_start3A_93, %dma_start3A_94] : memref<7813x2x128xf32, #tpu.memory_space<hbm>> -> memref<8x2x128xf32, #tpu.memory_space<hbm>>
      tpu.enqueue_dma source(%dma_start3A_95 : memref<8x2x128xf32, #tpu.memory_space<hbm>>) target(%dma_start3A_92 : memref<8x2x128xf32, #tpu.memory_space<vmem>>) target_semaphore(%run_scoped3A_79 : memref<!tpu.dma_semaphore, #tpu.memory_space<semaphore_mem>>)
      %dma_wait3A = arith.constant 0 : i32
      %dma_wait3A_96 = arith.constant 0 : i32
      %dma_wait3A_97 = arith.constant 0 : i32
      %dma_wait3A_98 = tpu.memref_slice %arg5[%run_scoped3A, %dma_wait3A, %dma_wait3A_96, %dma_wait3A_97] : memref<2x8x2x128xf32, #tpu.memory_space<vmem>> -> memref<1x8x2x128xf32, #tpu.memory_space<vmem>>
      %dma_wait3A_99 = tpu.memref_squeeze %dma_wait3A_98 : memref<1x8x2x128xf32, #tpu.memory_space<vmem>> -> memref<8x2x128xf32, #tpu.memory_space<vmem>>
      %dma_wait3A_100 = arith.constant 0 : i32
      %dma_wait3A_101 = arith.constant 0 : i32
      %dma_wait3A_102 = tpu.memref_slice %arg2[%select_n3A, %dma_wait3A_100, %dma_wait3A_101] : memref<7813x2x128xf32, #tpu.memory_space<hbm>> -> memref<8x2x128xf32, #tpu.memory_space<hbm>>
      %dma_wait3A_103 = arith.constant 0 : i32
      %dma_wait3A_104 = arith.constant 0 : i32
      %dma_wait3A_105 = arith.constant 0 : i32
      %dma_wait3A_106 = tpu.memref_slice %arg5[%run_scoped3A, %dma_wait3A_103, %dma_wait3A_104, %dma_wait3A_105] : memref<2x8x2x128xf32, #tpu.memory_space<vmem>> -> memref<1x8x2x128xf32, #tpu.memory_space<vmem>>
      %dma_wait3A_107 = tpu.memref_squeeze %dma_wait3A_106 : memref<1x8x2x128xf32, #tpu.memory_space<vmem>> -> memref<8x2x128xf32, #tpu.memory_space<vmem>>
      %dma_wait3A_108 = arith.constant 0 : i32
      %dma_wait3A_109 = arith.constant 0 : i32
      %dma_wait3A_110 = tpu.memref_slice %arg2[%select_n3A, %dma_wait3A_108, %dma_wait3A_109] : memref<7813x2x128xf32, #tpu.memory_space<hbm>> -> memref<8x2x128xf32, #tpu.memory_space<hbm>>
      tpu.wait_dma2 semaphore(%run_scoped3A_79 : memref<!tpu.dma_semaphore, #tpu.memory_space<semaphore_mem>>) src(%dma_wait3A_110 : memref<8x2x128xf32, #tpu.memory_space<hbm>>) dst(%dma_wait3A_107 : memref<8x2x128xf32, #tpu.memory_space<vmem>>)
      tpu.yield
    }) : () -> ()
    %parallel_loop3A = arith.constant 0 : i32
    %parallel_loop3A_24 = arith.constant 64 : i32
    %parallel_loop3A_25 = arith.constant 1 : i32
    scf.for %parallel_loop3A_79 = %parallel_loop3A to %parallel_loop3A_24 step %parallel_loop3A_25  : i32 {
      %parallel_loop3A_80 = arith.constant 16 : i32
      %parallel_loop3A_81 = arith.muli %parallel_loop3A_79, %parallel_loop3A_80 : i32
      %parallel_loop3A_82 = arith.constant 7 : i32
      %parallel_loop3A_83 = arith.shrsi %parallel_loop3A_81, %parallel_loop3A_82 : i32
      %parallel_loop3A_84 = arith.constant 127 : i32
      %parallel_loop3A_85 = arith.andi %parallel_loop3A_81, %parallel_loop3A_84 : i32
      %parallel_loop3A_86 = arith.constant 0 : i32
      %parallel_loop3A_87 = arith.constant 0 : i32
      %parallel_loop3A_88 = arith.index_cast %parallel_loop3A_86 : i32 to index
      %parallel_loop3A_89 = arith.index_cast %parallel_loop3A_83 : i32 to index
      %parallel_loop3A_90 = arith.index_cast %parallel_loop3A_87 : i32 to index
      %parallel_loop3A_91 = arith.index_cast %parallel_loop3A_85 : i32 to index
      %parallel_loop3A_92 = tpu.vector_load %arg5[%parallel_loop3A_88, %parallel_loop3A_89, %parallel_loop3A_90, %parallel_loop3A_91] {strides = array<i32>} : memref<2x8x2x128xf32, #tpu.memory_space<vmem>>, vector<16xf32>,
      %parallel_loop3A_93 = arith.constant 7 : i32
      %parallel_loop3A_94 = arith.shrsi %parallel_loop3A_81, %parallel_loop3A_93 : i32
      %parallel_loop3A_95 = arith.constant 127 : i32
      %parallel_loop3A_96 = arith.andi %parallel_loop3A_81, %parallel_loop3A_95 : i32
      %parallel_loop3A_97 = arith.constant 0 : i32
      %parallel_loop3A_98 = arith.constant 1 : i32
      %parallel_loop3A_99 = arith.index_cast %parallel_loop3A_97 : i32 to index
      %parallel_loop3A_100 = arith.index_cast %parallel_loop3A_94 : i32 to index
      %parallel_loop3A_101 = arith.index_cast %parallel_loop3A_98 : i32 to index
      %parallel_loop3A_102 = arith.index_cast %parallel_loop3A_96 : i32 to index
      %parallel_loop3A_103 = tpu.vector_load %arg5[%parallel_loop3A_99, %parallel_loop3A_100, %parallel_loop3A_101, %parallel_loop3A_102] {strides = array<i32>} : memref<2x8x2x128xf32, #tpu.memory_space<vmem>>, vector<16xf32>,
      %parallel_loop3A_104 = arith.constant 2.047000e+03 : f32
      %parallel_loop3A_105 = vector.broadcast %parallel_loop3A_104 : f32 to vector<16xf32>
      %parallel_loop3A_106 = arith.mulf %parallel_loop3A_92, %parallel_loop3A_105 : vector<16xf32>
      %parallel_loop3A_107 = arith.fptosi %parallel_loop3A_106 : vector<16xf32> to vector<16xi32>
      %parallel_loop3A_108 = arith.sitofp %parallel_loop3A_107 : vector<16xi32> to vector<16xf32>
      %parallel_loop3A_109 = arith.subf %parallel_loop3A_106, %parallel_loop3A_108 : vector<16xf32>
      %parallel_loop3A_110 = arith.constant 2.047000e+03 : f32
      %parallel_loop3A_111 = vector.broadcast %parallel_loop3A_110 : f32 to vector<16xf32>
      %parallel_loop3A_112 = arith.mulf %parallel_loop3A_103, %parallel_loop3A_111 : vector<16xf32>
      %parallel_loop3A_113 = arith.fptosi %parallel_loop3A_112 : vector<16xf32> to vector<16xi32>
      %parallel_loop3A_114 = arith.sitofp %parallel_loop3A_113 : vector<16xi32> to vector<16xf32>
      %parallel_loop3A_115 = arith.subf %parallel_loop3A_112, %parallel_loop3A_114 : vector<16xf32>
      %parallel_loop3A_116 = arith.constant 2048 : i32
      %parallel_loop3A_117 = vector.broadcast %parallel_loop3A_116 : i32 to vector<16xi32>
      %parallel_loop3A_118 = arith.muli %parallel_loop3A_113, %parallel_loop3A_117 : vector<16xi32>
      %parallel_loop3A_119 = arith.addi %parallel_loop3A_118, %parallel_loop3A_107 : vector<16xi32>
      %parallel_loop3A_120 = arith.constant 0 : i32
      %parallel_loop3A_121 = vector.broadcast %parallel_loop3A_120 : i32 to vector<16xi32>
      %parallel_loop3A_122 = arith.maxsi %parallel_loop3A_119, %parallel_loop3A_121 : vector<16xi32>
      %parallel_loop3A_123 = arith.constant 4192254 : i32
      %parallel_loop3A_124 = vector.broadcast %parallel_loop3A_123 : i32 to vector<16xi32>
      %parallel_loop3A_125 = arith.minsi %parallel_loop3A_122, %parallel_loop3A_124 : vector<16xi32>
      %parallel_loop3A_126 = arith.constant 0 : i32
      %parallel_loop3A_127 = arith.index_cast %parallel_loop3A_126 : i32 to index
      %parallel_loop3A_128 = arith.index_cast %parallel_loop3A_81 : i32 to index
      %parallel_loop3A_129 = tpu.vector_load %arg6[%parallel_loop3A_127, %parallel_loop3A_128] {strides = array<i32>} : memref<2x1024xi32, #tpu.memory_space<vmem>>, vector<16xi32>,
      tpu.vector_store %arg6[%parallel_loop3A_127, %parallel_loop3A_128], %parallel_loop3A_125 {strides = array<i32>} : memref<2x1024xi32, #tpu.memory_space<vmem>>, vector<16xi32>,
      %parallel_loop3A_130 = arith.constant 1 : i32
      %parallel_loop3A_131 = vector.broadcast %parallel_loop3A_130 : i32 to vector<16xi32>
      %parallel_loop3A_132 = arith.addi %parallel_loop3A_125, %parallel_loop3A_131 : vector<16xi32>
      %parallel_loop3A_133 = arith.constant 0 : i32
      %parallel_loop3A_134 = arith.index_cast %parallel_loop3A_133 : i32 to index
      %parallel_loop3A_135 = arith.index_cast %parallel_loop3A_81 : i32 to index
      %parallel_loop3A_136 = tpu.vector_load %arg7[%parallel_loop3A_134, %parallel_loop3A_135] {strides = array<i32>} : memref<2x1024xi32, #tpu.memory_space<vmem>>, vector<16xi32>,
      tpu.vector_store %arg7[%parallel_loop3A_134, %parallel_loop3A_135], %parallel_loop3A_132 {strides = array<i32>} : memref<2x1024xi32, #tpu.memory_space<vmem>>, vector<16xi32>,
      %parallel_loop3A_137 = arith.constant 2048 : i32
      %parallel_loop3A_138 = vector.broadcast %parallel_loop3A_137 : i32 to vector<16xi32>
      %parallel_loop3A_139 = arith.addi %parallel_loop3A_125, %parallel_loop3A_138 : vector<16xi32>
      %parallel_loop3A_140 = arith.constant 0 : i32
      %parallel_loop3A_141 = arith.index_cast %parallel_loop3A_140 : i32 to index
      %parallel_loop3A_142 = arith.index_cast %parallel_loop3A_81 : i32 to index
      %parallel_loop3A_143 = tpu.vector_load %arg8[%parallel_loop3A_141, %parallel_loop3A_142] {strides = array<i32>} : memref<2x1024xi32, #tpu.memory_space<vmem>>, vector<16xi32>,
      tpu.vector_store %arg8[%parallel_loop3A_141, %parallel_loop3A_142], %parallel_loop3A_139 {strides = array<i32>} : memref<2x1024xi32, #tpu.memory_space<vmem>>, vector<16xi32>,
      %parallel_loop3A_144 = arith.constant 2049 : i32
      %parallel_loop3A_145 = vector.broadcast %parallel_loop3A_144 : i32 to vector<16xi32>
      %parallel_loop3A_146 = arith.addi %parallel_loop3A_125, %parallel_loop3A_145 : vector<16xi32>
      %parallel_loop3A_147 = arith.constant 0 : i32
      %parallel_loop3A_148 = arith.index_cast %parallel_loop3A_147 : i32 to index
      %parallel_loop3A_149 = arith.index_cast %parallel_loop3A_81 : i32 to index
      %parallel_loop3A_150 = tpu.vector_load %arg9[%parallel_loop3A_148, %parallel_loop3A_149] {strides = array<i32>} : memref<2x1024xi32, #tpu.memory_space<vmem>>, vector<16xi32>,
      tpu.vector_store %arg9[%parallel_loop3A_148, %parallel_loop3A_149], %parallel_loop3A_146 {strides = array<i32>} : memref<2x1024xi32, #tpu.memory_space<vmem>>, vector<16xi32>,
      %parallel_loop3A_151 = arith.constant 0 : i32
      %parallel_loop3A_152 = arith.index_cast %parallel_loop3A_151 : i32 to index
      %parallel_loop3A_153 = arith.index_cast %parallel_loop3A_81 : i32 to index
      %parallel_loop3A_154 = tpu.vector_load %arg10[%parallel_loop3A_152, %parallel_loop3A_153] {strides = array<i32>} : memref<2x1024xf32, #tpu.memory_space<vmem>>, vector<16xf32>,
      tpu.vector_store %arg10[%parallel_loop3A_152, %parallel_loop3A_153], %parallel_loop3A_109 {strides = array<i32>} : memref<2x1024xf32, #tpu.memory_space<vmem>>, vector<16xf32>,
      %parallel_loop3A_155 = arith.constant 0 : i32
      %parallel_loop3A_156 = arith.index_cast %parallel_loop3A_155 : i32 to index
      %parallel_loop3A_157 = arith.index_cast %parallel_loop3A_81 : i32 to index
      %parallel_loop3A_158 = tpu.vector_load %arg11[%parallel_loop3A_156, %parallel_loop3A_157] {strides = array<i32>} : memref<2x1024xf32, #tpu.memory_space<vmem>>, vector<16xf32>,
      tpu.vector_store %arg11[%parallel_loop3A_156, %parallel_loop3A_157], %parallel_loop3A_115 {strides = array<i32>} : memref<2x1024xf32, #tpu.memory_space<vmem>>, vector<16xf32>,
    } {sc.loop_unroll_factor = 4 : i64, sc.parallel_access}
    %dma_start3A = arith.constant 0 : i32
    %dma_start3A_26 = arith.constant 0 : i32
    %dma_start3A_27 = arith.constant 0 : i32
    %dma_start3A_28 = arith.constant 0 : i32
    %dma_start3A_29 = tpu.memref_slice %arg12[%dma_start3A_26, %dma_start3A_27, %dma_start3A_28] : memref<2x1024x8xf32, #tpu.memory_space<vmem>> -> memref<1x1024x8xf32, #tpu.memory_space<vmem>>
    %dma_start3A_30 = tpu.memref_squeeze %dma_start3A_29 : memref<1x1024x8xf32, #tpu.memory_space<vmem>> -> memref<1024x8xf32, #tpu.memory_space<vmem>>
    %dma_start3A_31 = arith.constant 0 : i32
    %dma_start3A_32 = tpu.memref_slice %arg6[%dma_start3A, %dma_start3A_31] : memref<2x1024xi32, #tpu.memory_space<vmem>> -> memref<1x1024xi32, #tpu.memory_space<vmem>>
    %dma_start3A_33 = tpu.memref_squeeze %dma_start3A_32 : memref<1x1024xi32, #tpu.memory_space<vmem>> -> memref<1024xi32, #tpu.memory_space<vmem>>
    %dma_start3A_34 = arith.constant 0 : i32
    %dma_start3A_35 = arith.constant 0 : i32
    %dma_start3A_36 = tpu.memref_slice %arg3[%dma_start3A_34, %dma_start3A_35] : memref<4194304x8xf32, #tpu.memory_space<hbm>> -> memref<4194304x8xf32, #tpu.memory_space<hbm>>
    tpu.enqueue_indirect_dma source(%dma_start3A_36 : memref<4194304x8xf32, #tpu.memory_space<hbm>>) target(%dma_start3A_30 : memref<1024x8xf32, #tpu.memory_space<vmem>>) offsets(%dma_start3A_33 : memref<1024xi32, #tpu.memory_space<vmem>>) semaphore(%arg17 : memref<!tpu.dma_semaphore, #tpu.memory_space<semaphore_mem>>)
    %dma_start3A_37 = arith.constant 0 : i32
    %dma_start3A_38 = arith.constant 0 : i32
    %dma_start3A_39 = arith.constant 0 : i32
    %dma_start3A_40 = arith.constant 0 : i32
    %dma_start3A_41 = tpu.memref_slice %arg13[%dma_start3A_38, %dma_start3A_39, %dma_start3A_40] : memref<2x1024x8xf32, #tpu.memory_space<vmem>> -> memref<1x1024x8xf32, #tpu.memory_space<vmem>>
    %dma_start3A_42 = tpu.memref_squeeze %dma_start3A_41 : memref<1x1024x8xf32, #tpu.memory_space<vmem>> -> memref<1024x8xf32, #tpu.memory_space<vmem>>
    %dma_start3A_43 = arith.constant 0 : i32
    %dma_start3A_44 = tpu.memref_slice %arg7[%dma_start3A_37, %dma_start3A_43] : memref<2x1024xi32, #tpu.memory_space<vmem>> -> memref<1x1024xi32, #tpu.memory_space<vmem>>
    %dma_start3A_45 = tpu.memref_squeeze %dma_start3A_44 : memref<1x1024xi32, #tpu.memory_space<vmem>> -> memref<1024xi32, #tpu.memory_space<vmem>>
    %dma_start3A_46 = arith.constant 0 : i32
    %dma_start3A_47 = arith.constant 0 : i32
    %dma_start3A_48 = tpu.memref_slice %arg3[%dma_start3A_46, %dma_start3A_47] : memref<4194304x8xf32, #tpu.memory_space<hbm>> -> memref<4194304x8xf32, #tpu.memory_space<hbm>>
    tpu.enqueue_indirect_dma source(%dma_start3A_48 : memref<4194304x8xf32, #tpu.memory_space<hbm>>) target(%dma_start3A_42 : memref<1024x8xf32, #tpu.memory_space<vmem>>) offsets(%dma_start3A_45 : memref<1024xi32, #tpu.memory_space<vmem>>) semaphore(%arg17 : memref<!tpu.dma_semaphore, #tpu.memory_space<semaphore_mem>>)
    %dma_start3A_49 = arith.constant 0 : i32
    %dma_start3A_50 = arith.constant 0 : i32
    %dma_start3A_51 = arith.constant 0 : i32
    %dma_start3A_52 = arith.constant 0 : i32
    %dma_start3A_53 = tpu.memref_slice %arg14[%dma_start3A_50, %dma_start3A_51, %dma_start3A_52] : memref<2x1024x8xf32, #tpu.memory_space<vmem>> -> memref<1x1024x8xf32, #tpu.memory_space<vmem>>
    %dma_start3A_54 = tpu.memref_squeeze %dma_start3A_53 : memref<1x1024x8xf32, #tpu.memory_space<vmem>> -> memref<1024x8xf32, #tpu.memory_space<vmem>>
    %dma_start3A_55 = arith.constant 0 : i32
    %dma_start3A_56 = tpu.memref_slice %arg8[%dma_start3A_49, %dma_start3A_55] : memref<2x1024xi32, #tpu.memory_space<vmem>> -> memref<1x1024xi32, #tpu.memory_space<vmem>>
    %dma_start3A_57 = tpu.memref_squeeze %dma_start3A_56 : memref<1x1024xi32, #tpu.memory_space<vmem>> -> memref<1024xi32, #tpu.memory_space<vmem>>
    %dma_start3A_58 = arith.constant 0 : i32
    %dma_start3A_59 = arith.constant 0 : i32
    %dma_start3A_60 = tpu.memref_slice %arg3[%dma_start3A_58, %dma_start3A_59] : memref<4194304x8xf32, #tpu.memory_space<hbm>> -> memref<4194304x8xf32, #tpu.memory_space<hbm>>
    tpu.enqueue_indirect_dma source(%dma_start3A_60 : memref<4194304x8xf32, #tpu.memory_space<hbm>>) target(%dma_start3A_54 : memref<1024x8xf32, #tpu.memory_space<vmem>>) offsets(%dma_start3A_57 : memref<1024xi32, #tpu.memory_space<vmem>>) semaphore(%arg17 : memref<!tpu.dma_semaphore, #tpu.memory_space<semaphore_mem>>)
    %dma_start3A_61 = arith.constant 0 : i32
    %dma_start3A_62 = arith.constant 0 : i32
    %dma_start3A_63 = arith.constant 0 : i32
    %dma_start3A_64 = arith.constant 0 : i32
    %dma_start3A_65 = tpu.memref_slice %arg15[%dma_start3A_62, %dma_start3A_63, %dma_start3A_64] : memref<2x1024x8xf32, #tpu.memory_space<vmem>> -> memref<1x1024x8xf32, #tpu.memory_space<vmem>>
    %dma_start3A_66 = tpu.memref_squeeze %dma_start3A_65 : memref<1x1024x8xf32, #tpu.memory_space<vmem>> -> memref<1024x8xf32, #tpu.memory_space<vmem>>
    %dma_start3A_67 = arith.constant 0 : i32
    %dma_start3A_68 = tpu.memref_slice %arg9[%dma_start3A_61, %dma_start3A_67] : memref<2x1024xi32, #tpu.memory_space<vmem>> -> memref<1x1024xi32, #tpu.memory_space<vmem>>
    %dma_start3A_69 = tpu.memref_squeeze %dma_start3A_68 : memref<1x1024xi32, #tpu.memory_space<vmem>> -> memref<1024xi32, #tpu.memory_space<vmem>>
    %dma_start3A_70 = arith.constant 0 : i32
    %dma_start3A_71 = arith.constant 0 : i32
    %dma_start3A_72 = tpu.memref_slice %arg3[%dma_start3A_70, %dma_start3A_71] : memref<4194304x8xf32, #tpu.memory_space<hbm>> -> memref<4194304x8xf32, #tpu.memory_space<hbm>>
    tpu.enqueue_indirect_dma source(%dma_start3A_72 : memref<4194304x8xf32, #tpu.memory_space<hbm>>) target(%dma_start3A_66 : memref<1024x8xf32, #tpu.memory_space<vmem>>) offsets(%dma_start3A_69 : memref<1024xi32, #tpu.memory_space<vmem>>) semaphore(%arg17 : memref<!tpu.dma_semaphore, #tpu.memory_space<semaphore_mem>>)
    %scan3A = arith.constant 0 : i32
    %scan3A_73 = arith.constant 0 : i32
    %scan3A_74 = arith.constant 16 : i32
    %scan3A_75 = arith.addi %scan3A_73, %scan3A_74 : i32
    %scan3A_76 = arith.constant 1 : i32
    %scan3A_77 = scf.for %scan3A_79 = %scan3A_73 to %scan3A_75 step %scan3A_76 iter_args(%scan3A_80 = %scan3A) -> (i32)  : i32 {
      %mul3A_81 = arith.constant 2 : i32
      %mul3A_82 = arith.muli %mul3A_81, %scan3A_79 : i32
      %add3A_83 = arith.constant 1 : i32
      %add3A_84 = arith.addi %mul3A_82, %add3A_83 : i32
      %mul3A_85 = arith.constant 1024 : i32
      %mul3A_86 = arith.muli %add3A_84, %mul3A_85 : i32
      %min3A_87 = arith.constant 30336 : i32
      %min3A_88 = arith.minsi %mul3A_86, %min3A_87 : i32
      %add3A_89 = arith.addi %min3A_3, %min3A_88 : i32
      %jit3A_90 = arith.constant 128 : i32
      %div3A_91 = arith.divsi %add3A_89, %jit3A_90 : i32
      %sign3A_92 = arith.constant 0 : i32
      %sign3A_93 = arith.cmpi sgt, %add3A_89, %sign3A_92 : i32
      %sign3A_94 = arith.extui %sign3A_93 : i1 to i32
      %sign3A_95 = arith.constant 0 : i32
      %sign3A_96 = arith.cmpi slt, %add3A_89, %sign3A_95 : i32
      %sign3A_97 = arith.extui %sign3A_96 : i1 to i32
      %sign3A_98 = arith.subi %sign3A_94, %sign3A_97 : i32
      %sign3A_99 = arith.constant 0 : i32
      %sign3A_100 = arith.cmpi sgt, %jit3A_90, %sign3A_99 : i32
      %sign3A_101 = arith.extui %sign3A_100 : i1 to i32
      %sign3A_102 = arith.constant 0 : i32
      %sign3A_103 = arith.cmpi slt, %jit3A_90, %sign3A_102 : i32
      %sign3A_104 = arith.extui %sign3A_103 : i1 to i32
      %sign3A_105 = arith.subi %sign3A_101, %sign3A_104 : i32
      %ne3A_106 = arith.cmpi ne, %sign3A_98, %sign3A_105 : i32
      %rem3A_107 = arith.remsi %add3A_89, %jit3A_90 : i32
      %ne3A_108 = arith.constant 0 : i32
      %ne3A_109 = arith.cmpi ne, %rem3A_107, %ne3A_108 : i32
      %and3A_110 = arith.andi %ne3A_106, %ne3A_109 : i1
      %sub3A_111 = arith.constant 1 : i32
      %sub3A_112 = arith.subi %div3A_91, %sub3A_111 : i32
      %select_n3A_113 = arith.select %and3A_110, %sub3A_112, %div3A_91 : i32
      %run_scoped3A_114 = arith.constant 1 : i32
      "tpu.region"() ({
        %run_scoped3A_292 = tpu.sem_alloc : memref<!tpu.dma_semaphore, #tpu.memory_space<semaphore_mem>>
        %dma_start3A_293 = arith.constant 0 : i32
        %dma_start3A_294 = arith.constant 0 : i32
        %dma_start3A_295 = arith.constant 0 : i32
        %dma_start3A_296 = tpu.memref_slice %arg5[%run_scoped3A_114, %dma_start3A_293, %dma_start3A_294, %dma_start3A_295] : memref<2x8x2x128xf32, #tpu.memory_space<vmem>> -> memref<1x8x2x128xf32, #tpu.memory_space<vmem>>
        %dma_start3A_297 = tpu.memref_squeeze %dma_start3A_296 : memref<1x8x2x128xf32, #tpu.memory_space<vmem>> -> memref<8x2x128xf32, #tpu.memory_space<vmem>>
        %dma_start3A_298 = arith.constant 0 : i32
        %dma_start3A_299 = arith.constant 0 : i32
        %dma_start3A_300 = tpu.memref_slice %arg2[%select_n3A_113, %dma_start3A_298, %dma_start3A_299] : memref<7813x2x128xf32, #tpu.memory_space<hbm>> -> memref<8x2x128xf32, #tpu.memory_space<hbm>>
        %dma_start3A_301 = arith.constant 0 : i32
        %dma_start3A_302 = arith.constant 0 : i32
        %dma_start3A_303 = arith.constant 0 : i32
        %dma_start3A_304 = tpu.memref_slice %arg5[%run_scoped3A_114, %dma_start3A_301, %dma_start3A_302, %dma_start3A_303] : memref<2x8x2x128xf32, #tpu.memory_space<vmem>> -> memref<1x8x2x128xf32, #tpu.memory_space<vmem>>
        %dma_start3A_305 = tpu.memref_squeeze %dma_start3A_304 : memref<1x8x2x128xf32, #tpu.memory_space<vmem>> -> memref<8x2x128xf32, #tpu.memory_space<vmem>>
        %dma_start3A_306 = arith.constant 0 : i32
        %dma_start3A_307 = arith.constant 0 : i32
        %dma_start3A_308 = tpu.memref_slice %arg2[%select_n3A_113, %dma_start3A_306, %dma_start3A_307] : memref<7813x2x128xf32, #tpu.memory_space<hbm>> -> memref<8x2x128xf32, #tpu.memory_space<hbm>>
        tpu.enqueue_dma source(%dma_start3A_308 : memref<8x2x128xf32, #tpu.memory_space<hbm>>) target(%dma_start3A_305 : memref<8x2x128xf32, #tpu.memory_space<vmem>>) target_semaphore(%run_scoped3A_292 : memref<!tpu.dma_semaphore, #tpu.memory_space<semaphore_mem>>)
        %dma_wait3A_309 = arith.constant 0 : i32
        %dma_wait3A_310 = arith.constant 0 : i32
        %dma_wait3A_311 = arith.constant 0 : i32
        %dma_wait3A_312 = tpu.memref_slice %arg5[%run_scoped3A_114, %dma_wait3A_309, %dma_wait3A_310, %dma_wait3A_311] : memref<2x8x2x128xf32, #tpu.memory_space<vmem>> -> memref<1x8x2x128xf32, #tpu.memory_space<vmem>>
        %dma_wait3A_313 = tpu.memref_squeeze %dma_wait3A_312 : memref<1x8x2x128xf32, #tpu.memory_space<vmem>> -> memref<8x2x128xf32, #tpu.memory_space<vmem>>
        %dma_wait3A_314 = arith.constant 0 : i32
        %dma_wait3A_315 = arith.constant 0 : i32
        %dma_wait3A_316 = tpu.memref_slice %arg2[%select_n3A_113, %dma_wait3A_314, %dma_wait3A_315] : memref<7813x2x128xf32, #tpu.memory_space<hbm>> -> memref<8x2x128xf32, #tpu.memory_space<hbm>>
        %dma_wait3A_317 = arith.constant 0 : i32
        %dma_wait3A_318 = arith.constant 0 : i32
        %dma_wait3A_319 = arith.constant 0 : i32
        %dma_wait3A_320 = tpu.memref_slice %arg5[%run_scoped3A_114, %dma_wait3A_317, %dma_wait3A_318, %dma_wait3A_319] : memref<2x8x2x128xf32, #tpu.memory_space<vmem>> -> memref<1x8x2x128xf32, #tpu.memory_space<vmem>>
        %dma_wait3A_321 = tpu.memref_squeeze %dma_wait3A_320 : memref<1x8x2x128xf32, #tpu.memory_space<vmem>> -> memref<8x2x128xf32, #tpu.memory_space<vmem>>
        %dma_wait3A_322 = arith.constant 0 : i32
        %dma_wait3A_323 = arith.constant 0 : i32
        %dma_wait3A_324 = tpu.memref_slice %arg2[%select_n3A_113, %dma_wait3A_322, %dma_wait3A_323] : memref<7813x2x128xf32, #tpu.memory_space<hbm>> -> memref<8x2x128xf32, #tpu.memory_space<hbm>>
        tpu.wait_dma2 semaphore(%run_scoped3A_292 : memref<!tpu.dma_semaphore, #tpu.memory_space<semaphore_mem>>) src(%dma_wait3A_324 : memref<8x2x128xf32, #tpu.memory_space<hbm>>) dst(%dma_wait3A_321 : memref<8x2x128xf32, #tpu.memory_space<vmem>>)
        tpu.yield
      }) : () -> ()
      %parallel_loop3A_115 = arith.constant 0 : i32
      %parallel_loop3A_116 = arith.constant 64 : i32
      %parallel_loop3A_117 = arith.constant 1 : i32
      scf.for %parallel_loop3A_292 = %parallel_loop3A_115 to %parallel_loop3A_116 step %parallel_loop3A_117  : i32 {
        %parallel_loop3A_293 = arith.constant 16 : i32
        %parallel_loop3A_294 = arith.muli %parallel_loop3A_292, %parallel_loop3A_293 : i32
        %parallel_loop3A_295 = arith.constant 7 : i32
        %parallel_loop3A_296 = arith.shrsi %parallel_loop3A_294, %parallel_loop3A_295 : i32
        %parallel_loop3A_297 = arith.constant 127 : i32
        %parallel_loop3A_298 = arith.andi %parallel_loop3A_294, %parallel_loop3A_297 : i32
        %parallel_loop3A_299 = arith.constant 1 : i32
        %parallel_loop3A_300 = arith.constant 0 : i32
        %parallel_loop3A_301 = arith.index_cast %parallel_loop3A_299 : i32 to index
        %parallel_loop3A_302 = arith.index_cast %parallel_loop3A_296 : i32 to index
        %parallel_loop3A_303 = arith.index_cast %parallel_loop3A_300 : i32 to index
        %parallel_loop3A_304 = arith.index_cast %parallel_loop3A_298 : i32 to index
        %parallel_loop3A_305 = tpu.vector_load %arg5[%parallel_loop3A_301, %parallel_loop3A_302, %parallel_loop3A_303, %parallel_loop3A_304] {strides = array<i32>} : memref<2x8x2x128xf32, #tpu.memory_space<vmem>>, vector<16xf32>,
        %parallel_loop3A_306 = arith.constant 7 : i32
        %parallel_loop3A_307 = arith.shrsi %parallel_loop3A_294, %parallel_loop3A_306 : i32
        %parallel_loop3A_308 = arith.constant 127 : i32
        %parallel_loop3A_309 = arith.andi %parallel_loop3A_294, %parallel_loop3A_308 : i32
        %parallel_loop3A_310 = arith.constant 1 : i32
        %parallel_loop3A_311 = arith.constant 1 : i32
        %parallel_loop3A_312 = arith.index_cast %parallel_loop3A_310 : i32 to index
        %parallel_loop3A_313 = arith.index_cast %parallel_loop3A_307 : i32 to index
        %parallel_loop3A_314 = arith.index_cast %parallel_loop3A_311 : i32 to index
        %parallel_loop3A_315 = arith.index_cast %parallel_loop3A_309 : i32 to index
        %parallel_loop3A_316 = tpu.vector_load %arg5[%parallel_loop3A_312, %parallel_loop3A_313, %parallel_loop3A_314, %parallel_loop3A_315] {strides = array<i32>} : memref<2x8x2x128xf32, #tpu.memory_space<vmem>>, vector<16xf32>,
        %parallel_loop3A_317 = arith.constant 2.047000e+03 : f32
        %parallel_loop3A_318 = vector.broadcast %parallel_loop3A_317 : f32 to vector<16xf32>
        %parallel_loop3A_319 = arith.mulf %parallel_loop3A_305, %parallel_loop3A_318 : vector<16xf32>
        %parallel_loop3A_320 = arith.fptosi %parallel_loop3A_319 : vector<16xf32> to vector<16xi32>
        %parallel_loop3A_321 = arith.sitofp %parallel_loop3A_320 : vector<16xi32> to vector<16xf32>
        %parallel_loop3A_322 = arith.subf %parallel_loop3A_319, %parallel_loop3A_321 : vector<16xf32>
        %parallel_loop3A_323 = arith.constant 2.047000e+03 : f32
        %parallel_loop3A_324 = vector.broadcast %parallel_loop3A_323 : f32 to vector<16xf32>
        %parallel_loop3A_325 = arith.mulf %parallel_loop3A_316, %parallel_loop3A_324 : vector<16xf32>
        %parallel_loop3A_326 = arith.fptosi %parallel_loop3A_325 : vector<16xf32> to vector<16xi32>
        %parallel_loop3A_327 = arith.sitofp %parallel_loop3A_326 : vector<16xi32> to vector<16xf32>
        %parallel_loop3A_328 = arith.subf %parallel_loop3A_325, %parallel_loop3A_327 : vector<16xf32>
        %parallel_loop3A_329 = arith.constant 2048 : i32
        %parallel_loop3A_330 = vector.broadcast %parallel_loop3A_329 : i32 to vector<16xi32>
        %parallel_loop3A_331 = arith.muli %parallel_loop3A_326, %parallel_loop3A_330 : vector<16xi32>
        %parallel_loop3A_332 = arith.addi %parallel_loop3A_331, %parallel_loop3A_320 : vector<16xi32>
        %parallel_loop3A_333 = arith.constant 0 : i32
        %parallel_loop3A_334 = vector.broadcast %parallel_loop3A_333 : i32 to vector<16xi32>
        %parallel_loop3A_335 = arith.maxsi %parallel_loop3A_332, %parallel_loop3A_334 : vector<16xi32>
        %parallel_loop3A_336 = arith.constant 4192254 : i32
        %parallel_loop3A_337 = vector.broadcast %parallel_loop3A_336 : i32 to vector<16xi32>
        %parallel_loop3A_338 = arith.minsi %parallel_loop3A_335, %parallel_loop3A_337 : vector<16xi32>
        %parallel_loop3A_339 = arith.constant 1 : i32
        %parallel_loop3A_340 = arith.index_cast %parallel_loop3A_339 : i32 to index
        %parallel_loop3A_341 = arith.index_cast %parallel_loop3A_294 : i32 to index
        %parallel_loop3A_342 = tpu.vector_load %arg6[%parallel_loop3A_340, %parallel_loop3A_341] {strides = array<i32>} : memref<2x1024xi32, #tpu.memory_space<vmem>>, vector<16xi32>,
        tpu.vector_store %arg6[%parallel_loop3A_340, %parallel_loop3A_341], %parallel_loop3A_338 {strides = array<i32>} : memref<2x1024xi32, #tpu.memory_space<vmem>>, vector<16xi32>,
        %parallel_loop3A_343 = arith.constant 1 : i32
        %parallel_loop3A_344 = vector.broadcast %parallel_loop3A_343 : i32 to vector<16xi32>
        %parallel_loop3A_345 = arith.addi %parallel_loop3A_338, %parallel_loop3A_344 : vector<16xi32>
        %parallel_loop3A_346 = arith.constant 1 : i32
        %parallel_loop3A_347 = arith.index_cast %parallel_loop3A_346 : i32 to index
        %parallel_loop3A_348 = arith.index_cast %parallel_loop3A_294 : i32 to index
        %parallel_loop3A_349 = tpu.vector_load %arg7[%parallel_loop3A_347, %parallel_loop3A_348] {strides = array<i32>} : memref<2x1024xi32, #tpu.memory_space<vmem>>, vector<16xi32>,
        tpu.vector_store %arg7[%parallel_loop3A_347, %parallel_loop3A_348], %parallel_loop3A_345 {strides = array<i32>} : memref<2x1024xi32, #tpu.memory_space<vmem>>, vector<16xi32>,
        %parallel_loop3A_350 = arith.constant 2048 : i32
        %parallel_loop3A_351 = vector.broadcast %parallel_loop3A_350 : i32 to vector<16xi32>
        %parallel_loop3A_352 = arith.addi %parallel_loop3A_338, %parallel_loop3A_351 : vector<16xi32>
        %parallel_loop3A_353 = arith.constant 1 : i32
        %parallel_loop3A_354 = arith.index_cast %parallel_loop3A_353 : i32 to index
        %parallel_loop3A_355 = arith.index_cast %parallel_loop3A_294 : i32 to index
        %parallel_loop3A_356 = tpu.vector_load %arg8[%parallel_loop3A_354, %parallel_loop3A_355] {strides = array<i32>} : memref<2x1024xi32, #tpu.memory_space<vmem>>, vector<16xi32>,
        tpu.vector_store %arg8[%parallel_loop3A_354, %parallel_loop3A_355], %parallel_loop3A_352 {strides = array<i32>} : memref<2x1024xi32, #tpu.memory_space<vmem>>, vector<16xi32>,
        %parallel_loop3A_357 = arith.constant 2049 : i32
        %parallel_loop3A_358 = vector.broadcast %parallel_loop3A_357 : i32 to vector<16xi32>
        %parallel_loop3A_359 = arith.addi %parallel_loop3A_338, %parallel_loop3A_358 : vector<16xi32>
        %parallel_loop3A_360 = arith.constant 1 : i32
        %parallel_loop3A_361 = arith.index_cast %parallel_loop3A_360 : i32 to index
        %parallel_loop3A_362 = arith.index_cast %parallel_loop3A_294 : i32 to index
        %parallel_loop3A_363 = tpu.vector_load %arg9[%parallel_loop3A_361, %parallel_loop3A_362] {strides = array<i32>} : memref<2x1024xi32, #tpu.memory_space<vmem>>, vector<16xi32>,
        tpu.vector_store %arg9[%parallel_loop3A_361, %parallel_loop3A_362], %parallel_loop3A_359 {strides = array<i32>} : memref<2x1024xi32, #tpu.memory_space<vmem>>, vector<16xi32>,
        %parallel_loop3A_364 = arith.constant 1 : i32
        %parallel_loop3A_365 = arith.index_cast %parallel_loop3A_364 : i32 to index
        %parallel_loop3A_366 = arith.index_cast %parallel_loop3A_294 : i32 to index
        %parallel_loop3A_367 = tpu.vector_load %arg10[%parallel_loop3A_365, %parallel_loop3A_366] {strides = array<i32>} : memref<2x1024xf32, #tpu.memory_space<vmem>>, vector<16xf32>,
        tpu.vector_store %arg10[%parallel_loop3A_365, %parallel_loop3A_366], %parallel_loop3A_322 {strides = array<i32>} : memref<2x1024xf32, #tpu.memory_space<vmem>>, vector<16xf32>,
        %parallel_loop3A_368 = arith.constant 1 : i32
        %parallel_loop3A_369 = arith.index_cast %parallel_loop3A_368 : i32 to index
        %parallel_loop3A_370 = arith.index_cast %parallel_loop3A_294 : i32 to index
        %parallel_loop3A_371 = tpu.vector_load %arg11[%parallel_loop3A_369, %parallel_loop3A_370] {strides = array<i32>} : memref<2x1024xf32, #tpu.memory_space<vmem>>, vector<16xf32>,
        tpu.vector_store %arg11[%parallel_loop3A_369, %parallel_loop3A_370], %parallel_loop3A_328 {strides = array<i32>} : memref<2x1024xf32, #tpu.memory_space<vmem>>, vector<16xf32>,
      } {sc.loop_unroll_factor = 4 : i64, sc.parallel_access}
      %dma_start3A_118 = arith.constant 1 : i32
      %dma_start3A_119 = arith.constant 1 : i32
      %dma_start3A_120 = arith.constant 0 : i32
      %dma_start3A_121 = arith.constant 0 : i32
      %dma_start3A_122 = tpu.memref_slice %arg12[%dma_start3A_119, %dma_start3A_120, %dma_start3A_121] : memref<2x1024x8xf32, #tpu.memory_space<vmem>> -> memref<1x1024x8xf32, #tpu.memory_space<vmem>>
      %dma_start3A_123 = tpu.memref_squeeze %dma_start3A_122 : memref<1x1024x8xf32, #tpu.memory_space<vmem>> -> memref<1024x8xf32, #tpu.memory_space<vmem>>
      %dma_start3A_124 = arith.constant 0 : i32
      %dma_start3A_125 = tpu.memref_slice %arg6[%dma_start3A_118, %dma_start3A_124] : memref<2x1024xi32, #tpu.memory_space<vmem>> -> memref<1x1024xi32, #tpu.memory_space<vmem>>
      %dma_start3A_126 = tpu.memref_squeeze %dma_start3A_125 : memref<1x1024xi32, #tpu.memory_space<vmem>> -> memref<1024xi32, #tpu.memory_space<vmem>>
      %dma_start3A_127 = arith.constant 0 : i32
      %dma_start3A_128 = arith.constant 0 : i32
      %dma_start3A_129 = tpu.memref_slice %arg3[%dma_start3A_127, %dma_start3A_128] : memref<4194304x8xf32, #tpu.memory_space<hbm>> -> memref<4194304x8xf32, #tpu.memory_space<hbm>>
      tpu.enqueue_indirect_dma source(%dma_start3A_129 : memref<4194304x8xf32, #tpu.memory_space<hbm>>) target(%dma_start3A_123 : memref<1024x8xf32, #tpu.memory_space<vmem>>) offsets(%dma_start3A_126 : memref<1024xi32, #tpu.memory_space<vmem>>) semaphore(%arg18 : memref<!tpu.dma_semaphore, #tpu.memory_space<semaphore_mem>>)
      %dma_start3A_130 = arith.constant 1 : i32
      %dma_start3A_131 = arith.constant 1 : i32
      %dma_start3A_132 = arith.constant 0 : i32
      %dma_start3A_133 = arith.constant 0 : i32
      %dma_start3A_134 = tpu.memref_slice %arg13[%dma_start3A_131, %dma_start3A_132, %dma_start3A_133] : memref<2x1024x8xf32, #tpu.memory_space<vmem>> -> memref<1x1024x8xf32, #tpu.memory_space<vmem>>
      %dma_start3A_135 = tpu.memref_squeeze %dma_start3A_134 : memref<1x1024x8xf32, #tpu.memory_space<vmem>> -> memref<1024x8xf32, #tpu.memory_space<vmem>>
      %dma_start3A_136 = arith.constant 0 : i32
      %dma_start3A_137 = tpu.memref_slice %arg7[%dma_start3A_130, %dma_start3A_136] : memref<2x1024xi32, #tpu.memory_space<vmem>> -> memref<1x1024xi32, #tpu.memory_space<vmem>>
      %dma_start3A_138 = tpu.memref_squeeze %dma_start3A_137 : memref<1x1024xi32, #tpu.memory_space<vmem>> -> memref<1024xi32, #tpu.memory_space<vmem>>
      %dma_start3A_139 = arith.constant 0 : i32
      %dma_start3A_140 = arith.constant 0 : i32
      %dma_start3A_141 = tpu.memref_slice %arg3[%dma_start3A_139, %dma_start3A_140] : memref<4194304x8xf32, #tpu.memory_space<hbm>> -> memref<4194304x8xf32, #tpu.memory_space<hbm>>
      tpu.enqueue_indirect_dma source(%dma_start3A_141 : memref<4194304x8xf32, #tpu.memory_space<hbm>>) target(%dma_start3A_135 : memref<1024x8xf32, #tpu.memory_space<vmem>>) offsets(%dma_start3A_138 : memref<1024xi32, #tpu.memory_space<vmem>>) semaphore(%arg18 : memref<!tpu.dma_semaphore, #tpu.memory_space<semaphore_mem>>)
      %dma_start3A_142 = arith.constant 1 : i32
      %dma_start3A_143 = arith.constant 1 : i32
      %dma_start3A_144 = arith.constant 0 : i32
      %dma_start3A_145 = arith.constant 0 : i32
      %dma_start3A_146 = tpu.memref_slice %arg14[%dma_start3A_143, %dma_start3A_144, %dma_start3A_145] : memref<2x1024x8xf32, #tpu.memory_space<vmem>> -> memref<1x1024x8xf32, #tpu.memory_space<vmem>>
      %dma_start3A_147 = tpu.memref_squeeze %dma_start3A_146 : memref<1x1024x8xf32, #tpu.memory_space<vmem>> -> memref<1024x8xf32, #tpu.memory_space<vmem>>
      %dma_start3A_148 = arith.constant 0 : i32
      %dma_start3A_149 = tpu.memref_slice %arg8[%dma_start3A_142, %dma_start3A_148] : memref<2x1024xi32, #tpu.memory_space<vmem>> -> memref<1x1024xi32, #tpu.memory_space<vmem>>
      %dma_start3A_150 = tpu.memref_squeeze %dma_start3A_149 : memref<1x1024xi32, #tpu.memory_space<vmem>> -> memref<1024xi32, #tpu.memory_space<vmem>>
      %dma_start3A_151 = arith.constant 0 : i32
      %dma_start3A_152 = arith.constant 0 : i32
      %dma_start3A_153 = tpu.memref_slice %arg3[%dma_start3A_151, %dma_start3A_152] : memref<4194304x8xf32, #tpu.memory_space<hbm>> -> memref<4194304x8xf32, #tpu.memory_space<hbm>>
      tpu.enqueue_indirect_dma source(%dma_start3A_153 : memref<4194304x8xf32, #tpu.memory_space<hbm>>) target(%dma_start3A_147 : memref<1024x8xf32, #tpu.memory_space<vmem>>) offsets(%dma_start3A_150 : memref<1024xi32, #tpu.memory_space<vmem>>) semaphore(%arg18 : memref<!tpu.dma_semaphore, #tpu.memory_space<semaphore_mem>>)
      %dma_start3A_154 = arith.constant 1 : i32
      %dma_start3A_155 = arith.constant 1 : i32
      %dma_start3A_156 = arith.constant 0 : i32
      %dma_start3A_157 = arith.constant 0 : i32
      %dma_start3A_158 = tpu.memref_slice %arg15[%dma_start3A_155, %dma_start3A_156, %dma_start3A_157] : memref<2x1024x8xf32, #tpu.memory_space<vmem>> -> memref<1x1024x8xf32, #tpu.memory_space<vmem>>
      %dma_start3A_159 = tpu.memref_squeeze %dma_start3A_158 : memref<1x1024x8xf32, #tpu.memory_space<vmem>> -> memref<1024x8xf32, #tpu.memory_space<vmem>>
      %dma_start3A_160 = arith.constant 0 : i32
      %dma_start3A_161 = tpu.memref_slice %arg9[%dma_start3A_154, %dma_start3A_160] : memref<2x1024xi32, #tpu.memory_space<vmem>> -> memref<1x1024xi32, #tpu.memory_space<vmem>>
      %dma_start3A_162 = tpu.memref_squeeze %dma_start3A_161 : memref<1x1024xi32, #tpu.memory_space<vmem>> -> memref<1024xi32, #tpu.memory_space<vmem>>
      %dma_start3A_163 = arith.constant 0 : i32
      %dma_start3A_164 = arith.constant 0 : i32
      %dma_start3A_165 = tpu.memref_slice %arg3[%dma_start3A_163, %dma_start3A_164] : memref<4194304x8xf32, #tpu.memory_space<hbm>> -> memref<4194304x8xf32, #tpu.memory_space<hbm>>
      tpu.enqueue_indirect_dma source(%dma_start3A_165 : memref<4194304x8xf32, #tpu.memory_space<hbm>>) target(%dma_start3A_159 : memref<1024x8xf32, #tpu.memory_space<vmem>>) offsets(%dma_start3A_162 : memref<1024xi32, #tpu.memory_space<vmem>>) semaphore(%arg18 : memref<!tpu.dma_semaphore, #tpu.memory_space<semaphore_mem>>)
      %mul3A_166 = arith.constant 2 : i32
      %mul3A_167 = arith.muli %mul3A_166, %scan3A_79 : i32
      %mul3A_168 = arith.constant 1024 : i32
      %mul3A_169 = arith.muli %mul3A_167, %mul3A_168 : i32
      %min3A_170 = arith.constant 30336 : i32
      %min3A_171 = arith.minsi %mul3A_169, %min3A_170 : i32
      %add3A_172 = arith.addi %min3A_3, %min3A_171 : i32
      %dma_wait3A = arith.constant 0 : i32
      %dma_wait3A_173 = arith.constant 0 : i32
      %dma_wait3A_174 = arith.constant 0 : i32
      %dma_wait3A_175 = arith.constant 0 : i32
      %dma_wait3A_176 = tpu.memref_slice %arg12[%dma_wait3A_173, %dma_wait3A_174, %dma_wait3A_175] : memref<2x1024x8xf32, #tpu.memory_space<vmem>> -> memref<1x1024x8xf32, #tpu.memory_space<vmem>>
      %dma_wait3A_177 = tpu.memref_squeeze %dma_wait3A_176 : memref<1x1024x8xf32, #tpu.memory_space<vmem>> -> memref<1024x8xf32, #tpu.memory_space<vmem>>
      %dma_wait3A_178 = arith.constant 0 : i32
      %dma_wait3A_179 = tpu.memref_slice %arg6[%dma_wait3A, %dma_wait3A_178] : memref<2x1024xi32, #tpu.memory_space<vmem>> -> memref<1x1024xi32, #tpu.memory_space<vmem>>
      %dma_wait3A_180 = tpu.memref_squeeze %dma_wait3A_179 : memref<1x1024xi32, #tpu.memory_space<vmem>> -> memref<1024xi32, #tpu.memory_space<vmem>>
      %dma_wait3A_181 = arith.constant 0 : i32
      %dma_wait3A_182 = arith.constant 0 : i32
      %dma_wait3A_183 = tpu.memref_slice %arg3[%dma_wait3A_181, %dma_wait3A_182] : memref<4194304x8xf32, #tpu.memory_space<hbm>> -> memref<4194304x8xf32, #tpu.memory_space<hbm>>
      tpu.wait_indirect_dma semaphore(%arg17 : memref<!tpu.dma_semaphore, #tpu.memory_space<semaphore_mem>>) src(%dma_wait3A_183 : memref<4194304x8xf32, #tpu.memory_space<hbm>>) dst(%dma_wait3A_177 : memref<1024x8xf32, #tpu.memory_space<vmem>>)
      %dma_wait3A_184 = arith.constant 0 : i32
      %dma_wait3A_185 = arith.constant 0 : i32
      %dma_wait3A_186 = arith.constant 0 : i32
      %dma_wait3A_187 = arith.constant 0 : i32
      %dma_wait3A_188 = tpu.memref_slice %arg13[%dma_wait3A_185, %dma_wait3A_186, %dma_wait3A_187] : memref<2x1024x8xf32, #tpu.memory_space<vmem>> -> memref<1x1024x8xf32, #tpu.memory_space<vmem>>
      %dma_wait3A_189 = tpu.memref_squeeze %dma_wait3A_188 : memref<1x1024x8xf32, #tpu.memory_space<vmem>> -> memref<1024x8xf32, #tpu.memory_space<vmem>>
      %dma_wait3A_190 = arith.constant 0 : i32
      %dma_wait3A_191 = tpu.memref_slice %arg7[%dma_wait3A_184, %dma_wait3A_190] : memref<2x1024xi32, #tpu.memory_space<vmem>> -> memref<1x1024xi32, #tpu.memory_space<vmem>>
      %dma_wait3A_192 = tpu.memref_squeeze %dma_wait3A_191 : memref<1x1024xi32, #tpu.memory_space<vmem>> -> memref<1024xi32, #tpu.memory_space<vmem>>
      %dma_wait3A_193 = arith.constant 0 : i32
      %dma_wait3A_194 = arith.constant 0 : i32
      %dma_wait3A_195 = tpu.memref_slice %arg3[%dma_wait3A_193, %dma_wait3A_194] : memref<4194304x8xf32, #tpu.memory_space<hbm>> -> memref<4194304x8xf32, #tpu.memory_space<hbm>>
      tpu.wait_indirect_dma semaphore(%arg17 : memref<!tpu.dma_semaphore, #tpu.memory_space<semaphore_mem>>) src(%dma_wait3A_195 : memref<4194304x8xf32, #tpu.memory_space<hbm>>) dst(%dma_wait3A_189 : memref<1024x8xf32, #tpu.memory_space<vmem>>)
      %dma_wait3A_196 = arith.constant 0 : i32
      %dma_wait3A_197 = arith.constant 0 : i32
      %dma_wait3A_198 = arith.constant 0 : i32
      %dma_wait3A_199 = arith.constant 0 : i32
      %dma_wait3A_200 = tpu.memref_slice %arg14[%dma_wait3A_197, %dma_wait3A_198, %dma_wait3A_199] : memref<2x1024x8xf32, #tpu.memory_space<vmem>> -> memref<1x1024x8xf32, #tpu.memory_space<vmem>>
      %dma_wait3A_201 = tpu.memref_squeeze %dma_wait3A_200 : memref<1x1024x8xf32, #tpu.memory_space<vmem>> -> memref<1024x8xf32, #tpu.memory_space<vmem>>
      %dma_wait3A_202 = arith.constant 0 : i32
      %dma_wait3A_203 = tpu.memref_slice %arg8[%dma_wait3A_196, %dma_wait3A_202] : memref<2x1024xi32, #tpu.memory_space<vmem>> -> memref<1x1024xi32, #tpu.memory_space<vmem>>
      %dma_wait3A_204 = tpu.memref_squeeze %dma_wait3A_203 : memref<1x1024xi32, #tpu.memory_space<vmem>> -> memref<1024xi32, #tpu.memory_space<vmem>>
      %dma_wait3A_205 = arith.constant 0 : i32
      %dma_wait3A_206 = arith.constant 0 : i32
      %dma_wait3A_207 = tpu.memref_slice %arg3[%dma_wait3A_205, %dma_wait3A_206] : memref<4194304x8xf32, #tpu.memory_space<hbm>> -> memref<4194304x8xf32, #tpu.memory_space<hbm>>
      tpu.wait_indirect_dma semaphore(%arg17 : memref<!tpu.dma_semaphore, #tpu.memory_space<semaphore_mem>>) src(%dma_wait3A_207 : memref<4194304x8xf32, #tpu.memory_space<hbm>>) dst(%dma_wait3A_201 : memref<1024x8xf32, #tpu.memory_space<vmem>>)
      %dma_wait3A_208 = arith.constant 0 : i32
      %dma_wait3A_209 = arith.constant 0 : i32
      %dma_wait3A_210 = arith.constant 0 : i32
      %dma_wait3A_211 = arith.constant 0 : i32
      %dma_wait3A_212 = tpu.memref_slice %arg15[%dma_wait3A_209, %dma_wait3A_210, %dma_wait3A_211] : memref<2x1024x8xf32, #tpu.memory_space<vmem>> -> memref<1x1024x8xf32, #tpu.memory_space<vmem>>
      %dma_wait3A_213 = tpu.memref_squeeze %dma_wait3A_212 : memref<1x1024x8xf32, #tpu.memory_space<vmem>> -> memref<1024x8xf32, #tpu.memory_space<vmem>>
      %dma_wait3A_214 = arith.constant 0 : i32
      %dma_wait3A_215 = tpu.memref_slice %arg9[%dma_wait3A_208, %dma_wait3A_214] : memref<2x1024xi32, #tpu.memory_space<vmem>> -> memref<1x1024xi32, #tpu.memory_space<vmem>>
      %dma_wait3A_216 = tpu.memref_squeeze %dma_wait3A_215 : memref<1x1024xi32, #tpu.memory_space<vmem>> -> memref<1024xi32, #tpu.memory_space<vmem>>
      %dma_wait3A_217 = arith.constant 0 : i32
      %dma_wait3A_218 = arith.constant 0 : i32
      %dma_wait3A_219 = tpu.memref_slice %arg3[%dma_wait3A_217, %dma_wait3A_218] : memref<4194304x8xf32, #tpu.memory_space<hbm>> -> memref<4194304x8xf32, #tpu.memory_space<hbm>>
      tpu.wait_indirect_dma semaphore(%arg17 : memref<!tpu.dma_semaphore, #tpu.memory_space<semaphore_mem>>) src(%dma_wait3A_219 : memref<4194304x8xf32, #tpu.memory_space<hbm>>) dst(%dma_wait3A_213 : memref<1024x8xf32, #tpu.memory_space<vmem>>)
      %parallel_loop3A_220 = arith.constant 0 : i32
      %parallel_loop3A_221 = arith.constant 64 : i32
      %parallel_loop3A_222 = arith.constant 1 : i32
      scf.for %parallel_loop3A_292 = %parallel_loop3A_220 to %parallel_loop3A_221 step %parallel_loop3A_222  : i32 {
        %parallel_loop3A_293 = arith.constant 3 : i32
        %parallel_loop3A_294 = arith.shrsi %parallel_loop3A_292, %parallel_loop3A_293 : i32
        %parallel_loop3A_295 = arith.constant 7 : i32
        %parallel_loop3A_296 = arith.andi %parallel_loop3A_292, %parallel_loop3A_295 : i32
        %parallel_loop3A_297 = arith.constant 128 : i32
        %parallel_loop3A_298 = arith.muli %parallel_loop3A_294, %parallel_loop3A_297 : i32
        %parallel_loop3A_299 = arith.constant 16 : i32
        %parallel_loop3A_300 = arith.muli %parallel_loop3A_296, %parallel_loop3A_299 : i32
        %parallel_loop3A_301 = arith.addi %parallel_loop3A_298, %parallel_loop3A_300 : i32
        %parallel_loop3A_302 = vector.broadcast %parallel_loop3A_301 : i32 to vector<16xi32>
        %parallel_loop3A_303 = arith.addi %parallel_loop3A_302, %iota3A : vector<16xi32>
        %parallel_loop3A_304 = arith.constant 0 : i32
        %parallel_loop3A_305 = arith.index_cast %parallel_loop3A_304 : i32 to index
        %parallel_loop3A_306 = arith.index_cast %parallel_loop3A_301 : i32 to index
        %parallel_loop3A_307 = tpu.vector_load %arg10[%parallel_loop3A_305, %parallel_loop3A_306] {strides = array<i32>} : memref<2x1024xf32, #tpu.memory_space<vmem>>, vector<16xf32>,
        %parallel_loop3A_308 = arith.constant 0 : i32
        %parallel_loop3A_309 = arith.index_cast %parallel_loop3A_308 : i32 to index
        %parallel_loop3A_310 = arith.index_cast %parallel_loop3A_301 : i32 to index
        %parallel_loop3A_311 = tpu.vector_load %arg11[%parallel_loop3A_309, %parallel_loop3A_310] {strides = array<i32>} : memref<2x1024xf32, #tpu.memory_space<vmem>>, vector<16xf32>,
        %parallel_loop3A_312 = arith.constant 1.000000e+00 : f32
        %parallel_loop3A_313 = vector.broadcast %parallel_loop3A_312 : f32 to vector<16xf32>
        %parallel_loop3A_314 = arith.subf %parallel_loop3A_313, %parallel_loop3A_307 : vector<16xf32>
        %parallel_loop3A_315 = arith.constant 1.000000e+00 : f32
        %parallel_loop3A_316 = vector.broadcast %parallel_loop3A_315 : f32 to vector<16xf32>
        %parallel_loop3A_317 = arith.subf %parallel_loop3A_316, %parallel_loop3A_311 : vector<16xf32>
        %parallel_loop3A_318 = arith.mulf %parallel_loop3A_314, %parallel_loop3A_317 : vector<16xf32>
        %parallel_loop3A_319 = arith.mulf %parallel_loop3A_307, %parallel_loop3A_317 : vector<16xf32>
        %parallel_loop3A_320 = arith.mulf %parallel_loop3A_314, %parallel_loop3A_311 : vector<16xf32>
        %parallel_loop3A_321 = arith.mulf %parallel_loop3A_307, %parallel_loop3A_311 : vector<16xf32>
        %parallel_loop3A_322 = arith.constant 0 : i32
        %parallel_loop3A_323 = vector.broadcast %parallel_loop3A_322 : i32 to vector<16xi32>
        %parallel_loop3A_324 = arith.muli %iota3A, %parallel_loop3A_323 : vector<16xi32>
        %parallel_loop3A_325 = arith.constant 0 : i32
        %parallel_loop3A_326 = vector.broadcast %parallel_loop3A_325 : i32 to vector<16xi32>
        %parallel_loop3A_327 = arith.addi %parallel_loop3A_324, %parallel_loop3A_326 : vector<16xi32>
        %parallel_loop3A_328 = arith.constant 0 : i32
        %parallel_loop3A_329 = arith.constant 0 : i32
        %parallel_loop3A_330 = arith.constant 0 : i32
        %parallel_loop3A_331 = tpu.memref_slice %arg12[%parallel_loop3A_328, %parallel_loop3A_329, %parallel_loop3A_330] : memref<2x1024x8xf32, #tpu.memory_space<vmem>> -> memref<1x1024x8xf32, #tpu.memory_space<vmem>>
        %parallel_loop3A_332 = tpu.memref_squeeze %parallel_loop3A_331 : memref<1x1024x8xf32, #tpu.memory_space<vmem>> -> memref<1024x8xf32, #tpu.memory_space<vmem>>
        %parallel_loop3A_333 = tpu.vector_load_idx %parallel_loop3A_332[%parallel_loop3A_303, %parallel_loop3A_327] : memref<1024x8xf32, #tpu.memory_space<vmem>>[vector<16xi32>, vector<16xi32>], vector<16xf32>,
        %parallel_loop3A_334 = arith.constant 0 : i32
        %parallel_loop3A_335 = arith.constant 0 : i32
        %parallel_loop3A_336 = arith.constant 0 : i32
        %parallel_loop3A_337 = tpu.memref_slice %arg13[%parallel_loop3A_334, %parallel_loop3A_335, %parallel_loop3A_336] : memref<2x1024x8xf32, #tpu.memory_space<vmem>> -> memref<1x1024x8xf32, #tpu.memory_space<vmem>>
        %parallel_loop3A_338 = tpu.memref_squeeze %parallel_loop3A_337 : memref<1x1024x8xf32, #tpu.memory_space<vmem>> -> memref<1024x8xf32, #tpu.memory_space<vmem>>
        %parallel_loop3A_339 = tpu.vector_load_idx %parallel_loop3A_338[%parallel_loop3A_303, %parallel_loop3A_327] : memref<1024x8xf32, #tpu.memory_space<vmem>>[vector<16xi32>, vector<16xi32>], vector<16xf32>,
        %parallel_loop3A_340 = arith.constant 0 : i32
        %parallel_loop3A_341 = arith.constant 0 : i32
        %parallel_loop3A_342 = arith.constant 0 : i32
        %parallel_loop3A_343 = tpu.memref_slice %arg14[%parallel_loop3A_340, %parallel_loop3A_341, %parallel_loop3A_342] : memref<2x1024x8xf32, #tpu.memory_space<vmem>> -> memref<1x1024x8xf32, #tpu.memory_space<vmem>>
        %parallel_loop3A_344 = tpu.memref_squeeze %parallel_loop3A_343 : memref<1x1024x8xf32, #tpu.memory_space<vmem>> -> memref<1024x8xf32, #tpu.memory_space<vmem>>
        %parallel_loop3A_345 = tpu.vector_load_idx %parallel_loop3A_344[%parallel_loop3A_303, %parallel_loop3A_327] : memref<1024x8xf32, #tpu.memory_space<vmem>>[vector<16xi32>, vector<16xi32>], vector<16xf32>,
        %parallel_loop3A_346 = arith.constant 0 : i32
        %parallel_loop3A_347 = arith.constant 0 : i32
        %parallel_loop3A_348 = arith.constant 0 : i32
        %parallel_loop3A_349 = tpu.memref_slice %arg15[%parallel_loop3A_346, %parallel_loop3A_347, %parallel_loop3A_348] : memref<2x1024x8xf32, #tpu.memory_space<vmem>> -> memref<1x1024x8xf32, #tpu.memory_space<vmem>>
        %parallel_loop3A_350 = tpu.memref_squeeze %parallel_loop3A_349 : memref<1x1024x8xf32, #tpu.memory_space<vmem>> -> memref<1024x8xf32, #tpu.memory_space<vmem>>
        %parallel_loop3A_351 = tpu.vector_load_idx %parallel_loop3A_350[%parallel_loop3A_303, %parallel_loop3A_327] : memref<1024x8xf32, #tpu.memory_space<vmem>>[vector<16xi32>, vector<16xi32>], vector<16xf32>,
        %parallel_loop3A_352 = arith.mulf %parallel_loop3A_333, %parallel_loop3A_318 : vector<16xf32>
        %parallel_loop3A_353 = arith.mulf %parallel_loop3A_339, %parallel_loop3A_319 : vector<16xf32>
        %parallel_loop3A_354 = arith.addf %parallel_loop3A_352, %parallel_loop3A_353 : vector<16xf32>
        %parallel_loop3A_355 = arith.mulf %parallel_loop3A_345, %parallel_loop3A_320 : vector<16xf32>
        %parallel_loop3A_356 = arith.addf %parallel_loop3A_354, %parallel_loop3A_355 : vector<16xf32>
        %parallel_loop3A_357 = arith.mulf %parallel_loop3A_351, %parallel_loop3A_321 : vector<16xf32>
        %parallel_loop3A_358 = arith.addf %parallel_loop3A_356, %parallel_loop3A_357 : vector<16xf32>
        %parallel_loop3A_359 = arith.constant 1024 : i32
        %parallel_loop3A_360 = arith.muli %parallel_loop3A_294, %parallel_loop3A_359 : i32
        %parallel_loop3A_361 = arith.constant 0 : i32
        %parallel_loop3A_362 = arith.addi %parallel_loop3A_360, %parallel_loop3A_361 : i32
        %parallel_loop3A_363 = arith.constant 16 : i32
        %parallel_loop3A_364 = arith.muli %parallel_loop3A_296, %parallel_loop3A_363 : i32
        %parallel_loop3A_365 = arith.addi %parallel_loop3A_362, %parallel_loop3A_364 : i32
        %parallel_loop3A_366 = arith.constant 0 : i32
        %parallel_loop3A_367 = arith.index_cast %parallel_loop3A_366 : i32 to index
        %parallel_loop3A_368 = arith.index_cast %parallel_loop3A_365 : i32 to index
        %parallel_loop3A_369 = tpu.vector_load %arg16[%parallel_loop3A_367, %parallel_loop3A_368] {strides = array<i32>} : memref<2x8192xf32, #tpu.memory_space<vmem>>, vector<16xf32>,
        tpu.vector_store %arg16[%parallel_loop3A_367, %parallel_loop3A_368], %parallel_loop3A_358 {strides = array<i32>} : memref<2x8192xf32, #tpu.memory_space<vmem>>, vector<16xf32>,
        %parallel_loop3A_370 = arith.constant 0 : i32
        %parallel_loop3A_371 = vector.broadcast %parallel_loop3A_370 : i32 to vector<16xi32>
        %parallel_loop3A_372 = arith.muli %iota3A, %parallel_loop3A_371 : vector<16xi32>
        %parallel_loop3A_373 = arith.constant 1 : i32
        %parallel_loop3A_374 = vector.broadcast %parallel_loop3A_373 : i32 to vector<16xi32>
        %parallel_loop3A_375 = arith.addi %parallel_loop3A_372, %parallel_loop3A_374 : vector<16xi32>
        %parallel_loop3A_376 = arith.constant 0 : i32
        %parallel_loop3A_377 = arith.constant 0 : i32
        %parallel_loop3A_378 = arith.constant 0 : i32
        %parallel_loop3A_379 = tpu.memref_slice %arg12[%parallel_loop3A_376, %parallel_loop3A_377, %parallel_loop3A_378] : memref<2x1024x8xf32, #tpu.memory_space<vmem>> -> memref<1x1024x8xf32, #tpu.memory_space<vmem>>
        %parallel_loop3A_380 = tpu.memref_squeeze %parallel_loop3A_379 : memref<1x1024x8xf32, #tpu.memory_space<vmem>> -> memref<1024x8xf32, #tpu.memory_space<vmem>>
        %parallel_loop3A_381 = tpu.vector_load_idx %parallel_loop3A_380[%parallel_loop3A_303, %parallel_loop3A_375] : memref<1024x8xf32, #tpu.memory_space<vmem>>[vector<16xi32>, vector<16xi32>], vector<16xf32>,
        %parallel_loop3A_382 = arith.constant 0 : i32
        %parallel_loop3A_383 = arith.constant 0 : i32
        %parallel_loop3A_384 = arith.constant 0 : i32
        %parallel_loop3A_385 = tpu.memref_slice %arg13[%parallel_loop3A_382, %parallel_loop3A_383, %parallel_loop3A_384] : memref<2x1024x8xf32, #tpu.memory_space<vmem>> -> memref<1x1024x8xf32, #tpu.memory_space<vmem>>
        %parallel_loop3A_386 = tpu.memref_squeeze %parallel_loop3A_385 : memref<1x1024x8xf32, #tpu.memory_space<vmem>> -> memref<1024x8xf32, #tpu.memory_space<vmem>>
        %parallel_loop3A_387 = tpu.vector_load_idx %parallel_loop3A_386[%parallel_loop3A_303, %parallel_loop3A_375] : memref<1024x8xf32, #tpu.memory_space<vmem>>[vector<16xi32>, vector<16xi32>], vector<16xf32>,
        %parallel_loop3A_388 = arith.constant 0 : i32
        %parallel_loop3A_389 = arith.constant 0 : i32
        %parallel_loop3A_390 = arith.constant 0 : i32
        %parallel_loop3A_391 = tpu.memref_slice %arg14[%parallel_loop3A_388, %parallel_loop3A_389, %parallel_loop3A_390] : memref<2x1024x8xf32, #tpu.memory_space<vmem>> -> memref<1x1024x8xf32, #tpu.memory_space<vmem>>
        %parallel_loop3A_392 = tpu.memref_squeeze %parallel_loop3A_391 : memref<1x1024x8xf32, #tpu.memory_space<vmem>> -> memref<1024x8xf32, #tpu.memory_space<vmem>>
        %parallel_loop3A_393 = tpu.vector_load_idx %parallel_loop3A_392[%parallel_loop3A_303, %parallel_loop3A_375] : memref<1024x8xf32, #tpu.memory_space<vmem>>[vector<16xi32>, vector<16xi32>], vector<16xf32>,
        %parallel_loop3A_394 = arith.constant 0 : i32
        %parallel_loop3A_395 = arith.constant 0 : i32
        %parallel_loop3A_396 = arith.constant 0 : i32
        %parallel_loop3A_397 = tpu.memref_slice %arg15[%parallel_loop3A_394, %parallel_loop3A_395, %parallel_loop3A_396] : memref<2x1024x8xf32, #tpu.memory_space<vmem>> -> memref<1x1024x8xf32, #tpu.memory_space<vmem>>
        %parallel_loop3A_398 = tpu.memref_squeeze %parallel_loop3A_397 : memref<1x1024x8xf32, #tpu.memory_space<vmem>> -> memref<1024x8xf32, #tpu.memory_space<vmem>>
        %parallel_loop3A_399 = tpu.vector_load_idx %parallel_loop3A_398[%parallel_loop3A_303, %parallel_loop3A_375] : memref<1024x8xf32, #tpu.memory_space<vmem>>[vector<16xi32>, vector<16xi32>], vector<16xf32>,
        %parallel_loop3A_400 = arith.mulf %parallel_loop3A_381, %parallel_loop3A_318 : vector<16xf32>
        %parallel_loop3A_401 = arith.mulf %parallel_loop3A_387, %parallel_loop3A_319 : vector<16xf32>
        %parallel_loop3A_402 = arith.addf %parallel_loop3A_400, %parallel_loop3A_401 : vector<16xf32>
        %parallel_loop3A_403 = arith.mulf %parallel_loop3A_393, %parallel_loop3A_320 : vector<16xf32>
        %parallel_loop3A_404 = arith.addf %parallel_loop3A_402, %parallel_loop3A_403 : vector<16xf32>
        %parallel_loop3A_405 = arith.mulf %parallel_loop3A_399, %parallel_loop3A_321 : vector<16xf32>
        %parallel_loop3A_406 = arith.addf %parallel_loop3A_404, %parallel_loop3A_405 : vector<16xf32>
        %parallel_loop3A_407 = arith.constant 1024 : i32
        %parallel_loop3A_408 = arith.muli %parallel_loop3A_294, %parallel_loop3A_407 : i32
        %parallel_loop3A_409 = arith.constant 128 : i32
        %parallel_loop3A_410 = arith.addi %parallel_loop3A_408, %parallel_loop3A_409 : i32
        %parallel_loop3A_411 = arith.constant 16 : i32
        %parallel_loop3A_412 = arith.muli %parallel_loop3A_296, %parallel_loop3A_411 : i32
        %parallel_loop3A_413 = arith.addi %parallel_loop3A_410, %parallel_loop3A_412 : i32
        %parallel_loop3A_414 = arith.constant 0 : i32
        %parallel_loop3A_415 = arith.index_cast %parallel_loop3A_414 : i32 to index
        %parallel_loop3A_416 = arith.index_cast %parallel_loop3A_413 : i32 to index
        %parallel_loop3A_417 = tpu.vector_load %arg16[%parallel_loop3A_415, %parallel_loop3A_416] {strides = array<i32>} : memref<2x8192xf32, #tpu.memory_space<vmem>>, vector<16xf32>,
        tpu.vector_store %arg16[%parallel_loop3A_415, %parallel_loop3A_416], %parallel_loop3A_406 {strides = array<i32>} : memref<2x8192xf32, #tpu.memory_space<vmem>>, vector<16xf32>,
        %parallel_loop3A_418 = arith.constant 0 : i32
        %parallel_loop3A_419 = vector.broadcast %parallel_loop3A_418 : i32 to vector<16xi32>
        %parallel_loop3A_420 = arith.muli %iota3A, %parallel_loop3A_419 : vector<16xi32>
        %parallel_loop3A_421 = arith.constant 2 : i32
        %parallel_loop3A_422 = vector.broadcast %parallel_loop3A_421 : i32 to vector<16xi32>
        %parallel_loop3A_423 = arith.addi %parallel_loop3A_420, %parallel_loop3A_422 : vector<16xi32>
        %parallel_loop3A_424 = arith.constant 0 : i32
        %parallel_loop3A_425 = arith.constant 0 : i32
        %parallel_loop3A_426 = arith.constant 0 : i32
        %parallel_loop3A_427 = tpu.memref_slice %arg12[%parallel_loop3A_424, %parallel_loop3A_425, %parallel_loop3A_426] : memref<2x1024x8xf32, #tpu.memory_space<vmem>> -> memref<1x1024x8xf32, #tpu.memory_space<vmem>>
        %parallel_loop3A_428 = tpu.memref_squeeze %parallel_loop3A_427 : memref<1x1024x8xf32, #tpu.memory_space<vmem>> -> memref<1024x8xf32, #tpu.memory_space<vmem>>
        %parallel_loop3A_429 = tpu.vector_load_idx %parallel_loop3A_428[%parallel_loop3A_303, %parallel_loop3A_423] : memref<1024x8xf32, #tpu.memory_space<vmem>>[vector<16xi32>, vector<16xi32>], vector<16xf32>,
        %parallel_loop3A_430 = arith.constant 0 : i32
        %parallel_loop3A_431 = arith.constant 0 : i32
        %parallel_loop3A_432 = arith.constant 0 : i32
        %parallel_loop3A_433 = tpu.memref_slice %arg13[%parallel_loop3A_430, %parallel_loop3A_431, %parallel_loop3A_432] : memref<2x1024x8xf32, #tpu.memory_space<vmem>> -> memref<1x1024x8xf32, #tpu.memory_space<vmem>>
        %parallel_loop3A_434 = tpu.memref_squeeze %parallel_loop3A_433 : memref<1x1024x8xf32, #tpu.memory_space<vmem>> -> memref<1024x8xf32, #tpu.memory_space<vmem>>
        %parallel_loop3A_435 = tpu.vector_load_idx %parallel_loop3A_434[%parallel_loop3A_303, %parallel_loop3A_423] : memref<1024x8xf32, #tpu.memory_space<vmem>>[vector<16xi32>, vector<16xi32>], vector<16xf32>,
        %parallel_loop3A_436 = arith.constant 0 : i32
        %parallel_loop3A_437 = arith.constant 0 : i32
        %parallel_loop3A_438 = arith.constant 0 : i32
        %parallel_loop3A_439 = tpu.memref_slice %arg14[%parallel_loop3A_436, %parallel_loop3A_437, %parallel_loop3A_438] : memref<2x1024x8xf32, #tpu.memory_space<vmem>> -> memref<1x1024x8xf32, #tpu.memory_space<vmem>>
        %parallel_loop3A_440 = tpu.memref_squeeze %parallel_loop3A_439 : memref<1x1024x8xf32, #tpu.memory_space<vmem>> -> memref<1024x8xf32, #tpu.memory_space<vmem>>
        %parallel_loop3A_441 = tpu.vector_load_idx %parallel_loop3A_440[%parallel_loop3A_303, %parallel_loop3A_423] : memref<1024x8xf32, #tpu.memory_space<vmem>>[vector<16xi32>, vector<16xi32>], vector<16xf32>,
        %parallel_loop3A_442 = arith.constant 0 : i32
        %parallel_loop3A_443 = arith.constant 0 : i32
        %parallel_loop3A_444 = arith.constant 0 : i32
        %parallel_loop3A_445 = tpu.memref_slice %arg15[%parallel_loop3A_442, %parallel_loop3A_443, %parallel_loop3A_444] : memref<2x1024x8xf32, #tpu.memory_space<vmem>> -> memref<1x1024x8xf32, #tpu.memory_space<vmem>>
        %parallel_loop3A_446 = tpu.memref_squeeze %parallel_loop3A_445 : memref<1x1024x8xf32, #tpu.memory_space<vmem>> -> memref<1024x8xf32, #tpu.memory_space<vmem>>
        %parallel_loop3A_447 = tpu.vector_load_idx %parallel_loop3A_446[%parallel_loop3A_303, %parallel_loop3A_423] : memref<1024x8xf32, #tpu.memory_space<vmem>>[vector<16xi32>, vector<16xi32>], vector<16xf32>,
        %parallel_loop3A_448 = arith.mulf %parallel_loop3A_429, %parallel_loop3A_318 : vector<16xf32>
        %parallel_loop3A_449 = arith.mulf %parallel_loop3A_435, %parallel_loop3A_319 : vector<16xf32>
        %parallel_loop3A_450 = arith.addf %parallel_loop3A_448, %parallel_loop3A_449 : vector<16xf32>
        %parallel_loop3A_451 = arith.mulf %parallel_loop3A_441, %parallel_loop3A_320 : vector<16xf32>
        %parallel_loop3A_452 = arith.addf %parallel_loop3A_450, %parallel_loop3A_451 : vector<16xf32>
        %parallel_loop3A_453 = arith.mulf %parallel_loop3A_447, %parallel_loop3A_321 : vector<16xf32>
        %parallel_loop3A_454 = arith.addf %parallel_loop3A_452, %parallel_loop3A_453 : vector<16xf32>
        %parallel_loop3A_455 = arith.constant 1024 : i32
        %parallel_loop3A_456 = arith.muli %parallel_loop3A_294, %parallel_loop3A_455 : i32
        %parallel_loop3A_457 = arith.constant 256 : i32
        %parallel_loop3A_458 = arith.addi %parallel_loop3A_456, %parallel_loop3A_457 : i32
        %parallel_loop3A_459 = arith.constant 16 : i32
        %parallel_loop3A_460 = arith.muli %parallel_loop3A_296, %parallel_loop3A_459 : i32
        %parallel_loop3A_461 = arith.addi %parallel_loop3A_458, %parallel_loop3A_460 : i32
        %parallel_loop3A_462 = arith.constant 0 : i32
        %parallel_loop3A_463 = arith.index_cast %parallel_loop3A_462 : i32 to index
        %parallel_loop3A_464 = arith.index_cast %parallel_loop3A_461 : i32 to index
        %parallel_loop3A_465 = tpu.vector_load %arg16[%parallel_loop3A_463, %parallel_loop3A_464] {strides = array<i32>} : memref<2x8192xf32, #tpu.memory_space<vmem>>, vector<16xf32>,
        tpu.vector_store %arg16[%parallel_loop3A_463, %parallel_loop3A_464], %parallel_loop3A_454 {strides = array<i32>} : memref<2x8192xf32, #tpu.memory_space<vmem>>, vector<16xf32>,
        %parallel_loop3A_466 = arith.constant 0 : i32
        %parallel_loop3A_467 = vector.broadcast %parallel_loop3A_466 : i32 to vector<16xi32>
        %parallel_loop3A_468 = arith.muli %iota3A, %parallel_loop3A_467 : vector<16xi32>
        %parallel_loop3A_469 = arith.constant 3 : i32
        %parallel_loop3A_470 = vector.broadcast %parallel_loop3A_469 : i32 to vector<16xi32>
        %parallel_loop3A_471 = arith.addi %parallel_loop3A_468, %parallel_loop3A_470 : vector<16xi32>
        %parallel_loop3A_472 = arith.constant 0 : i32
        %parallel_loop3A_473 = arith.constant 0 : i32
        %parallel_loop3A_474 = arith.constant 0 : i32
        %parallel_loop3A_475 = tpu.memref_slice %arg12[%parallel_loop3A_472, %parallel_loop3A_473, %parallel_loop3A_474] : memref<2x1024x8xf32, #tpu.memory_space<vmem>> -> memref<1x1024x8xf32, #tpu.memory_space<vmem>>
        %parallel_loop3A_476 = tpu.memref_squeeze %parallel_loop3A_475 : memref<1x1024x8xf32, #tpu.memory_space<vmem>> -> memref<1024x8xf32, #tpu.memory_space<vmem>>
        %parallel_loop3A_477 = tpu.vector_load_idx %parallel_loop3A_476[%parallel_loop3A_303, %parallel_loop3A_471] : memref<1024x8xf32, #tpu.memory_space<vmem>>[vector<16xi32>, vector<16xi32>], vector<16xf32>,
        %parallel_loop3A_478 = arith.constant 0 : i32
        %parallel_loop3A_479 = arith.constant 0 : i32
        %parallel_loop3A_480 = arith.constant 0 : i32
        %parallel_loop3A_481 = tpu.memref_slice %arg13[%parallel_loop3A_478, %parallel_loop3A_479, %parallel_loop3A_480] : memref<2x1024x8xf32, #tpu.memory_space<vmem>> -> memref<1x1024x8xf32, #tpu.memory_space<vmem>>
        %parallel_loop3A_482 = tpu.memref_squeeze %parallel_loop3A_481 : memref<1x1024x8xf32, #tpu.memory_space<vmem>> -> memref<1024x8xf32, #tpu.memory_space<vmem>>
        %parallel_loop3A_483 = tpu.vector_load_idx %parallel_loop3A_482[%parallel_loop3A_303, %parallel_loop3A_471] : memref<1024x8xf32, #tpu.memory_space<vmem>>[vector<16xi32>, vector<16xi32>], vector<16xf32>,
        %parallel_loop3A_484 = arith.constant 0 : i32
        %parallel_loop3A_485 = arith.constant 0 : i32
        %parallel_loop3A_486 = arith.constant 0 : i32
        %parallel_loop3A_487 = tpu.memref_slice %arg14[%parallel_loop3A_484, %parallel_loop3A_485, %parallel_loop3A_486] : memref<2x1024x8xf32, #tpu.memory_space<vmem>> -> memref<1x1024x8xf32, #tpu.memory_space<vmem>>
        %parallel_loop3A_488 = tpu.memref_squeeze %parallel_loop3A_487 : memref<1x1024x8xf32, #tpu.memory_space<vmem>> -> memref<1024x8xf32, #tpu.memory_space<vmem>>
        %parallel_loop3A_489 = tpu.vector_load_idx %parallel_loop3A_488[%parallel_loop3A_303, %parallel_loop3A_471] : memref<1024x8xf32, #tpu.memory_space<vmem>>[vector<16xi32>, vector<16xi32>], vector<16xf32>,
        %parallel_loop3A_490 = arith.constant 0 : i32
        %parallel_loop3A_491 = arith.constant 0 : i32
        %parallel_loop3A_492 = arith.constant 0 : i32
        %parallel_loop3A_493 = tpu.memref_slice %arg15[%parallel_loop3A_490, %parallel_loop3A_491, %parallel_loop3A_492] : memref<2x1024x8xf32, #tpu.memory_space<vmem>> -> memref<1x1024x8xf32, #tpu.memory_space<vmem>>
        %parallel_loop3A_494 = tpu.memref_squeeze %parallel_loop3A_493 : memref<1x1024x8xf32, #tpu.memory_space<vmem>> -> memref<1024x8xf32, #tpu.memory_space<vmem>>
        %parallel_loop3A_495 = tpu.vector_load_idx %parallel_loop3A_494[%parallel_loop3A_303, %parallel_loop3A_471] : memref<1024x8xf32, #tpu.memory_space<vmem>>[vector<16xi32>, vector<16xi32>], vector<16xf32>,
        %parallel_loop3A_496 = arith.mulf %parallel_loop3A_477, %parallel_loop3A_318 : vector<16xf32>
        %parallel_loop3A_497 = arith.mulf %parallel_loop3A_483, %parallel_loop3A_319 : vector<16xf32>
        %parallel_loop3A_498 = arith.addf %parallel_loop3A_496, %parallel_loop3A_497 : vector<16xf32>
        %parallel_loop3A_499 = arith.mulf %parallel_loop3A_489, %parallel_loop3A_320 : vector<16xf32>
        %parallel_loop3A_500 = arith.addf %parallel_loop3A_498, %parallel_loop3A_499 : vector<16xf32>
        %parallel_loop3A_501 = arith.mulf %parallel_loop3A_495, %parallel_loop3A_321 : vector<16xf32>
        %parallel_loop3A_502 = arith.addf %parallel_loop3A_500, %parallel_loop3A_501 : vector<16xf32>
        %parallel_loop3A_503 = arith.constant 1024 : i32
        %parallel_loop3A_504 = arith.muli %parallel_loop3A_294, %parallel_loop3A_503 : i32
        %parallel_loop3A_505 = arith.constant 384 : i32
        %parallel_loop3A_506 = arith.addi %parallel_loop3A_504, %parallel_loop3A_505 : i32
        %parallel_loop3A_507 = arith.constant 16 : i32
        %parallel_loop3A_508 = arith.muli %parallel_loop3A_296, %parallel_loop3A_507 : i32
        %parallel_loop3A_509 = arith.addi %parallel_loop3A_506, %parallel_loop3A_508 : i32
        %parallel_loop3A_510 = arith.constant 0 : i32
        %parallel_loop3A_511 = arith.index_cast %parallel_loop3A_510 : i32 to index
        %parallel_loop3A_512 = arith.index_cast %parallel_loop3A_509 : i32 to index
        %parallel_loop3A_513 = tpu.vector_load %arg16[%parallel_loop3A_511, %parallel_loop3A_512] {strides = array<i32>} : memref<2x8192xf32, #tpu.memory_space<vmem>>, vector<16xf32>,
        tpu.vector_store %arg16[%parallel_loop3A_511, %parallel_loop3A_512], %parallel_loop3A_502 {strides = array<i32>} : memref<2x8192xf32, #tpu.memory_space<vmem>>, vector<16xf32>,
        %parallel_loop3A_514 = arith.constant 0 : i32
        %parallel_loop3A_515 = vector.broadcast %parallel_loop3A_514 : i32 to vector<16xi32>
        %parallel_loop3A_516 = arith.muli %iota3A, %parallel_loop3A_515 : vector<16xi32>
        %parallel_loop3A_517 = arith.constant 4 : i32
        %parallel_loop3A_518 = vector.broadcast %parallel_loop3A_517 : i32 to vector<16xi32>
        %parallel_loop3A_519 = arith.addi %parallel_loop3A_516, %parallel_loop3A_518 : vector<16xi32>
        %parallel_loop3A_520 = arith.constant 0 : i32
        %parallel_loop3A_521 = arith.constant 0 : i32
        %parallel_loop3A_522 = arith.constant 0 : i32
        %parallel_loop3A_523 = tpu.memref_slice %arg12[%parallel_loop3A_520, %parallel_loop3A_521, %parallel_loop3A_522] : memref<2x1024x8xf32, #tpu.memory_space<vmem>> -> memref<1x1024x8xf32, #tpu.memory_space<vmem>>
        %parallel_loop3A_524 = tpu.memref_squeeze %parallel_loop3A_523 : memref<1x1024x8xf32, #tpu.memory_space<vmem>> -> memref<1024x8xf32, #tpu.memory_space<vmem>>
        %parallel_loop3A_525 = tpu.vector_load_idx %parallel_loop3A_524[%parallel_loop3A_303, %parallel_loop3A_519] : memref<1024x8xf32, #tpu.memory_space<vmem>>[vector<16xi32>, vector<16xi32>], vector<16xf32>,
        %parallel_loop3A_526 = arith.constant 0 : i32
        %parallel_loop3A_527 = arith.constant 0 : i32
        %parallel_loop3A_528 = arith.constant 0 : i32
        %parallel_loop3A_529 = tpu.memref_slice %arg13[%parallel_loop3A_526, %parallel_loop3A_527, %parallel_loop3A_528] : memref<2x1024x8xf32, #tpu.memory_space<vmem>> -> memref<1x1024x8xf32, #tpu.memory_space<vmem>>
        %parallel_loop3A_530 = tpu.memref_squeeze %parallel_loop3A_529 : memref<1x1024x8xf32, #tpu.memory_space<vmem>> -> memref<1024x8xf32, #tpu.memory_space<vmem>>
        %parallel_loop3A_531 = tpu.vector_load_idx %parallel_loop3A_530[%parallel_loop3A_303, %parallel_loop3A_519] : memref<1024x8xf32, #tpu.memory_space<vmem>>[vector<16xi32>, vector<16xi32>], vector<16xf32>,
        %parallel_loop3A_532 = arith.constant 0 : i32
        %parallel_loop3A_533 = arith.constant 0 : i32
        %parallel_loop3A_534 = arith.constant 0 : i32
        %parallel_loop3A_535 = tpu.memref_slice %arg14[%parallel_loop3A_532, %parallel_loop3A_533, %parallel_loop3A_534] : memref<2x1024x8xf32, #tpu.memory_space<vmem>> -> memref<1x1024x8xf32, #tpu.memory_space<vmem>>
        %parallel_loop3A_536 = tpu.memref_squeeze %parallel_loop3A_535 : memref<1x1024x8xf32, #tpu.memory_space<vmem>> -> memref<1024x8xf32, #tpu.memory_space<vmem>>
        %parallel_loop3A_537 = tpu.vector_load_idx %parallel_loop3A_536[%parallel_loop3A_303, %parallel_loop3A_519] : memref<1024x8xf32, #tpu.memory_space<vmem>>[vector<16xi32>, vector<16xi32>], vector<16xf32>,
        %parallel_loop3A_538 = arith.constant 0 : i32
        %parallel_loop3A_539 = arith.constant 0 : i32
        %parallel_loop3A_540 = arith.constant 0 : i32
        %parallel_loop3A_541 = tpu.memref_slice %arg15[%parallel_loop3A_538, %parallel_loop3A_539, %parallel_loop3A_540] : memref<2x1024x8xf32, #tpu.memory_space<vmem>> -> memref<1x1024x8xf32, #tpu.memory_space<vmem>>
        %parallel_loop3A_542 = tpu.memref_squeeze %parallel_loop3A_541 : memref<1x1024x8xf32, #tpu.memory_space<vmem>> -> memref<1024x8xf32, #tpu.memory_space<vmem>>
        %parallel_loop3A_543 = tpu.vector_load_idx %parallel_loop3A_542[%parallel_loop3A_303, %parallel_loop3A_519] : memref<1024x8xf32, #tpu.memory_space<vmem>>[vector<16xi32>, vector<16xi32>], vector<16xf32>,
        %parallel_loop3A_544 = arith.mulf %parallel_loop3A_525, %parallel_loop3A_318 : vector<16xf32>
        %parallel_loop3A_545 = arith.mulf %parallel_loop3A_531, %parallel_loop3A_319 : vector<16xf32>
        %parallel_loop3A_546 = arith.addf %parallel_loop3A_544, %parallel_loop3A_545 : vector<16xf32>
        %parallel_loop3A_547 = arith.mulf %parallel_loop3A_537, %parallel_loop3A_320 : vector<16xf32>
        %parallel_loop3A_548 = arith.addf %parallel_loop3A_546, %parallel_loop3A_547 : vector<16xf32>
        %parallel_loop3A_549 = arith.mulf %parallel_loop3A_543, %parallel_loop3A_321 : vector<16xf32>
        %parallel_loop3A_550 = arith.addf %parallel_loop3A_548, %parallel_loop3A_549 : vector<16xf32>
        %parallel_loop3A_551 = arith.constant 1024 : i32
        %parallel_loop3A_552 = arith.muli %parallel_loop3A_294, %parallel_loop3A_551 : i32
        %parallel_loop3A_553 = arith.constant 512 : i32
        %parallel_loop3A_554 = arith.addi %parallel_loop3A_552, %parallel_loop3A_553 : i32
        %parallel_loop3A_555 = arith.constant 16 : i32
        %parallel_loop3A_556 = arith.muli %parallel_loop3A_296, %parallel_loop3A_555 : i32
        %parallel_loop3A_557 = arith.addi %parallel_loop3A_554, %parallel_loop3A_556 : i32
        %parallel_loop3A_558 = arith.constant 0 : i32
        %parallel_loop3A_559 = arith.index_cast %parallel_loop3A_558 : i32 to index
        %parallel_loop3A_560 = arith.index_cast %parallel_loop3A_557 : i32 to index
        %parallel_loop3A_561 = tpu.vector_load %arg16[%parallel_loop3A_559, %parallel_loop3A_560] {strides = array<i32>} : memref<2x8192xf32, #tpu.memory_space<vmem>>, vector<16xf32>,
        tpu.vector_store %arg16[%parallel_loop3A_559, %parallel_loop3A_560], %parallel_loop3A_550 {strides = array<i32>} : memref<2x8192xf32, #tpu.memory_space<vmem>>, vector<16xf32>,
        %parallel_loop3A_562 = arith.constant 0 : i32
        %parallel_loop3A_563 = vector.broadcast %parallel_loop3A_562 : i32 to vector<16xi32>
        %parallel_loop3A_564 = arith.muli %iota3A, %parallel_loop3A_563 : vector<16xi32>
        %parallel_loop3A_565 = arith.constant 5 : i32
        %parallel_loop3A_566 = vector.broadcast %parallel_loop3A_565 : i32 to vector<16xi32>
        %parallel_loop3A_567 = arith.addi %parallel_loop3A_564, %parallel_loop3A_566 : vector<16xi32>
        %parallel_loop3A_568 = arith.constant 0 : i32
        %parallel_loop3A_569 = arith.constant 0 : i32
        %parallel_loop3A_570 = arith.constant 0 : i32
        %parallel_loop3A_571 = tpu.memref_slice %arg12[%parallel_loop3A_568, %parallel_loop3A_569, %parallel_loop3A_570] : memref<2x1024x8xf32, #tpu.memory_space<vmem>> -> memref<1x1024x8xf32, #tpu.memory_space<vmem>>
        %parallel_loop3A_572 = tpu.memref_squeeze %parallel_loop3A_571 : memref<1x1024x8xf32, #tpu.memory_space<vmem>> -> memref<1024x8xf32, #tpu.memory_space<vmem>>
        %parallel_loop3A_573 = tpu.vector_load_idx %parallel_loop3A_572[%parallel_loop3A_303, %parallel_loop3A_567] : memref<1024x8xf32, #tpu.memory_space<vmem>>[vector<16xi32>, vector<16xi32>], vector<16xf32>,
        %parallel_loop3A_574 = arith.constant 0 : i32
        %parallel_loop3A_575 = arith.constant 0 : i32
        %parallel_loop3A_576 = arith.constant 0 : i32
        %parallel_loop3A_577 = tpu.memref_slice %arg13[%parallel_loop3A_574, %parallel_loop3A_575, %parallel_loop3A_576] : memref<2x1024x8xf32, #tpu.memory_space<vmem>> -> memref<1x1024x8xf32, #tpu.memory_space<vmem>>
        %parallel_loop3A_578 = tpu.memref_squeeze %parallel_loop3A_577 : memref<1x1024x8xf32, #tpu.memory_space<vmem>> -> memref<1024x8xf32, #tpu.memory_space<vmem>>
        %parallel_loop3A_579 = tpu.vector_load_idx %parallel_loop3A_578[%parallel_loop3A_303, %parallel_loop3A_567] : memref<1024x8xf32, #tpu.memory_space<vmem>>[vector<16xi32>, vector<16xi32>], vector<16xf32>,
        %parallel_loop3A_580 = arith.constant 0 : i32
        %parallel_loop3A_581 = arith.constant 0 : i32
        %parallel_loop3A_582 = arith.constant 0 : i32
        %parallel_loop3A_583 = tpu.memref_slice %arg14[%parallel_loop3A_580, %parallel_loop3A_581, %parallel_loop3A_582] : memref<2x1024x8xf32, #tpu.memory_space<vmem>> -> memref<1x1024x8xf32, #tpu.memory_space<vmem>>
        %parallel_loop3A_584 = tpu.memref_squeeze %parallel_loop3A_583 : memref<1x1024x8xf32, #tpu.memory_space<vmem>> -> memref<1024x8xf32, #tpu.memory_space<vmem>>
        %parallel_loop3A_585 = tpu.vector_load_idx %parallel_loop3A_584[%parallel_loop3A_303, %parallel_loop3A_567] : memref<1024x8xf32, #tpu.memory_space<vmem>>[vector<16xi32>, vector<16xi32>], vector<16xf32>,
        %parallel_loop3A_586 = arith.constant 0 : i32
        %parallel_loop3A_587 = arith.constant 0 : i32
        %parallel_loop3A_588 = arith.constant 0 : i32
        %parallel_loop3A_589 = tpu.memref_slice %arg15[%parallel_loop3A_586, %parallel_loop3A_587, %parallel_loop3A_588] : memref<2x1024x8xf32, #tpu.memory_space<vmem>> -> memref<1x1024x8xf32, #tpu.memory_space<vmem>>
        %parallel_loop3A_590 = tpu.memref_squeeze %parallel_loop3A_589 : memref<1x1024x8xf32, #tpu.memory_space<vmem>> -> memref<1024x8xf32, #tpu.memory_space<vmem>>
        %parallel_loop3A_591 = tpu.vector_load_idx %parallel_loop3A_590[%parallel_loop3A_303, %parallel_loop3A_567] : memref<1024x8xf32, #tpu.memory_space<vmem>>[vector<16xi32>, vector<16xi32>], vector<16xf32>,
        %parallel_loop3A_592 = arith.mulf %parallel_loop3A_573, %parallel_loop3A_318 : vector<16xf32>
        %parallel_loop3A_593 = arith.mulf %parallel_loop3A_579, %parallel_loop3A_319 : vector<16xf32>
        %parallel_loop3A_594 = arith.addf %parallel_loop3A_592, %parallel_loop3A_593 : vector<16xf32>
        %parallel_loop3A_595 = arith.mulf %parallel_loop3A_585, %parallel_loop3A_320 : vector<16xf32>
        %parallel_loop3A_596 = arith.addf %parallel_loop3A_594, %parallel_loop3A_595 : vector<16xf32>
        %parallel_loop3A_597 = arith.mulf %parallel_loop3A_591, %parallel_loop3A_321 : vector<16xf32>
        %parallel_loop3A_598 = arith.addf %parallel_loop3A_596, %parallel_loop3A_597 : vector<16xf32>
        %parallel_loop3A_599 = arith.constant 1024 : i32
        %parallel_loop3A_600 = arith.muli %parallel_loop3A_294, %parallel_loop3A_599 : i32
        %parallel_loop3A_601 = arith.constant 640 : i32
        %parallel_loop3A_602 = arith.addi %parallel_loop3A_600, %parallel_loop3A_601 : i32
        %parallel_loop3A_603 = arith.constant 16 : i32
        %parallel_loop3A_604 = arith.muli %parallel_loop3A_296, %parallel_loop3A_603 : i32
        %parallel_loop3A_605 = arith.addi %parallel_loop3A_602, %parallel_loop3A_604 : i32
        %parallel_loop3A_606 = arith.constant 0 : i32
        %parallel_loop3A_607 = arith.index_cast %parallel_loop3A_606 : i32 to index
        %parallel_loop3A_608 = arith.index_cast %parallel_loop3A_605 : i32 to index
        %parallel_loop3A_609 = tpu.vector_load %arg16[%parallel_loop3A_607, %parallel_loop3A_608] {strides = array<i32>} : memref<2x8192xf32, #tpu.memory_space<vmem>>, vector<16xf32>,
        tpu.vector_store %arg16[%parallel_loop3A_607, %parallel_loop3A_608], %parallel_loop3A_598 {strides = array<i32>} : memref<2x8192xf32, #tpu.memory_space<vmem>>, vector<16xf32>,
        %parallel_loop3A_610 = arith.constant 0 : i32
        %parallel_loop3A_611 = vector.broadcast %parallel_loop3A_610 : i32 to vector<16xi32>
        %parallel_loop3A_612 = arith.muli %iota3A, %parallel_loop3A_611 : vector<16xi32>
        %parallel_loop3A_613 = arith.constant 6 : i32
        %parallel_loop3A_614 = vector.broadcast %parallel_loop3A_613 : i32 to vector<16xi32>
        %parallel_loop3A_615 = arith.addi %parallel_loop3A_612, %parallel_loop3A_614 : vector<16xi32>
        %parallel_loop3A_616 = arith.constant 0 : i32
        %parallel_loop3A_617 = arith.constant 0 : i32
        %parallel_loop3A_618 = arith.constant 0 : i32
        %parallel_loop3A_619 = tpu.memref_slice %arg12[%parallel_loop3A_616, %parallel_loop3A_617, %parallel_loop3A_618] : memref<2x1024x8xf32, #tpu.memory_space<vmem>> -> memref<1x1024x8xf32, #tpu.memory_space<vmem>>
        %parallel_loop3A_620 = tpu.memref_squeeze %parallel_loop3A_619 : memref<1x1024x8xf32, #tpu.memory_space<vmem>> -> memref<1024x8xf32, #tpu.memory_space<vmem>>
        %parallel_loop3A_621 = tpu.vector_load_idx %parallel_loop3A_620[%parallel_loop3A_303, %parallel_loop3A_615] : memref<1024x8xf32, #tpu.memory_space<vmem>>[vector<16xi32>, vector<16xi32>], vector<16xf32>,
        %parallel_loop3A_622 = arith.constant 0 : i32
        %parallel_loop3A_623 = arith.constant 0 : i32
        %parallel_loop3A_624 = arith.constant 0 : i32
        %parallel_loop3A_625 = tpu.memref_slice %arg13[%parallel_loop3A_622, %parallel_loop3A_623, %parallel_loop3A_624] : memref<2x1024x8xf32, #tpu.memory_space<vmem>> -> memref<1x1024x8xf32, #tpu.memory_space<vmem>>
        %parallel_loop3A_626 = tpu.memref_squeeze %parallel_loop3A_625 : memref<1x1024x8xf32, #tpu.memory_space<vmem>> -> memref<1024x8xf32, #tpu.memory_space<vmem>>
        %parallel_loop3A_627 = tpu.vector_load_idx %parallel_loop3A_626[%parallel_loop3A_303, %parallel_loop3A_615] : memref<1024x8xf32, #tpu.memory_space<vmem>>[vector<16xi32>, vector<16xi32>], vector<16xf32>,
        %parallel_loop3A_628 = arith.constant 0 : i32
        %parallel_loop3A_629 = arith.constant 0 : i32
        %parallel_loop3A_630 = arith.constant 0 : i32
        %parallel_loop3A_631 = tpu.memref_slice %arg14[%parallel_loop3A_628, %parallel_loop3A_629, %parallel_loop3A_630] : memref<2x1024x8xf32, #tpu.memory_space<vmem>> -> memref<1x1024x8xf32, #tpu.memory_space<vmem>>
        %parallel_loop3A_632 = tpu.memref_squeeze %parallel_loop3A_631 : memref<1x1024x8xf32, #tpu.memory_space<vmem>> -> memref<1024x8xf32, #tpu.memory_space<vmem>>
        %parallel_loop3A_633 = tpu.vector_load_idx %parallel_loop3A_632[%parallel_loop3A_303, %parallel_loop3A_615] : memref<1024x8xf32, #tpu.memory_space<vmem>>[vector<16xi32>, vector<16xi32>], vector<16xf32>,
        %parallel_loop3A_634 = arith.constant 0 : i32
        %parallel_loop3A_635 = arith.constant 0 : i32
        %parallel_loop3A_636 = arith.constant 0 : i32
        %parallel_loop3A_637 = tpu.memref_slice %arg15[%parallel_loop3A_634, %parallel_loop3A_635, %parallel_loop3A_636] : memref<2x1024x8xf32, #tpu.memory_space<vmem>> -> memref<1x1024x8xf32, #tpu.memory_space<vmem>>
        %parallel_loop3A_638 = tpu.memref_squeeze %parallel_loop3A_637 : memref<1x1024x8xf32, #tpu.memory_space<vmem>> -> memref<1024x8xf32, #tpu.memory_space<vmem>>
        %parallel_loop3A_639 = tpu.vector_load_idx %parallel_loop3A_638[%parallel_loop3A_303, %parallel_loop3A_615] : memref<1024x8xf32, #tpu.memory_space<vmem>>[vector<16xi32>, vector<16xi32>], vector<16xf32>,
        %parallel_loop3A_640 = arith.mulf %parallel_loop3A_621, %parallel_loop3A_318 : vector<16xf32>
        %parallel_loop3A_641 = arith.mulf %parallel_loop3A_627, %parallel_loop3A_319 : vector<16xf32>
        %parallel_loop3A_642 = arith.addf %parallel_loop3A_640, %parallel_loop3A_641 : vector<16xf32>
        %parallel_loop3A_643 = arith.mulf %parallel_loop3A_633, %parallel_loop3A_320 : vector<16xf32>
        %parallel_loop3A_644 = arith.addf %parallel_loop3A_642, %parallel_loop3A_643 : vector<16xf32>
        %parallel_loop3A_645 = arith.mulf %parallel_loop3A_639, %parallel_loop3A_321 : vector<16xf32>
        %parallel_loop3A_646 = arith.addf %parallel_loop3A_644, %parallel_loop3A_645 : vector<16xf32>
        %parallel_loop3A_647 = arith.constant 1024 : i32
        %parallel_loop3A_648 = arith.muli %parallel_loop3A_294, %parallel_loop3A_647 : i32
        %parallel_loop3A_649 = arith.constant 768 : i32
        %parallel_loop3A_650 = arith.addi %parallel_loop3A_648, %parallel_loop3A_649 : i32
        %parallel_loop3A_651 = arith.constant 16 : i32
        %parallel_loop3A_652 = arith.muli %parallel_loop3A_296, %parallel_loop3A_651 : i32
        %parallel_loop3A_653 = arith.addi %parallel_loop3A_650, %parallel_loop3A_652 : i32
        %parallel_loop3A_654 = arith.constant 0 : i32
        %parallel_loop3A_655 = arith.index_cast %parallel_loop3A_654 : i32 to index
        %parallel_loop3A_656 = arith.index_cast %parallel_loop3A_653 : i32 to index
        %parallel_loop3A_657 = tpu.vector_load %arg16[%parallel_loop3A_655, %parallel_loop3A_656] {strides = array<i32>} : memref<2x8192xf32, #tpu.memory_space<vmem>>, vector<16xf32>,
        tpu.vector_store %arg16[%parallel_loop3A_655, %parallel_loop3A_656], %parallel_loop3A_646 {strides = array<i32>} : memref<2x8192xf32, #tpu.memory_space<vmem>>, vector<16xf32>,
        %parallel_loop3A_658 = arith.constant 0 : i32
        %parallel_loop3A_659 = vector.broadcast %parallel_loop3A_658 : i32 to vector<16xi32>
        %parallel_loop3A_660 = arith.muli %iota3A, %parallel_loop3A_659 : vector<16xi32>
        %parallel_loop3A_661 = arith.constant 7 : i32
        %parallel_loop3A_662 = vector.broadcast %parallel_loop3A_661 : i32 to vector<16xi32>
        %parallel_loop3A_663 = arith.addi %parallel_loop3A_660, %parallel_loop3A_662 : vector<16xi32>
        %parallel_loop3A_664 = arith.constant 0 : i32
        %parallel_loop3A_665 = arith.constant 0 : i32
        %parallel_loop3A_666 = arith.constant 0 : i32
        %parallel_loop3A_667 = tpu.memref_slice %arg12[%parallel_loop3A_664, %parallel_loop3A_665, %parallel_loop3A_666] : memref<2x1024x8xf32, #tpu.memory_space<vmem>> -> memref<1x1024x8xf32, #tpu.memory_space<vmem>>
        %parallel_loop3A_668 = tpu.memref_squeeze %parallel_loop3A_667 : memref<1x1024x8xf32, #tpu.memory_space<vmem>> -> memref<1024x8xf32, #tpu.memory_space<vmem>>
        %parallel_loop3A_669 = tpu.vector_load_idx %parallel_loop3A_668[%parallel_loop3A_303, %parallel_loop3A_663] : memref<1024x8xf32, #tpu.memory_space<vmem>>[vector<16xi32>, vector<16xi32>], vector<16xf32>,
        %parallel_loop3A_670 = arith.constant 0 : i32
        %parallel_loop3A_671 = arith.constant 0 : i32
        %parallel_loop3A_672 = arith.constant 0 : i32
        %parallel_loop3A_673 = tpu.memref_slice %arg13[%parallel_loop3A_670, %parallel_loop3A_671, %parallel_loop3A_672] : memref<2x1024x8xf32, #tpu.memory_space<vmem>> -> memref<1x1024x8xf32, #tpu.memory_space<vmem>>
        %parallel_loop3A_674 = tpu.memref_squeeze %parallel_loop3A_673 : memref<1x1024x8xf32, #tpu.memory_space<vmem>> -> memref<1024x8xf32, #tpu.memory_space<vmem>>
        %parallel_loop3A_675 = tpu.vector_load_idx %parallel_loop3A_674[%parallel_loop3A_303, %parallel_loop3A_663] : memref<1024x8xf32, #tpu.memory_space<vmem>>[vector<16xi32>, vector<16xi32>], vector<16xf32>,
        %parallel_loop3A_676 = arith.constant 0 : i32
        %parallel_loop3A_677 = arith.constant 0 : i32
        %parallel_loop3A_678 = arith.constant 0 : i32
        %parallel_loop3A_679 = tpu.memref_slice %arg14[%parallel_loop3A_676, %parallel_loop3A_677, %parallel_loop3A_678] : memref<2x1024x8xf32, #tpu.memory_space<vmem>> -> memref<1x1024x8xf32, #tpu.memory_space<vmem>>
        %parallel_loop3A_680 = tpu.memref_squeeze %parallel_loop3A_679 : memref<1x1024x8xf32, #tpu.memory_space<vmem>> -> memref<1024x8xf32, #tpu.memory_space<vmem>>
        %parallel_loop3A_681 = tpu.vector_load_idx %parallel_loop3A_680[%parallel_loop3A_303, %parallel_loop3A_663] : memref<1024x8xf32, #tpu.memory_space<vmem>>[vector<16xi32>, vector<16xi32>], vector<16xf32>,
        %parallel_loop3A_682 = arith.constant 0 : i32
        %parallel_loop3A_683 = arith.constant 0 : i32
        %parallel_loop3A_684 = arith.constant 0 : i32
        %parallel_loop3A_685 = tpu.memref_slice %arg15[%parallel_loop3A_682, %parallel_loop3A_683, %parallel_loop3A_684] : memref<2x1024x8xf32, #tpu.memory_space<vmem>> -> memref<1x1024x8xf32, #tpu.memory_space<vmem>>
        %parallel_loop3A_686 = tpu.memref_squeeze %parallel_loop3A_685 : memref<1x1024x8xf32, #tpu.memory_space<vmem>> -> memref<1024x8xf32, #tpu.memory_space<vmem>>
        %parallel_loop3A_687 = tpu.vector_load_idx %parallel_loop3A_686[%parallel_loop3A_303, %parallel_loop3A_663] : memref<1024x8xf32, #tpu.memory_space<vmem>>[vector<16xi32>, vector<16xi32>], vector<16xf32>,
        %parallel_loop3A_688 = arith.mulf %parallel_loop3A_669, %parallel_loop3A_318 : vector<16xf32>
        %parallel_loop3A_689 = arith.mulf %parallel_loop3A_675, %parallel_loop3A_319 : vector<16xf32>
        %parallel_loop3A_690 = arith.addf %parallel_loop3A_688, %parallel_loop3A_689 : vector<16xf32>
        %parallel_loop3A_691 = arith.mulf %parallel_loop3A_681, %parallel_loop3A_320 : vector<16xf32>
        %parallel_loop3A_692 = arith.addf %parallel_loop3A_690, %parallel_loop3A_691 : vector<16xf32>
        %parallel_loop3A_693 = arith.mulf %parallel_loop3A_687, %parallel_loop3A_321 : vector<16xf32>
        %parallel_loop3A_694 = arith.addf %parallel_loop3A_692, %parallel_loop3A_693 : vector<16xf32>
        %parallel_loop3A_695 = arith.constant 1024 : i32
        %parallel_loop3A_696 = arith.muli %parallel_loop3A_294, %parallel_loop3A_695 : i32
        %parallel_loop3A_697 = arith.constant 896 : i32
        %parallel_loop3A_698 = arith.addi %parallel_loop3A_696, %parallel_loop3A_697 : i32
        %parallel_loop3A_699 = arith.constant 16 : i32
        %parallel_loop3A_700 = arith.muli %parallel_loop3A_296, %parallel_loop3A_699 : i32
        %parallel_loop3A_701 = arith.addi %parallel_loop3A_698, %parallel_loop3A_700 : i32
        %parallel_loop3A_702 = arith.constant 0 : i32
        %parallel_loop3A_703 = arith.index_cast %parallel_loop3A_702 : i32 to index
        %parallel_loop3A_704 = arith.index_cast %parallel_loop3A_701 : i32 to index
        %parallel_loop3A_705 = tpu.vector_load %arg16[%parallel_loop3A_703, %parallel_loop3A_704] {strides = array<i32>} : memref<2x8192xf32, #tpu.memory_space<vmem>>, vector<16xf32>,
        tpu.vector_store %arg16[%parallel_loop3A_703, %parallel_loop3A_704], %parallel_loop3A_694 {strides = array<i32>} : memref<2x8192xf32, #tpu.memory_space<vmem>>, vector<16xf32>,
      } {sc.loop_unroll_factor = 2 : i64, sc.parallel_access}
      %mul3A_223 = arith.constant 8 : i32
      %mul3A_224 = arith.muli %add3A_172, %mul3A_223 : i32
      %run_scoped3A_225 = arith.constant 0 : i32
      "tpu.region"() ({
        %run_scoped3A_292 = tpu.sem_alloc : memref<!tpu.dma_semaphore, #tpu.memory_space<semaphore_mem>>
        %dma_start3A_293 = arith.constant 0 : i32
        %dma_start3A_294 = tpu.memref_slice %arg16[%run_scoped3A_225, %dma_start3A_293] : memref<2x8192xf32, #tpu.memory_space<vmem>> -> memref<1x8192xf32, #tpu.memory_space<vmem>>
        %dma_start3A_295 = tpu.memref_squeeze %dma_start3A_294 : memref<1x8192xf32, #tpu.memory_space<vmem>> -> memref<8192xf32, #tpu.memory_space<vmem>>
        %dma_start3A_296 = tpu.memref_slice %arg4[%mul3A_224] : memref<8000512xf32, #tpu.memory_space<hbm>> -> memref<8192xf32, #tpu.memory_space<hbm>>
        %dma_start3A_297 = tpu.memref_slice %arg4[%mul3A_224] : memref<8000512xf32, #tpu.memory_space<hbm>> -> memref<8192xf32, #tpu.memory_space<hbm>>
        %dma_start3A_298 = arith.constant 0 : i32
        %dma_start3A_299 = tpu.memref_slice %arg16[%run_scoped3A_225, %dma_start3A_298] : memref<2x8192xf32, #tpu.memory_space<vmem>> -> memref<1x8192xf32, #tpu.memory_space<vmem>>
        %dma_start3A_300 = tpu.memref_squeeze %dma_start3A_299 : memref<1x8192xf32, #tpu.memory_space<vmem>> -> memref<8192xf32, #tpu.memory_space<vmem>>
        tpu.enqueue_dma source(%dma_start3A_300 : memref<8192xf32, #tpu.memory_space<vmem>>) target(%dma_start3A_297 : memref<8192xf32, #tpu.memory_space<hbm>>) target_semaphore(%run_scoped3A_292 : memref<!tpu.dma_semaphore, #tpu.memory_space<semaphore_mem>>)
        %dma_wait3A_301 = arith.constant 0 : i32
        %dma_wait3A_302 = tpu.memref_slice %arg16[%run_scoped3A_225, %dma_wait3A_301] : memref<2x8192xf32, #tpu.memory_space<vmem>> -> memref<1x8192xf32, #tpu.memory_space<vmem>>
        %dma_wait3A_303 = tpu.memref_squeeze %dma_wait3A_302 : memref<1x8192xf32, #tpu.memory_space<vmem>> -> memref<8192xf32, #tpu.memory_space<vmem>>
        %dma_wait3A_304 = tpu.memref_slice %arg4[%mul3A_224] : memref<8000512xf32, #tpu.memory_space<hbm>> -> memref<8192xf32, #tpu.memory_space<hbm>>
        %dma_wait3A_305 = tpu.memref_slice %arg4[%mul3A_224] : memref<8000512xf32, #tpu.memory_space<hbm>> -> memref<8192xf32, #tpu.memory_space<hbm>>
        %dma_wait3A_306 = arith.constant 0 : i32
        %dma_wait3A_307 = tpu.memref_slice %arg16[%run_scoped3A_225, %dma_wait3A_306] : memref<2x8192xf32, #tpu.memory_space<vmem>> -> memref<1x8192xf32, #tpu.memory_space<vmem>>
        %dma_wait3A_308 = tpu.memref_squeeze %dma_wait3A_307 : memref<1x8192xf32, #tpu.memory_space<vmem>> -> memref<8192xf32, #tpu.memory_space<vmem>>
        tpu.wait_dma2 semaphore(%run_scoped3A_292 : memref<!tpu.dma_semaphore, #tpu.memory_space<semaphore_mem>>) src(%dma_wait3A_308 : memref<8192xf32, #tpu.memory_space<vmem>>) dst(%dma_wait3A_305 : memref<8192xf32, #tpu.memory_space<hbm>>)
        tpu.yield
      }) : () -> ()
      %lt3A = arith.constant 15 : i32
      %lt3A_226 = arith.cmpi slt, %scan3A_79, %lt3A : i32
      %convert_element_type3A = arith.extui %lt3A_226 : i1 to i32
      %cond3A = arith.constant 0 : i32
      %cond3A_227 = arith.cmpi ne, %convert_element_type3A, %cond3A : i32
      scf.if %cond3A_227 {
        %mul3A_292 = arith.constant 2 : i32
        %mul3A_293 = arith.muli %mul3A_292, %scan3A_79 : i32
        %add3A_294 = arith.constant 2 : i32
        %add3A_295 = arith.addi %mul3A_293, %add3A_294 : i32
        %mul3A_296 = arith.constant 1024 : i32
        %mul3A_297 = arith.muli %add3A_295, %mul3A_296 : i32
        %min3A_298 = arith.constant 30336 : i32
        %min3A_299 = arith.minsi %mul3A_297, %min3A_298 : i32
        %add3A_300 = arith.addi %min3A_3, %min3A_299 : i32
        %jit3A_301 = arith.constant 128 : i32
        %div3A_302 = arith.divsi %add3A_300, %jit3A_301 : i32
        %sign3A_303 = arith.constant 0 : i32
        %sign3A_304 = arith.cmpi sgt, %add3A_300, %sign3A_303 : i32
        %sign3A_305 = arith.extui %sign3A_304 : i1 to i32
        %sign3A_306 = arith.constant 0 : i32
        %sign3A_307 = arith.cmpi slt, %add3A_300, %sign3A_306 : i32
        %sign3A_308 = arith.extui %sign3A_307 : i1 to i32
        %sign3A_309 = arith.subi %sign3A_305, %sign3A_308 : i32
        %sign3A_310 = arith.constant 0 : i32
        %sign3A_311 = arith.cmpi sgt, %jit3A_301, %sign3A_310 : i32
        %sign3A_312 = arith.extui %sign3A_311 : i1 to i32
        %sign3A_313 = arith.constant 0 : i32
        %sign3A_314 = arith.cmpi slt, %jit3A_301, %sign3A_313 : i32
        %sign3A_315 = arith.extui %sign3A_314 : i1 to i32
        %sign3A_316 = arith.subi %sign3A_312, %sign3A_315 : i32
        %ne3A_317 = arith.cmpi ne, %sign3A_309, %sign3A_316 : i32
        %rem3A_318 = arith.remsi %add3A_300, %jit3A_301 : i32
        %ne3A_319 = arith.constant 0 : i32
        %ne3A_320 = arith.cmpi ne, %rem3A_318, %ne3A_319 : i32
        %and3A_321 = arith.andi %ne3A_317, %ne3A_320 : i1
        %sub3A_322 = arith.constant 1 : i32
        %sub3A_323 = arith.subi %div3A_302, %sub3A_322 : i32
        %select_n3A_324 = arith.select %and3A_321, %sub3A_323, %div3A_302 : i32
        %run_scoped3A_325 = arith.constant 0 : i32
        "tpu.region"() ({
          %run_scoped3A_377 = tpu.sem_alloc : memref<!tpu.dma_semaphore, #tpu.memory_space<semaphore_mem>>
          %dma_start3A_378 = arith.constant 0 : i32
          %dma_start3A_379 = arith.constant 0 : i32
          %dma_start3A_380 = arith.constant 0 : i32
          %dma_start3A_381 = tpu.memref_slice %arg5[%run_scoped3A_325, %dma_start3A_378, %dma_start3A_379, %dma_start3A_380] : memref<2x8x2x128xf32, #tpu.memory_space<vmem>> -> memref<1x8x2x128xf32, #tpu.memory_space<vmem>>
          %dma_start3A_382 = tpu.memref_squeeze %dma_start3A_381 : memref<1x8x2x128xf32, #tpu.memory_space<vmem>> -> memref<8x2x128xf32, #tpu.memory_space<vmem>>
          %dma_start3A_383 = arith.constant 0 : i32
          %dma_start3A_384 = arith.constant 0 : i32
          %dma_start3A_385 = tpu.memref_slice %arg2[%select_n3A_324, %dma_start3A_383, %dma_start3A_384] : memref<7813x2x128xf32, #tpu.memory_space<hbm>> -> memref<8x2x128xf32, #tpu.memory_space<hbm>>
          %dma_start3A_386 = arith.constant 0 : i32
          %dma_start3A_387 = arith.constant 0 : i32
          %dma_start3A_388 = arith.constant 0 : i32
          %dma_start3A_389 = tpu.memref_slice %arg5[%run_scoped3A_325, %dma_start3A_386, %dma_start3A_387, %dma_start3A_388] : memref<2x8x2x128xf32, #tpu.memory_space<vmem>> -> memref<1x8x2x128xf32, #tpu.memory_space<vmem>>
          %dma_start3A_390 = tpu.memref_squeeze %dma_start3A_389 : memref<1x8x2x128xf32, #tpu.memory_space<vmem>> -> memref<8x2x128xf32, #tpu.memory_space<vmem>>
          %dma_start3A_391 = arith.constant 0 : i32
          %dma_start3A_392 = arith.constant 0 : i32
          %dma_start3A_393 = tpu.memref_slice %arg2[%select_n3A_324, %dma_start3A_391, %dma_start3A_392] : memref<7813x2x128xf32, #tpu.memory_space<hbm>> -> memref<8x2x128xf32, #tpu.memory_space<hbm>>
          tpu.enqueue_dma source(%dma_start3A_393 : memref<8x2x128xf32, #tpu.memory_space<hbm>>) target(%dma_start3A_390 : memref<8x2x128xf32, #tpu.memory_space<vmem>>) target_semaphore(%run_scoped3A_377 : memref<!tpu.dma_semaphore, #tpu.memory_space<semaphore_mem>>)
          %dma_wait3A_394 = arith.constant 0 : i32
          %dma_wait3A_395 = arith.constant 0 : i32
          %dma_wait3A_396 = arith.constant 0 : i32
          %dma_wait3A_397 = tpu.memref_slice %arg5[%run_scoped3A_325, %dma_wait3A_394, %dma_wait3A_395, %dma_wait3A_396] : memref<2x8x2x128xf32, #tpu.memory_space<vmem>> -> memref<1x8x2x128xf32, #tpu.memory_space<vmem>>
          %dma_wait3A_398 = tpu.memref_squeeze %dma_wait3A_397 : memref<1x8x2x128xf32, #tpu.memory_space<vmem>> -> memref<8x2x128xf32, #tpu.memory_space<vmem>>
          %dma_wait3A_399 = arith.constant 0 : i32
          %dma_wait3A_400 = arith.constant 0 : i32
          %dma_wait3A_401 = tpu.memref_slice %arg2[%select_n3A_324, %dma_wait3A_399, %dma_wait3A_400] : memref<7813x2x128xf32, #tpu.memory_space<hbm>> -> memref<8x2x128xf32, #tpu.memory_space<hbm>>
          %dma_wait3A_402 = arith.constant 0 : i32
          %dma_wait3A_403 = arith.constant 0 : i32
          %dma_wait3A_404 = arith.constant 0 : i32
          %dma_wait3A_405 = tpu.memref_slice %arg5[%run_scoped3A_325, %dma_wait3A_402, %dma_wait3A_403, %dma_wait3A_404] : memref<2x8x2x128xf32, #tpu.memory_space<vmem>> -> memref<1x8x2x128xf32, #tpu.memory_space<vmem>>
          %dma_wait3A_406 = tpu.memref_squeeze %dma_wait3A_405 : memref<1x8x2x128xf32, #tpu.memory_space<vmem>> -> memref<8x2x128xf32, #tpu.memory_space<vmem>>
          %dma_wait3A_407 = arith.constant 0 : i32
          %dma_wait3A_408 = arith.constant 0 : i32
          %dma_wait3A_409 = tpu.memref_slice %arg2[%select_n3A_324, %dma_wait3A_407, %dma_wait3A_408] : memref<7813x2x128xf32, #tpu.memory_space<hbm>> -> memref<8x2x128xf32, #tpu.memory_space<hbm>>
          tpu.wait_dma2 semaphore(%run_scoped3A_377 : memref<!tpu.dma_semaphore, #tpu.memory_space<semaphore_mem>>) src(%dma_wait3A_409 : memref<8x2x128xf32, #tpu.memory_space<hbm>>) dst(%dma_wait3A_406 : memref<8x2x128xf32, #tpu.memory_space<vmem>>)
          tpu.yield
        }) : () -> ()
        %parallel_loop3A_326 = arith.constant 0 : i32
        %parallel_loop3A_327 = arith.constant 64 : i32
        %parallel_loop3A_328 = arith.constant 1 : i32
        scf.for %parallel_loop3A_377 = %parallel_loop3A_326 to %parallel_loop3A_327 step %parallel_loop3A_328  : i32 {
          %parallel_loop3A_378 = arith.constant 16 : i32
          %parallel_loop3A_379 = arith.muli %parallel_loop3A_377, %parallel_loop3A_378 : i32
          %parallel_loop3A_380 = arith.constant 7 : i32
          %parallel_loop3A_381 = arith.shrsi %parallel_loop3A_379, %parallel_loop3A_380 : i32
          %parallel_loop3A_382 = arith.constant 127 : i32
          %parallel_loop3A_383 = arith.andi %parallel_loop3A_379, %parallel_loop3A_382 : i32
          %parallel_loop3A_384 = arith.constant 0 : i32
          %parallel_loop3A_385 = arith.constant 0 : i32
          %parallel_loop3A_386 = arith.index_cast %parallel_loop3A_384 : i32 to index
          %parallel_loop3A_387 = arith.index_cast %parallel_loop3A_381 : i32 to index
          %parallel_loop3A_388 = arith.index_cast %parallel_loop3A_385 : i32 to index
          %parallel_loop3A_389 = arith.index_cast %parallel_loop3A_383 : i32 to index
          %parallel_loop3A_390 = tpu.vector_load %arg5[%parallel_loop3A_386, %parallel_loop3A_387, %parallel_loop3A_388, %parallel_loop3A_389] {strides = array<i32>} : memref<2x8x2x128xf32, #tpu.memory_space<vmem>>, vector<16xf32>,
          %parallel_loop3A_391 = arith.constant 7 : i32
          %parallel_loop3A_392 = arith.shrsi %parallel_loop3A_379, %parallel_loop3A_391 : i32
          %parallel_loop3A_393 = arith.constant 127 : i32
          %parallel_loop3A_394 = arith.andi %parallel_loop3A_379, %parallel_loop3A_393 : i32
          %parallel_loop3A_395 = arith.constant 0 : i32
          %parallel_loop3A_396 = arith.constant 1 : i32
          %parallel_loop3A_397 = arith.index_cast %parallel_loop3A_395 : i32 to index
          %parallel_loop3A_398 = arith.index_cast %parallel_loop3A_392 : i32 to index
          %parallel_loop3A_399 = arith.index_cast %parallel_loop3A_396 : i32 to index
          %parallel_loop3A_400 = arith.index_cast %parallel_loop3A_394 : i32 to index
          %parallel_loop3A_401 = tpu.vector_load %arg5[%parallel_loop3A_397, %parallel_loop3A_398, %parallel_loop3A_399, %parallel_loop3A_400] {strides = array<i32>} : memref<2x8x2x128xf32, #tpu.memory_space<vmem>>, vector<16xf32>,
          %parallel_loop3A_402 = arith.constant 2.047000e+03 : f32
          %parallel_loop3A_403 = vector.broadcast %parallel_loop3A_402 : f32 to vector<16xf32>
          %parallel_loop3A_404 = arith.mulf %parallel_loop3A_390, %parallel_loop3A_403 : vector<16xf32>
          %parallel_loop3A_405 = arith.fptosi %parallel_loop3A_404 : vector<16xf32> to vector<16xi32>
          %parallel_loop3A_406 = arith.sitofp %parallel_loop3A_405 : vector<16xi32> to vector<16xf32>
          %parallel_loop3A_407 = arith.subf %parallel_loop3A_404, %parallel_loop3A_406 : vector<16xf32>
          %parallel_loop3A_408 = arith.constant 2.047000e+03 : f32
          %parallel_loop3A_409 = vector.broadcast %parallel_loop3A_408 : f32 to vector<16xf32>
          %parallel_loop3A_410 = arith.mulf %parallel_loop3A_401, %parallel_loop3A_409 : vector<16xf32>
          %parallel_loop3A_411 = arith.fptosi %parallel_loop3A_410 : vector<16xf32> to vector<16xi32>
          %parallel_loop3A_412 = arith.sitofp %parallel_loop3A_411 : vector<16xi32> to vector<16xf32>
          %parallel_loop3A_413 = arith.subf %parallel_loop3A_410, %parallel_loop3A_412 : vector<16xf32>
          %parallel_loop3A_414 = arith.constant 2048 : i32
          %parallel_loop3A_415 = vector.broadcast %parallel_loop3A_414 : i32 to vector<16xi32>
          %parallel_loop3A_416 = arith.muli %parallel_loop3A_411, %parallel_loop3A_415 : vector<16xi32>
          %parallel_loop3A_417 = arith.addi %parallel_loop3A_416, %parallel_loop3A_405 : vector<16xi32>
          %parallel_loop3A_418 = arith.constant 0 : i32
          %parallel_loop3A_419 = vector.broadcast %parallel_loop3A_418 : i32 to vector<16xi32>
          %parallel_loop3A_420 = arith.maxsi %parallel_loop3A_417, %parallel_loop3A_419 : vector<16xi32>
          %parallel_loop3A_421 = arith.constant 4192254 : i32
          %parallel_loop3A_422 = vector.broadcast %parallel_loop3A_421 : i32 to vector<16xi32>
          %parallel_loop3A_423 = arith.minsi %parallel_loop3A_420, %parallel_loop3A_422 : vector<16xi32>
          %parallel_loop3A_424 = arith.constant 0 : i32
          %parallel_loop3A_425 = arith.index_cast %parallel_loop3A_424 : i32 to index
          %parallel_loop3A_426 = arith.index_cast %parallel_loop3A_379 : i32 to index
          %parallel_loop3A_427 = tpu.vector_load %arg6[%parallel_loop3A_425, %parallel_loop3A_426] {strides = array<i32>} : memref<2x1024xi32, #tpu.memory_space<vmem>>, vector<16xi32>,
          tpu.vector_store %arg6[%parallel_loop3A_425, %parallel_loop3A_426], %parallel_loop3A_423 {strides = array<i32>} : memref<2x1024xi32, #tpu.memory_space<vmem>>, vector<16xi32>,
          %parallel_loop3A_428 = arith.constant 1 : i32
          %parallel_loop3A_429 = vector.broadcast %parallel_loop3A_428 : i32 to vector<16xi32>
          %parallel_loop3A_430 = arith.addi %parallel_loop3A_423, %parallel_loop3A_429 : vector<16xi32>
          %parallel_loop3A_431 = arith.constant 0 : i32
          %parallel_loop3A_432 = arith.index_cast %parallel_loop3A_431 : i32 to index
          %parallel_loop3A_433 = arith.index_cast %parallel_loop3A_379 : i32 to index
          %parallel_loop3A_434 = tpu.vector_load %arg7[%parallel_loop3A_432, %parallel_loop3A_433] {strides = array<i32>} : memref<2x1024xi32, #tpu.memory_space<vmem>>, vector<16xi32>,
          tpu.vector_store %arg7[%parallel_loop3A_432, %parallel_loop3A_433], %parallel_loop3A_430 {strides = array<i32>} : memref<2x1024xi32, #tpu.memory_space<vmem>>, vector<16xi32>,
          %parallel_loop3A_435 = arith.constant 2048 : i32
          %parallel_loop3A_436 = vector.broadcast %parallel_loop3A_435 : i32 to vector<16xi32>
          %parallel_loop3A_437 = arith.addi %parallel_loop3A_423, %parallel_loop3A_436 : vector<16xi32>
          %parallel_loop3A_438 = arith.constant 0 : i32
          %parallel_loop3A_439 = arith.index_cast %parallel_loop3A_438 : i32 to index
          %parallel_loop3A_440 = arith.index_cast %parallel_loop3A_379 : i32 to index
          %parallel_loop3A_441 = tpu.vector_load %arg8[%parallel_loop3A_439, %parallel_loop3A_440] {strides = array<i32>} : memref<2x1024xi32, #tpu.memory_space<vmem>>, vector<16xi32>,
          tpu.vector_store %arg8[%parallel_loop3A_439, %parallel_loop3A_440], %parallel_loop3A_437 {strides = array<i32>} : memref<2x1024xi32, #tpu.memory_space<vmem>>, vector<16xi32>,
          %parallel_loop3A_442 = arith.constant 2049 : i32
          %parallel_loop3A_443 = vector.broadcast %parallel_loop3A_442 : i32 to vector<16xi32>
          %parallel_loop3A_444 = arith.addi %parallel_loop3A_423, %parallel_loop3A_443 : vector<16xi32>
          %parallel_loop3A_445 = arith.constant 0 : i32
          %parallel_loop3A_446 = arith.index_cast %parallel_loop3A_445 : i32 to index
          %parallel_loop3A_447 = arith.index_cast %parallel_loop3A_379 : i32 to index
          %parallel_loop3A_448 = tpu.vector_load %arg9[%parallel_loop3A_446, %parallel_loop3A_447] {strides = array<i32>} : memref<2x1024xi32, #tpu.memory_space<vmem>>, vector<16xi32>,
          tpu.vector_store %arg9[%parallel_loop3A_446, %parallel_loop3A_447], %parallel_loop3A_444 {strides = array<i32>} : memref<2x1024xi32, #tpu.memory_space<vmem>>, vector<16xi32>,
          %parallel_loop3A_449 = arith.constant 0 : i32
          %parallel_loop3A_450 = arith.index_cast %parallel_loop3A_449 : i32 to index
          %parallel_loop3A_451 = arith.index_cast %parallel_loop3A_379 : i32 to index
          %parallel_loop3A_452 = tpu.vector_load %arg10[%parallel_loop3A_450, %parallel_loop3A_451] {strides = array<i32>} : memref<2x1024xf32, #tpu.memory_space<vmem>>, vector<16xf32>,
          tpu.vector_store %arg10[%parallel_loop3A_450, %parallel_loop3A_451], %parallel_loop3A_407 {strides = array<i32>} : memref<2x1024xf32, #tpu.memory_space<vmem>>, vector<16xf32>,
          %parallel_loop3A_453 = arith.constant 0 : i32
          %parallel_loop3A_454 = arith.index_cast %parallel_loop3A_453 : i32 to index
          %parallel_loop3A_455 = arith.index_cast %parallel_loop3A_379 : i32 to index
          %parallel_loop3A_456 = tpu.vector_load %arg11[%parallel_loop3A_454, %parallel_loop3A_455] {strides = array<i32>} : memref<2x1024xf32, #tpu.memory_space<vmem>>, vector<16xf32>,
          tpu.vector_store %arg11[%parallel_loop3A_454, %parallel_loop3A_455], %parallel_loop3A_413 {strides = array<i32>} : memref<2x1024xf32, #tpu.memory_space<vmem>>, vector<16xf32>,
        } {sc.loop_unroll_factor = 4 : i64, sc.parallel_access}
        %dma_start3A_329 = arith.constant 0 : i32
        %dma_start3A_330 = arith.constant 0 : i32
        %dma_start3A_331 = arith.constant 0 : i32
        %dma_start3A_332 = arith.constant 0 : i32
        %dma_start3A_333 = tpu.memref_slice %arg12[%dma_start3A_330, %dma_start3A_331, %dma_start3A_332] : memref<2x1024x8xf32, #tpu.memory_space<vmem>> -> memref<1x1024x8xf32, #tpu.memory_space<vmem>>
        %dma_start3A_334 = tpu.memref_squeeze %dma_start3A_333 : memref<1x1024x8xf32, #tpu.memory_space<vmem>> -> memref<1024x8xf32, #tpu.memory_space<vmem>>
        %dma_start3A_335 = arith.constant 0 : i32
        %dma_start3A_336 = tpu.memref_slice %arg6[%dma_start3A_329, %dma_start3A_335] : memref<2x1024xi32, #tpu.memory_space<vmem>> -> memref<1x1024xi32, #tpu.memory_space<vmem>>
        %dma_start3A_337 = tpu.memref_squeeze %dma_start3A_336 : memref<1x1024xi32, #tpu.memory_space<vmem>> -> memref<1024xi32, #tpu.memory_space<vmem>>
        %dma_start3A_338 = arith.constant 0 : i32
        %dma_start3A_339 = arith.constant 0 : i32
        %dma_start3A_340 = tpu.memref_slice %arg3[%dma_start3A_338, %dma_start3A_339] : memref<4194304x8xf32, #tpu.memory_space<hbm>> -> memref<4194304x8xf32, #tpu.memory_space<hbm>>
        tpu.enqueue_indirect_dma source(%dma_start3A_340 : memref<4194304x8xf32, #tpu.memory_space<hbm>>) target(%dma_start3A_334 : memref<1024x8xf32, #tpu.memory_space<vmem>>) offsets(%dma_start3A_337 : memref<1024xi32, #tpu.memory_space<vmem>>) semaphore(%arg17 : memref<!tpu.dma_semaphore, #tpu.memory_space<semaphore_mem>>)
        %dma_start3A_341 = arith.constant 0 : i32
        %dma_start3A_342 = arith.constant 0 : i32
        %dma_start3A_343 = arith.constant 0 : i32
        %dma_start3A_344 = arith.constant 0 : i32
        %dma_start3A_345 = tpu.memref_slice %arg13[%dma_start3A_342, %dma_start3A_343, %dma_start3A_344] : memref<2x1024x8xf32, #tpu.memory_space<vmem>> -> memref<1x1024x8xf32, #tpu.memory_space<vmem>>
        %dma_start3A_346 = tpu.memref_squeeze %dma_start3A_345 : memref<1x1024x8xf32, #tpu.memory_space<vmem>> -> memref<1024x8xf32, #tpu.memory_space<vmem>>
        %dma_start3A_347 = arith.constant 0 : i32
        %dma_start3A_348 = tpu.memref_slice %arg7[%dma_start3A_341, %dma_start3A_347] : memref<2x1024xi32, #tpu.memory_space<vmem>> -> memref<1x1024xi32, #tpu.memory_space<vmem>>
        %dma_start3A_349 = tpu.memref_squeeze %dma_start3A_348 : memref<1x1024xi32, #tpu.memory_space<vmem>> -> memref<1024xi32, #tpu.memory_space<vmem>>
        %dma_start3A_350 = arith.constant 0 : i32
        %dma_start3A_351 = arith.constant 0 : i32
        %dma_start3A_352 = tpu.memref_slice %arg3[%dma_start3A_350, %dma_start3A_351] : memref<4194304x8xf32, #tpu.memory_space<hbm>> -> memref<4194304x8xf32, #tpu.memory_space<hbm>>
        tpu.enqueue_indirect_dma source(%dma_start3A_352 : memref<4194304x8xf32, #tpu.memory_space<hbm>>) target(%dma_start3A_346 : memref<1024x8xf32, #tpu.memory_space<vmem>>) offsets(%dma_start3A_349 : memref<1024xi32, #tpu.memory_space<vmem>>) semaphore(%arg17 : memref<!tpu.dma_semaphore, #tpu.memory_space<semaphore_mem>>)
        %dma_start3A_353 = arith.constant 0 : i32
        %dma_start3A_354 = arith.constant 0 : i32
        %dma_start3A_355 = arith.constant 0 : i32
        %dma_start3A_356 = arith.constant 0 : i32
        %dma_start3A_357 = tpu.memref_slice %arg14[%dma_start3A_354, %dma_start3A_355, %dma_start3A_356] : memref<2x1024x8xf32, #tpu.memory_space<vmem>> -> memref<1x1024x8xf32, #tpu.memory_space<vmem>>
        %dma_start3A_358 = tpu.memref_squeeze %dma_start3A_357 : memref<1x1024x8xf32, #tpu.memory_space<vmem>> -> memref<1024x8xf32, #tpu.memory_space<vmem>>
        %dma_start3A_359 = arith.constant 0 : i32
        %dma_start3A_360 = tpu.memref_slice %arg8[%dma_start3A_353, %dma_start3A_359] : memref<2x1024xi32, #tpu.memory_space<vmem>> -> memref<1x1024xi32, #tpu.memory_space<vmem>>
        %dma_start3A_361 = tpu.memref_squeeze %dma_start3A_360 : memref<1x1024xi32, #tpu.memory_space<vmem>> -> memref<1024xi32, #tpu.memory_space<vmem>>
        %dma_start3A_362 = arith.constant 0 : i32
        %dma_start3A_363 = arith.constant 0 : i32
        %dma_start3A_364 = tpu.memref_slice %arg3[%dma_start3A_362, %dma_start3A_363] : memref<4194304x8xf32, #tpu.memory_space<hbm>> -> memref<4194304x8xf32, #tpu.memory_space<hbm>>
        tpu.enqueue_indirect_dma source(%dma_start3A_364 : memref<4194304x8xf32, #tpu.memory_space<hbm>>) target(%dma_start3A_358 : memref<1024x8xf32, #tpu.memory_space<vmem>>) offsets(%dma_start3A_361 : memref<1024xi32, #tpu.memory_space<vmem>>) semaphore(%arg17 : memref<!tpu.dma_semaphore, #tpu.memory_space<semaphore_mem>>)
        %dma_start3A_365 = arith.constant 0 : i32
        %dma_start3A_366 = arith.constant 0 : i32
        %dma_start3A_367 = arith.constant 0 : i32
        %dma_start3A_368 = arith.constant 0 : i32
        %dma_start3A_369 = tpu.memref_slice %arg15[%dma_start3A_366, %dma_start3A_367, %dma_start3A_368] : memref<2x1024x8xf32, #tpu.memory_space<vmem>> -> memref<1x1024x8xf32, #tpu.memory_space<vmem>>
        %dma_start3A_370 = tpu.memref_squeeze %dma_start3A_369 : memref<1x1024x8xf32, #tpu.memory_space<vmem>> -> memref<1024x8xf32, #tpu.memory_space<vmem>>
        %dma_start3A_371 = arith.constant 0 : i32
        %dma_start3A_372 = tpu.memref_slice %arg9[%dma_start3A_365, %dma_start3A_371] : memref<2x1024xi32, #tpu.memory_space<vmem>> -> memref<1x1024xi32, #tpu.memory_space<vmem>>
        %dma_start3A_373 = tpu.memref_squeeze %dma_start3A_372 : memref<1x1024xi32, #tpu.memory_space<vmem>> -> memref<1024xi32, #tpu.memory_space<vmem>>
        %dma_start3A_374 = arith.constant 0 : i32
        %dma_start3A_375 = arith.constant 0 : i32
        %dma_start3A_376 = tpu.memref_slice %arg3[%dma_start3A_374, %dma_start3A_375] : memref<4194304x8xf32, #tpu.memory_space<hbm>> -> memref<4194304x8xf32, #tpu.memory_space<hbm>>
        tpu.enqueue_indirect_dma source(%dma_start3A_376 : memref<4194304x8xf32, #tpu.memory_space<hbm>>) target(%dma_start3A_370 : memref<1024x8xf32, #tpu.memory_space<vmem>>) offsets(%dma_start3A_373 : memref<1024xi32, #tpu.memory_space<vmem>>) semaphore(%arg17 : memref<!tpu.dma_semaphore, #tpu.memory_space<semaphore_mem>>)
      } else {
      }
      %mul3A_228 = arith.constant 2 : i32
      %mul3A_229 = arith.muli %mul3A_228, %scan3A_79 : i32
      %add3A_230 = arith.constant 1 : i32
      %add3A_231 = arith.addi %mul3A_229, %add3A_230 : i32
      %mul3A_232 = arith.constant 1024 : i32
      %mul3A_233 = arith.muli %add3A_231, %mul3A_232 : i32
      %min3A_234 = arith.constant 30336 : i32
      %min3A_235 = arith.minsi %mul3A_233, %min3A_234 : i32
      %add3A_236 = arith.addi %min3A_3, %min3A_235 : i32
      %dma_wait3A_237 = arith.constant 1 : i32
      %dma_wait3A_238 = arith.constant 1 : i32
      %dma_wait3A_239 = arith.constant 0 : i32
      %dma_wait3A_240 = arith.constant 0 : i32
      %dma_wait3A_241 = tpu.memref_slice %arg12[%dma_wait3A_238, %dma_wait3A_239, %dma_wait3A_240] : memref<2x1024x8xf32, #tpu.memory_space<vmem>> -> memref<1x1024x8xf32, #tpu.memory_space<vmem>>
      %dma_wait3A_242 = tpu.memref_squeeze %dma_wait3A_241 : memref<1x1024x8xf32, #tpu.memory_space<vmem>> -> memref<1024x8xf32, #tpu.memory_space<vmem>>
      %dma_wait3A_243 = arith.constant 0 : i32
      %dma_wait3A_244 = tpu.memref_slice %arg6[%dma_wait3A_237, %dma_wait3A_243] : memref<2x1024xi32, #tpu.memory_space<vmem>> -> memref<1x1024xi32, #tpu.memory_space<vmem>>
      %dma_wait3A_245 = tpu.memref_squeeze %dma_wait3A_244 : memref<1x1024xi32, #tpu.memory_space<vmem>> -> memref<1024xi32, #tpu.memory_space<vmem>>
      %dma_wait3A_246 = arith.constant 0 : i32
      %dma_wait3A_247 = arith.constant 0 : i32
      %dma_wait3A_248 = tpu.memref_slice %arg3[%dma_wait3A_246, %dma_wait3A_247] : memref<4194304x8xf32, #tpu.memory_space<hbm>> -> memref<4194304x8xf32, #tpu.memory_space<hbm>>
      tpu.wait_indirect_dma semaphore(%arg18 : memref<!tpu.dma_semaphore, #tpu.memory_space<semaphore_mem>>) src(%dma_wait3A_248 : memref<4194304x8xf32, #tpu.memory_space<hbm>>) dst(%dma_wait3A_242 : memref<1024x8xf32, #tpu.memory_space<vmem>>)
      %dma_wait3A_249 = arith.constant 1 : i32
      %dma_wait3A_250 = arith.constant 1 : i32
      %dma_wait3A_251 = arith.constant 0 : i32
      %dma_wait3A_252 = arith.constant 0 : i32
      %dma_wait3A_253 = tpu.memref_slice %arg13[%dma_wait3A_250, %dma_wait3A_251, %dma_wait3A_252] : memref<2x1024x8xf32, #tpu.memory_space<vmem>> -> memref<1x1024x8xf32, #tpu.memory_space<vmem>>
      %dma_wait3A_254 = tpu.memref_squeeze %dma_wait3A_253 : memref<1x1024x8xf32, #tpu.memory_space<vmem>> -> memref<1024x8xf32, #tpu.memory_space<vmem>>
      %dma_wait3A_255 = arith.constant 0 : i32
      %dma_wait3A_256 = tpu.memref_slice %arg7[%dma_wait3A_249, %dma_wait3A_255] : memref<2x1024xi32, #tpu.memory_space<vmem>> -> memref<1x1024xi32, #tpu.memory_space<vmem>>
      %dma_wait3A_257 = tpu.memref_squeeze %dma_wait3A_256 : memref<1x1024xi32, #tpu.memory_space<vmem>> -> memref<1024xi32, #tpu.memory_space<vmem>>
      %dma_wait3A_258 = arith.constant 0 : i32
      %dma_wait3A_259 = arith.constant 0 : i32
      %dma_wait3A_260 = tpu.memref_slice %arg3[%dma_wait3A_258, %dma_wait3A_259] : memref<4194304x8xf32, #tpu.memory_space<hbm>> -> memref<4194304x8xf32, #tpu.memory_space<hbm>>
      tpu.wait_indirect_dma semaphore(%arg18 : memref<!tpu.dma_semaphore, #tpu.memory_space<semaphore_mem>>) src(%dma_wait3A_260 : memref<4194304x8xf32, #tpu.memory_space<hbm>>) dst(%dma_wait3A_254 : memref<1024x8xf32, #tpu.memory_space<vmem>>)
      %dma_wait3A_261 = arith.constant 1 : i32
      %dma_wait3A_262 = arith.constant 1 : i32
      %dma_wait3A_263 = arith.constant 0 : i32
      %dma_wait3A_264 = arith.constant 0 : i32
      %dma_wait3A_265 = tpu.memref_slice %arg14[%dma_wait3A_262, %dma_wait3A_263, %dma_wait3A_264] : memref<2x1024x8xf32, #tpu.memory_space<vmem>> -> memref<1x1024x8xf32, #tpu.memory_space<vmem>>
      %dma_wait3A_266 = tpu.memref_squeeze %dma_wait3A_265 : memref<1x1024x8xf32, #tpu.memory_space<vmem>> -> memref<1024x8xf32, #tpu.memory_space<vmem>>
      %dma_wait3A_267 = arith.constant 0 : i32
      %dma_wait3A_268 = tpu.memref_slice %arg8[%dma_wait3A_261, %dma_wait3A_267] : memref<2x1024xi32, #tpu.memory_space<vmem>> -> memref<1x1024xi32, #tpu.memory_space<vmem>>
      %dma_wait3A_269 = tpu.memref_squeeze %dma_wait3A_268 : memref<1x1024xi32, #tpu.memory_space<vmem>> -> memref<1024xi32, #tpu.memory_space<vmem>>
      %dma_wait3A_270 = arith.constant 0 : i32
      %dma_wait3A_271 = arith.constant 0 : i32
      %dma_wait3A_272 = tpu.memref_slice %arg3[%dma_wait3A_270, %dma_wait3A_271] : memref<4194304x8xf32, #tpu.memory_space<hbm>> -> memref<4194304x8xf32, #tpu.memory_space<hbm>>
      tpu.wait_indirect_dma semaphore(%arg18 : memref<!tpu.dma_semaphore, #tpu.memory_space<semaphore_mem>>) src(%dma_wait3A_272 : memref<4194304x8xf32, #tpu.memory_space<hbm>>) dst(%dma_wait3A_266 : memref<1024x8xf32, #tpu.memory_space<vmem>>)
      %dma_wait3A_273 = arith.constant 1 : i32
      %dma_wait3A_274 = arith.constant 1 : i32
      %dma_wait3A_275 = arith.constant 0 : i32
      %dma_wait3A_276 = arith.constant 0 : i32
      %dma_wait3A_277 = tpu.memref_slice %arg15[%dma_wait3A_274, %dma_wait3A_275, %dma_wait3A_276] : memref<2x1024x8xf32, #tpu.memory_space<vmem>> -> memref<1x1024x8xf32, #tpu.memory_space<vmem>>
      %dma_wait3A_278 = tpu.memref_squeeze %dma_wait3A_277 : memref<1x1024x8xf32, #tpu.memory_space<vmem>> -> memref<1024x8xf32, #tpu.memory_space<vmem>>
      %dma_wait3A_279 = arith.constant 0 : i32
      %dma_wait3A_280 = tpu.memref_slice %arg9[%dma_wait3A_273, %dma_wait3A_279] : memref<2x1024xi32, #tpu.memory_space<vmem>> -> memref<1x1024xi32, #tpu.memory_space<vmem>>
      %dma_wait3A_281 = tpu.memref_squeeze %dma_wait3A_280 : memref<1x1024xi32, #tpu.memory_space<vmem>> -> memref<1024xi32, #tpu.memory_space<vmem>>
      %dma_wait3A_282 = arith.constant 0 : i32
      %dma_wait3A_283 = arith.constant 0 : i32
      %dma_wait3A_284 = tpu.memref_slice %arg3[%dma_wait3A_282, %dma_wait3A_283] : memref<4194304x8xf32, #tpu.memory_space<hbm>> -> memref<4194304x8xf32, #tpu.memory_space<hbm>>
      tpu.wait_indirect_dma semaphore(%arg18 : memref<!tpu.dma_semaphore, #tpu.memory_space<semaphore_mem>>) src(%dma_wait3A_284 : memref<4194304x8xf32, #tpu.memory_space<hbm>>) dst(%dma_wait3A_278 : memref<1024x8xf32, #tpu.memory_space<vmem>>)
      %parallel_loop3A_285 = arith.constant 0 : i32
      %parallel_loop3A_286 = arith.constant 64 : i32
      %parallel_loop3A_287 = arith.constant 1 : i32
      scf.for %parallel_loop3A_292 = %parallel_loop3A_285 to %parallel_loop3A_286 step %parallel_loop3A_287  : i32 {
        %parallel_loop3A_293 = arith.constant 3 : i32
        %parallel_loop3A_294 = arith.shrsi %parallel_loop3A_292, %parallel_loop3A_293 : i32
        %parallel_loop3A_295 = arith.constant 7 : i32
        %parallel_loop3A_296 = arith.andi %parallel_loop3A_292, %parallel_loop3A_295 : i32
        %parallel_loop3A_297 = arith.constant 128 : i32
        %parallel_loop3A_298 = arith.muli %parallel_loop3A_294, %parallel_loop3A_297 : i32
        %parallel_loop3A_299 = arith.constant 16 : i32
        %parallel_loop3A_300 = arith.muli %parallel_loop3A_296, %parallel_loop3A_299 : i32
        %parallel_loop3A_301 = arith.addi %parallel_loop3A_298, %parallel_loop3A_300 : i32
        %parallel_loop3A_302 = vector.broadcast %parallel_loop3A_301 : i32 to vector<16xi32>
        %parallel_loop3A_303 = arith.addi %parallel_loop3A_302, %iota3A : vector<16xi32>
        %parallel_loop3A_304 = arith.constant 1 : i32
        %parallel_loop3A_305 = arith.index_cast %parallel_loop3A_304 : i32 to index
        %parallel_loop3A_306 = arith.index_cast %parallel_loop3A_301 : i32 to index
        %parallel_loop3A_307 = tpu.vector_load %arg10[%parallel_loop3A_305, %parallel_loop3A_306] {strides = array<i32>} : memref<2x1024xf32, #tpu.memory_space<vmem>>, vector<16xf32>,
        %parallel_loop3A_308 = arith.constant 1 : i32
        %parallel_loop3A_309 = arith.index_cast %parallel_loop3A_308 : i32 to index
        %parallel_loop3A_310 = arith.index_cast %parallel_loop3A_301 : i32 to index
        %parallel_loop3A_311 = tpu.vector_load %arg11[%parallel_loop3A_309, %parallel_loop3A_310] {strides = array<i32>} : memref<2x1024xf32, #tpu.memory_space<vmem>>, vector<16xf32>,
        %parallel_loop3A_312 = arith.constant 1.000000e+00 : f32
        %parallel_loop3A_313 = vector.broadcast %parallel_loop3A_312 : f32 to vector<16xf32>
        %parallel_loop3A_314 = arith.subf %parallel_loop3A_313, %parallel_loop3A_307 : vector<16xf32>
        %parallel_loop3A_315 = arith.constant 1.000000e+00 : f32
        %parallel_loop3A_316 = vector.broadcast %parallel_loop3A_315 : f32 to vector<16xf32>
        %parallel_loop3A_317 = arith.subf %parallel_loop3A_316, %parallel_loop3A_311 : vector<16xf32>
        %parallel_loop3A_318 = arith.mulf %parallel_loop3A_314, %parallel_loop3A_317 : vector<16xf32>
        %parallel_loop3A_319 = arith.mulf %parallel_loop3A_307, %parallel_loop3A_317 : vector<16xf32>
        %parallel_loop3A_320 = arith.mulf %parallel_loop3A_314, %parallel_loop3A_311 : vector<16xf32>
        %parallel_loop3A_321 = arith.mulf %parallel_loop3A_307, %parallel_loop3A_311 : vector<16xf32>
        %parallel_loop3A_322 = arith.constant 0 : i32
        %parallel_loop3A_323 = vector.broadcast %parallel_loop3A_322 : i32 to vector<16xi32>
        %parallel_loop3A_324 = arith.muli %iota3A, %parallel_loop3A_323 : vector<16xi32>
        %parallel_loop3A_325 = arith.constant 0 : i32
        %parallel_loop3A_326 = vector.broadcast %parallel_loop3A_325 : i32 to vector<16xi32>
        %parallel_loop3A_327 = arith.addi %parallel_loop3A_324, %parallel_loop3A_326 : vector<16xi32>
        %parallel_loop3A_328 = arith.constant 1 : i32
        %parallel_loop3A_329 = arith.constant 0 : i32
        %parallel_loop3A_330 = arith.constant 0 : i32
        %parallel_loop3A_331 = tpu.memref_slice %arg12[%parallel_loop3A_328, %parallel_loop3A_329, %parallel_loop3A_330] : memref<2x1024x8xf32, #tpu.memory_space<vmem>> -> memref<1x1024x8xf32, #tpu.memory_space<vmem>>
        %parallel_loop3A_332 = tpu.memref_squeeze %parallel_loop3A_331 : memref<1x1024x8xf32, #tpu.memory_space<vmem>> -> memref<1024x8xf32, #tpu.memory_space<vmem>>
        %parallel_loop3A_333 = tpu.vector_load_idx %parallel_loop3A_332[%parallel_loop3A_303, %parallel_loop3A_327] : memref<1024x8xf32, #tpu.memory_space<vmem>>[vector<16xi32>, vector<16xi32>], vector<16xf32>,
        %parallel_loop3A_334 = arith.constant 1 : i32
        %parallel_loop3A_335 = arith.constant 0 : i32
        %parallel_loop3A_336 = arith.constant 0 : i32
        %parallel_loop3A_337 = tpu.memref_slice %arg13[%parallel_loop3A_334, %parallel_loop3A_335, %parallel_loop3A_336] : memref<2x1024x8xf32, #tpu.memory_space<vmem>> -> memref<1x1024x8xf32, #tpu.memory_space<vmem>>
        %parallel_loop3A_338 = tpu.memref_squeeze %parallel_loop3A_337 : memref<1x1024x8xf32, #tpu.memory_space<vmem>> -> memref<1024x8xf32, #tpu.memory_space<vmem>>
        %parallel_loop3A_339 = tpu.vector_load_idx %parallel_loop3A_338[%parallel_loop3A_303, %parallel_loop3A_327] : memref<1024x8xf32, #tpu.memory_space<vmem>>[vector<16xi32>, vector<16xi32>], vector<16xf32>,
        %parallel_loop3A_340 = arith.constant 1 : i32
        %parallel_loop3A_341 = arith.constant 0 : i32
        %parallel_loop3A_342 = arith.constant 0 : i32
        %parallel_loop3A_343 = tpu.memref_slice %arg14[%parallel_loop3A_340, %parallel_loop3A_341, %parallel_loop3A_342] : memref<2x1024x8xf32, #tpu.memory_space<vmem>> -> memref<1x1024x8xf32, #tpu.memory_space<vmem>>
        %parallel_loop3A_344 = tpu.memref_squeeze %parallel_loop3A_343 : memref<1x1024x8xf32, #tpu.memory_space<vmem>> -> memref<1024x8xf32, #tpu.memory_space<vmem>>
        %parallel_loop3A_345 = tpu.vector_load_idx %parallel_loop3A_344[%parallel_loop3A_303, %parallel_loop3A_327] : memref<1024x8xf32, #tpu.memory_space<vmem>>[vector<16xi32>, vector<16xi32>], vector<16xf32>,
        %parallel_loop3A_346 = arith.constant 1 : i32
        %parallel_loop3A_347 = arith.constant 0 : i32
        %parallel_loop3A_348 = arith.constant 0 : i32
        %parallel_loop3A_349 = tpu.memref_slice %arg15[%parallel_loop3A_346, %parallel_loop3A_347, %parallel_loop3A_348] : memref<2x1024x8xf32, #tpu.memory_space<vmem>> -> memref<1x1024x8xf32, #tpu.memory_space<vmem>>
        %parallel_loop3A_350 = tpu.memref_squeeze %parallel_loop3A_349 : memref<1x1024x8xf32, #tpu.memory_space<vmem>> -> memref<1024x8xf32, #tpu.memory_space<vmem>>
        %parallel_loop3A_351 = tpu.vector_load_idx %parallel_loop3A_350[%parallel_loop3A_303, %parallel_loop3A_327] : memref<1024x8xf32, #tpu.memory_space<vmem>>[vector<16xi32>, vector<16xi32>], vector<16xf32>,
        %parallel_loop3A_352 = arith.mulf %parallel_loop3A_333, %parallel_loop3A_318 : vector<16xf32>
        %parallel_loop3A_353 = arith.mulf %parallel_loop3A_339, %parallel_loop3A_319 : vector<16xf32>
        %parallel_loop3A_354 = arith.addf %parallel_loop3A_352, %parallel_loop3A_353 : vector<16xf32>
        %parallel_loop3A_355 = arith.mulf %parallel_loop3A_345, %parallel_loop3A_320 : vector<16xf32>
        %parallel_loop3A_356 = arith.addf %parallel_loop3A_354, %parallel_loop3A_355 : vector<16xf32>
        %parallel_loop3A_357 = arith.mulf %parallel_loop3A_351, %parallel_loop3A_321 : vector<16xf32>
        %parallel_loop3A_358 = arith.addf %parallel_loop3A_356, %parallel_loop3A_357 : vector<16xf32>
        %parallel_loop3A_359 = arith.constant 1024 : i32
        %parallel_loop3A_360 = arith.muli %parallel_loop3A_294, %parallel_loop3A_359 : i32
        %parallel_loop3A_361 = arith.constant 0 : i32
        %parallel_loop3A_362 = arith.addi %parallel_loop3A_360, %parallel_loop3A_361 : i32
        %parallel_loop3A_363 = arith.constant 16 : i32
        %parallel_loop3A_364 = arith.muli %parallel_loop3A_296, %parallel_loop3A_363 : i32
        %parallel_loop3A_365 = arith.addi %parallel_loop3A_362, %parallel_loop3A_364 : i32
        %parallel_loop3A_366 = arith.constant 1 : i32
        %parallel_loop3A_367 = arith.index_cast %parallel_loop3A_366 : i32 to index
        %parallel_loop3A_368 = arith.index_cast %parallel_loop3A_365 : i32 to index
        %parallel_loop3A_369 = tpu.vector_load %arg16[%parallel_loop3A_367, %parallel_loop3A_368] {strides = array<i32>} : memref<2x8192xf32, #tpu.memory_space<vmem>>, vector<16xf32>,
        tpu.vector_store %arg16[%parallel_loop3A_367, %parallel_loop3A_368], %parallel_loop3A_358 {strides = array<i32>} : memref<2x8192xf32, #tpu.memory_space<vmem>>, vector<16xf32>,
        %parallel_loop3A_370 = arith.constant 0 : i32
        %parallel_loop3A_371 = vector.broadcast %parallel_loop3A_370 : i32 to vector<16xi32>
        %parallel_loop3A_372 = arith.muli %iota3A, %parallel_loop3A_371 : vector<16xi32>
        %parallel_loop3A_373 = arith.constant 1 : i32
        %parallel_loop3A_374 = vector.broadcast %parallel_loop3A_373 : i32 to vector<16xi32>
        %parallel_loop3A_375 = arith.addi %parallel_loop3A_372, %parallel_loop3A_374 : vector<16xi32>
        %parallel_loop3A_376 = arith.constant 1 : i32
        %parallel_loop3A_377 = arith.constant 0 : i32
        %parallel_loop3A_378 = arith.constant 0 : i32
        %parallel_loop3A_379 = tpu.memref_slice %arg12[%parallel_loop3A_376, %parallel_loop3A_377, %parallel_loop3A_378] : memref<2x1024x8xf32, #tpu.memory_space<vmem>> -> memref<1x1024x8xf32, #tpu.memory_space<vmem>>
        %parallel_loop3A_380 = tpu.memref_squeeze %parallel_loop3A_379 : memref<1x1024x8xf32, #tpu.memory_space<vmem>> -> memref<1024x8xf32, #tpu.memory_space<vmem>>
        %parallel_loop3A_381 = tpu.vector_load_idx %parallel_loop3A_380[%parallel_loop3A_303, %parallel_loop3A_375] : memref<1024x8xf32, #tpu.memory_space<vmem>>[vector<16xi32>, vector<16xi32>], vector<16xf32>,
        %parallel_loop3A_382 = arith.constant 1 : i32
        %parallel_loop3A_383 = arith.constant 0 : i32
        %parallel_loop3A_384 = arith.constant 0 : i32
        %parallel_loop3A_385 = tpu.memref_slice %arg13[%parallel_loop3A_382, %parallel_loop3A_383, %parallel_loop3A_384] : memref<2x1024x8xf32, #tpu.memory_space<vmem>> -> memref<1x1024x8xf32, #tpu.memory_space<vmem>>
        %parallel_loop3A_386 = tpu.memref_squeeze %parallel_loop3A_385 : memref<1x1024x8xf32, #tpu.memory_space<vmem>> -> memref<1024x8xf32, #tpu.memory_space<vmem>>
        %parallel_loop3A_387 = tpu.vector_load_idx %parallel_loop3A_386[%parallel_loop3A_303, %parallel_loop3A_375] : memref<1024x8xf32, #tpu.memory_space<vmem>>[vector<16xi32>, vector<16xi32>], vector<16xf32>,
        %parallel_loop3A_388 = arith.constant 1 : i32
        %parallel_loop3A_389 = arith.constant 0 : i32
        %parallel_loop3A_390 = arith.constant 0 : i32
        %parallel_loop3A_391 = tpu.memref_slice %arg14[%parallel_loop3A_388, %parallel_loop3A_389, %parallel_loop3A_390] : memref<2x1024x8xf32, #tpu.memory_space<vmem>> -> memref<1x1024x8xf32, #tpu.memory_space<vmem>>
        %parallel_loop3A_392 = tpu.memref_squeeze %parallel_loop3A_391 : memref<1x1024x8xf32, #tpu.memory_space<vmem>> -> memref<1024x8xf32, #tpu.memory_space<vmem>>
        %parallel_loop3A_393 = tpu.vector_load_idx %parallel_loop3A_392[%parallel_loop3A_303, %parallel_loop3A_375] : memref<1024x8xf32, #tpu.memory_space<vmem>>[vector<16xi32>, vector<16xi32>], vector<16xf32>,
        %parallel_loop3A_394 = arith.constant 1 : i32
        %parallel_loop3A_395 = arith.constant 0 : i32
        %parallel_loop3A_396 = arith.constant 0 : i32
        %parallel_loop3A_397 = tpu.memref_slice %arg15[%parallel_loop3A_394, %parallel_loop3A_395, %parallel_loop3A_396] : memref<2x1024x8xf32, #tpu.memory_space<vmem>> -> memref<1x1024x8xf32, #tpu.memory_space<vmem>>
        %parallel_loop3A_398 = tpu.memref_squeeze %parallel_loop3A_397 : memref<1x1024x8xf32, #tpu.memory_space<vmem>> -> memref<1024x8xf32, #tpu.memory_space<vmem>>
        %parallel_loop3A_399 = tpu.vector_load_idx %parallel_loop3A_398[%parallel_loop3A_303, %parallel_loop3A_375] : memref<1024x8xf32, #tpu.memory_space<vmem>>[vector<16xi32>, vector<16xi32>], vector<16xf32>,
        %parallel_loop3A_400 = arith.mulf %parallel_loop3A_381, %parallel_loop3A_318 : vector<16xf32>
        %parallel_loop3A_401 = arith.mulf %parallel_loop3A_387, %parallel_loop3A_319 : vector<16xf32>
        %parallel_loop3A_402 = arith.addf %parallel_loop3A_400, %parallel_loop3A_401 : vector<16xf32>
        %parallel_loop3A_403 = arith.mulf %parallel_loop3A_393, %parallel_loop3A_320 : vector<16xf32>
        %parallel_loop3A_404 = arith.addf %parallel_loop3A_402, %parallel_loop3A_403 : vector<16xf32>
        %parallel_loop3A_405 = arith.mulf %parallel_loop3A_399, %parallel_loop3A_321 : vector<16xf32>
        %parallel_loop3A_406 = arith.addf %parallel_loop3A_404, %parallel_loop3A_405 : vector<16xf32>
        %parallel_loop3A_407 = arith.constant 1024 : i32
        %parallel_loop3A_408 = arith.muli %parallel_loop3A_294, %parallel_loop3A_407 : i32
        %parallel_loop3A_409 = arith.constant 128 : i32
        %parallel_loop3A_410 = arith.addi %parallel_loop3A_408, %parallel_loop3A_409 : i32
        %parallel_loop3A_411 = arith.constant 16 : i32
        %parallel_loop3A_412 = arith.muli %parallel_loop3A_296, %parallel_loop3A_411 : i32
        %parallel_loop3A_413 = arith.addi %parallel_loop3A_410, %parallel_loop3A_412 : i32
        %parallel_loop3A_414 = arith.constant 1 : i32
        %parallel_loop3A_415 = arith.index_cast %parallel_loop3A_414 : i32 to index
        %parallel_loop3A_416 = arith.index_cast %parallel_loop3A_413 : i32 to index
        %parallel_loop3A_417 = tpu.vector_load %arg16[%parallel_loop3A_415, %parallel_loop3A_416] {strides = array<i32>} : memref<2x8192xf32, #tpu.memory_space<vmem>>, vector<16xf32>,
        tpu.vector_store %arg16[%parallel_loop3A_415, %parallel_loop3A_416], %parallel_loop3A_406 {strides = array<i32>} : memref<2x8192xf32, #tpu.memory_space<vmem>>, vector<16xf32>,
        %parallel_loop3A_418 = arith.constant 0 : i32
        %parallel_loop3A_419 = vector.broadcast %parallel_loop3A_418 : i32 to vector<16xi32>
        %parallel_loop3A_420 = arith.muli %iota3A, %parallel_loop3A_419 : vector<16xi32>
        %parallel_loop3A_421 = arith.constant 2 : i32
        %parallel_loop3A_422 = vector.broadcast %parallel_loop3A_421 : i32 to vector<16xi32>
        %parallel_loop3A_423 = arith.addi %parallel_loop3A_420, %parallel_loop3A_422 : vector<16xi32>
        %parallel_loop3A_424 = arith.constant 1 : i32
        %parallel_loop3A_425 = arith.constant 0 : i32
        %parallel_loop3A_426 = arith.constant 0 : i32
        %parallel_loop3A_427 = tpu.memref_slice %arg12[%parallel_loop3A_424, %parallel_loop3A_425, %parallel_loop3A_426] : memref<2x1024x8xf32, #tpu.memory_space<vmem>> -> memref<1x1024x8xf32, #tpu.memory_space<vmem>>
        %parallel_loop3A_428 = tpu.memref_squeeze %parallel_loop3A_427 : memref<1x1024x8xf32, #tpu.memory_space<vmem>> -> memref<1024x8xf32, #tpu.memory_space<vmem>>
        %parallel_loop3A_429 = tpu.vector_load_idx %parallel_loop3A_428[%parallel_loop3A_303, %parallel_loop3A_423] : memref<1024x8xf32, #tpu.memory_space<vmem>>[vector<16xi32>, vector<16xi32>], vector<16xf32>,
        %parallel_loop3A_430 = arith.constant 1 : i32
        %parallel_loop3A_431 = arith.constant 0 : i32
        %parallel_loop3A_432 = arith.constant 0 : i32
        %parallel_loop3A_433 = tpu.memref_slice %arg13[%parallel_loop3A_430, %parallel_loop3A_431, %parallel_loop3A_432] : memref<2x1024x8xf32, #tpu.memory_space<vmem>> -> memref<1x1024x8xf32, #tpu.memory_space<vmem>>
        %parallel_loop3A_434 = tpu.memref_squeeze %parallel_loop3A_433 : memref<1x1024x8xf32, #tpu.memory_space<vmem>> -> memref<1024x8xf32, #tpu.memory_space<vmem>>
        %parallel_loop3A_435 = tpu.vector_load_idx %parallel_loop3A_434[%parallel_loop3A_303, %parallel_loop3A_423] : memref<1024x8xf32, #tpu.memory_space<vmem>>[vector<16xi32>, vector<16xi32>], vector<16xf32>,
        %parallel_loop3A_436 = arith.constant 1 : i32
        %parallel_loop3A_437 = arith.constant 0 : i32
        %parallel_loop3A_438 = arith.constant 0 : i32
        %parallel_loop3A_439 = tpu.memref_slice %arg14[%parallel_loop3A_436, %parallel_loop3A_437, %parallel_loop3A_438] : memref<2x1024x8xf32, #tpu.memory_space<vmem>> -> memref<1x1024x8xf32, #tpu.memory_space<vmem>>
        %parallel_loop3A_440 = tpu.memref_squeeze %parallel_loop3A_439 : memref<1x1024x8xf32, #tpu.memory_space<vmem>> -> memref<1024x8xf32, #tpu.memory_space<vmem>>
        %parallel_loop3A_441 = tpu.vector_load_idx %parallel_loop3A_440[%parallel_loop3A_303, %parallel_loop3A_423] : memref<1024x8xf32, #tpu.memory_space<vmem>>[vector<16xi32>, vector<16xi32>], vector<16xf32>,
        %parallel_loop3A_442 = arith.constant 1 : i32
        %parallel_loop3A_443 = arith.constant 0 : i32
        %parallel_loop3A_444 = arith.constant 0 : i32
        %parallel_loop3A_445 = tpu.memref_slice %arg15[%parallel_loop3A_442, %parallel_loop3A_443, %parallel_loop3A_444] : memref<2x1024x8xf32, #tpu.memory_space<vmem>> -> memref<1x1024x8xf32, #tpu.memory_space<vmem>>
        %parallel_loop3A_446 = tpu.memref_squeeze %parallel_loop3A_445 : memref<1x1024x8xf32, #tpu.memory_space<vmem>> -> memref<1024x8xf32, #tpu.memory_space<vmem>>
        %parallel_loop3A_447 = tpu.vector_load_idx %parallel_loop3A_446[%parallel_loop3A_303, %parallel_loop3A_423] : memref<1024x8xf32, #tpu.memory_space<vmem>>[vector<16xi32>, vector<16xi32>], vector<16xf32>,
        %parallel_loop3A_448 = arith.mulf %parallel_loop3A_429, %parallel_loop3A_318 : vector<16xf32>
        %parallel_loop3A_449 = arith.mulf %parallel_loop3A_435, %parallel_loop3A_319 : vector<16xf32>
        %parallel_loop3A_450 = arith.addf %parallel_loop3A_448, %parallel_loop3A_449 : vector<16xf32>
        %parallel_loop3A_451 = arith.mulf %parallel_loop3A_441, %parallel_loop3A_320 : vector<16xf32>
        %parallel_loop3A_452 = arith.addf %parallel_loop3A_450, %parallel_loop3A_451 : vector<16xf32>
        %parallel_loop3A_453 = arith.mulf %parallel_loop3A_447, %parallel_loop3A_321 : vector<16xf32>
        %parallel_loop3A_454 = arith.addf %parallel_loop3A_452, %parallel_loop3A_453 : vector<16xf32>
        %parallel_loop3A_455 = arith.constant 1024 : i32
        %parallel_loop3A_456 = arith.muli %parallel_loop3A_294, %parallel_loop3A_455 : i32
        %parallel_loop3A_457 = arith.constant 256 : i32
        %parallel_loop3A_458 = arith.addi %parallel_loop3A_456, %parallel_loop3A_457 : i32
        %parallel_loop3A_459 = arith.constant 16 : i32
        %parallel_loop3A_460 = arith.muli %parallel_loop3A_296, %parallel_loop3A_459 : i32
        %parallel_loop3A_461 = arith.addi %parallel_loop3A_458, %parallel_loop3A_460 : i32
        %parallel_loop3A_462 = arith.constant 1 : i32
        %parallel_loop3A_463 = arith.index_cast %parallel_loop3A_462 : i32 to index
        %parallel_loop3A_464 = arith.index_cast %parallel_loop3A_461 : i32 to index
        %parallel_loop3A_465 = tpu.vector_load %arg16[%parallel_loop3A_463, %parallel_loop3A_464] {strides = array<i32>} : memref<2x8192xf32, #tpu.memory_space<vmem>>, vector<16xf32>,
        tpu.vector_store %arg16[%parallel_loop3A_463, %parallel_loop3A_464], %parallel_loop3A_454 {strides = array<i32>} : memref<2x8192xf32, #tpu.memory_space<vmem>>, vector<16xf32>,
        %parallel_loop3A_466 = arith.constant 0 : i32
        %parallel_loop3A_467 = vector.broadcast %parallel_loop3A_466 : i32 to vector<16xi32>
        %parallel_loop3A_468 = arith.muli %iota3A, %parallel_loop3A_467 : vector<16xi32>
        %parallel_loop3A_469 = arith.constant 3 : i32
        %parallel_loop3A_470 = vector.broadcast %parallel_loop3A_469 : i32 to vector<16xi32>
        %parallel_loop3A_471 = arith.addi %parallel_loop3A_468, %parallel_loop3A_470 : vector<16xi32>
        %parallel_loop3A_472 = arith.constant 1 : i32
        %parallel_loop3A_473 = arith.constant 0 : i32
        %parallel_loop3A_474 = arith.constant 0 : i32
        %parallel_loop3A_475 = tpu.memref_slice %arg12[%parallel_loop3A_472, %parallel_loop3A_473, %parallel_loop3A_474] : memref<2x1024x8xf32, #tpu.memory_space<vmem>> -> memref<1x1024x8xf32, #tpu.memory_space<vmem>>
        %parallel_loop3A_476 = tpu.memref_squeeze %parallel_loop3A_475 : memref<1x1024x8xf32, #tpu.memory_space<vmem>> -> memref<1024x8xf32, #tpu.memory_space<vmem>>
        %parallel_loop3A_477 = tpu.vector_load_idx %parallel_loop3A_476[%parallel_loop3A_303, %parallel_loop3A_471] : memref<1024x8xf32, #tpu.memory_space<vmem>>[vector<16xi32>, vector<16xi32>], vector<16xf32>,
        %parallel_loop3A_478 = arith.constant 1 : i32
        %parallel_loop3A_479 = arith.constant 0 : i32
        %parallel_loop3A_480 = arith.constant 0 : i32
        %parallel_loop3A_481 = tpu.memref_slice %arg13[%parallel_loop3A_478, %parallel_loop3A_479, %parallel_loop3A_480] : memref<2x1024x8xf32, #tpu.memory_space<vmem>> -> memref<1x1024x8xf32, #tpu.memory_space<vmem>>
        %parallel_loop3A_482 = tpu.memref_squeeze %parallel_loop3A_481 : memref<1x1024x8xf32, #tpu.memory_space<vmem>> -> memref<1024x8xf32, #tpu.memory_space<vmem>>
        %parallel_loop3A_483 = tpu.vector_load_idx %parallel_loop3A_482[%parallel_loop3A_303, %parallel_loop3A_471] : memref<1024x8xf32, #tpu.memory_space<vmem>>[vector<16xi32>, vector<16xi32>], vector<16xf32>,
        %parallel_loop3A_484 = arith.constant 1 : i32
        %parallel_loop3A_485 = arith.constant 0 : i32
        %parallel_loop3A_486 = arith.constant 0 : i32
        %parallel_loop3A_487 = tpu.memref_slice %arg14[%parallel_loop3A_484, %parallel_loop3A_485, %parallel_loop3A_486] : memref<2x1024x8xf32, #tpu.memory_space<vmem>> -> memref<1x1024x8xf32, #tpu.memory_space<vmem>>
        %parallel_loop3A_488 = tpu.memref_squeeze %parallel_loop3A_487 : memref<1x1024x8xf32, #tpu.memory_space<vmem>> -> memref<1024x8xf32, #tpu.memory_space<vmem>>
        %parallel_loop3A_489 = tpu.vector_load_idx %parallel_loop3A_488[%parallel_loop3A_303, %parallel_loop3A_471] : memref<1024x8xf32, #tpu.memory_space<vmem>>[vector<16xi32>, vector<16xi32>], vector<16xf32>,
        %parallel_loop3A_490 = arith.constant 1 : i32
        %parallel_loop3A_491 = arith.constant 0 : i32
        %parallel_loop3A_492 = arith.constant 0 : i32
        %parallel_loop3A_493 = tpu.memref_slice %arg15[%parallel_loop3A_490, %parallel_loop3A_491, %parallel_loop3A_492] : memref<2x1024x8xf32, #tpu.memory_space<vmem>> -> memref<1x1024x8xf32, #tpu.memory_space<vmem>>
        %parallel_loop3A_494 = tpu.memref_squeeze %parallel_loop3A_493 : memref<1x1024x8xf32, #tpu.memory_space<vmem>> -> memref<1024x8xf32, #tpu.memory_space<vmem>>
        %parallel_loop3A_495 = tpu.vector_load_idx %parallel_loop3A_494[%parallel_loop3A_303, %parallel_loop3A_471] : memref<1024x8xf32, #tpu.memory_space<vmem>>[vector<16xi32>, vector<16xi32>], vector<16xf32>,
        %parallel_loop3A_496 = arith.mulf %parallel_loop3A_477, %parallel_loop3A_318 : vector<16xf32>
        %parallel_loop3A_497 = arith.mulf %parallel_loop3A_483, %parallel_loop3A_319 : vector<16xf32>
        %parallel_loop3A_498 = arith.addf %parallel_loop3A_496, %parallel_loop3A_497 : vector<16xf32>
        %parallel_loop3A_499 = arith.mulf %parallel_loop3A_489, %parallel_loop3A_320 : vector<16xf32>
        %parallel_loop3A_500 = arith.addf %parallel_loop3A_498, %parallel_loop3A_499 : vector<16xf32>
        %parallel_loop3A_501 = arith.mulf %parallel_loop3A_495, %parallel_loop3A_321 : vector<16xf32>
        %parallel_loop3A_502 = arith.addf %parallel_loop3A_500, %parallel_loop3A_501 : vector<16xf32>
        %parallel_loop3A_503 = arith.constant 1024 : i32
        %parallel_loop3A_504 = arith.muli %parallel_loop3A_294, %parallel_loop3A_503 : i32
        %parallel_loop3A_505 = arith.constant 384 : i32
        %parallel_loop3A_506 = arith.addi %parallel_loop3A_504, %parallel_loop3A_505 : i32
        %parallel_loop3A_507 = arith.constant 16 : i32
        %parallel_loop3A_508 = arith.muli %parallel_loop3A_296, %parallel_loop3A_507 : i32
        %parallel_loop3A_509 = arith.addi %parallel_loop3A_506, %parallel_loop3A_508 : i32
        %parallel_loop3A_510 = arith.constant 1 : i32
        %parallel_loop3A_511 = arith.index_cast %parallel_loop3A_510 : i32 to index
        %parallel_loop3A_512 = arith.index_cast %parallel_loop3A_509 : i32 to index
        %parallel_loop3A_513 = tpu.vector_load %arg16[%parallel_loop3A_511, %parallel_loop3A_512] {strides = array<i32>} : memref<2x8192xf32, #tpu.memory_space<vmem>>, vector<16xf32>,
        tpu.vector_store %arg16[%parallel_loop3A_511, %parallel_loop3A_512], %parallel_loop3A_502 {strides = array<i32>} : memref<2x8192xf32, #tpu.memory_space<vmem>>, vector<16xf32>,
        %parallel_loop3A_514 = arith.constant 0 : i32
        %parallel_loop3A_515 = vector.broadcast %parallel_loop3A_514 : i32 to vector<16xi32>
        %parallel_loop3A_516 = arith.muli %iota3A, %parallel_loop3A_515 : vector<16xi32>
        %parallel_loop3A_517 = arith.constant 4 : i32
        %parallel_loop3A_518 = vector.broadcast %parallel_loop3A_517 : i32 to vector<16xi32>
        %parallel_loop3A_519 = arith.addi %parallel_loop3A_516, %parallel_loop3A_518 : vector<16xi32>
        %parallel_loop3A_520 = arith.constant 1 : i32
        %parallel_loop3A_521 = arith.constant 0 : i32
        %parallel_loop3A_522 = arith.constant 0 : i32
        %parallel_loop3A_523 = tpu.memref_slice %arg12[%parallel_loop3A_520, %parallel_loop3A_521, %parallel_loop3A_522] : memref<2x1024x8xf32, #tpu.memory_space<vmem>> -> memref<1x1024x8xf32, #tpu.memory_space<vmem>>
        %parallel_loop3A_524 = tpu.memref_squeeze %parallel_loop3A_523 : memref<1x1024x8xf32, #tpu.memory_space<vmem>> -> memref<1024x8xf32, #tpu.memory_space<vmem>>
        %parallel_loop3A_525 = tpu.vector_load_idx %parallel_loop3A_524[%parallel_loop3A_303, %parallel_loop3A_519] : memref<1024x8xf32, #tpu.memory_space<vmem>>[vector<16xi32>, vector<16xi32>], vector<16xf32>,
        %parallel_loop3A_526 = arith.constant 1 : i32
        %parallel_loop3A_527 = arith.constant 0 : i32
        %parallel_loop3A_528 = arith.constant 0 : i32
        %parallel_loop3A_529 = tpu.memref_slice %arg13[%parallel_loop3A_526, %parallel_loop3A_527, %parallel_loop3A_528] : memref<2x1024x8xf32, #tpu.memory_space<vmem>> -> memref<1x1024x8xf32, #tpu.memory_space<vmem>>
        %parallel_loop3A_530 = tpu.memref_squeeze %parallel_loop3A_529 : memref<1x1024x8xf32, #tpu.memory_space<vmem>> -> memref<1024x8xf32, #tpu.memory_space<vmem>>
        %parallel_loop3A_531 = tpu.vector_load_idx %parallel_loop3A_530[%parallel_loop3A_303, %parallel_loop3A_519] : memref<1024x8xf32, #tpu.memory_space<vmem>>[vector<16xi32>, vector<16xi32>], vector<16xf32>,
        %parallel_loop3A_532 = arith.constant 1 : i32
        %parallel_loop3A_533 = arith.constant 0 : i32
        %parallel_loop3A_534 = arith.constant 0 : i32
        %parallel_loop3A_535 = tpu.memref_slice %arg14[%parallel_loop3A_532, %parallel_loop3A_533, %parallel_loop3A_534] : memref<2x1024x8xf32, #tpu.memory_space<vmem>> -> memref<1x1024x8xf32, #tpu.memory_space<vmem>>
        %parallel_loop3A_536 = tpu.memref_squeeze %parallel_loop3A_535 : memref<1x1024x8xf32, #tpu.memory_space<vmem>> -> memref<1024x8xf32, #tpu.memory_space<vmem>>
        %parallel_loop3A_537 = tpu.vector_load_idx %parallel_loop3A_536[%parallel_loop3A_303, %parallel_loop3A_519] : memref<1024x8xf32, #tpu.memory_space<vmem>>[vector<16xi32>, vector<16xi32>], vector<16xf32>,
        %parallel_loop3A_538 = arith.constant 1 : i32
        %parallel_loop3A_539 = arith.constant 0 : i32
        %parallel_loop3A_540 = arith.constant 0 : i32
        %parallel_loop3A_541 = tpu.memref_slice %arg15[%parallel_loop3A_538, %parallel_loop3A_539, %parallel_loop3A_540] : memref<2x1024x8xf32, #tpu.memory_space<vmem>> -> memref<1x1024x8xf32, #tpu.memory_space<vmem>>
        %parallel_loop3A_542 = tpu.memref_squeeze %parallel_loop3A_541 : memref<1x1024x8xf32, #tpu.memory_space<vmem>> -> memref<1024x8xf32, #tpu.memory_space<vmem>>
        %parallel_loop3A_543 = tpu.vector_load_idx %parallel_loop3A_542[%parallel_loop3A_303, %parallel_loop3A_519] : memref<1024x8xf32, #tpu.memory_space<vmem>>[vector<16xi32>, vector<16xi32>], vector<16xf32>,
        %parallel_loop3A_544 = arith.mulf %parallel_loop3A_525, %parallel_loop3A_318 : vector<16xf32>
        %parallel_loop3A_545 = arith.mulf %parallel_loop3A_531, %parallel_loop3A_319 : vector<16xf32>
        %parallel_loop3A_546 = arith.addf %parallel_loop3A_544, %parallel_loop3A_545 : vector<16xf32>
        %parallel_loop3A_547 = arith.mulf %parallel_loop3A_537, %parallel_loop3A_320 : vector<16xf32>
        %parallel_loop3A_548 = arith.addf %parallel_loop3A_546, %parallel_loop3A_547 : vector<16xf32>
        %parallel_loop3A_549 = arith.mulf %parallel_loop3A_543, %parallel_loop3A_321 : vector<16xf32>
        %parallel_loop3A_550 = arith.addf %parallel_loop3A_548, %parallel_loop3A_549 : vector<16xf32>
        %parallel_loop3A_551 = arith.constant 1024 : i32
        %parallel_loop3A_552 = arith.muli %parallel_loop3A_294, %parallel_loop3A_551 : i32
        %parallel_loop3A_553 = arith.constant 512 : i32
        %parallel_loop3A_554 = arith.addi %parallel_loop3A_552, %parallel_loop3A_553 : i32
        %parallel_loop3A_555 = arith.constant 16 : i32
        %parallel_loop3A_556 = arith.muli %parallel_loop3A_296, %parallel_loop3A_555 : i32
        %parallel_loop3A_557 = arith.addi %parallel_loop3A_554, %parallel_loop3A_556 : i32
        %parallel_loop3A_558 = arith.constant 1 : i32
        %parallel_loop3A_559 = arith.index_cast %parallel_loop3A_558 : i32 to index
        %parallel_loop3A_560 = arith.index_cast %parallel_loop3A_557 : i32 to index
        %parallel_loop3A_561 = tpu.vector_load %arg16[%parallel_loop3A_559, %parallel_loop3A_560] {strides = array<i32>} : memref<2x8192xf32, #tpu.memory_space<vmem>>, vector<16xf32>,
        tpu.vector_store %arg16[%parallel_loop3A_559, %parallel_loop3A_560], %parallel_loop3A_550 {strides = array<i32>} : memref<2x8192xf32, #tpu.memory_space<vmem>>, vector<16xf32>,
        %parallel_loop3A_562 = arith.constant 0 : i32
        %parallel_loop3A_563 = vector.broadcast %parallel_loop3A_562 : i32 to vector<16xi32>
        %parallel_loop3A_564 = arith.muli %iota3A, %parallel_loop3A_563 : vector<16xi32>
        %parallel_loop3A_565 = arith.constant 5 : i32
        %parallel_loop3A_566 = vector.broadcast %parallel_loop3A_565 : i32 to vector<16xi32>
        %parallel_loop3A_567 = arith.addi %parallel_loop3A_564, %parallel_loop3A_566 : vector<16xi32>
        %parallel_loop3A_568 = arith.constant 1 : i32
        %parallel_loop3A_569 = arith.constant 0 : i32
        %parallel_loop3A_570 = arith.constant 0 : i32
        %parallel_loop3A_571 = tpu.memref_slice %arg12[%parallel_loop3A_568, %parallel_loop3A_569, %parallel_loop3A_570] : memref<2x1024x8xf32, #tpu.memory_space<vmem>> -> memref<1x1024x8xf32, #tpu.memory_space<vmem>>
        %parallel_loop3A_572 = tpu.memref_squeeze %parallel_loop3A_571 : memref<1x1024x8xf32, #tpu.memory_space<vmem>> -> memref<1024x8xf32, #tpu.memory_space<vmem>>
        %parallel_loop3A_573 = tpu.vector_load_idx %parallel_loop3A_572[%parallel_loop3A_303, %parallel_loop3A_567] : memref<1024x8xf32, #tpu.memory_space<vmem>>[vector<16xi32>, vector<16xi32>], vector<16xf32>,
        %parallel_loop3A_574 = arith.constant 1 : i32
        %parallel_loop3A_575 = arith.constant 0 : i32
        %parallel_loop3A_576 = arith.constant 0 : i32
        %parallel_loop3A_577 = tpu.memref_slice %arg13[%parallel_loop3A_574, %parallel_loop3A_575, %parallel_loop3A_576] : memref<2x1024x8xf32, #tpu.memory_space<vmem>> -> memref<1x1024x8xf32, #tpu.memory_space<vmem>>
        %parallel_loop3A_578 = tpu.memref_squeeze %parallel_loop3A_577 : memref<1x1024x8xf32, #tpu.memory_space<vmem>> -> memref<1024x8xf32, #tpu.memory_space<vmem>>
        %parallel_loop3A_579 = tpu.vector_load_idx %parallel_loop3A_578[%parallel_loop3A_303, %parallel_loop3A_567] : memref<1024x8xf32, #tpu.memory_space<vmem>>[vector<16xi32>, vector<16xi32>], vector<16xf32>,
        %parallel_loop3A_580 = arith.constant 1 : i32
        %parallel_loop3A_581 = arith.constant 0 : i32
        %parallel_loop3A_582 = arith.constant 0 : i32
        %parallel_loop3A_583 = tpu.memref_slice %arg14[%parallel_loop3A_580, %parallel_loop3A_581, %parallel_loop3A_582] : memref<2x1024x8xf32, #tpu.memory_space<vmem>> -> memref<1x1024x8xf32, #tpu.memory_space<vmem>>
        %parallel_loop3A_584 = tpu.memref_squeeze %parallel_loop3A_583 : memref<1x1024x8xf32, #tpu.memory_space<vmem>> -> memref<1024x8xf32, #tpu.memory_space<vmem>>
        %parallel_loop3A_585 = tpu.vector_load_idx %parallel_loop3A_584[%parallel_loop3A_303, %parallel_loop3A_567] : memref<1024x8xf32, #tpu.memory_space<vmem>>[vector<16xi32>, vector<16xi32>], vector<16xf32>,
        %parallel_loop3A_586 = arith.constant 1 : i32
        %parallel_loop3A_587 = arith.constant 0 : i32
        %parallel_loop3A_588 = arith.constant 0 : i32
        %parallel_loop3A_589 = tpu.memref_slice %arg15[%parallel_loop3A_586, %parallel_loop3A_587, %parallel_loop3A_588] : memref<2x1024x8xf32, #tpu.memory_space<vmem>> -> memref<1x1024x8xf32, #tpu.memory_space<vmem>>
        %parallel_loop3A_590 = tpu.memref_squeeze %parallel_loop3A_589 : memref<1x1024x8xf32, #tpu.memory_space<vmem>> -> memref<1024x8xf32, #tpu.memory_space<vmem>>
        %parallel_loop3A_591 = tpu.vector_load_idx %parallel_loop3A_590[%parallel_loop3A_303, %parallel_loop3A_567] : memref<1024x8xf32, #tpu.memory_space<vmem>>[vector<16xi32>, vector<16xi32>], vector<16xf32>,
        %parallel_loop3A_592 = arith.mulf %parallel_loop3A_573, %parallel_loop3A_318 : vector<16xf32>
        %parallel_loop3A_593 = arith.mulf %parallel_loop3A_579, %parallel_loop3A_319 : vector<16xf32>
        %parallel_loop3A_594 = arith.addf %parallel_loop3A_592, %parallel_loop3A_593 : vector<16xf32>
        %parallel_loop3A_595 = arith.mulf %parallel_loop3A_585, %parallel_loop3A_320 : vector<16xf32>
        %parallel_loop3A_596 = arith.addf %parallel_loop3A_594, %parallel_loop3A_595 : vector<16xf32>
        %parallel_loop3A_597 = arith.mulf %parallel_loop3A_591, %parallel_loop3A_321 : vector<16xf32>
        %parallel_loop3A_598 = arith.addf %parallel_loop3A_596, %parallel_loop3A_597 : vector<16xf32>
        %parallel_loop3A_599 = arith.constant 1024 : i32
        %parallel_loop3A_600 = arith.muli %parallel_loop3A_294, %parallel_loop3A_599 : i32
        %parallel_loop3A_601 = arith.constant 640 : i32
        %parallel_loop3A_602 = arith.addi %parallel_loop3A_600, %parallel_loop3A_601 : i32
        %parallel_loop3A_603 = arith.constant 16 : i32
        %parallel_loop3A_604 = arith.muli %parallel_loop3A_296, %parallel_loop3A_603 : i32
        %parallel_loop3A_605 = arith.addi %parallel_loop3A_602, %parallel_loop3A_604 : i32
        %parallel_loop3A_606 = arith.constant 1 : i32
        %parallel_loop3A_607 = arith.index_cast %parallel_loop3A_606 : i32 to index
        %parallel_loop3A_608 = arith.index_cast %parallel_loop3A_605 : i32 to index
        %parallel_loop3A_609 = tpu.vector_load %arg16[%parallel_loop3A_607, %parallel_loop3A_608] {strides = array<i32>} : memref<2x8192xf32, #tpu.memory_space<vmem>>, vector<16xf32>,
        tpu.vector_store %arg16[%parallel_loop3A_607, %parallel_loop3A_608], %parallel_loop3A_598 {strides = array<i32>} : memref<2x8192xf32, #tpu.memory_space<vmem>>, vector<16xf32>,
        %parallel_loop3A_610 = arith.constant 0 : i32
        %parallel_loop3A_611 = vector.broadcast %parallel_loop3A_610 : i32 to vector<16xi32>
        %parallel_loop3A_612 = arith.muli %iota3A, %parallel_loop3A_611 : vector<16xi32>
        %parallel_loop3A_613 = arith.constant 6 : i32
        %parallel_loop3A_614 = vector.broadcast %parallel_loop3A_613 : i32 to vector<16xi32>
        %parallel_loop3A_615 = arith.addi %parallel_loop3A_612, %parallel_loop3A_614 : vector<16xi32>
        %parallel_loop3A_616 = arith.constant 1 : i32
        %parallel_loop3A_617 = arith.constant 0 : i32
        %parallel_loop3A_618 = arith.constant 0 : i32
        %parallel_loop3A_619 = tpu.memref_slice %arg12[%parallel_loop3A_616, %parallel_loop3A_617, %parallel_loop3A_618] : memref<2x1024x8xf32, #tpu.memory_space<vmem>> -> memref<1x1024x8xf32, #tpu.memory_space<vmem>>
        %parallel_loop3A_620 = tpu.memref_squeeze %parallel_loop3A_619 : memref<1x1024x8xf32, #tpu.memory_space<vmem>> -> memref<1024x8xf32, #tpu.memory_space<vmem>>
        %parallel_loop3A_621 = tpu.vector_load_idx %parallel_loop3A_620[%parallel_loop3A_303, %parallel_loop3A_615] : memref<1024x8xf32, #tpu.memory_space<vmem>>[vector<16xi32>, vector<16xi32>], vector<16xf32>,
        %parallel_loop3A_622 = arith.constant 1 : i32
        %parallel_loop3A_623 = arith.constant 0 : i32
        %parallel_loop3A_624 = arith.constant 0 : i32
        %parallel_loop3A_625 = tpu.memref_slice %arg13[%parallel_loop3A_622, %parallel_loop3A_623, %parallel_loop3A_624] : memref<2x1024x8xf32, #tpu.memory_space<vmem>> -> memref<1x1024x8xf32, #tpu.memory_space<vmem>>
        %parallel_loop3A_626 = tpu.memref_squeeze %parallel_loop3A_625 : memref<1x1024x8xf32, #tpu.memory_space<vmem>> -> memref<1024x8xf32, #tpu.memory_space<vmem>>
        %parallel_loop3A_627 = tpu.vector_load_idx %parallel_loop3A_626[%parallel_loop3A_303, %parallel_loop3A_615] : memref<1024x8xf32, #tpu.memory_space<vmem>>[vector<16xi32>, vector<16xi32>], vector<16xf32>,
        %parallel_loop3A_628 = arith.constant 1 : i32
        %parallel_loop3A_629 = arith.constant 0 : i32
        %parallel_loop3A_630 = arith.constant 0 : i32
        %parallel_loop3A_631 = tpu.memref_slice %arg14[%parallel_loop3A_628, %parallel_loop3A_629, %parallel_loop3A_630] : memref<2x1024x8xf32, #tpu.memory_space<vmem>> -> memref<1x1024x8xf32, #tpu.memory_space<vmem>>
        %parallel_loop3A_632 = tpu.memref_squeeze %parallel_loop3A_631 : memref<1x1024x8xf32, #tpu.memory_space<vmem>> -> memref<1024x8xf32, #tpu.memory_space<vmem>>
        %parallel_loop3A_633 = tpu.vector_load_idx %parallel_loop3A_632[%parallel_loop3A_303, %parallel_loop3A_615] : memref<1024x8xf32, #tpu.memory_space<vmem>>[vector<16xi32>, vector<16xi32>], vector<16xf32>,
        %parallel_loop3A_634 = arith.constant 1 : i32
        %parallel_loop3A_635 = arith.constant 0 : i32
        %parallel_loop3A_636 = arith.constant 0 : i32
        %parallel_loop3A_637 = tpu.memref_slice %arg15[%parallel_loop3A_634, %parallel_loop3A_635, %parallel_loop3A_636] : memref<2x1024x8xf32, #tpu.memory_space<vmem>> -> memref<1x1024x8xf32, #tpu.memory_space<vmem>>
        %parallel_loop3A_638 = tpu.memref_squeeze %parallel_loop3A_637 : memref<1x1024x8xf32, #tpu.memory_space<vmem>> -> memref<1024x8xf32, #tpu.memory_space<vmem>>
        %parallel_loop3A_639 = tpu.vector_load_idx %parallel_loop3A_638[%parallel_loop3A_303, %parallel_loop3A_615] : memref<1024x8xf32, #tpu.memory_space<vmem>>[vector<16xi32>, vector<16xi32>], vector<16xf32>,
        %parallel_loop3A_640 = arith.mulf %parallel_loop3A_621, %parallel_loop3A_318 : vector<16xf32>
        %parallel_loop3A_641 = arith.mulf %parallel_loop3A_627, %parallel_loop3A_319 : vector<16xf32>
        %parallel_loop3A_642 = arith.addf %parallel_loop3A_640, %parallel_loop3A_641 : vector<16xf32>
        %parallel_loop3A_643 = arith.mulf %parallel_loop3A_633, %parallel_loop3A_320 : vector<16xf32>
        %parallel_loop3A_644 = arith.addf %parallel_loop3A_642, %parallel_loop3A_643 : vector<16xf32>
        %parallel_loop3A_645 = arith.mulf %parallel_loop3A_639, %parallel_loop3A_321 : vector<16xf32>
        %parallel_loop3A_646 = arith.addf %parallel_loop3A_644, %parallel_loop3A_645 : vector<16xf32>
        %parallel_loop3A_647 = arith.constant 1024 : i32
        %parallel_loop3A_648 = arith.muli %parallel_loop3A_294, %parallel_loop3A_647 : i32
        %parallel_loop3A_649 = arith.constant 768 : i32
        %parallel_loop3A_650 = arith.addi %parallel_loop3A_648, %parallel_loop3A_649 : i32
        %parallel_loop3A_651 = arith.constant 16 : i32
        %parallel_loop3A_652 = arith.muli %parallel_loop3A_296, %parallel_loop3A_651 : i32
        %parallel_loop3A_653 = arith.addi %parallel_loop3A_650, %parallel_loop3A_652 : i32
        %parallel_loop3A_654 = arith.constant 1 : i32
        %parallel_loop3A_655 = arith.index_cast %parallel_loop3A_654 : i32 to index
        %parallel_loop3A_656 = arith.index_cast %parallel_loop3A_653 : i32 to index
        %parallel_loop3A_657 = tpu.vector_load %arg16[%parallel_loop3A_655, %parallel_loop3A_656] {strides = array<i32>} : memref<2x8192xf32, #tpu.memory_space<vmem>>, vector<16xf32>,
        tpu.vector_store %arg16[%parallel_loop3A_655, %parallel_loop3A_656], %parallel_loop3A_646 {strides = array<i32>} : memref<2x8192xf32, #tpu.memory_space<vmem>>, vector<16xf32>,
        %parallel_loop3A_658 = arith.constant 0 : i32
        %parallel_loop3A_659 = vector.broadcast %parallel_loop3A_658 : i32 to vector<16xi32>
        %parallel_loop3A_660 = arith.muli %iota3A, %parallel_loop3A_659 : vector<16xi32>
        %parallel_loop3A_661 = arith.constant 7 : i32
        %parallel_loop3A_662 = vector.broadcast %parallel_loop3A_661 : i32 to vector<16xi32>
        %parallel_loop3A_663 = arith.addi %parallel_loop3A_660, %parallel_loop3A_662 : vector<16xi32>
        %parallel_loop3A_664 = arith.constant 1 : i32
        %parallel_loop3A_665 = arith.constant 0 : i32
        %parallel_loop3A_666 = arith.constant 0 : i32
        %parallel_loop3A_667 = tpu.memref_slice %arg12[%parallel_loop3A_664, %parallel_loop3A_665, %parallel_loop3A_666] : memref<2x1024x8xf32, #tpu.memory_space<vmem>> -> memref<1x1024x8xf32, #tpu.memory_space<vmem>>
        %parallel_loop3A_668 = tpu.memref_squeeze %parallel_loop3A_667 : memref<1x1024x8xf32, #tpu.memory_space<vmem>> -> memref<1024x8xf32, #tpu.memory_space<vmem>>
        %parallel_loop3A_669 = tpu.vector_load_idx %parallel_loop3A_668[%parallel_loop3A_303, %parallel_loop3A_663] : memref<1024x8xf32, #tpu.memory_space<vmem>>[vector<16xi32>, vector<16xi32>], vector<16xf32>,
        %parallel_loop3A_670 = arith.constant 1 : i32
        %parallel_loop3A_671 = arith.constant 0 : i32
        %parallel_loop3A_672 = arith.constant 0 : i32
        %parallel_loop3A_673 = tpu.memref_slice %arg13[%parallel_loop3A_670, %parallel_loop3A_671, %parallel_loop3A_672] : memref<2x1024x8xf32, #tpu.memory_space<vmem>> -> memref<1x1024x8xf32, #tpu.memory_space<vmem>>
        %parallel_loop3A_674 = tpu.memref_squeeze %parallel_loop3A_673 : memref<1x1024x8xf32, #tpu.memory_space<vmem>> -> memref<1024x8xf32, #tpu.memory_space<vmem>>
        %parallel_loop3A_675 = tpu.vector_load_idx %parallel_loop3A_674[%parallel_loop3A_303, %parallel_loop3A_663] : memref<1024x8xf32, #tpu.memory_space<vmem>>[vector<16xi32>, vector<16xi32>], vector<16xf32>,
        %parallel_loop3A_676 = arith.constant 1 : i32
        %parallel_loop3A_677 = arith.constant 0 : i32
        %parallel_loop3A_678 = arith.constant 0 : i32
        %parallel_loop3A_679 = tpu.memref_slice %arg14[%parallel_loop3A_676, %parallel_loop3A_677, %parallel_loop3A_678] : memref<2x1024x8xf32, #tpu.memory_space<vmem>> -> memref<1x1024x8xf32, #tpu.memory_space<vmem>>
        %parallel_loop3A_680 = tpu.memref_squeeze %parallel_loop3A_679 : memref<1x1024x8xf32, #tpu.memory_space<vmem>> -> memref<1024x8xf32, #tpu.memory_space<vmem>>
        %parallel_loop3A_681 = tpu.vector_load_idx %parallel_loop3A_680[%parallel_loop3A_303, %parallel_loop3A_663] : memref<1024x8xf32, #tpu.memory_space<vmem>>[vector<16xi32>, vector<16xi32>], vector<16xf32>,
        %parallel_loop3A_682 = arith.constant 1 : i32
        %parallel_loop3A_683 = arith.constant 0 : i32
        %parallel_loop3A_684 = arith.constant 0 : i32
        %parallel_loop3A_685 = tpu.memref_slice %arg15[%parallel_loop3A_682, %parallel_loop3A_683, %parallel_loop3A_684] : memref<2x1024x8xf32, #tpu.memory_space<vmem>> -> memref<1x1024x8xf32, #tpu.memory_space<vmem>>
        %parallel_loop3A_686 = tpu.memref_squeeze %parallel_loop3A_685 : memref<1x1024x8xf32, #tpu.memory_space<vmem>> -> memref<1024x8xf32, #tpu.memory_space<vmem>>
        %parallel_loop3A_687 = tpu.vector_load_idx %parallel_loop3A_686[%parallel_loop3A_303, %parallel_loop3A_663] : memref<1024x8xf32, #tpu.memory_space<vmem>>[vector<16xi32>, vector<16xi32>], vector<16xf32>,
        %parallel_loop3A_688 = arith.mulf %parallel_loop3A_669, %parallel_loop3A_318 : vector<16xf32>
        %parallel_loop3A_689 = arith.mulf %parallel_loop3A_675, %parallel_loop3A_319 : vector<16xf32>
        %parallel_loop3A_690 = arith.addf %parallel_loop3A_688, %parallel_loop3A_689 : vector<16xf32>
        %parallel_loop3A_691 = arith.mulf %parallel_loop3A_681, %parallel_loop3A_320 : vector<16xf32>
        %parallel_loop3A_692 = arith.addf %parallel_loop3A_690, %parallel_loop3A_691 : vector<16xf32>
        %parallel_loop3A_693 = arith.mulf %parallel_loop3A_687, %parallel_loop3A_321 : vector<16xf32>
        %parallel_loop3A_694 = arith.addf %parallel_loop3A_692, %parallel_loop3A_693 : vector<16xf32>
        %parallel_loop3A_695 = arith.constant 1024 : i32
        %parallel_loop3A_696 = arith.muli %parallel_loop3A_294, %parallel_loop3A_695 : i32
        %parallel_loop3A_697 = arith.constant 896 : i32
        %parallel_loop3A_698 = arith.addi %parallel_loop3A_696, %parallel_loop3A_697 : i32
        %parallel_loop3A_699 = arith.constant 16 : i32
        %parallel_loop3A_700 = arith.muli %parallel_loop3A_296, %parallel_loop3A_699 : i32
        %parallel_loop3A_701 = arith.addi %parallel_loop3A_698, %parallel_loop3A_700 : i32
        %parallel_loop3A_702 = arith.constant 1 : i32
        %parallel_loop3A_703 = arith.index_cast %parallel_loop3A_702 : i32 to index
        %parallel_loop3A_704 = arith.index_cast %parallel_loop3A_701 : i32 to index
        %parallel_loop3A_705 = tpu.vector_load %arg16[%parallel_loop3A_703, %parallel_loop3A_704] {strides = array<i32>} : memref<2x8192xf32, #tpu.memory_space<vmem>>, vector<16xf32>,
        tpu.vector_store %arg16[%parallel_loop3A_703, %parallel_loop3A_704], %parallel_loop3A_694 {strides = array<i32>} : memref<2x8192xf32, #tpu.memory_space<vmem>>, vector<16xf32>,
      } {sc.loop_unroll_factor = 2 : i64, sc.parallel_access}
      %mul3A_288 = arith.constant 8 : i32
      %mul3A_289 = arith.muli %add3A_236, %mul3A_288 : i32
      %run_scoped3A_290 = arith.constant 1 : i32
      "tpu.region"() ({
        %run_scoped3A_292 = tpu.sem_alloc : memref<!tpu.dma_semaphore, #tpu.memory_space<semaphore_mem>>
        %dma_start3A_293 = arith.constant 0 : i32
        %dma_start3A_294 = tpu.memref_slice %arg16[%run_scoped3A_290, %dma_start3A_293] : memref<2x8192xf32, #tpu.memory_space<vmem>> -> memref<1x8192xf32, #tpu.memory_space<vmem>>
        %dma_start3A_295 = tpu.memref_squeeze %dma_start3A_294 : memref<1x8192xf32, #tpu.memory_space<vmem>> -> memref<8192xf32, #tpu.memory_space<vmem>>
        %dma_start3A_296 = tpu.memref_slice %arg4[%mul3A_289] : memref<8000512xf32, #tpu.memory_space<hbm>> -> memref<8192xf32, #tpu.memory_space<hbm>>
        %dma_start3A_297 = tpu.memref_slice %arg4[%mul3A_289] : memref<8000512xf32, #tpu.memory_space<hbm>> -> memref<8192xf32, #tpu.memory_space<hbm>>
        %dma_start3A_298 = arith.constant 0 : i32
        %dma_start3A_299 = tpu.memref_slice %arg16[%run_scoped3A_290, %dma_start3A_298] : memref<2x8192xf32, #tpu.memory_space<vmem>> -> memref<1x8192xf32, #tpu.memory_space<vmem>>
        %dma_start3A_300 = tpu.memref_squeeze %dma_start3A_299 : memref<1x8192xf32, #tpu.memory_space<vmem>> -> memref<8192xf32, #tpu.memory_space<vmem>>
        tpu.enqueue_dma source(%dma_start3A_300 : memref<8192xf32, #tpu.memory_space<vmem>>) target(%dma_start3A_297 : memref<8192xf32, #tpu.memory_space<hbm>>) target_semaphore(%run_scoped3A_292 : memref<!tpu.dma_semaphore, #tpu.memory_space<semaphore_mem>>)
        %dma_wait3A_301 = arith.constant 0 : i32
        %dma_wait3A_302 = tpu.memref_slice %arg16[%run_scoped3A_290, %dma_wait3A_301] : memref<2x8192xf32, #tpu.memory_space<vmem>> -> memref<1x8192xf32, #tpu.memory_space<vmem>>
        %dma_wait3A_303 = tpu.memref_squeeze %dma_wait3A_302 : memref<1x8192xf32, #tpu.memory_space<vmem>> -> memref<8192xf32, #tpu.memory_space<vmem>>
        %dma_wait3A_304 = tpu.memref_slice %arg4[%mul3A_289] : memref<8000512xf32, #tpu.memory_space<hbm>> -> memref<8192xf32, #tpu.memory_space<hbm>>
        %dma_wait3A_305 = tpu.memref_slice %arg4[%mul3A_289] : memref<8000512xf32, #tpu.memory_space<hbm>> -> memref<8192xf32, #tpu.memory_space<hbm>>
        %dma_wait3A_306 = arith.constant 0 : i32
        %dma_wait3A_307 = tpu.memref_slice %arg16[%run_scoped3A_290, %dma_wait3A_306] : memref<2x8192xf32, #tpu.memory_space<vmem>> -> memref<1x8192xf32, #tpu.memory_space<vmem>>
        %dma_wait3A_308 = tpu.memref_squeeze %dma_wait3A_307 : memref<1x8192xf32, #tpu.memory_space<vmem>> -> memref<8192xf32, #tpu.memory_space<vmem>>
        tpu.wait_dma2 semaphore(%run_scoped3A_292 : memref<!tpu.dma_semaphore, #tpu.memory_space<semaphore_mem>>) src(%dma_wait3A_308 : memref<8192xf32, #tpu.memory_space<vmem>>) dst(%dma_wait3A_305 : memref<8192xf32, #tpu.memory_space<hbm>>)
        tpu.yield
      }) : () -> ()
      %scan3A_291 = arith.constant 0 : i32
      scf.yield %scan3A_291 : i32
    }
    %scan3A_78 = arith.constant 16 : i32
    return
  }
}

</mosaic_0001>

<sc_bundles>
// kernel: kernel.4.cloned.1.call-start
scs
__scs_entry_jumppad:
0x0: {  	(pc) =	sbr.rel $0x88, $3  }
0x1: {  	(tag) =	ssettag $0x0;
	lr =	simm.s32 $0x1  }
0x2: {  	[smem:$0x3F9F] =	sst lr;
	_ =	strace $0xD0000000  }
0x3: {  	_ = 	snop  }
0x4: {  	_ = 	snop  }
0x5: {  	_ = 	snop  }
0x6: {  	_ = 	snop  }
0x7: {  	_ = 	snop  }
__scs_overlays_trampoline_lowered:
0x8: {  	[smem:$0x3FAE] =	sst s0  }
0x9: {  	[smem:$0x3FAF] =	sst s1  }
0xa: {  	[smem:$0x3FB0] =	sst s2  }
0xb: {  	[smem:$0x3FB1] =	sst s3  }
0xc: {  	[smem:$0x3FB2] =	sst s4  }
0xd: {  	[smem:$0x3FB3] =	sst s5  }
0xe: {  	[smem:$0x3FB4] =	sst s6  }
0xf: {  	[smem:$0x3FB5] =	sst s7  }
0x10: {  	[smem:$0x3FB6] =	sst s8  }
0x11: {  	[smem:$0x3FB7] =	sst s9;
	s0 =	simm.s32 @!p0 $0x0  }
0x12: {  	s1 =	sld [smem:$0x3F9D];
	s0 =	simm.s32 @p0 $0x1  }
0x13: {  	[smem:$0x3FB8] =	sst s0;
	s0 =	simm.s32 @!p1 $0x0  }
0x14: {  	s2 =	sld [smem:$0x3F9C];
	s0 =	simm.s32 @p1 $0x1  }
0x15: {  	[smem:$0x3FB9] =	sst s0;
	s0 =	simm.s32 @!p2 $0x0  }
0x16: {  	s3 =	sld [smem:$0x3FDB];
	s0 =	simm.s32 @p2 $0x1  }
0x17: {  	s4 =	simm.s32 $0x1BF5;
	[smem:$0x3FBB] =	sst s0  }
0x18: {  	s0 =	sld [smem:$0x3F9E];
	_ =	swait.ge [sflag:s4], $0x0  }
0x19: {  	s7 =	sld [smem:$0x3F9F]  }
0x1a: {  	s8 =	sadd.s32 $0xFFFFE003, lr  }
0x1b: {  	s9 =	sadd.s32 $0xFFFFFEF7, lr;
	s5 =	simm.s32 $0xFFFFFFFF;
	p2 =	slt.u32 s8, $0xFFFFF086  }
0x1c: {  	p1 =	slt.u32 s9, $0xF7A;
	s5 =	simm.s32 @!p2 $0x0  }
0x1d: {  	s5 =	simm.s32 @p1 $0x1;
	p0 =	seq.s32 s7, s2  }
0x1e: {  	s7 =	smul.u32 @!p0 $0xF7A, s2;
	p2 =	seq.s32 @!p0 s5, $0x0  }
0x1f: {  	s9 =	smul.u32 $0xF7A, s1;
	s8 =	simm.s32 @!p0 $0x1BF5;
	p2 =	por !p2, p0  }
0x20: {  	[sflag:s8] =	ssyncset.s32 @!p0 $0xFFFFF086;
	s6 =	sadd.s32 @!p0 s3, s7;
	s7 =	simm.s32 @!p0 $0x108  }
0x21: {  	s3 =	sadd.s32 s3, s9;
	s6 =	sadd.s32 @!p0 $0x88, s6;
	s7 =	simm.s32 @p2 $0x1082  }
0x22: {  	[simem:s7], [sflag:s8] =	dma.local @!p0 [hbm:s6], $0xF7A  }
0x23: {  	s9 =	sor.u32 $0xD0000000, s2;
	s6 =	simm.s32 $0x108;
	_ =	swait.ge @!p0 [sflag:s8], $0x0  }
0x24: {  	s3 =	sadd.s32 $0x88, s3;
	s6 =	simm.s32 @!p1 $0x1082;
	[sflag:s4] =	ssyncset.s32 $0xFFFFF086  }
0x25: {  	[simem:s6], [sflag:s4] =	dma.local [hbm:s3], $0xF7A  }
0x26: {  	[smem:$0x3F9F] =	sst s1;
	(tag) =	ssettag s2;
	_ =	strace s9  }
0x27: {  	s1 =	sld [smem:$0x3FAF]  }
0x28: {  	s2 =	sld [smem:$0x3FB0]  }
0x29: {  	s4 =	sld [smem:$0x3FB2]  }
0x2a: {  	p0 =	seq.s32 s5, $0x0;
	s5 =	sld [smem:$0x3FB3]  }
0x2b: {  	s6 =	sld [smem:$0x3FB4]  }
0x2c: {  	s7 =	sld [smem:$0x3FB5]  }
0x2d: {  	s3 =	simm.s32 $0x108;
	s8 =	sld [smem:$0x3FB6]  }
0x2e: {  	s3 =	simm.s32 @!p0 $0x1082;
	s9 =	sld [smem:$0x3FB7]  }
0x2f: {  	lr =	sadd.s32 s0, s3;
	s0 =	sld [smem:$0x3FAE]  }
0x30: {  	s3 =	sld [smem:$0x3FB1]  }
0x31: {  	[smem:$0x3FBA] =	sst s10  }
0x32: {  	s10 =	sld [smem:$0x3FB8];
	_ =	sdelay $0x3  }
0x33: {  	p0 =	seq.s32 s10, $0x1;
	s10 =	sld [smem:$0x3FBA];
	_ =	sdelay $0x3  }
0x34: {  	[smem:$0x3FBA] =	sst s10  }
0x35: {  	s10 =	sld [smem:$0x3FB9];
	_ =	sdelay $0x3  }
0x36: {  	p1 =	seq.s32 s10, $0x1;
	s10 =	sld [smem:$0x3FBA];
	_ =	sdelay $0x3  }
0x37: {  	[smem:$0x3FBA] =	sst s10  }
0x38: {  	s10 =	sld [smem:$0x3FBB]  }
0x39: {  	_ = 	snop;
	(pc) =	sbr.ind lr, $3  }
0x3a: {  	_ = 	snop  }
0x3b: {  	_ = 	snop  }
0x3c: {  	p2 =	seq.s32 s10, $0x1;
	s10 =	sld [smem:$0x3FBA]  }
0x3d: {  	_ =	shalt  }
0x3e: {  	_ =	shalt  }
0x3f: {  	_ =	shalt  }
0x40: {  	_ =	shalt  }
0x41: {  	_ =	shalt  }
0x42: {  	_ =	shalt  }
0x43: {  	_ =	shalt  }
0x44: {  	_ =	shalt  }
0x45: {  	_ =	shalt  }
0x46: {  	_ =	shalt  }
0x47: {  	_ =	shalt  }
0x48: {  	_ =	shalt  }
0x49: {  	_ =	shalt  }
0x4a: {  	_ =	shalt  }
0x4b: {  	_ =	shalt  }
0x4c: {  	_ =	shalt  }
0x4d: {  	_ =	shalt  }
0x4e: {  	_ =	shalt  }
0x4f: {  	_ =	shalt  }
0x50: {  	_ =	shalt  }
0x51: {  	_ =	shalt  }
0x52: {  	_ =	shalt  }
0x53: {  	_ =	shalt  }
0x54: {  	_ =	shalt  }
0x55: {  	_ =	shalt  }
0x56: {  	_ =	shalt  }
0x57: {  	_ =	shalt  }
0x58: {  	_ =	shalt  }
0x59: {  	_ =	shalt  }
0x5a: {  	_ =	shalt  }
0x5b: {  	_ =	shalt  }
0x5c: {  	_ =	shalt  }
0x5d: {  	_ =	shalt  }
0x5e: {  	_ =	shalt  }
0x5f: {  	_ =	shalt  }
0x60: {  	_ =	shalt  }
0x61: {  	_ =	shalt  }
0x62: {  	_ =	shalt  }
0x63: {  	_ =	shalt  }
0x64: {  	_ =	shalt  }
0x65: {  	_ =	shalt  }
0x66: {  	_ =	shalt  }
0x67: {  	_ =	shalt  }
0x68: {  	_ =	shalt  }
0x69: {  	_ =	shalt  }
0x6a: {  	_ =	shalt  }
0x6b: {  	_ =	shalt  }
0x6c: {  	_ =	shalt  }
0x6d: {  	_ =	shalt  }
0x6e: {  	_ =	shalt  }
0x6f: {  	_ =	shalt  }
0x70: {  	_ =	shalt  }
0x71: {  	_ =	shalt  }
0x72: {  	_ =	shalt  }
0x73: {  	_ =	shalt  }
0x74: {  	_ =	shalt  }
0x75: {  	_ =	shalt  }
0x76: {  	_ =	shalt  }
0x77: {  	_ =	shalt  }
0x78: {  	_ =	shalt  }
0x79: {  	_ =	shalt  }
0x7a: {  	_ =	shalt  }
0x7b: {  	_ =	shalt  }
0x7c: {  	_ =	shalt  }
0x7d: {  	_ =	shalt  }
0x7e: {  	_ =	shalt  }
0x7f: {  	_ =	shalt  }
0x80: {  	_ =	shalt  }
0x81: {  	_ =	shalt  }
0x82: {  	_ =	shalt  }
0x83: {  	_ =	shalt  }
0x84: {  	_ =	shalt  }
0x85: {  	_ =	shalt  }
0x86: {  	_ =	shalt  }
0x87: {  	_ =	shalt  }
.Lfunc_end0:
.L_simem_size_0:
called_computation_lowered:
.L_overlay_start_0:
0x88: {  	s2 =	sld [smem:$0x3FD9]  }
0x89: {  	s3 =	sld [smem:$0x3FFE];
	_ =	sdelay $0x1  }
0x8a: {  	s1 =	srdreg.scid  }
0x8b: {  	s0 =	sand.u32 $0x1, s1  }
0x8c: {  	s17 =	sshll.u32 s0, $0xA;
	s2 =	sadd.s32 s3, s2  }
0x8d: {  	s2 =	sadd.s32 s2, s17  }
0x8e: {  	[smem:$0x3FC6] =	sst s2  }
0x8f: {  	_ = 	snop  }
0x90: {  	s2 =	sld [smem:$0x3FC8];
	(tm) =	ssettm $0x1  }
0x91: {  	s18 =	sld [smem:$0x3FFB];
	_ =	sdelay $0x3  }
0x92: {  	_ =	strace s18  }
0x93: {  	s3 =	sld [smem:$0x3FFC];
	_ =	sdelay $0x3  }
0x94: {  	_ =	strace s3  }
0x95: {  	s3 =	sld [smem:$0x3FFD];
	_ =	sdelay $0x3  }
0x96: {  	_ =	strace s3  }
0x97: {  	_ =	strace $0x8FFFFFFF  }
0x98: {  	s19 =	sld [smem:$0x3FDB];
	_ =	sdelay $0x1  }
0x99: {  	s4 =	simm.s32 $_scs_section_size  }
0x9a: {  	s5 =	simm.s32 $_size__tile_overlayer_lowered;
	s6 =	simm.s32 $_tile_overlayer_lowered  }
0x9b: {  	s22 =	simm.s32 $0x1BFF;
	s21 =	sshll.u32 s6, $0x1;
	s3 =	sadd.s32 s4, s19  }
0x9c: {  	s7 =	simm.s32 $0x0;
	s20 =	sshll.u32 s5, $0x1;
	s5 =	sadd.s32 s21, s3  }
0x9d: {  	[timem:s7], [sflag:s22] =	dma.local [hbm:s5], s20  }
0x9e: {  	_ =	swait.ge [sflag:s22], s20  }
0x9f: {  	s4 =	ssub.s32 $0x0, s20;
	[sflag:s22] =	ssyncset.done $0x0  }
0xa0: {  	[sflag:s22] =	ssyncadd.s32 s4;
	_ =	sdelay $0x1  }
0xa1: {  	s23 =	simm.s32 $0x1B8B  }
0xa2: {  	_ =	swait.ge [sflag:s23], $0x1  }
0xa3: {  	[sflag:s23] =	ssyncset.done $0x0  }
0xa4: {  	s25 =	simm.s32 $0x1B8E;
	s24 =	sld [smem:$0x3FFE];
	[sflag:s23] =	ssyncadd.s32 $0xFFFFFFFF  }
0xa5: {  	s26 =	simm.s32 $execute0_lowered;
	[smem:$0x3FD2] =	sst s25  }
0xa6: {  	s5 =	sshll.u32 s26, $0x1;
	_ =	strace $0x80000046;
	[dreg:$0x1] =	wrdreg $0xFFFFFFFF  }
0xa7: {  	s28 =	simm.s32 $_size_execute0_lowered;
	s3 =	sadd.s32 s3, s5;
	[dreg:$0x0] =	wrdreg $0x0  }
0xa8: {  	s5 =	sshll.u32 s28, $0x1;
	[dreg:$0x2] =	wrdreg s3  }
0xa9: {  	[dreg:$0x3] =	wrdreg s5  }
0xaa: {  	[dreg:$0x4] =	wrdreg $0xC0  }
0xab: {  	_ =	task [dreg:s7], $0x5FFFF  }
0xac: {  	[dreg:$0x1] =	wrdreg $0xFFFFFFFF  }
0xad: {  	[dreg:$0x0] =	wrdreg $0x60  }
0xae: {  	[dreg:$0x2] =	wrdreg s2  }
0xaf: {  	[dreg:$0x3] =	wrdreg s24  }
0xb0: {  	[dreg:$0x4] =	wrdreg $0x9  }
0xb1: {  	_ =	task.clear_ibuf [dreg:s7], $0x5FFFF;
	_ =	strace $0x90000046  }
0xb2: {  	s29 =	simm.s32 $0x9;
	_ =	strace $0x80000048  }
0xb3: {  	_ =	swait.ge [sflag:s29], $0x1  }
0xb4: {  	[sflag:s29] =	ssyncadd.s32 $0xFFFFFFFF  }
0xb5: {  	_ =	strace $0x90000048  }
0xb6: {  	_ =	sfence  }
0xb7: {  	s30 =	sld [smem:$0x0];
	_ =	sdelay $0x2  }
0xb8: {  	s31 =	sshll.u32 s1, $0xD;
	s1 =	sshrl.u32 s1, $0x2  }
0xb9: {  	s3 =	sand.u32 $0x4000, s31;
	s1 =	sadd.s32 s1, s30  }
0xba: {  	s0 =	sor.u32 s3, s0;
	s1 =	sshll.u32 s1, $0x11  }
0xbb: {  	s0 =	sor.u32 s1, s0  }
0xbc: {  	s0 =	sadd.s32 $0x8F2B, s0  }
0xbd: {  	[sflag:s0] =	ssyncadd.remote.s32 $0x1  }
0xbe: {  	_ =	sfence.sel $0xFFFF  }
0xbf: {  	[dreg:$0x0] =	wrdreg $0xFFFFFFFF;
	(pc) =	sbr.abs _section_cstart, $3  }
0xc0: {  	[dreg:$0x1] =	wrdreg $0xFFFFFFFF  }
0xc1: {  	_ =	task.clear_ibuf [dreg:s7], $0x2FFFF;
	_ =	strace $0x9FFFFFFF  }
0xc2: {  	(tm) =	ssettm $0x7FFFFFFF  }
0xc3: {  	_ =	shalt  }
tec
execute0_lowered:
.L_overlay_start_1:
0x0: {  	(tag) =	ssettag $0x1  }
0x1: {  	s2 =	rddreg [dreg:$0x0]  }
0x2: {  	s5 =	rddreg [dreg:$0x1]  }
0x3: {  	s3 =	srdreg.scid;
	s0 =	stileid.u32  }
0x4: {  	s11 =	simm.s32 $0x4000;
	s12 =	simm.s32 $0x1;
	s13 =	simm.s32 $0x8000  }
0x5: {  	s14 =	simm.s32 $0x2;
	s15 =	simm.s32 $0xC000;
	s16 =	simm.s32 $0x3  }
0x6: {  	s17 =	simm.s32 $0x4;
	s18 =	simm.s32 $0x0;
	s4 =	sand.u32 $0x1, s3  }
0x7: {  	s3 =	simm.s32 $0x0;
	s6 =	sshll.u32 s0, $0x7;
	s7 =	sshll.u32 s4, $0x6  }
.Ltmp0:
0x8: {  	s8 =	ssub.s32 $0x2, s4;
	s4 =	sor.u32 s7, s6;
	(pc) =	sbr.rel .LBB2_1-.Ltmp0, $4  }
0x9: {  	s5 =	sadd.s32 $0xA00, s5;
	[smem:$0x7FF] =	sst s3;
	s7 =	sshll.u32 s4, $0xB  }
0xa: {  	_ =	strace $0x80000047;
	s30 =	sshrl.u32 s8, $0x1;
	s6 =	sadd.s32 s2, s7  }
0xb: {  	v0 =	vlaneseq.u32;
	s10 =	ssub.s32 s8, s30;
	s8 =	sor.u32 $0x2, s4;
	s31 =	sadd.s32 $0x800, s6  }
0xc: {  	v0 =	vmul.u32 $0x8, v0;
	s9 =	sor.u32 $0x3, s4;
	s10 =	smax.u32 s10, $0x1;
	[dreg:$0x3] =	wrdreg s31  }
.LBB2_8:
0xd: {  	s18 =	sadd.s32 $0x1, s18  }
0xe: {  	_ =	swait.ge [sflag:s16], $0x4000;
	p0 =	sne.s32 s18, s10  }
.Ltmp1:
0xf: {  	[sflag:s16] =	ssyncset.done $0x0;
	(pc) =	sbr.rel @!p0 .LBB2_9-.Ltmp1, $4  }
0x10: {  	[sflag:s16] =	ssyncadd.s32 $0xFFFFC000  }
0x11: {  	_ =	swait.ge [sflag:s17], $0x4000  }
0x12: {  	[sflag:s17] =	ssyncset.done $0x0  }
0x13: {  	[sflag:s17] =	ssyncadd.s32 $0xFFFFC000  }
.LBB2_1:
0x14: {  	[tilespmem:s3], [sflag:$0x1] =	stream.linear.gather [hbm4b:s6+s3], $0x4000, $0x38;
	[tilespmem:$0x10000] =	vst v63  }
0x15: {  	s0 =	rddreg [dreg:$0x3];
	s19 =	simm.s32 $0x0  }
0x16: {  	[tilespmem:s11], [sflag:$0x2] =	stream.linear.gather [hbm4b:s0+s3], $0x4000, $0x38;
	[tilespmem:$0x10000] =	vst v63  }
.LBB2_2:
0x17: {  	_ =	swait.ge [sflag:s12], $0x4000  }
0x18: {  	p0 =	seq.s32 s19, $0x0;
	[sflag:s12] =	ssyncset.done $0x0  }
0x19: {  	s21 =	simm.s32 $0x0;
	s20 =	simm.s32 @!p0 $0x3;
	[sflag:s12] =	ssyncadd.s32 $0xFFFFC000  }
0x1a: {  	s22 =	sand.u32 $0x7, s21;
	_ =	swait.ge @!p0 [sflag:s20], $0x4000  }
0x1b: {  	s23 =	sand.u32 $0x3C00, s21;
	s24 =	sshll.u32 s22, $0x7;
	[sflag:s20] =	ssyncset.done @!p0 $0x0  }
0x1c: {  	s25 =	sor.u32 s23, s22;
	[sflag:s20] =	ssyncadd.s32 @!p0 $0xFFFFC000;
	s20 =	sor.u32 s24, s23  }
0x1d: {  	s24 =	sor.u32 $0x80, s25;
	v1 =	vld [tilespmem:s20+$0x0]  }
0x1e: {  	s26 =	sor.u32 $0x100, s25;
	v2 =	vld [tilespmem:s20+$0x10];
	v3 =	vor.u32 s24, v0  }
0x1f: {  	s30 =	sor.u32 $0x180, s25;
	v5 =	vor.u32 s26, v0;
	v4 =	vld [tilespmem:s20+$0x20]  }
0x20: {  	s1 =	simm.s32 $0x1;
	s31 =	sor.u32 $0x200, s25;
	v7 =	vor.u32 s30, v0;
	v6 =	vld [tilespmem:s20+$0x30]  }
0x21: {  	s28 =	sand.u32 $0x7, s1;
	s0 =	sor.u32 $0x280, s25;
	v9 =	vor.u32 s31, v0;
	v8 =	vld [tilespmem:s20+$0x40]  }
0x22: {  	s21 =	sor.u32 s22, s21;
	s7 =	sor.u32 $0x300, s25;
	v11 =	vor.u32 s0, v0;
	s26 =	simm.s32 $0x80;
	v12 =	vld [tilespmem:s20+$0x50]  }
0x23: {  	s21 =	sor.u32 $0x380, s21;
	s31 =	sshll.u32 s28, $0x7;
	v14 =	vor.u32 s7, v0;
	s30 =	sand.u32 $0x3C00, s26;
	v13 =	vld [tilespmem:s20+$0x60];
	[tilespmem:v3+s13+$0x0] =	vst.idx.msk $0xffff, v2  }
0x24: {  	v16 =	vor.u32 s21, v0;
	s22 =	sor.u32 s31, s30;
	v15 =	vld [tilespmem:s20+$0x70];
	[tilespmem:v5+s13+$0x0] =	vst.idx.msk $0xffff, v4  }
0x25: {  	s26 =	sor.u32 s28, s26;
	s23 =	sor.u32 s30, s28;
	v3 =	vld [tilespmem:s22+$0x0];
	[tilespmem:v7+s13+$0x0] =	vst.idx.msk $0xffff, v6  }
0x26: {  	v10 =	vor.u32 s25, v0;
	s20 =	sshll.u32 s19, $0x1;
	s29 =	sor.u32 $0x280, s23;
	s28 =	sor.u32 $0x80, s23;
	v4 =	vld [tilespmem:s22+$0x10];
	[tilespmem:v9+s13+$0x0] =	vst.idx.msk $0xffff, v8  }
0x27: {  	s24 =	simm.s32 $0x8;
	s26 =	sor.u32 $0x380, s26;
	v2 =	vor.u32 s29, v0;
	s29 =	sor.u32 $0x100, s23;
	v6 =	vld [tilespmem:s22+$0x20];
	[tilespmem:v11+s13+$0x0] =	vst.idx.msk $0xffff, v12;
	v12 =	vor.u32 s28, v0  }
0x28: {  	s21 =	sadd.s32 s4, s20;
	s28 =	sor.u32 $0x180, s23;
	v5 =	vld [tilespmem:s22+$0x30];
	[tilespmem:v14+s13+$0x0] =	vst.idx.msk $0xffff, v13;
	v11 =	vor.u32 s29, v0;
	s29 =	sor.u32 $0x200, s23  }
0x29: {  	s25 =	sor.u32 $0x300, s23;
	v7 =	vld [tilespmem:s22+$0x40];
	[tilespmem:v16+s13+$0x0] =	vst.idx.msk $0xffff, v15;
	v8 =	vor.u32 s28, v0;
	s28 =	simm.s32 $0x100;
	v9 =	vor.u32 s29, v0;
	s29 =	simm.s32 $0x2  }
.LBB2_3:
0x2a: {  	s30 =	sand.u32 $0x7, s29  }
0x2b: {  	s31 =	sand.u32 $0x3C00, s28;
	s24 =	sadd.s32 $0x8, s24;
	v13 =	vld [tilespmem:s22+$0x50];
	[tilespmem:v10+s13+$0x0] =	vst.idx.msk $0xffff, v1;
	v1 =	vmov v3;
	s0 =	sshll.u32 s30, $0x7  }
0x2c: {  	v15 =	vor.u32 s25, v0;
	s1 =	sor.u32 s31, s30;
	s30 =	sor.u32 s30, s28;
	[tilespmem:v12+s13+$0x0] =	vst.idx.msk $0xffff, v4;
	v14 =	vld [tilespmem:s22+$0x60];
	p1 =	slt.u32 s24, $0x3F8  }
0x2d: {  	v17 =	vor.u32 s26, v0;
	s7 =	sor.u32 $0x280, s1;
	s25 =	sor.u32 $0x300, s1;
	[tilespmem:v11+s13+$0x0] =	vst.idx.msk $0xffff, v6;
	v16 =	vld [tilespmem:s22+$0x70];
	s22 =	sor.u32 s0, s31  }
.Ltmp2:
0x2e: {  	v10 =	vor.u32 s23, v0;
	s0 =	sor.u32 $0x80, s1;
	s26 =	sor.u32 $0x380, s30;
	v3 =	vld [tilespmem:s22+$0x0];
	v18 =	vor.u32 s7, v0;
	[tilespmem:v8+s13+$0x0] =	vst.idx.msk $0xffff, v5;
	(pc) =	sbr.rel @p1 .LBB2_3-.Ltmp2, $4  }
0x2f: {  	s23 =	smov.u32 s1;
	v12 =	vor.u32 s0, v0;
	s0 =	sor.u32 $0x100, s1;
	v4 =	vld [tilespmem:s22+$0x10];
	[tilespmem:v9+s13+$0x0] =	vst.idx.msk $0xffff, v7  }
0x30: {  	v11 =	vor.u32 s0, v0;
	s0 =	sor.u32 $0x180, s23;
	v6 =	vld [tilespmem:s22+$0x20];
	[tilespmem:v2+s13+$0x0] =	vst.idx.msk $0xffff, v13;
	v2 =	vmov v18  }
0x31: {  	v8 =	vor.u32 s0, v0;
	s0 =	sor.u32 $0x200, s23;
	v5 =	vld [tilespmem:s22+$0x30];
	[tilespmem:v15+s13+$0x0] =	vst.idx.msk $0xffff, v14  }
0x32: {  	s29 =	sadd.s32 $0x1, s29;
	s28 =	sadd.s32 $0x80, s28;
	v9 =	vor.u32 s0, v0;
	v7 =	vld [tilespmem:s22+$0x40];
	[tilespmem:v17+s13+$0x0] =	vst.idx.msk $0xffff, v16  }
0x33: {  	_ =	sdelay $0x3  }
0x34: {  	v13 =	vld [tilespmem:s22+$0x50];
	[tilespmem:v10+s13+$0x0] =	vst.idx.msk $0xffff, v1  }
0x35: {  	v1 =	vld [tilespmem:s22+$0x60];
	[tilespmem:v12+s13+$0x0] =	vst.idx.msk $0xffff, v4;
	v4 =	vor.u32 s25, v0  }
0x36: {  	v10 =	vor.u32 s26, v0;
	[tilespmem:v11+s13+$0x0] =	vst.idx.msk $0xffff, v6;
	v6 =	vld [tilespmem:s22+$0x70]  }
0x37: {  	v11 =	vor.u32 s23, v0;
	[tilespmem:v8+s13+$0x0] =	vst.idx.msk $0xffff, v5  }
0x38: {  	[tilespmem:v9+s13+$0x0] =	vst.idx.msk $0xffff, v7  }
0x39: {  	[tilespmem:v2+s13+$0x0] =	vst.idx.msk $0xffff, v13  }
0x3a: {  	[tilespmem:v4+s13+$0x0] =	vst.idx.msk $0xffff, v1  }
0x3b: {  	s0 =	sshll.u32 s21, $0xB;
	[tilespmem:v10+s13+$0x0] =	vst.idx.msk $0xffff, v6  }
0x3c: {  	p1 =	seq.s32 s19, $0x1F;
	s0 =	sadd.s32 s5, s0;
	[tilespmem:v11+s13+$0x0] =	vst.idx.msk $0xffff, v3  }
0x3d: {  	[hbm4b:s0+s3] =	stream.linear.scatter [tilespmem:s13], [sflag:$0x3], $0x4000, $0x38;
	[tilespmem:$0x10000] =	vst v63  }
0x3e: {  	s0 =	sadd.s32 @!p1 s20, s8  }
0x3f: {  	s0 =	sshll.u32 @!p1 s0, $0xB  }
0x40: {  	s1 =	simm.s32 @!p1 $0x0;
	s0 =	sadd.s32 @!p1 s2, s0  }
0x41: {  	[tilespmem:s1], [sflag:$0x1] =	stream.linear.gather @!p1 [hbm4b:s0+s1], $0x4000, $0x38;
	[tilespmem:$0x10000] =	vst v63  }
0x42: {  	_ =	swait.ge [sflag:s14], $0x4000  }
0x43: {  	[sflag:s14] =	ssyncset.done $0x0  }
0x44: {  	s0 =	simm.s32 @!p0 $0x4;
	s1 =	simm.s32 $0x0;
	[sflag:s14] =	ssyncadd.s32 $0xFFFFC000  }
0x45: {  	s7 =	sand.u32 $0x7, s1;
	_ =	swait.ge @!p0 [sflag:s0], $0x4000  }
0x46: {  	s25 =	sand.u32 $0x3C00, s1;
	s26 =	sshll.u32 s7, $0x7;
	[sflag:s0] =	ssyncset.done @!p0 $0x0  }
0x47: {  	s1 =	sor.u32 s7, s1;
	s21 =	sor.u32 s26, s25;
	[sflag:s0] =	ssyncadd.s32 @!p0 $0xFFFFC000  }
0x48: {  	s1 =	sor.u32 $0x380, s1;
	s0 =	sor.u32 s25, s7;
	v1 =	vld [tilespmem:s21+$0x4000]  }
0x49: {  	v16 =	vor.u32 s1, v0;
	s30 =	sor.u32 $0x80, s0;
	v15 =	vld [tilespmem:s21+$0x4070]  }
0x4a: {  	v2 =	vld [tilespmem:s21+$0x4010];
	s31 =	sor.u32 $0x100, s0;
	v3 =	vor.u32 s30, v0  }
0x4b: {  	v4 =	vld [tilespmem:s21+$0x4020];
	s23 =	sor.u32 $0x180, s0;
	v5 =	vor.u32 s31, v0  }
0x4c: {  	s26 =	simm.s32 $0x1;
	v6 =	vld [tilespmem:s21+$0x4030];
	s25 =	sor.u32 $0x280, s0;
	v7 =	vor.u32 s23, v0  }
0x4d: {  	s24 =	sor.u32 $0x200, s0;
	v12 =	vld [tilespmem:s21+$0x4050];
	v11 =	vor.u32 s25, v0;
	s25 =	simm.s32 $0x80;
	s31 =	sand.u32 $0x7, s26  }
0x4e: {  	v8 =	vld [tilespmem:s21+$0x4040];
	v9 =	vor.u32 s24, v0;
	s30 =	sor.u32 $0x300, s0;
	s24 =	sand.u32 $0x3C00, s25;
	s22 =	sshll.u32 s31, $0x7;
	[tilespmem:v16+s15+$0x0] =	vst.idx.msk $0xffff, v15  }
0x4f: {  	v13 =	vld [tilespmem:s21+$0x4060];
	v14 =	vor.u32 s30, v0;
	s22 =	sor.u32 s22, s24;
	[tilespmem:v3+s15+$0x0] =	vst.idx.msk $0xffff, v2  }
0x50: {  	s28 =	simm.s32 $0x100;
	s23 =	sor.u32 s24, s31;
	[tilespmem:v5+s15+$0x0] =	vst.idx.msk $0xffff, v4;
	v3 =	vld [tilespmem:s22+$0x4000]  }
0x51: {  	s29 =	simm.s32 $0x2;
	v10 =	vor.u32 s0, v0;
	s7 =	sor.u32 s31, s25;
	s31 =	sor.u32 $0x80, s23;
	[tilespmem:v7+s15+$0x0] =	vst.idx.msk $0xffff, v6;
	v4 =	vld [tilespmem:s22+$0x4010]  }
0x52: {  	s26 =	sadd.s32 s20, s4;
	s30 =	sor.u32 $0x280, s23;
	s1 =	sor.u32 $0x100, s23;
	v6 =	vld [tilespmem:s22+$0x4020];
	[tilespmem:v11+s15+$0x0] =	vst.idx.msk $0xffff, v12;
	v12 =	vor.u32 s31, v0  }
0x53: {  	s21 =	sadd.s32 $0x1, s26;
	[tilespmem:v9+s15+$0x0] =	vst.idx.msk $0xffff, v8;
	v2 =	vor.u32 s30, v0;
	v11 =	vor.u32 s1, v0;
	s30 =	sor.u32 $0x180, s23;
	v5 =	vld [tilespmem:s22+$0x4030];
	s31 =	sor.u32 $0x200, s23  }
0x54: {  	s24 =	simm.s32 $0x8;
	s26 =	sor.u32 $0x380, s7;
	s25 =	sor.u32 $0x300, s23;
	v7 =	vld [tilespmem:s22+$0x4040];
	[tilespmem:v14+s15+$0x0] =	vst.idx.msk $0xffff, v13;
	v8 =	vor.u32 s30, v0;
	v9 =	vor.u32 s31, v0  }
.LBB2_5:
0x55: {  	s0 =	sand.u32 $0x7, s29  }
0x56: {  	s1 =	sand.u32 $0x3C00, s28;
	s24 =	sadd.s32 $0x8, s24;
	v13 =	vld [tilespmem:s22+$0x4050];
	[tilespmem:v10+s15+$0x0] =	vst.idx.msk $0xffff, v1;
	v1 =	vmov v3;
	s7 =	sshll.u32 s0, $0x7  }
0x57: {  	v15 =	vor.u32 s25, v0;
	s30 =	sor.u32 s1, s0;
	s0 =	sor.u32 s0, s28;
	[tilespmem:v12+s15+$0x0] =	vst.idx.msk $0xffff, v4;
	v14 =	vld [tilespmem:s22+$0x4060];
	p0 =	slt.u32 s24, $0x3F8  }
0x58: {  	v17 =	vor.u32 s26, v0;
	s31 =	sor.u32 $0x280, s30;
	s25 =	sor.u32 $0x300, s30;
	[tilespmem:v11+s15+$0x0] =	vst.idx.msk $0xffff, v6;
	v16 =	vld [tilespmem:s22+$0x4070];
	s22 =	sor.u32 s7, s1  }
.Ltmp3:
0x59: {  	v10 =	vor.u32 s23, v0;
	s1 =	sor.u32 $0x80, s30;
	s26 =	sor.u32 $0x380, s0;
	v3 =	vld [tilespmem:s22+$0x4000];
	v18 =	vor.u32 s31, v0;
	[tilespmem:v8+s15+$0x0] =	vst.idx.msk $0xffff, v5;
	(pc) =	sbr.rel @p0 .LBB2_5-.Ltmp3, $4  }
0x5a: {  	s0 =	sor.u32 $0x100, s30;
	s23 =	smov.u32 s30;
	v12 =	vor.u32 s1, v0;
	v4 =	vld [tilespmem:s22+$0x4010];
	[tilespmem:v9+s15+$0x0] =	vst.idx.msk $0xffff, v7  }
0x5b: {  	v11 =	vor.u32 s0, v0;
	s0 =	sor.u32 $0x180, s23;
	v6 =	vld [tilespmem:s22+$0x4020];
	[tilespmem:v2+s15+$0x0] =	vst.idx.msk $0xffff, v13;
	v2 =	vmov v18  }
0x5c: {  	v8 =	vor.u32 s0, v0;
	s0 =	sor.u32 $0x200, s23;
	v5 =	vld [tilespmem:s22+$0x4030];
	[tilespmem:v15+s15+$0x0] =	vst.idx.msk $0xffff, v14  }
0x5d: {  	s29 =	sadd.s32 $0x1, s29;
	s28 =	sadd.s32 $0x80, s28;
	v9 =	vor.u32 s0, v0;
	v7 =	vld [tilespmem:s22+$0x4040];
	[tilespmem:v17+s15+$0x0] =	vst.idx.msk $0xffff, v16  }
0x5e: {  	_ =	sdelay $0x3  }
0x5f: {  	v13 =	vld [tilespmem:s22+$0x4050];
	[tilespmem:v10+s15+$0x0] =	vst.idx.msk $0xffff, v1  }
0x60: {  	v1 =	vld [tilespmem:s22+$0x4060];
	v60 =	vor.u32 s25, v0;
	[tilespmem:v12+s15+$0x0] =	vst.idx.msk $0xffff, v4  }
0x61: {  	v61 =	vld [tilespmem:s22+$0x4070];
	v62 =	vor.u32 s26, v0;
	[tilespmem:v11+s15+$0x0] =	vst.idx.msk $0xffff, v6  }
0x62: {  	v63 =	vor.u32 s23, v0;
	[tilespmem:v8+s15+$0x0] =	vst.idx.msk $0xffff, v5  }
0x63: {  	[tilespmem:v9+s15+$0x0] =	vst.idx.msk $0xffff, v7  }
.Ltmp4:
0x64: {  	[tilespmem:v2+s15+$0x0] =	vst.idx.msk $0xffff, v13;
	(pc) =	sbr.rel @p1 .LBB2_8-.Ltmp4, $4  }
0x65: {  	[tilespmem:v60+s15+$0x0] =	vst.idx.msk $0xffff, v1  }
0x66: {  	s0 =	sshll.u32 s21, $0xB;
	[tilespmem:v62+s15+$0x0] =	vst.idx.msk $0xffff, v61  }
0x67: {  	s0 =	sadd.s32 s5, s0;
	[tilespmem:v63+s15+$0x0] =	vst.idx.msk $0xffff, v3  }
0x68: {  	[hbm4b:s0+s3] =	stream.linear.scatter [tilespmem:s15], [sflag:$0x4], $0x4000, $0x38;
	[tilespmem:$0x10000] =	vst v63  }
.Ltmp5:
0x69: {  	(pc) =	sbr.rel .LBB2_2-.Ltmp5, $4  }
0x6a: {  	s0 =	sadd.s32 s20, s9  }
0x6b: {  	s0 =	sshll.u32 s0, $0xB  }
0x6c: {  	s19 =	sadd.s32 $0x1, s19;
	s0 =	sadd.s32 s2, s0  }
0x6d: {  	[tilespmem:s11], [sflag:$0x2] =	stream.linear.gather [hbm4b:s0+s3], $0x4000, $0x38;
	[tilespmem:$0x10000] =	vst v63  }
.LBB2_9:
0x6e: {  	_ =	sfence.sel $0x180000  }
0x6f: {  	[bflag:$0x0] =	sbarrier.arrive $0xFFFF  }
0x70: {  	_ =	strace $0x90000047  }
0x71: {  	s0 =	stileid.u32;
	[bflag:$0x2] =	sbarrier.arrive $0xFFFF  }
0x72: {  	p0 =	sne.s32 s0, $0x0;
	s0 =	rddreg [dreg:$0x2]  }
0x73: {  	s0 =	sadd.s32 @!p0 $0x100000, s0  }
0x74: {  	[sflag:s0] =	ssyncadd.tile.s32 @!p0 $0x1;
	_ =	shalt  }
.Lfunc_end2:
_tile_overlayer_lowered:
.L_overlay_start_2:
0x75: {  	(tag) =	ssettag $0x2  }
0x76: {  	s0 =	rddreg [dreg:$0x0];
	s2 =	stileid.u32  }
0x77: {  	s1 =	rddreg [dreg:$0x1];
	p0 =	sne.s32 s2, $0x0  }
0x78: {  	s3 =	rddreg [dreg:$0x2];
	[bflag:$0x3] =	sbarrier.arrive $0xFFFF;
	s2 =	simm.s32 @!p0 $0x1C05  }
0x79: {  	[timem:s3], [sflag:s2] =	dma.local @!p0 [hbm:s0], s1  }
0x7a: {  	s0 =	simm.s32 @!p0 $0x5  }
0x7b: {  	_ =	swait.ge @!p0 [sflag:s0], s1  }
0x7c: {  	s1 =	ssub.s32 @!p0 $0x0, s1;
	[sflag:s0] =	ssyncset.done @!p0 $0x0  }
0x7d: {  	[sflag:s0] =	ssyncadd.s32 @!p0 s1  }
0x7e: {  	[bflag:$0x3] =	sbarrier.arrive $0xFFFF  }
0x7f: {  	_ =	shalt  }

// kernel: kernel.7.cloned.1.call-start
scs
__scs_entry_jumppad:
0x0: {  	(pc) =	sbr.rel $0x88, $3  }
0x1: {  	(tag) =	ssettag $0x0;
	lr =	simm.s32 $0x1  }
0x2: {  	[smem:$0x3F9F] =	sst lr;
	_ =	strace $0xD0000000  }
0x3: {  	_ = 	snop  }
0x4: {  	_ = 	snop  }
0x5: {  	_ = 	snop  }
0x6: {  	_ = 	snop  }
0x7: {  	_ = 	snop  }
__scs_overlays_trampoline_lowered:
0x8: {  	[smem:$0x3FAE] =	sst s0  }
0x9: {  	[smem:$0x3FAF] =	sst s1  }
0xa: {  	[smem:$0x3FB0] =	sst s2  }
0xb: {  	[smem:$0x3FB1] =	sst s3  }
0xc: {  	[smem:$0x3FB2] =	sst s4  }
0xd: {  	[smem:$0x3FB3] =	sst s5  }
0xe: {  	[smem:$0x3FB4] =	sst s6  }
0xf: {  	[smem:$0x3FB5] =	sst s7  }
0x10: {  	[smem:$0x3FB6] =	sst s8  }
0x11: {  	[smem:$0x3FB7] =	sst s9;
	s0 =	simm.s32 @!p0 $0x0  }
0x12: {  	s1 =	sld [smem:$0x3F9D];
	s0 =	simm.s32 @p0 $0x1  }
0x13: {  	[smem:$0x3FB8] =	sst s0;
	s0 =	simm.s32 @!p1 $0x0  }
0x14: {  	s2 =	sld [smem:$0x3F9C];
	s0 =	simm.s32 @p1 $0x1  }
0x15: {  	[smem:$0x3FB9] =	sst s0;
	s0 =	simm.s32 @!p2 $0x0  }
0x16: {  	s3 =	sld [smem:$0x3FDB];
	s0 =	simm.s32 @p2 $0x1  }
0x17: {  	s4 =	simm.s32 $0x1BF5;
	[smem:$0x3FBB] =	sst s0  }
0x18: {  	s0 =	sld [smem:$0x3F9E];
	_ =	swait.ge [sflag:s4], $0x0  }
0x19: {  	s7 =	sld [smem:$0x3F9F]  }
0x1a: {  	s8 =	sadd.s32 $0xFFFFE003, lr  }
0x1b: {  	s9 =	sadd.s32 $0xFFFFFEF7, lr;
	s5 =	simm.s32 $0xFFFFFFFF;
	p2 =	slt.u32 s8, $0xFFFFF086  }
0x1c: {  	p1 =	slt.u32 s9, $0xF7A;
	s5 =	simm.s32 @!p2 $0x0  }
0x1d: {  	s5 =	simm.s32 @p1 $0x1;
	p0 =	seq.s32 s7, s2  }
0x1e: {  	s7 =	smul.u32 @!p0 $0xF7A, s2;
	p2 =	seq.s32 @!p0 s5, $0x0  }
0x1f: {  	s9 =	smul.u32 $0xF7A, s1;
	s8 =	simm.s32 @!p0 $0x1BF5;
	p2 =	por !p2, p0  }
0x20: {  	[sflag:s8] =	ssyncset.s32 @!p0 $0xFFFFF086;
	s6 =	sadd.s32 @!p0 s3, s7;
	s7 =	simm.s32 @!p0 $0x108  }
0x21: {  	s3 =	sadd.s32 s3, s9;
	s6 =	sadd.s32 @!p0 $0x88, s6;
	s7 =	simm.s32 @p2 $0x1082  }
0x22: {  	[simem:s7], [sflag:s8] =	dma.local @!p0 [hbm:s6], $0xF7A  }
0x23: {  	s9 =	sor.u32 $0xD0000000, s2;
	s6 =	simm.s32 $0x108;
	_ =	swait.ge @!p0 [sflag:s8], $0x0  }
0x24: {  	s3 =	sadd.s32 $0x88, s3;
	s6 =	simm.s32 @!p1 $0x1082;
	[sflag:s4] =	ssyncset.s32 $0xFFFFF086  }
0x25: {  	[simem:s6], [sflag:s4] =	dma.local [hbm:s3], $0xF7A  }
0x26: {  	[smem:$0x3F9F] =	sst s1;
	(tag) =	ssettag s2;
	_ =	strace s9  }
0x27: {  	s1 =	sld [smem:$0x3FAF]  }
0x28: {  	s2 =	sld [smem:$0x3FB0]  }
0x29: {  	s4 =	sld [smem:$0x3FB2]  }
0x2a: {  	p0 =	seq.s32 s5, $0x0;
	s5 =	sld [smem:$0x3FB3]  }
0x2b: {  	s6 =	sld [smem:$0x3FB4]  }
0x2c: {  	s7 =	sld [smem:$0x3FB5]  }
0x2d: {  	s3 =	simm.s32 $0x108;
	s8 =	sld [smem:$0x3FB6]  }
0x2e: {  	s3 =	simm.s32 @!p0 $0x1082;
	s9 =	sld [smem:$0x3FB7]  }
0x2f: {  	lr =	sadd.s32 s0, s3;
	s0 =	sld [smem:$0x3FAE]  }
0x30: {  	s3 =	sld [smem:$0x3FB1]  }
0x31: {  	[smem:$0x3FBA] =	sst s10  }
0x32: {  	s10 =	sld [smem:$0x3FB8];
	_ =	sdelay $0x3  }
0x33: {  	p0 =	seq.s32 s10, $0x1;
	s10 =	sld [smem:$0x3FBA];
	_ =	sdelay $0x3  }
0x34: {  	[smem:$0x3FBA] =	sst s10  }
0x35: {  	s10 =	sld [smem:$0x3FB9];
	_ =	sdelay $0x3  }
0x36: {  	p1 =	seq.s32 s10, $0x1;
	s10 =	sld [smem:$0x3FBA];
	_ =	sdelay $0x3  }
0x37: {  	[smem:$0x3FBA] =	sst s10  }
0x38: {  	s10 =	sld [smem:$0x3FBB]  }
0x39: {  	_ = 	snop;
	(pc) =	sbr.ind lr, $3  }
0x3a: {  	_ = 	snop  }
0x3b: {  	_ = 	snop  }
0x3c: {  	p2 =	seq.s32 s10, $0x1;
	s10 =	sld [smem:$0x3FBA]  }
0x3d: {  	_ =	shalt  }
0x3e: {  	_ =	shalt  }
0x3f: {  	_ =	shalt  }
0x40: {  	_ =	shalt  }
0x41: {  	_ =	shalt  }
0x42: {  	_ =	shalt  }
0x43: {  	_ =	shalt  }
0x44: {  	_ =	shalt  }
0x45: {  	_ =	shalt  }
0x46: {  	_ =	shalt  }
0x47: {  	_ =	shalt  }
0x48: {  	_ =	shalt  }
0x49: {  	_ =	shalt  }
0x4a: {  	_ =	shalt  }
0x4b: {  	_ =	shalt  }
0x4c: {  	_ =	shalt  }
0x4d: {  	_ =	shalt  }
0x4e: {  	_ =	shalt  }
0x4f: {  	_ =	shalt  }
0x50: {  	_ =	shalt  }
0x51: {  	_ =	shalt  }
0x52: {  	_ =	shalt  }
0x53: {  	_ =	shalt  }
0x54: {  	_ =	shalt  }
0x55: {  	_ =	shalt  }
0x56: {  	_ =	shalt  }
0x57: {  	_ =	shalt  }
0x58: {  	_ =	shalt  }
0x59: {  	_ =	shalt  }
0x5a: {  	_ =	shalt  }
0x5b: {  	_ =	shalt  }
0x5c: {  	_ =	shalt  }
0x5d: {  	_ =	shalt  }
0x5e: {  	_ =	shalt  }
0x5f: {  	_ =	shalt  }
0x60: {  	_ =	shalt  }
0x61: {  	_ =	shalt  }
0x62: {  	_ =	shalt  }
0x63: {  	_ =	shalt  }
0x64: {  	_ =	shalt  }
0x65: {  	_ =	shalt  }
0x66: {  	_ =	shalt  }
0x67: {  	_ =	shalt  }
0x68: {  	_ =	shalt  }
0x69: {  	_ =	shalt  }
0x6a: {  	_ =	shalt  }
0x6b: {  	_ =	shalt  }
0x6c: {  	_ =	shalt  }
0x6d: {  	_ =	shalt  }
0x6e: {  	_ =	shalt  }
0x6f: {  	_ =	shalt  }
0x70: {  	_ =	shalt  }
0x71: {  	_ =	shalt  }
0x72: {  	_ =	shalt  }
0x73: {  	_ =	shalt  }
0x74: {  	_ =	shalt  }
0x75: {  	_ =	shalt  }
0x76: {  	_ =	shalt  }
0x77: {  	_ =	shalt  }
0x78: {  	_ =	shalt  }
0x79: {  	_ =	shalt  }
0x7a: {  	_ =	shalt  }
0x7b: {  	_ =	shalt  }
0x7c: {  	_ =	shalt  }
0x7d: {  	_ =	shalt  }
0x7e: {  	_ =	shalt  }
0x7f: {  	_ =	shalt  }
0x80: {  	_ =	shalt  }
0x81: {  	_ =	shalt  }
0x82: {  	_ =	shalt  }
0x83: {  	_ =	shalt  }
0x84: {  	_ =	shalt  }
0x85: {  	_ =	shalt  }
0x86: {  	_ =	shalt  }
0x87: {  	_ =	shalt  }
.Lfunc_end0:
.L_simem_size_0:
called_computation.1_lowered:
.L_overlay_start_0:
0x88: {  	s2 =	sld [smem:$0x3FD9]  }
0x89: {  	s3 =	sld [smem:$0x3FFE];
	_ =	sdelay $0x1  }
0x8a: {  	s1 =	srdreg.scid  }
0x8b: {  	s0 =	sand.u32 $0x1, s1  }
0x8c: {  	s17 =	sshll.u32 s0, $0xA;
	s2 =	sadd.s32 s3, s2  }
0x8d: {  	s2 =	sadd.s32 s2, s17  }
0x8e: {  	[smem:$0x3FC6] =	sst s2  }
0x8f: {  	_ = 	snop  }
0x90: {  	s2 =	sld [smem:$0x3FD0];
	(tm) =	ssettm $0x1  }
0x91: {  	s18 =	sld [smem:$0x3FFB];
	_ =	sdelay $0x3  }
0x92: {  	_ =	strace s18  }
0x93: {  	s3 =	sld [smem:$0x3FFC];
	_ =	sdelay $0x3  }
0x94: {  	_ =	strace s3  }
0x95: {  	s3 =	sld [smem:$0x3FFD];
	_ =	sdelay $0x3  }
0x96: {  	_ =	strace s3  }
0x97: {  	_ =	strace $0x8FFFFFFF  }
0x98: {  	s19 =	sld [smem:$0x3FDB];
	_ =	sdelay $0x1  }
0x99: {  	s4 =	simm.s32 $_scs_section_size  }
0x9a: {  	s5 =	simm.s32 $_size__tile_overlayer_lowered;
	s6 =	simm.s32 $_tile_overlayer_lowered  }
0x9b: {  	s22 =	simm.s32 $0x1BFF;
	s21 =	sshll.u32 s6, $0x1;
	s3 =	sadd.s32 s4, s19  }
0x9c: {  	s7 =	simm.s32 $0x0;
	s20 =	sshll.u32 s5, $0x1;
	s5 =	sadd.s32 s21, s3  }
0x9d: {  	[timem:s7], [sflag:s22] =	dma.local [hbm:s5], s20  }
0x9e: {  	_ =	swait.ge [sflag:s22], s20  }
0x9f: {  	s4 =	ssub.s32 $0x0, s20;
	[sflag:s22] =	ssyncset.done $0x0  }
0xa0: {  	[sflag:s22] =	ssyncadd.s32 s4;
	_ =	sdelay $0x1  }
0xa1: {  	s23 =	simm.s32 $0x1B8B  }
0xa2: {  	_ =	swait.ge [sflag:s23], $0x1  }
0xa3: {  	[sflag:s23] =	ssyncset.done $0x0  }
0xa4: {  	s25 =	simm.s32 $0x1B8E;
	s24 =	sld [smem:$0x3FFE];
	[sflag:s23] =	ssyncadd.s32 $0xFFFFFFFF  }
0xa5: {  	s26 =	simm.s32 $execute0_lowered;
	[smem:$0x3FD2] =	sst s25  }
0xa6: {  	s5 =	sshll.u32 s26, $0x1;
	_ =	strace $0x80000049;
	[dreg:$0x1] =	wrdreg $0xFFFFFFFF  }
0xa7: {  	s28 =	simm.s32 $_size_execute0_lowered;
	s3 =	sadd.s32 s3, s5;
	[dreg:$0x0] =	wrdreg $0x0  }
0xa8: {  	s5 =	sshll.u32 s28, $0x1;
	[dreg:$0x2] =	wrdreg s3  }
0xa9: {  	[dreg:$0x3] =	wrdreg s5  }
0xaa: {  	[dreg:$0x4] =	wrdreg $0xC0  }
0xab: {  	_ =	task [dreg:s7], $0x5FFFF  }
0xac: {  	[dreg:$0x1] =	wrdreg $0xFFFFFFFF  }
0xad: {  	[dreg:$0x0] =	wrdreg $0x60  }
0xae: {  	[dreg:$0x2] =	wrdreg s24  }
0xaf: {  	[dreg:$0x3] =	wrdreg s2  }
0xb0: {  	[dreg:$0x4] =	wrdreg $0x9  }
0xb1: {  	_ =	task.clear_ibuf [dreg:s7], $0x5FFFF;
	_ =	strace $0x90000049  }
0xb2: {  	s29 =	simm.s32 $0x9;
	_ =	strace $0x8000004B  }
0xb3: {  	_ =	swait.ge [sflag:s29], $0x1  }
0xb4: {  	[sflag:s29] =	ssyncadd.s32 $0xFFFFFFFF  }
0xb5: {  	_ =	strace $0x9000004B  }
0xb6: {  	_ =	sfence  }
0xb7: {  	s30 =	sld [smem:$0x0];
	_ =	sdelay $0x2  }
0xb8: {  	s31 =	sshll.u32 s1, $0xD;
	s1 =	sshrl.u32 s1, $0x2  }
0xb9: {  	s3 =	sand.u32 $0x4000, s31;
	s1 =	sadd.s32 s1, s30  }
0xba: {  	s0 =	sor.u32 s3, s0;
	s1 =	sshll.u32 s1, $0x11  }
0xbb: {  	s0 =	sor.u32 s1, s0  }
0xbc: {  	s0 =	sadd.s32 $0x8F2B, s0  }
0xbd: {  	[sflag:s0] =	ssyncadd.remote.s32 $0x1  }
0xbe: {  	_ =	sfence.sel $0xFFFF  }
0xbf: {  	[dreg:$0x0] =	wrdreg $0xFFFFFFFF;
	(pc) =	sbr.abs _section_cstart, $3  }
0xc0: {  	[dreg:$0x1] =	wrdreg $0xFFFFFFFF  }
0xc1: {  	_ =	task.clear_ibuf [dreg:s7], $0x2FFFF;
	_ =	strace $0x9FFFFFFF  }
0xc2: {  	(tm) =	ssettm $0x7FFFFFFF  }
0xc3: {  	_ =	shalt  }
tec
execute0_lowered:
.L_overlay_start_1:
0x0: {  	(tag) =	ssettag $0x1  }
0x1: {  	s0 =	srdreg.scid  }
0x2: {  	s2 =	stileid.u32;
	s1 =	rddreg [dreg:$0x0]  }
0x3: {  	s4 =	rddreg [dreg:$0x1];
	s11 =	simm.s32 $0x0;
	s12 =	simm.s32 $0x3  }
0x4: {  	s13 =	simm.s32 $0x4000;
	s15 =	simm.s32 $0x8000;
	s19 =	simm.s32 $0xC000  }
0x5: {  	s21 =	simm.s32 $0x10000;
	s0 =	sand.u32 $0x1, s0;
	s2 =	sshll.u32 s2, $0x1  }
0x6: {  	[smem:$0x7FF] =	sst s11;
	s6 =	sadd.s32 $0x400A00, s1;
	s2 =	sor.u32 s0, s2  }
0x7: {  	s1 =	sadd.s32 $0xA00, s1;
	s0 =	ssub.s32 $0x2, s0;
	s2 =	smul.u32 $0x7A80, s2  }
0x8: {  	_ =	strace $0x8000004A;
	[dreg:$0x5] =	wrdreg s1;
	s25 =	sshrl.u32 s0, $0x1  }
0x9: {  	[dreg:$0x4] =	wrdreg s6;
	s0 =	ssub.s32 s0, s25;
	s5 =	smin.u32 s2, $0xEC800  }
0xa: {  	s24 =	simm.s32 $0x6000;
	s0 =	smax.u32 s0, $0x1;
	[dreg:$0x3] =	wrdreg s5  }
0xb: {  	s29 =	simm.s32 $0xE000;
	s28 =	sadd.s32 s4, s5;
	[dreg:$0x9] =	wrdreg s0  }
0xc: {  	s3 =	sshrl.u32 s5, $0x2;
	s30 =	sadd.s32 $0x800, s5;
	[dreg:$0x7] =	wrdreg s28  }
0xd: {  	v0 =	vlaneseq.u32;
	s31 =	simm.s32 $0x12000;
	s26 =	sadd.s32 s6, s3;
	[dreg:$0x8] =	wrdreg s30  }
0xe: {  	v0 =	vmul.u32 $0x8, v0;
	s1 =	simm.s32 $0x0;
	[dreg:$0x6] =	wrdreg s26;
	s26 =	simm.s32 $0xA000  }
.LBB2_1:
0xf: {  	[dreg:$0xa] =	wrdreg s1  }
0x10: {  	s0 =	rddreg [dreg:$0x6];
	s5 =	sand.u32 $0x7, s11  }
0x11: {  	p0 =	por $0x0, $0x0;
	s1 =	simm.s32 $0x1;
	s2 =	sand.u32 $0x3, s11  }
0x12: {  	[tilespmem:s11], [sflag:$0x3] =	stream.linear.gather [hbm4b:s0+s11], $0x800, $0x38;
	[tilespmem:$0x18000] =	vst v63  }
0x13: {  	s3 =	simm.s32 $0x30;
	s0 =	sshll.u32 s5, $0x4;
	s1 =	simm.s32 @!p0 $0x0  }
0x14: {  	s2 =	sshll.u32 s2, $0x5;
	_ =	swait.ge [sflag:s12], $0x800;
	s0 =	sadd.s32 $0x0, s0  }
0x15: {  	s5 =	sand.u32 $0x700, s11;
	[sflag:s12] =	ssyncset.done $0x0;
	s4 =	sadd.s32 $0x30, s0  }
0x16: {  	s3 =	sand.u32 $0x70, s3;
	[sflag:s12] =	ssyncadd.s32 $0xFFFFF800;
	s4 =	sor.u32 $0x80, s4  }
0x17: {  	s2 =	sadd.s32 $0x0, s2;
	s3 =	sor.u32 s3, s5;
	s0 =	sadd.s32 $0x10, s0;
	v1 =	vld [tilespmem:s4+$0x0]  }
0x18: {  	s1 =	sshll.u32 s1, $0x6;
	s2 =	sadd.s32 $0x20, s2;
	s0 =	sor.u32 $0x80, s0;
	v2 =	vld [tilespmem:s3+$0x0]  }
0x19: {  	s1 =	sadd.s32 $0x0, s1;
	s7 =	sor.u32 $0x80, s2;
	v3 =	vld [tilespmem:s0+$0x0]  }
0x1a: {  	s8 =	simm.s32 $0x20;
	s10 =	sand.u32 $0x40, s11;
	s1 =	sor.u32 $0x80, s1;
	v4 =	vld [tilespmem:s7+$0x0]  }
0x1b: {  	s11 =	sor.u32 s10, s5;
	s2 =	sand.u32 $0x60, s8;
	v5 =	vld [tilespmem:s1+$0x0]  }
0x1c: {  	s6 =	simm.s32 $0x10;
	s2 =	sor.u32 s2, s5;
	v8 =	vld [tilespmem:s11+$0x0]  }
0x1d: {  	s3 =	sand.u32 $0x50, s6;
	v7 =	vld [tilespmem:s2+$0x0]  }
0x1e: {  	s9 =	sor.u32 s3, s5  }
0x1f: {  	v6 =	vld [tilespmem:s9+$0x0];
	v1 =	vmul.f32 $2.047000000e+03, v1  }
0x20: {  	v2 =	vmul.f32 $2.047000000e+03, v2;
	v3 =	vmul.f32 $2.047000000e+03, v3  }
0x21: {  	v4 =	vmul.f32 $2.047000000e+03, v4;
	v5 =	vmul.f32 $2.047000000e+03, v5  }
0x22: {  	v8 =	vmul.f32 $2.047000000e+03, v8;
	v7 =	vmul.f32 $2.047000000e+03, v7  }
0x23: {  	v9 =	vtrunc.f32 v1;
	v10 =	vtrunc.f32 v2  }
0x24: {  	v6 =	vmul.f32 $2.047000000e+03, v6;
	v12 =	vtrunc.f32 v3  }
0x25: {  	v13 =	vtrunc.f32 v4;
	v14 =	vtrunc.f32 v5  }
0x26: {  	v18 =	vtrunc.f32 v8;
	v9 =	vcvt.f32.s32 v9  }
0x27: {  	v10 =	vcvt.f32.s32 v10;
	v12 =	vcvt.f32.s32 v12  }
0x28: {  	v14 =	vcvt.f32.s32 v14;
	v13 =	vcvt.f32.s32 v13  }
0x29: {  	v16 =	vtrunc.f32 v7;
	v18 =	vcvt.f32.s32 v18  }
0x2a: {  	v16 =	vcvt.f32.s32 v16;
	v11 =	vshll.u32 v9, $0xB;
	v19 =	vshll.u32 v12, $0xB  }
0x2b: {  	v20 =	vshll.u32 v13, $0xB;
	v12 =	vcvt.s32.f32 v12;
	v13 =	vcvt.s32.f32 v13  }
0x2c: {  	v21 =	vshll.u32 v14, $0xB;
	v14 =	vcvt.s32.f32 v14;
	v9 =	vcvt.s32.f32 v9  }
0x2d: {  	v11 =	vadd.s32 v10, v11;
	v21 =	vadd.s32 v18, v21;
	v20 =	vadd.s32 v16, v20  }
0x2e: {  	s2 =	simm.s32 $0x4;
	v22 =	vcvt.s32.f32 v16;
	vm0 =	vgt.s32 v11, $0x0;
	vm2 =	vgt.s32 v20, $0x0  }
0x2f: {  	s14 =	sand.u32 $0x7, s2;
	vm1 =	vgt.s32 v21, $0x0;
	v11 =	vnsel vm0, $0x0, v11;
	v16 =	vnsel vm2, $0x0, v20  }
0x30: {  	s17 =	simm.s32 $0x70;
	p0 =	por !p0, !p0;
	s0 =	sshll.u32 s14, $0x4;
	v20 =	vcvt.s32.f32 v10;
	v15 =	vmin.u32 v11, $0x3FF7FE;
	v11 =	vtrunc.f32 v6  }
0x31: {  	s10 =	simm.s32 $0x0;
	s4 =	sand.u32 $0x70, s17;
	s0 =	sadd.s32 $0x80, s0;
	v25 =	vsub.f32 v3, v12;
	v12 =	vsub.f32 v4, v13;
	v11 =	vcvt.f32.s32 v11  }
0x32: {  	s9 =	simm.s32 $0x2;
	s18 =	sadd.s32 $0x30, s0;
	s0 =	sadd.s32 $0x10, s0;
	v10 =	vsub.f32 v5, v14;
	v17 =	vadd.s32 $0x801, v15;
	v14 =	vsub.f32 v2, v20  }
0x33: {  	s16 =	sand.u32 $0x3, s9;
	s14 =	simm.s32 $0x80;
	s0 =	sor.u32 $0x80, s0;
	v20 =	vadd.s32 $0x800, v15;
	v19 =	vadd.s32 v11, v19;
	v11 =	vcvt.s32.f32 v11  }
0x34: {  	s3 =	sshll.u32 s16, $0x5;
	s7 =	sand.u32 $0x700, s14;
	s5 =	sor.u32 $0x80, s18;
	v4 =	vld [tilespmem:s0+$0x0];
	[tilespmem:s10+$0x2830] =	vst v17;
	v17 =	vcvt.s32.f32 v18;
	v18 =	vnsel vm1, $0x0, v21;
	vm14 =	vgt.s32 v19, $0x0  }
0x35: {  	s1 =	simm.s32 $0x1;
	s3 =	sadd.s32 $0x80, s3;
	s4 =	sor.u32 s4, s7;
	[tilespmem:s10+$0x1030] =	vst v15;
	v21 =	vld [tilespmem:s5+$0x0];
	v23 =	vmin.u32 v18, $0x3FF7FE;
	v19 =	vnsel vm14, $0x0, v19;
	v13 =	vsub.f32 v6, v11  }
0x36: {  	s20 =	simm.s32 $0x50;
	s1 =	simm.s32 @!p0 $0x0;
	s3 =	sadd.s32 $0x20, s3;
	v24 =	vld [tilespmem:s4+$0x0];
	[tilespmem:s10+$0x2030] =	vst v20;
	v11 =	vsub.f32 v7, v22;
	v22 =	vadd.s32 $0x1, v23;
	v18 =	vmin.u32 v19, $0x3FF7FE  }
0x37: {  	s1 =	sshll.u32 s1, $0x6;
	s4 =	sand.u32 $0x50, s20;
	s22 =	sor.u32 $0x80, s3;
	[tilespmem:s10+$0x1800] =	vst v22;
	v3 =	vadd.s32 $0x1, v18  }
0x38: {  	s23 =	simm.s32 $0x60;
	s1 =	sadd.s32 $0x80, s1;
	s25 =	sor.u32 s4, s7;
	v5 =	vld [tilespmem:s22+$0x0];
	v19 =	vmin.u32 v16, $0x3FF7FE;
	v16 =	vsub.f32 v1, v9;
	v1 =	vadd.s32 $0x801, v18;
	[tilespmem:s10+$0x1810] =	vst v3  }
0x39: {  	s1 =	sor.u32 $0x80, s1;
	s16 =	simm.s32 $0x40;
	s3 =	sand.u32 $0x60, s23;
	v6 =	vld [tilespmem:s25+$0x0];
	v3 =	vadd.s32 $0x800, v18;
	[tilespmem:s10+$0x2810] =	vst v1  }
0x3a: {  	s28 =	sand.u32 $0x40, s16;
	s3 =	sor.u32 s3, s7;
	v4 =	vmul.f32 $2.047000000e+03, v4;
	v2 =	vmul.f32 $2.047000000e+03, v21;
	v1 =	vadd.s32 $0x1, v19;
	[tilespmem:s10+$0x2010] =	vst v3;
	v3 =	vld [tilespmem:s1+$0x0]  }
0x3b: {  	s30 =	sor.u32 s28, s7;
	v7 =	vsub.f32 v8, v17;
	v17 =	vld [tilespmem:s3+$0x0];
	v8 =	vadd.s32 $0x800, v19;
	[tilespmem:s10+$0x1820] =	vst v1;
	v1 =	vmul.f32 $2.047000000e+03, v24  }
0x3c: {  	v20 =	vtrunc.f32 v4;
	v21 =	vld [tilespmem:s30+$0x0];
	[tilespmem:s10+$0x2020] =	vst v8;
	v8 =	vadd.s32 $0x1, v15;
	v15 =	vtrunc.f32 v2  }
0x3d: {  	[tilespmem:s10+$0x1010] =	vst v18;
	v9 =	vadd.s32 $0x801, v19;
	v18 =	vcvt.f32.s32 v15;
	v24 =	vtrunc.f32 v1  }
0x3e: {  	v26 =	vadd.s32 $0x800, v23;
	v22 =	vcvt.f32.s32 v20;
	[tilespmem:s10+$0x2820] =	vst v9;
	v15 =	vcvt.f32.s32 v24  }
0x3f: {  	v9 =	vmul.f32 $2.047000000e+03, v5;
	[tilespmem:s10+$0x1830] =	vst v8;
	v5 =	vshll.u32 v18, $0xB;
	v8 =	vmul.f32 $2.047000000e+03, v3  }
0x40: {  	[tilespmem:s10+$0x3810] =	vst v25;
	v3 =	vmul.f32 $2.047000000e+03, v6;
	v6 =	vmul.f32 $2.047000000e+03, v17;
	v17 =	vadd.s32 v15, v5  }
0x41: {  	[tilespmem:s10+$0x1000] =	vst v23;
	v5 =	vmul.f32 $2.047000000e+03, v21;
	v21 =	vtrunc.f32 v9;
	vm15 =	vgt.s32 v17, $0x0  }
0x42: {  	[tilespmem:s10+$0x2000] =	vst v26;
	v24 =	vadd.s32 $0x801, v23;
	v21 =	vcvt.f32.s32 v21;
	v17 =	vnsel vm15, $0x0, v17  }
0x43: {  	[tilespmem:s10+$0x2800] =	vst v24;
	v24 =	vtrunc.f32 v8;
	v20 =	vtrunc.f32 v3;
	v17 =	vmin.u32 v17, $0x3FF7FE  }
0x44: {  	s18 =	simm.s32 $0x40;
	[tilespmem:s10+$0x1020] =	vst v19;
	v23 =	vtrunc.f32 v5;
	v19 =	vcvt.f32.s32 v24;
	v26 =	vadd.s32 $0x801, v17  }
0x45: {  	p0 =	por !p0, !p0;
	s3 =	simm.s32 $0x100;
	v25 =	vshll.u32 v22, $0xB;
	s1 =	simm.s32 $0x4;
	v24 =	vtrunc.f32 v6;
	v20 =	vcvt.f32.s32 v20;
	[tilespmem:s18+$0x2830] =	vst v26  }
.LBB2_2:
0x46: {  	s0 =	simm.s32 $0x1  }
0x47: {  	v23 =	vcvt.f32.s32 v23;
	v24 =	vcvt.f32.s32 v24;
	v26 =	vshll.u32 v21, $0xB;
	[tilespmem:s18+$0x1030] =	vst v17;
	s9 =	sadd.s32 $0x2, s9;
	s0 =	simm.s32 @!p0 $0x0  }
0x48: {  	v27 =	vshll.u32 v19, $0xB;
	v22 =	vcvt.s32.f32 v22;
	s2 =	sadd.s32 $0x4, s2;
	s4 =	sand.u32 $0x3, s9;
	v25 =	vadd.s32 v20, v25;
	s0 =	sshll.u32 s0, $0x6;
	[tilespmem:s10+$0x3820] =	vst v12  }
0x49: {  	s1 =	sadd.s32 $0x4, s1;
	s5 =	sand.u32 $0x7, s2;
	s4 =	sshll.u32 s4, $0x5;
	v12 =	vadd.s32 v23, v27;
	vm0 =	vgt.s32 v25, $0x0;
	v26 =	vadd.s32 v24, v26;
	[tilespmem:s10+$0x3830] =	vst v16  }
0x4a: {  	s14 =	sadd.s32 $0x80, s14;
	p1 =	slt.u32 s1, $0x3C;
	s5 =	sshll.u32 s5, $0x4;
	vm1 =	vgt.s32 v12, $0x0;
	v16 =	vcvt.s32.f32 v21;
	vm2 =	vgt.s32 v26, $0x0;
	[tilespmem:s10+$0x3800] =	vst v10  }
0x4b: {  	v18 =	vcvt.s32.f32 v18;
	s16 =	sadd.s32 $0x40, s16;
	s5 =	sadd.s32 s14, s5;
	s4 =	sadd.s32 s14, s4;
	v10 =	vcvt.s32.f32 v19;
	v19 =	vnsel vm0, $0x0, v25;
	[tilespmem:s10+$0x3010] =	vst v13  }
0x4c: {  	s8 =	sadd.s32 $0x30, s16;
	s7 =	sadd.s32 $0x10, s5;
	s5 =	sadd.s32 $0x30, s5;
	v21 =	vnsel vm2, $0x0, v26;
	v13 =	vcvt.s32.f32 v20;
	v20 =	vcvt.s32.f32 v24;
	[tilespmem:s10+$0x3020] =	vst v11  }
0x4d: {  	v15 =	vcvt.s32.f32 v15;
	s11 =	sand.u32 $0x700, s14;
	s8 =	sand.u32 $0x70, s8;
	v23 =	vcvt.s32.f32 v23;
	s5 =	sor.u32 $0x80, s5;
	v11 =	vnsel vm1, $0x0, v12;
	[tilespmem:s10+$0x3030] =	vst v14  }
0x4e: {  	s0 =	sadd.s32 s0, s14;
	s8 =	sor.u32 s8, s11;
	s4 =	sadd.s32 $0x20, s4;
	v25 =	vmin.u32 v11, $0x3FF7FE;
	v11 =	vmin.u32 v19, $0x3FF7FE;
	v19 =	vmin.u32 v21, $0x3FF7FE;
	v24 =	vld [tilespmem:s5+$0x0];
	[tilespmem:s10+$0x3000] =	vst v7  }
0x4f: {  	v26 =	vsub.f32 v4, v22;
	s7 =	sor.u32 $0x80, s7;
	v12 =	vsub.f32 v9, v16;
	s5 =	sadd.s32 $0x10, s16;
	s10 =	sadd.s32 $0x20, s16;
	v4 =	vadd.s32 $0x1, v11;
	v21 =	vld [tilespmem:s8+$0x0];
	[tilespmem:s18+$0x1010] =	vst v11  }
0x50: {  	s0 =	sor.u32 $0x80, s0;
	s4 =	sor.u32 $0x80, s4;
	v10 =	vsub.f32 v8, v10;
	v16 =	vsub.f32 v2, v18;
	s5 =	sand.u32 $0x50, s5;
	v9 =	vld [tilespmem:s7+$0x0];
	[tilespmem:s18+$0x1810] =	vst v4;
	v4 =	vadd.s32 $0x800, v11  }
0x51: {  	v13 =	vsub.f32 v3, v13;
	v2 =	vadd.s32 $0x801, v11;
	s8 =	sand.u32 $0x60, s10;
	s7 =	sand.u32 $0x40, s16;
	s5 =	sor.u32 s5, s11;
	v11 =	vsub.f32 v6, v20;
	v8 =	vld [tilespmem:s4+$0x0];
	[tilespmem:s18+$0x2010] =	vst v4  }
0x52: {  	v14 =	vsub.f32 v1, v15;
	v7 =	vsub.f32 v5, v23;
	s10 =	smov.u32 s18;
	s4 =	sor.u32 s7, s11;
	v4 =	vadd.s32 $0x1, v19;
	v3 =	vld [tilespmem:s0+$0x0];
	s0 =	sor.u32 s8, s11;
	[tilespmem:s18+$0x2810] =	vst v2  }
0x53: {  	v6 =	vadd.s32 $0x801, v19;
	v5 =	vld [tilespmem:s5+$0x0];
	v2 =	vmul.f32 $2.047000000e+03, v24;
	[tilespmem:s10+$0x1820] =	vst v4;
	v4 =	vadd.s32 $0x800, v19  }
0x54: {  	v15 =	vadd.s32 $0x1, v17;
	v17 =	vadd.s32 $0x800, v17;
	v20 =	vld [tilespmem:s0+$0x0];
	v1 =	vmul.f32 $2.047000000e+03, v21;
	[tilespmem:s10+$0x2020] =	vst v4  }
0x55: {  	v22 =	vadd.s32 $0x1, v25;
	v21 =	vld [tilespmem:s4+$0x0];
	v4 =	vmul.f32 $2.047000000e+03, v9;
	v9 =	vtrunc.f32 v2;
	[tilespmem:s10+$0x2820] =	vst v6  }
0x56: {  	v23 =	vadd.s32 $0x800, v25;
	v6 =	vtrunc.f32 v1;
	v18 =	vcvt.f32.s32 v9;
	[tilespmem:s10+$0x1830] =	vst v15  }
0x57: {  	v24 =	vadd.s32 $0x801, v25;
	v9 =	vmul.f32 $2.047000000e+03, v8;
	v15 =	vcvt.f32.s32 v6;
	[tilespmem:s10+$0x2030] =	vst v17  }
0x58: {  	v8 =	vmul.f32 $2.047000000e+03, v3;
	v3 =	vmul.f32 $2.047000000e+03, v5;
	v5 =	vshll.u32 v18, $0xB;
	[tilespmem:s10+$0x1800] =	vst v22  }
0x59: {  	v17 =	vtrunc.f32 v4;
	v6 =	vmul.f32 $2.047000000e+03, v20;
	v20 =	vadd.s32 v15, v5;
	[tilespmem:s10+$0x2000] =	vst v23  }
.Ltmp0:
0x5a: {  	v5 =	vmul.f32 $2.047000000e+03, v21;
	v21 =	vtrunc.f32 v9;
	vm0 =	vgt.s32 v20, $0x0;
	[tilespmem:s10+$0x2800] =	vst v24;
	(pc) =	sbr.rel @p1 .LBB2_2-.Ltmp0, $4  }
0x5b: {  	v22 =	vcvt.f32.s32 v17;
	v23 =	vtrunc.f32 v8;
	v17 =	vnsel vm0, $0x0, v20;
	[tilespmem:s10+$0x1020] =	vst v19  }
0x5c: {  	s3 =	sadd.s32 $0x100, s3;
	v19 =	vcvt.f32.s32 v23;
	v21 =	vcvt.f32.s32 v21;
	v17 =	vmin.u32 v17, $0x3FF7FE;
	[tilespmem:s10+$0x1000] =	vst v25  }
0x5d: {  	s18 =	sshra.s32 s3, $0x2;
	v20 =	vtrunc.f32 v3;
	v24 =	vtrunc.f32 v6;
	v27 =	vadd.s32 $0x801, v17;
	[tilespmem:s10+$0x3810] =	vst v26  }
0x5e: {  	p0 =	por !p0, !p0;
	v23 =	vtrunc.f32 v5;
	v20 =	vcvt.f32.s32 v20;
	v25 =	vshll.u32 v22, $0xB;
	[tilespmem:s18+$0x2830] =	vst v27  }
0x5f: {  	[tilespmem:s18+$0x1030] =	vst v17  }
0x60: {  	[tilespmem:s10+$0x3820] =	vst v12  }
0x61: {  	[tilespmem:s10+$0x3830] =	vst v16  }
0x62: {  	[tilespmem:s10+$0x3800] =	vst v10  }
0x63: {  	[tilespmem:s10+$0x3010] =	vst v13  }
0x64: {  	[tilespmem:s10+$0x3020] =	vst v11  }
0x65: {  	[tilespmem:s10+$0x3030] =	vst v14;
	v56 =	vcvt.s32.f32 v22  }
0x66: {  	[tilespmem:s10+$0x3000] =	vst v7;
	v52 =	vadd.s32 $0x1, v17;
	v58 =	vcvt.s32.f32 v21  }
0x67: {  	v53 =	vadd.s32 $0x800, v17;
	v59 =	vcvt.s32.f32 v18;
	[tilespmem:s18+$0x1830] =	vst v52;
	v4 =	vsub.f32 v4, v56  }
0x68: {  	v60 =	vcvt.s32.f32 v19;
	[tilespmem:s18+$0x2030] =	vst v53;
	v9 =	vsub.f32 v9, v58  }
0x69: {  	v63 =	vcvt.s32.f32 v15;
	v2 =	vsub.f32 v2, v59;
	[tilespmem:s18+$0x3810] =	vst v4  }
0x6a: {  	v40 =	vadd.s32 v20, v25;
	v8 =	vsub.f32 v8, v60;
	[tilespmem:s18+$0x3820] =	vst v9  }
0x6b: {  	v61 =	vcvt.s32.f32 v20;
	vm0 =	vgt.s32 v40, $0x0;
	v1 =	vsub.f32 v1, v63;
	[tilespmem:s18+$0x3830] =	vst v2  }
0x6c: {  	v10 =	vnsel vm0, $0x0, v40;
	[tilespmem:s18+$0x3800] =	vst v8  }
0x6d: {  	v41 =	vcvt.f32.s32 v24;
	v3 =	vsub.f32 v3, v61;
	v10 =	vmin.u32 v10, $0x3FF7FE;
	[tilespmem:s18+$0x3030] =	vst v1  }
0x6e: {  	v42 =	vshll.u32 v21, $0xB;
	[tilespmem:s18+$0x1010] =	vst v10  }
0x6f: {  	v11 =	vadd.s32 v41, v42;
	v43 =	vadd.s32 $0x1, v10;
	[tilespmem:s18+$0x3010] =	vst v3  }
0x70: {  	v62 =	vcvt.s32.f32 v41;
	vm14 =	vgt.s32 v11, $0x0;
	v44 =	vadd.s32 $0x800, v10;
	[tilespmem:s18+$0x1810] =	vst v43  }
0x71: {  	v11 =	vnsel vm14, $0x0, v11;
	v46 =	vadd.s32 $0x801, v10;
	[tilespmem:s18+$0x2010] =	vst v44  }
0x72: {  	v45 =	vcvt.f32.s32 v23;
	v4 =	vsub.f32 v6, v62;
	v11 =	vmin.u32 v11, $0x3FF7FE;
	[tilespmem:s18+$0x2810] =	vst v46  }
0x73: {  	[tilespmem:s18+$0x1020] =	vst v11  }
0x74: {  	v47 =	vshll.u32 v19, $0xB;
	v2 =	vcvt.s32.f32 v45;
	v48 =	vadd.s32 $0x1, v11;
	[tilespmem:s18+$0x3020] =	vst v4  }
0x75: {  	v10 =	vadd.s32 v45, v47;
	v49 =	vadd.s32 $0x800, v11;
	[tilespmem:s18+$0x1820] =	vst v48  }
0x76: {  	vm15 =	vgt.s32 v10, $0x0;
	v50 =	vadd.s32 $0x801, v11;
	v2 =	vsub.f32 v5, v2;
	[tilespmem:s18+$0x2020] =	vst v49  }
0x77: {  	v51 =	vnsel vm15, $0x0, v10;
	[tilespmem:s18+$0x2820] =	vst v50  }
0x78: {  	v7 =	vmin.u32 v51, $0x3FF7FE;
	[tilespmem:s18+$0x3000] =	vst v2  }
0x79: {  	v54 =	vadd.s32 $0x1, v7;
	[tilespmem:s18+$0x1000] =	vst v7  }
0x7a: {  	v55 =	vadd.s32 $0x800, v7;
	[tilespmem:s18+$0x1800] =	vst v54  }
0x7b: {  	v57 =	vadd.s32 $0x801, v7;
	[tilespmem:s18+$0x2000] =	vst v55  }
0x7c: {  	[tilespmem:s18+$0x2800] =	vst v57  }
0x7d: {  	s1 =	simm.s32 $0x400;
	s2 =	simm.s32 $0x1000;
	s0 =	rddreg [dreg:$0x5]  }
0x7e: {  	[tilespmem:s13], [sflag:$0x1] =	stream.indirect.gather [hbm4b:s0+s1], $0x8, s2, s1, $0xb8;
	[tilespmem:$0x18000] =	vst v63  }
0x7f: {  	s25 =	simm.s32 $0x1800  }
0x80: {  	[tilespmem:s15], [sflag:$0x1] =	stream.indirect.gather [hbm4b:s0+s1], $0x8, s25, s1, $0xb8;
	[tilespmem:$0x18000] =	vst v63  }
0x81: {  	s28 =	simm.s32 $0x2000  }
0x82: {  	[tilespmem:s19], [sflag:$0x1] =	stream.indirect.gather [hbm4b:s0+s1], $0x8, s28, s1, $0xb8;
	[tilespmem:$0x18000] =	vst v63  }
0x83: {  	s30 =	simm.s32 $0x2800;
	s14 =	simm.s32 $0x0  }
0x84: {  	[tilespmem:s21], [sflag:$0x1] =	stream.indirect.gather [hbm4b:s0+s1], $0x8, s30, s1, $0xb8;
	[tilespmem:$0x18000] =	vst v63  }
.LBB2_4:
0x85: {  	[dreg:$0xb] =	wrdreg s14;
	s0 =	sshll.u32 s14, $0xB  }
0x86: {  	[dreg:$0xd] =	wrdreg s0;
	s0 =	sor.u32 $0x400, s0  }
0x87: {  	s1 =	rddreg [dreg:$0x3];
	s0 =	smin.u32 s0, $0x7680  }
0x88: {  	s17 =	rddreg [dreg:$0x4];
	s0 =	sadd.s32 s1, s0  }
0x89: {  	[dreg:$0xc] =	wrdreg s0;
	s0 =	sshrl.u32 s0, $0x2  }
0x8a: {  	s18 =	simm.s32 $0x800;
	s2 =	simm.s32 $0x0;
	s0 =	sadd.s32 s17, s0  }
0x8b: {  	[tilespmem:s18], [sflag:$0x3] =	stream.linear.gather [hbm4b:s0+s2], $0x800, $0x38;
	[tilespmem:$0x18000] =	vst v63  }
0x8c: {  	s20 =	sand.u32 $0x700, s2;
	s22 =	sand.u32 $0x40, s2;
	_ =	swait.ge [sflag:s12], $0x800  }
0x8d: {  	s23 =	sor.u32 $0x880, s20;
	s3 =	sor.u32 $0x10, s22;
	[sflag:s12] =	ssyncset.done $0x0  }
0x8e: {  	s4 =	sor.u32 s22, s23;
	s0 =	sor.u32 $0x800, s20;
	[sflag:s12] =	ssyncadd.s32 $0xFFFFF800  }
0x8f: {  	s5 =	sor.u32 $0x30, s22;
	s25 =	sor.u32 s3, s0;
	v1 =	vld [tilespmem:s4+$0x0]  }
0x90: {  	s7 =	sor.u32 $0x20, s22;
	s8 =	sor.u32 s5, s23;
	v2 =	vld [tilespmem:s25+$0x0]  }
0x91: {  	s6 =	sor.u32 s7, s0;
	v3 =	vld [tilespmem:s8+$0x0]  }
0x92: {  	s3 =	sor.u32 s3, s23;
	v4 =	vld [tilespmem:s6+$0x0]  }
0x93: {  	s2 =	sor.u32 s7, s23;
	v5 =	vld [tilespmem:s3+$0x0]  }
0x94: {  	s7 =	sor.u32 s5, s0;
	v6 =	vld [tilespmem:s2+$0x0]  }
0x95: {  	s0 =	sor.u32 s22, s0;
	v7 =	vld [tilespmem:s7+$0x0]  }
0x96: {  	v8 =	vld [tilespmem:s0+$0x0]  }
0x97: {  	v2 =	vmul.f32 $2.047000000e+03, v2  }
0x98: {  	v1 =	vmul.f32 $2.047000000e+03, v1;
	v3 =	vmul.f32 $2.047000000e+03, v3  }
0x99: {  	v5 =	vmul.f32 $2.047000000e+03, v5;
	v4 =	vmul.f32 $2.047000000e+03, v4  }
0x9a: {  	v11 =	vmul.f32 $2.047000000e+03, v6;
	v7 =	vmul.f32 $2.047000000e+03, v7  }
0x9b: {  	v8 =	vmul.f32 $2.047000000e+03, v8;
	v9 =	vtrunc.f32 v2  }
0x9c: {  	v6 =	vtrunc.f32 v1;
	v10 =	vtrunc.f32 v11  }
0x9d: {  	v12 =	vtrunc.f32 v4;
	v13 =	vtrunc.f32 v3  }
0x9e: {  	v15 =	vtrunc.f32 v7;
	v16 =	vtrunc.f32 v8  }
0x9f: {  	v9 =	vcvt.f32.s32 v9;
	v12 =	vcvt.f32.s32 v12  }
0xa0: {  	v6 =	vcvt.f32.s32 v6;
	v10 =	vcvt.f32.s32 v10  }
0xa1: {  	v15 =	vcvt.f32.s32 v15;
	v16 =	vcvt.f32.s32 v16  }
0xa2: {  	v19 =	vcvt.f32.s32 v13;
	v14 =	vcvt.s32.f32 v9;
	v17 =	vshll.u32 v6, $0xB  }
0xa3: {  	s9 =	simm.s32 $0x40;
	s8 =	simm.s32 $0x80;
	v18 =	vcvt.s32.f32 v10;
	v10 =	vshll.u32 v10, $0xB;
	v13 =	vcvt.s32.f32 v16  }
0xa4: {  	s10 =	sand.u32 $0x40, s9;
	s0 =	sand.u32 $0x700, s8;
	v6 =	vcvt.s32.f32 v6;
	v16 =	vadd.s32 v16, v17;
	v17 =	vtrunc.f32 v5  }
0xa5: {  	s16 =	sor.u32 $0x10, s10;
	s12 =	sor.u32 $0x880, s0;
	s0 =	sor.u32 $0x800, s0;
	vm0 =	vgt.s32 v16, $0x0;
	v17 =	vcvt.f32.s32 v17;
	v13 =	vsub.f32 v8, v13  }
0xa6: {  	s9 =	sor.u32 s16, s0;
	v22 =	vsub.f32 v1, v6;
	v8 =	vnsel vm0, $0x0, v16;
	v16 =	vsub.f32 v2, v14  }
0xa7: {  	s13 =	simm.s32 $0x1430;
	v1 =	vld [tilespmem:s9+$0x0];
	v2 =	vmin.u32 v8, $0x3FF7FE;
	v8 =	vcvt.s32.f32 v17;
	v14 =	vshll.u32 v17, $0xB  }
0xa8: {  	s11 =	simm.s32 $0x1C30;
	s15 =	sor.u32 $0x30, s10;
	s14 =	sor.u32 s10, s12;
	[tilespmem:s13+$0xFFFFFFD0] =	vst v2;
	v20 =	vadd.s32 $0x1, v2;
	v21 =	vadd.s32 $0x800, v2;
	v9 =	vadd.s32 v9, v14  }
0xa9: {  	s18 =	simm.s32 $0x2430;
	s22 =	sor.u32 $0x20, s10;
	s17 =	sor.u32 s15, s12;
	v17 =	vld [tilespmem:s14+$0x0];
	v2 =	vadd.s32 $0x801, v2;
	[tilespmem:s11+$0xFFFFFFD0] =	vst v20;
	v5 =	vsub.f32 v5, v8;
	vm13 =	vgt.s32 v9, $0x0  }
0xaa: {  	s28 =	simm.s32 $0x2C30;
	s1 =	sor.u32 s22, s12;
	v14 =	vld [tilespmem:s17+$0x0];
	v8 =	vcvt.s32.f32 v12;
	v12 =	vadd.s32 v12, v10;
	[tilespmem:s18+$0xFFFFFFD0] =	vst v21;
	v6 =	vnsel vm13, $0x0, v9  }
0xab: {  	s7 =	sor.u32 s16, s12;
	v24 =	vld [tilespmem:s1+$0x0];
	vm14 =	vgt.s32 v12, $0x0;
	[tilespmem:s28+$0xFFFFFFD0] =	vst v2;
	v2 =	vmin.u32 v6, $0x3FF7FE  }
0xac: {  	s1 =	simm.s32 $0x3430;
	v20 =	vld [tilespmem:s7+$0x0];
	v6 =	vcvt.s32.f32 v15;
	v23 =	vsub.f32 v4, v8;
	v8 =	vmul.f32 $2.047000000e+03, v1;
	[tilespmem:s13+$0xFFFFFFE0] =	vst v2  }
0xad: {  	s23 =	sor.u32 s22, s0;
	v10 =	vadd.s32 $0x1, v2;
	v21 =	vadd.s32 $0x800, v2;
	v25 =	vadd.s32 $0x801, v2;
	[tilespmem:s1+$0xFFFFFFD0] =	vst v13  }
0xae: {  	s30 =	simm.s32 $0x3C30;
	v9 =	vld [tilespmem:s23+$0x0];
	v2 =	vnsel vm14, $0x0, v12;
	v13 =	vcvt.s32.f32 v19;
	[tilespmem:s11+$0xFFFFFFE0] =	vst v10;
	v10 =	vsub.f32 v7, v6  }
0xaf: {  	s25 =	sor.u32 s15, s0;
	v6 =	vmul.f32 $2.047000000e+03, v17;
	v1 =	vmul.f32 $2.047000000e+03, v14;
	v2 =	vmin.u32 v2, $0x3FF7FE;
	[tilespmem:s30+$0xFFFFFFD0] =	vst v22  }
0xb0: {  	s0 =	sor.u32 s10, s0;
	v17 =	vld [tilespmem:s25+$0x0];
	v14 =	vtrunc.f32 v8;
	[tilespmem:s18+$0xFFFFFFE0] =	vst v21;
	v21 =	vsub.f32 v11, v18;
	v12 =	vadd.s32 $0x1, v2  }
0xb1: {  	v11 =	vld [tilespmem:s0+$0x0];
	[tilespmem:s13+$0xFFFFFFF0] =	vst v2;
	v18 =	vadd.s32 $0x800, v2;
	v7 =	vmul.f32 $2.047000000e+03, v20;
	v20 =	vadd.s32 $0x801, v2  }
0xb2: {  	v2 =	vmul.f32 $2.047000000e+03, v24;
	v13 =	vsub.f32 v3, v13;
	v14 =	vcvt.f32.s32 v14;
	[tilespmem:s11+$0xFFFFFFF0] =	vst v12  }
0xb3: {  	v4 =	vmul.f32 $2.047000000e+03, v9;
	v9 =	vtrunc.f32 v6;
	[tilespmem:s28+$0xFFFFFFE0] =	vst v25;
	v12 =	vshll.u32 v19, $0xB  }
0xb4: {  	v22 =	vtrunc.f32 v1;
	[tilespmem:s1+$0xFFFFFFE0] =	vst v16;
	v12 =	vadd.s32 v15, v12;
	v16 =	vcvt.s32.f32 v14  }
0xb5: {  	[tilespmem:s18+$0xFFFFFFF0] =	vst v18;
	v18 =	vcvt.f32.s32 v9;
	vm15 =	vgt.s32 v12, $0x0;
	v3 =	vmul.f32 $2.047000000e+03, v17  }
0xb6: {  	[tilespmem:s30+$0xFFFFFFE0] =	vst v5;
	v17 =	vtrunc.f32 v2;
	v5 =	vnsel vm15, $0x0, v12;
	v15 =	vmul.f32 $2.047000000e+03, v11  }
0xb7: {  	[tilespmem:s28+$0xFFFFFFF0] =	vst v20;
	v63 =	vshll.u32 v18, $0xB;
	v11 =	vtrunc.f32 v4;
	v17 =	vcvt.f32.s32 v17  }
0xb8: {  	s20 =	simm.s32 $0x3470;
	s5 =	simm.s32 $0x24B0;
	s2 =	simm.s32 $0x2C70;
	[tilespmem:s1+$0xFFFFFFF0] =	vst v23;
	v20 =	vmin.u32 v5, $0x3FF7FE;
	v11 =	vcvt.f32.s32 v11;
	v12 =	vtrunc.f32 v3  }
0xb9: {  	s4 =	simm.s32 $0x3CB0;
	s3 =	simm.s32 $0x2CB0;
	s8 =	simm.s32 $0x14B0;
	[tilespmem:s30+$0xFFFFFFF0] =	vst v21;
	v19 =	vadd.s32 $0x801, v20;
	v23 =	vadd.s32 $0x1, v20;
	v9 =	vtrunc.f32 v15  }
0xba: {  	s22 =	simm.s32 $0x2470;
	s10 =	simm.s32 $0x1CB0;
	s16 =	simm.s32 $0x80;
	[tilespmem:s13+$0x0] =	vst v20;
	v26 =	vadd.s32 $0x800, v20;
	v5 =	vcvt.f32.s32 v12;
	v62 =	vcvt.f32.s32 v9  }
0xbb: {  	s9 =	simm.s32 $0x3C70;
	s7 =	simm.s32 $0x4;
	s23 =	simm.s32 $0x1470;
	v12 =	vcvt.s32.f32 v17;
	v17 =	vshll.u32 v17, $0xB;
	[tilespmem:s11+$0x0] =	vst v23;
	v9 =	vcvt.f32.s32 v22  }
0xbc: {  	s25 =	simm.s32 $0x1C70;
	s13 =	simm.s32 $0x100;
	s11 =	simm.s32 $0x34B0;
	v22 =	vtrunc.f32 v7;
	[tilespmem:s18+$0x0] =	vst v26;
	v20 =	vcvt.s32.f32 v62;
	v21 =	vadd.s32 v62, v63  }
.LBB2_5:
0xbd: {  	s0 =	sand.u32 $0x40, s16;
	s12 =	sand.u32 $0x700, s13;
	s7 =	sadd.s32 $0x4, s7;
	v18 =	vcvt.s32.f32 v18;
	vm0 =	vgt.s32 v21, $0x0;
	v22 =	vcvt.f32.s32 v22;
	[tilespmem:s28+$0x0] =	vst v19  }
0xbe: {  	v16 =	vsub.f32 v8, v16;
	s28 =	sor.u32 $0x880, s12;
	s6 =	sor.u32 $0x10, s0;
	s18 =	sor.u32 $0x20, s0;
	v15 =	vsub.f32 v15, v20;
	v19 =	vnsel vm0, $0x0, v21;
	[tilespmem:s1+$0x0] =	vst v10  }
0xbf: {  	s15 =	sor.u32 $0x30, s0;
	s1 =	sor.u32 s0, s28;
	s14 =	sor.u32 s6, s28;
	v8 =	vmin.u32 v19, $0x3FF7FE;
	v10 =	vcvt.s32.f32 v22;
	v19 =	vshll.u32 v22, $0xB;
	[tilespmem:s30+$0x0] =	vst v13  }
0xc0: {  	s12 =	sor.u32 $0x800, s12;
	v13 =	vld [tilespmem:s1+$0x0];
	s1 =	sor.u32 s18, s28;
	s28 =	sor.u32 s15, s28;
	[tilespmem:s23+$0xFFFFFFD0] =	vst v8;
	v20 =	vadd.s32 $0x1, v8;
	v21 =	vadd.s32 $0x800, v8;
	v14 =	vadd.s32 v14, v19  }
0xc1: {  	s17 =	sor.u32 s0, s12;
	s0 =	sor.u32 s6, s12;
	s6 =	sor.u32 s18, s12;
	v18 =	vsub.f32 v6, v18;
	v19 =	vld [tilespmem:s28+$0x0];
	[tilespmem:s25+$0xFFFFFFD0] =	vst v20;
	v20 =	vsub.f32 v7, v10;
	vm0 =	vgt.s32 v14, $0x0  }
0xc2: {  	p0 =	slt.u32 s7, $0x3C;
	s30 =	smov.u32 s9;
	s15 =	sor.u32 s15, s12;
	v6 =	vadd.s32 $0x801, v8;
	v10 =	vcvt.s32.f32 v11;
	v7 =	vld [tilespmem:s0+$0x0];
	[tilespmem:s22+$0xFFFFFFD0] =	vst v21;
	v8 =	vnsel vm0, $0x0, v14  }
0xc3: {  	s9 =	smov.u32 s4;
	s28 =	smov.u32 s2;
	v14 =	vld [tilespmem:s6+$0x0];
	[tilespmem:s2+$0xFFFFFFD0] =	vst v6;
	v6 =	vmin.u32 v8, $0x3FF7FE;
	v8 =	vadd.s32 v11, v17;
	v11 =	vcvt.s32.f32 v5;
	s2 =	smov.u32 s3  }
0xc4: {  	s12 =	smov.u32 s22;
	s22 =	smov.u32 s5;
	s0 =	smov.u32 s25;
	v23 =	vsub.f32 v4, v10;
	v17 =	vld [tilespmem:s14+$0x0];
	[tilespmem:s23+$0xFFFFFFE0] =	vst v6;
	v21 =	vadd.s32 $0x1, v6;
	v22 =	vadd.s32 $0x800, v6  }
0xc5: {  	s25 =	smov.u32 s10;
	vm0 =	vgt.s32 v8, $0x0;
	v24 =	vld [tilespmem:s1+$0x0];
	[tilespmem:s0+$0xFFFFFFE0] =	vst v21;
	v21 =	vadd.s32 $0x801, v6;
	v10 =	vsub.f32 v3, v11;
	s1 =	smov.u32 s20;
	s20 =	smov.u32 s11  }
0xc6: {  	v12 =	vsub.f32 v2, v12;
	v6 =	vmul.f32 $2.047000000e+03, v13;
	v2 =	vnsel vm0, $0x0, v8;
	v3 =	vld [tilespmem:s15+$0x0];
	[tilespmem:s12+$0xFFFFFFE0] =	vst v22  }
0xc7: {  	v19 =	vmul.f32 $2.047000000e+03, v19;
	v2 =	vmin.u32 v2, $0x3FF7FE;
	v11 =	vld [tilespmem:s17+$0x0];
	v8 =	vmul.f32 $2.047000000e+03, v7;
	[tilespmem:s1+$0xFFFFFFD0] =	vst v15  }
0xc8: {  	v13 =	vadd.s32 $0x1, v2;
	v22 =	vadd.s32 $0x800, v2;
	v15 =	vcvt.s32.f32 v9;
	[tilespmem:s23+$0xFFFFFFF0] =	vst v2  }
0xc9: {  	v25 =	vtrunc.f32 v8;
	v7 =	vmul.f32 $2.047000000e+03, v17;
	[tilespmem:s30+$0xFFFFFFD0] =	vst v18;
	v17 =	vadd.s32 $0x801, v2  }
0xca: {  	v4 =	vmul.f32 $2.047000000e+03, v14;
	v2 =	vmul.f32 $2.047000000e+03, v24;
	[tilespmem:s0+$0xFFFFFFF0] =	vst v13;
	v13 =	vsub.f32 v1, v15;
	v1 =	vmovc v19  }
0xcb: {  	v9 =	vshll.u32 v9, $0xB;
	v18 =	vtrunc.f32 v6;
	v3 =	vmul.f32 $2.047000000e+03, v3;
	[tilespmem:s28+$0xFFFFFFE0] =	vst v21  }
0xcc: {  	v5 =	vadd.s32 v5, v9;
	v14 =	vcvt.f32.s32 v25;
	v21 =	vtrunc.f32 v2;
	[tilespmem:s1+$0xFFFFFFE0] =	vst v16  }
0xcd: {  	vm0 =	vgt.s32 v5, $0x0;
	v9 =	vtrunc.f32 v4;
	v15 =	vmul.f32 $2.047000000e+03, v11;
	[tilespmem:s30+$0xFFFFFFE0] =	vst v20  }
0xce: {  	v5 =	vnsel vm0, $0x0, v5;
	v11 =	vcvt.f32.s32 v9;
	v9 =	vtrunc.f32 v1;
	[tilespmem:s12+$0xFFFFFFF0] =	vst v22  }
0xcf: {  	v16 =	vcvt.s32.f32 v14;
	v19 =	vtrunc.f32 v3;
	[tilespmem:s28+$0xFFFFFFF0] =	vst v17;
	v17 =	vmin.u32 v5, $0x3FF7FE  }
.Ltmp1:
0xd0: {  	v18 =	vcvt.f32.s32 v18;
	v5 =	vcvt.f32.s32 v19;
	[tilespmem:s23+$0x0] =	vst v17;
	v19 =	vadd.s32 $0x801, v17;
	s23 =	smov.u32 s8;
	(pc) =	sbr.rel @p0 .LBB2_5-.Ltmp1, $4  }
0xd1: {  	v21 =	vcvt.f32.s32 v21;
	v20 =	vtrunc.f32 v15;
	v22 =	vadd.s32 $0x1, v17;
	[tilespmem:s1+$0xFFFFFFF0] =	vst v23  }
0xd2: {  	s4 =	sadd.s32 $0x40, s4;
	v24 =	vshll.u32 v18, $0xB;
	s8 =	sadd.s32 $0x40, s8;
	v25 =	vadd.s32 $0x800, v17;
	v23 =	vcvt.f32.s32 v20;
	[tilespmem:s30+$0xFFFFFFF0] =	vst v12  }
0xd3: {  	s5 =	sadd.s32 $0x40, s5;
	s10 =	sadd.s32 $0x40, s10;
	s3 =	sadd.s32 $0x40, s3;
	v9 =	vcvt.f32.s32 v9;
	v17 =	vshll.u32 v21, $0xB;
	v12 =	vcvt.s32.f32 v21;
	[tilespmem:s0+$0x0] =	vst v22  }
0xd4: {  	s13 =	sadd.s32 $0x80, s13;
	s16 =	sadd.s32 $0x40, s16;
	s11 =	sadd.s32 $0x40, s11;
	v20 =	vcvt.s32.f32 v23;
	v21 =	vadd.s32 v23, v24;
	v22 =	vtrunc.f32 v7;
	[tilespmem:s12+$0x0] =	vst v25  }
0xd5: {  	vm0 =	vgt.s32 v21, $0x0;
	v22 =	vcvt.f32.s32 v22;
	[tilespmem:s28+$0x0] =	vst v19  }
0xd6: {  	v19 =	vnsel vm0, $0x0, v21;
	[tilespmem:s1+$0x0] =	vst v10  }
0xd7: {  	v10 =	vmin.u32 v19, $0x3FF7FE;
	v19 =	vshll.u32 v22, $0xB;
	[tilespmem:s30+$0x0] =	vst v13  }
0xd8: {  	[tilespmem:s23+$0xFFFFFFD0] =	vst v10;
	v13 =	vadd.s32 $0x1, v10;
	v14 =	vadd.s32 v14, v19  }
0xd9: {  	v19 =	vadd.s32 $0x800, v10;
	[tilespmem:s25+$0xFFFFFFD0] =	vst v13;
	vm13 =	vgt.s32 v14, $0x0  }
0xda: {  	v10 =	vadd.s32 $0x801, v10;
	[tilespmem:s22+$0xFFFFFFD0] =	vst v19;
	v13 =	vnsel vm13, $0x0, v14  }
0xdb: {  	v15 =	vsub.f32 v15, v20;
	[tilespmem:s2+$0xFFFFFFD0] =	vst v10;
	v10 =	vmin.u32 v13, $0x3FF7FE  }
0xdc: {  	v14 =	vadd.s32 v11, v17;
	[tilespmem:s23+$0xFFFFFFE0] =	vst v10  }
0xdd: {  	v13 =	vcvt.s32.f32 v18;
	vm14 =	vgt.s32 v14, $0x0;
	v17 =	vadd.s32 $0x1, v10;
	[tilespmem:s20+$0xFFFFFFD0] =	vst v15  }
0xde: {  	v18 =	vadd.s32 $0x800, v10;
	v14 =	vnsel vm14, $0x0, v14;
	[tilespmem:s25+$0xFFFFFFE0] =	vst v17  }
0xdf: {  	v6 =	vsub.f32 v6, v13;
	v13 =	vmin.u32 v14, $0x3FF7FE;
	[tilespmem:s22+$0xFFFFFFE0] =	vst v18  }
0xe0: {  	[tilespmem:s23+$0xFFFFFFF0] =	vst v13  }
0xe1: {  	v15 =	vadd.s32 $0x1, v13;
	[tilespmem:s9+$0xFFFFFFD0] =	vst v6  }
0xe2: {  	v14 =	vcvt.s32.f32 v22;
	v6 =	vsub.f32 v8, v16;
	v8 =	vadd.s32 $0x801, v10;
	[tilespmem:s25+$0xFFFFFFF0] =	vst v15  }
0xe3: {  	[tilespmem:s2+$0xFFFFFFE0] =	vst v8;
	v8 =	vshll.u32 v9, $0xB  }
0xe4: {  	v7 =	vsub.f32 v7, v14;
	v10 =	vadd.s32 $0x800, v13;
	[tilespmem:s20+$0xFFFFFFE0] =	vst v6;
	v6 =	vadd.s32 v5, v8  }
0xe5: {  	[tilespmem:s22+$0xFFFFFFF0] =	vst v10;
	v8 =	vcvt.s32.f32 v11;
	vm15 =	vgt.s32 v6, $0x0  }
0xe6: {  	[tilespmem:s9+$0xFFFFFFE0] =	vst v7;
	v7 =	vadd.s32 $0x801, v13;
	v6 =	vnsel vm15, $0x0, v6  }
0xe7: {  	v4 =	vsub.f32 v4, v8;
	[tilespmem:s2+$0xFFFFFFF0] =	vst v7;
	v6 =	vmin.u32 v6, $0x3FF7FE  }
0xe8: {  	v2 =	vsub.f32 v2, v12;
	[tilespmem:s23+$0x0] =	vst v6  }
0xe9: {  	[tilespmem:s20+$0xFFFFFFF0] =	vst v4  }
0xea: {  	v4 =	vcvt.s32.f32 v5;
	v5 =	vadd.s32 $0x1, v6;
	[tilespmem:s9+$0xFFFFFFF0] =	vst v2  }
0xeb: {  	v7 =	vadd.s32 $0x800, v6;
	v2 =	vcvt.s32.f32 v9;
	[tilespmem:s25+$0x0] =	vst v5  }
0xec: {  	v3 =	vsub.f32 v3, v4;
	v4 =	vadd.s32 $0x801, v6;
	[tilespmem:s22+$0x0] =	vst v7  }
0xed: {  	v1 =	vsub.f32 v1, v2;
	[tilespmem:s2+$0x0] =	vst v4  }
0xee: {  	[tilespmem:s20+$0x0] =	vst v3  }
0xef: {  	[tilespmem:s9+$0x0] =	vst v1  }
0xf0: {  	s23 =	simm.s32 $0x400;
	s25 =	simm.s32 $0x1400;
	s0 =	rddreg [dreg:$0x5]  }
0xf1: {  	[tilespmem:s24], [sflag:$0x2] =	stream.indirect.gather [hbm4b:s0+s23], $0x8, s25, s23, $0xb8;
	[tilespmem:$0x18000] =	vst v63  }
0xf2: {  	s30 =	simm.s32 $0x1C00  }
0xf3: {  	[tilespmem:s26], [sflag:$0x2] =	stream.indirect.gather [hbm4b:s0+s23], $0x8, s30, s23, $0xb8;
	[tilespmem:$0x18000] =	vst v63  }
0xf4: {  	s3 =	simm.s32 $0x2400  }
0xf5: {  	[tilespmem:s29], [sflag:$0x2] =	stream.indirect.gather [hbm4b:s0+s23], $0x8, s3, s23, $0xb8;
	[tilespmem:$0x18000] =	vst v63  }
0xf6: {  	s4 =	simm.s32 $0x2C00  }
0xf7: {  	[tilespmem:s31], [sflag:$0x2] =	stream.indirect.gather [hbm4b:s0+s23], $0x8, s4, s23, $0xb8;
	[tilespmem:$0x18000] =	vst v63  }
0xf8: {  	s4 =	simm.s32 $0x1  }
0xf9: {  	_ =	swait.ge [sflag:s4], $0x2000  }
0xfa: {  	[sflag:s4] =	ssyncset.done $0x0  }
0xfb: {  	[sflag:s4] =	ssyncadd.s32 $0xFFFFE000  }
0xfc: {  	_ =	swait.ge [sflag:s4], $0x2000  }
0xfd: {  	[sflag:s4] =	ssyncset.done $0x0  }
0xfe: {  	s5 =	simm.s32 $0x0;
	[sflag:s4] =	ssyncadd.s32 $0xFFFFE000  }
0xff: {  	s6 =	simm.s32 $0x0;
	s0 =	sand.u32 $0x60, s5;
	_ =	swait.ge [sflag:s4], $0x2000  }
0x100: {  	s1 =	sand.u32 $0xFFFFFF80, s6;
	s7 =	sor.u32 $0x10, s0;
	[sflag:s4] =	ssyncset.done $0x0  }
0x101: {  	s3 =	sor.u32 s1, s7;
	[sflag:s4] =	ssyncadd.s32 $0xFFFFE000  }
0x102: {  	v1 =	vmov s3;
	_ =	swait.ge [sflag:s4], $0x2000  }
0x103: {  	v1 =	vshll.u32 v1, $0x3;
	[sflag:s4] =	ssyncset.done $0x0  }
0x104: {  	s1 =	sor.u32 s0, s1;
	v11 =	vor.u32 v0, v1;
	[sflag:s4] =	ssyncadd.s32 $0xFFFFE000  }
0x105: {  	v1 =	vmov s1;
	v3 =	vld [tilespmem:s3+$0x3000]  }
0x106: {  	v1 =	vshll.u32 v1, $0x3;
	v4 =	vld [tilespmem:s3+$0x3800]  }
0x107: {  	v12 =	vor.u32 v0, v1;
	v2 =	vld [tilespmem:s1+$0x3000]  }
0x108: {  	s13 =	simm.s32 $0x4000;
	v5 =	vld [tilespmem:s1+$0x3800]  }
0x109: {  	s15 =	simm.s32 $0x8000;
	v1 =	vld.idx.msk [tilespmem:v11+s13+$0x0], $0xffff  }
0x10a: {  	v6 =	vld.idx.msk [tilespmem:v11+s15+$0x0], $0xffff  }
0x10b: {  	v7 =	vld.idx.msk [tilespmem:v11+s19+$0x0], $0xffff;
	v8 =	vsub.f32 $1.000000000e+00, v3;
	v9 =	vsub.f32 $1.000000000e+00, v4  }
0x10c: {  	v14 =	vld.idx.msk [tilespmem:v12+s13+$0x0], $0xffff  }
0x10d: {  	v10 =	vsub.f32 $1.000000000e+00, v2;
	v25 =	vmul.f32 v9, v8;
	v26 =	vmul.f32 v9, v3;
	v9 =	vld.idx.msk [tilespmem:v12+s15+$0x0], $0xffff  }
0x10e: {  	v15 =	vld.idx.msk [tilespmem:v11+s21+$0x0], $0xffff;
	v13 =	vsub.f32 $1.000000000e+00, v5;
	v23 =	vmul.f32 v4, v3;
	v24 =	vmul.f32 v4, v8  }
0x10f: {  	v16 =	vld.idx.msk [tilespmem:v12+s19+$0x0], $0xffff;
	v8 =	vmul.f32 v25, v1;
	v6 =	vmul.f32 v26, v6  }
0x110: {  	v21 =	vmul.f32 v13, v10;
	v22 =	vmul.f32 v13, v2  }
0x111: {  	v1 =	vmul.f32 v5, v10;
	v3 =	vmul.f32 v7, v24;
	v4 =	vadd.f32 v6, v8;
	v6 =	vld.idx.msk [tilespmem:v12+s21+$0x0], $0xffff  }
0x112: {  	v7 =	vmul.f32 v21, v14;
	v8 =	vmul.f32 v22, v9  }
0x113: {  	s8 =	simm.s32 $0x0;
	v10 =	vor.u32 $0x1, v11;
	v9 =	vmul.f32 v15, v23;
	v3 =	vadd.f32 v3, v4  }
0x114: {  	s1 =	sand.u32 $0x3FFFFC00, s8;
	v2 =	vmul.f32 v5, v2;
	v4 =	vmul.f32 v16, v1;
	v5 =	vadd.f32 v8, v7  }
0x115: {  	s1 =	sadd.s32 $0x14000, s1;
	v3 =	vadd.f32 v9, v3  }
0x116: {  	s28 =	sor.u32 s7, s1;
	v7 =	vor.u32 $0x1, v12;
	v6 =	vmul.f32 v6, v2;
	v4 =	vadd.f32 v4, v5  }
0x117: {  	[tilespmem:s28+$0x0] =	vst v3  }
0x118: {  	v3 =	vld.idx.msk [tilespmem:v10+s13+$0x0], $0xffff;
	v4 =	vadd.f32 v6, v4  }
0x119: {  	s20 =	sor.u32 s0, s1;
	v5 =	vld.idx.msk [tilespmem:v10+s15+$0x0], $0xffff  }
0x11a: {  	v6 =	vld.idx.msk [tilespmem:v10+s19+$0x0], $0xffff;
	[tilespmem:s20+$0x0] =	vst v4  }
0x11b: {  	v4 =	vld.idx.msk [tilespmem:v7+s13+$0x0], $0xffff  }
0x11c: {  	v8 =	vld.idx.msk [tilespmem:v7+s15+$0x0], $0xffff  }
0x11d: {  	v9 =	vld.idx.msk [tilespmem:v10+s21+$0x0], $0xffff  }
0x11e: {  	v10 =	vld.idx.msk [tilespmem:v7+s19+$0x0], $0xffff;
	v3 =	vmul.f32 v3, v25;
	v5 =	vmul.f32 v5, v26;
	_ =	sdelay $0x1  }
0x11f: {  	v3 =	vadd.f32 v5, v3;
	v5 =	vmul.f32 v6, v24;
	v6 =	vld.idx.msk [tilespmem:v7+s21+$0x0], $0xffff  }
0x120: {  	v4 =	vmul.f32 v4, v21;
	v7 =	vmul.f32 v8, v22  }
0x121: {  	v8 =	vor.u32 $0x2, v11;
	v3 =	vadd.f32 v5, v3;
	v5 =	vmul.f32 v9, v23  }
0x122: {  	v9 =	vmul.f32 v10, v1;
	v4 =	vadd.f32 v7, v4  }
0x123: {  	v3 =	vadd.f32 v5, v3  }
0x124: {  	v5 =	vor.u32 $0x2, v12;
	v6 =	vmul.f32 v6, v2;
	v4 =	vadd.f32 v9, v4  }
0x125: {  	[tilespmem:s28+$0x80] =	vst v3  }
0x126: {  	v3 =	vld.idx.msk [tilespmem:v8+s13+$0x0], $0xffff;
	v4 =	vadd.f32 v6, v4  }
0x127: {  	v6 =	vld.idx.msk [tilespmem:v8+s15+$0x0], $0xffff  }
0x128: {  	v7 =	vld.idx.msk [tilespmem:v8+s19+$0x0], $0xffff;
	[tilespmem:s20+$0x80] =	vst v4  }
0x129: {  	v4 =	vld.idx.msk [tilespmem:v5+s13+$0x0], $0xffff  }
0x12a: {  	v9 =	vld.idx.msk [tilespmem:v5+s15+$0x0], $0xffff  }
0x12b: {  	v8 =	vld.idx.msk [tilespmem:v8+s21+$0x0], $0xffff  }
0x12c: {  	v3 =	vmul.f32 v3, v25;
	v6 =	vmul.f32 v6, v26  }
0x12d: {  	v10 =	vld.idx.msk [tilespmem:v5+s19+$0x0], $0xffff  }
0x12e: {  	v7 =	vmul.f32 v7, v24;
	v3 =	vadd.f32 v6, v3  }
0x12f: {  	v5 =	vld.idx.msk [tilespmem:v5+s21+$0x0], $0xffff;
	v4 =	vmul.f32 v4, v21;
	v6 =	vmul.f32 v9, v22  }
0x130: {  	s10 =	simm.s32 $0x20;
	s9 =	simm.s32 $0x20;
	v9 =	vor.u32 $0x3, v11;
	v3 =	vadd.f32 v7, v3;
	v7 =	vmul.f32 v8, v23  }
0x131: {  	s2 =	sand.u32 $0xFFFFFF80, s10;
	s11 =	sand.u32 $0x60, s9  }
0x132: {  	s12 =	sor.u32 s11, s2;
	s0 =	sor.u32 $0x10, s11;
	v8 =	vmul.f32 v10, v1;
	v4 =	vadd.f32 v6, v4;
	v3 =	vadd.f32 v7, v3  }
0x133: {  	s2 =	sor.u32 s2, s0;
	v13 =	vld [tilespmem:s12+$0x3800]  }
0x134: {  	v16 =	vld [tilespmem:s2+$0x3800];
	v5 =	vmul.f32 v5, v2;
	v4 =	vadd.f32 v8, v4;
	[tilespmem:s28+$0x100] =	vst v3  }
0x135: {  	v6 =	vor.u32 $0x3, v12;
	v3 =	vld.idx.msk [tilespmem:v9+s13+$0x0], $0xffff  }
0x136: {  	v4 =	vadd.f32 v5, v4;
	v5 =	vld.idx.msk [tilespmem:v9+s15+$0x0], $0xffff  }
0x137: {  	v8 =	vld.idx.msk [tilespmem:v9+s21+$0x0], $0xffff  }
0x138: {  	[tilespmem:s20+$0x100] =	vst v4;
	v4 =	vld.idx.msk [tilespmem:v9+s19+$0x0], $0xffff;
	v9 =	vmov s2  }
0x139: {  	v10 =	vld [tilespmem:s12+$0x3000];
	v9 =	vshll.u32 v9, $0x3  }
0x13a: {  	v7 =	vld.idx.msk [tilespmem:v6+s13+$0x0], $0xffff;
	v27 =	vor.u32 v0, v9  }
0x13b: {  	v14 =	vld.idx.msk [tilespmem:v6+s19+$0x0], $0xffff;
	v3 =	vmul.f32 v3, v25;
	v5 =	vmul.f32 v5, v26  }
0x13c: {  	v9 =	vld.idx.msk [tilespmem:v6+s15+$0x0], $0xffff  }
0x13d: {  	s14 =	simm.s32 $0x100;
	v3 =	vadd.f32 v5, v3;
	v4 =	vmul.f32 v4, v24;
	v5 =	vld.idx.msk [tilespmem:v6+s21+$0x0], $0xffff  }
0x13e: {  	v6 =	vld [tilespmem:s2+$0x3000];
	s2 =	sand.u32 $0x3FFFFC00, s14  }
0x13f: {  	s17 =	simm.s32 $0x40;
	s22 =	simm.s32 $0x40;
	v15 =	vor.u32 $0x4, v11;
	s16 =	sadd.s32 $0x14000, s2;
	v3 =	vadd.f32 v4, v3;
	v4 =	vmul.f32 v8, v23;
	v17 =	vld.idx.msk [tilespmem:v27+s19+$0x0], $0xffff  }
0x140: {  	s18 =	sand.u32 $0x60, s22;
	v8 =	vmov s12;
	v18 =	vld.idx.msk [tilespmem:v27+s13+$0x0], $0xffff;
	s2 =	sor.u32 s0, s16;
	s0 =	sand.u32 $0xFFFFFF80, s17  }
0x141: {  	v30 =	vld.idx.msk [tilespmem:v27+s21+$0x0], $0xffff;
	s25 =	sor.u32 s18, s0;
	v3 =	vadd.f32 v4, v3;
	v4 =	vshll.u32 v8, $0x3  }
0x142: {  	v37 =	vld [tilespmem:s25+$0x3800];
	v28 =	vor.u32 v0, v4  }
0x143: {  	v4 =	vld.idx.msk [tilespmem:v27+s15+$0x0], $0xffff;
	[tilespmem:s28+$0x180] =	vst v3;
	v3 =	vmul.f32 v7, v21;
	v7 =	vmul.f32 v9, v22  }
0x144: {  	v8 =	vsub.f32 $1.000000000e+00, v16;
	v19 =	vsub.f32 $1.000000000e+00, v6;
	v9 =	vld.idx.msk [tilespmem:v15+s13+$0x0], $0xffff  }
0x145: {  	v29 =	vor.u32 $0x4, v12;
	v14 =	vmul.f32 v14, v1;
	v20 =	vld.idx.msk [tilespmem:v15+s15+$0x0], $0xffff;
	v31 =	vadd.f32 v7, v3  }
0x146: {  	v32 =	vsub.f32 $1.000000000e+00, v10;
	v33 =	vld.idx.msk [tilespmem:v15+s19+$0x0], $0xffff;
	v7 =	vmul.f32 v8, v19;
	v8 =	vmul.f32 v8, v6  }
0x147: {  	v5 =	vmul.f32 v5, v2;
	v15 =	vld.idx.msk [tilespmem:v15+s21+$0x0], $0xffff;
	v3 =	vmul.f32 v16, v19;
	v14 =	vadd.f32 v14, v31  }
0x148: {  	v19 =	vsub.f32 $1.000000000e+00, v13;
	v34 =	vld.idx.msk [tilespmem:v28+s13+$0x0], $0xffff;
	v18 =	vmul.f32 v7, v18;
	v4 =	vmul.f32 v8, v4  }
0x149: {  	v6 =	vmul.f32 v16, v6;
	v31 =	vld.idx.msk [tilespmem:v28+s15+$0x0], $0xffff;
	v16 =	vmul.f32 v17, v3;
	v14 =	vadd.f32 v5, v14  }
0x14a: {  	s23 =	sor.u32 $0x10, s18;
	v17 =	vld.idx.msk [tilespmem:v28+s19+$0x0], $0xffff;
	v4 =	vadd.f32 v4, v18;
	v9 =	vmul.f32 v9, v25;
	v18 =	vmul.f32 v20, v26  }
0x14b: {  	v35 =	vor.u32 $0x1, v27;
	s0 =	sor.u32 s0, s23;
	v30 =	vmul.f32 v30, v6;
	v5 =	vmul.f32 v19, v32;
	v20 =	vld.idx.msk [tilespmem:v28+s21+$0x0], $0xffff  }
0x14c: {  	v39 =	vld [tilespmem:s0+$0x3000];
	[tilespmem:s20+$0x180] =	vst v14;
	v14 =	vadd.f32 v16, v4;
	v16 =	vadd.f32 v18, v9;
	v18 =	vmul.f32 v33, v24  }
0x14d: {  	v52 =	vor.u32 $0x5, v11;
	v15 =	vmul.f32 v15, v23;
	v9 =	vmul.f32 v19, v10;
	v19 =	vld.idx.msk [tilespmem:v29+s13+$0x0], $0xffff  }
0x14e: {  	v4 =	vmul.f32 v13, v32;
	v53 =	vld.idx.msk [tilespmem:v29+s15+$0x0], $0xffff;
	v14 =	vadd.f32 v30, v14;
	v16 =	vadd.f32 v18, v16  }
0x14f: {  	v18 =	vmul.f32 v5, v34;
	v30 =	vld.idx.msk [tilespmem:v29+s19+$0x0], $0xffff;
	v31 =	vmul.f32 v9, v31  }
0x150: {  	v29 =	vld.idx.msk [tilespmem:v29+s21+$0x0], $0xffff;
	[tilespmem:s2+$0x0] =	vst v14;
	v14 =	vadd.f32 v15, v16  }
0x151: {  	v10 =	vmul.f32 v13, v10;
	v13 =	vmul.f32 v17, v4;
	v15 =	vadd.f32 v31, v18;
	v16 =	vld.idx.msk [tilespmem:v35+s13+$0x0], $0xffff  }
0x152: {  	v17 =	vld.idx.msk [tilespmem:v35+s15+$0x0], $0xffff;
	[tilespmem:s28+$0x200] =	vst v14  }
0x153: {  	v14 =	vmul.f32 v20, v10;
	v13 =	vadd.f32 v13, v15;
	v15 =	vld.idx.msk [tilespmem:v52+s13+$0x0], $0xffff  }
0x154: {  	v18 =	vor.u32 $0x1, v28;
	v19 =	vmul.f32 v19, v21;
	v20 =	vmul.f32 v53, v22;
	v31 =	vld.idx.msk [tilespmem:v52+s15+$0x0], $0xffff  }
0x155: {  	v13 =	vadd.f32 v14, v13;
	v14 =	vld.idx.msk [tilespmem:v35+s19+$0x0], $0xffff  }
0x156: {  	s9 =	sor.u32 s11, s16;
	v30 =	vmul.f32 v30, v1;
	v19 =	vadd.f32 v20, v19;
	v20 =	vld.idx.msk [tilespmem:v52+s19+$0x0], $0xffff  }
0x157: {  	v54 =	vor.u32 $0x5, v12;
	v29 =	vmul.f32 v29, v2;
	[tilespmem:s9+$0x0] =	vst v13;
	v13 =	vld.idx.msk [tilespmem:v35+s21+$0x0], $0xffff  }
0x158: {  	v19 =	vadd.f32 v30, v19;
	v30 =	vld.idx.msk [tilespmem:v52+s21+$0x0], $0xffff;
	v16 =	vmul.f32 v16, v7;
	v17 =	vmul.f32 v17, v8  }
0x159: {  	v55 =	vld.idx.msk [tilespmem:v18+s13+$0x0], $0xffff;
	v15 =	vmul.f32 v15, v25;
	v31 =	vmul.f32 v31, v26  }
0x15a: {  	v19 =	vadd.f32 v29, v19;
	v29 =	vld.idx.msk [tilespmem:v18+s15+$0x0], $0xffff;
	v16 =	vadd.f32 v17, v16;
	v14 =	vmul.f32 v14, v3  }
0x15b: {  	v17 =	vld.idx.msk [tilespmem:v18+s19+$0x0], $0xffff;
	v20 =	vmul.f32 v20, v24;
	v15 =	vadd.f32 v31, v15  }
0x15c: {  	v18 =	vld.idx.msk [tilespmem:v18+s21+$0x0], $0xffff;
	[tilespmem:s20+$0x200] =	vst v19;
	v14 =	vadd.f32 v14, v16;
	v13 =	vmul.f32 v13, v6;
	v16 =	vor.u32 $0x2, v27  }
0x15d: {  	v19 =	vld.idx.msk [tilespmem:v54+s13+$0x0], $0xffff;
	v15 =	vadd.f32 v20, v15  }
0x15e: {  	v31 =	vld.idx.msk [tilespmem:v54+s15+$0x0], $0xffff;
	v20 =	vmul.f32 v30, v23;
	v30 =	vor.u32 $0x6, v11;
	v13 =	vadd.f32 v13, v14  }
0x15f: {  	v56 =	vld.idx.msk [tilespmem:v54+s19+$0x0], $0xffff;
	v14 =	vmul.f32 v55, v5  }
0x160: {  	v29 =	vmul.f32 v29, v9;
	v15 =	vadd.f32 v20, v15;
	v20 =	vld.idx.msk [tilespmem:v54+s21+$0x0], $0xffff;
	[tilespmem:s2+$0x80] =	vst v13  }
0x161: {  	v13 =	vmul.f32 v17, v4;
	v17 =	vld.idx.msk [tilespmem:v16+s13+$0x0], $0xffff  }
0x162: {  	v14 =	vadd.f32 v29, v14;
	[tilespmem:s28+$0x280] =	vst v15;
	v57 =	vld.idx.msk [tilespmem:v16+s15+$0x0], $0xffff  }
0x163: {  	v19 =	vmul.f32 v19, v21;
	v31 =	vmul.f32 v31, v22;
	v15 =	vld.idx.msk [tilespmem:v30+s13+$0x0], $0xffff  }
0x164: {  	v18 =	vmul.f32 v18, v10;
	v29 =	vor.u32 $0x2, v28;
	v13 =	vadd.f32 v13, v14;
	v14 =	vld.idx.msk [tilespmem:v30+s15+$0x0], $0xffff  }
0x165: {  	v19 =	vadd.f32 v31, v19;
	v31 =	vld.idx.msk [tilespmem:v16+s19+$0x0], $0xffff  }
0x166: {  	v32 =	vmul.f32 v56, v1;
	v13 =	vadd.f32 v18, v13;
	v18 =	vld.idx.msk [tilespmem:v30+s19+$0x0], $0xffff  }
0x167: {  	v16 =	vld.idx.msk [tilespmem:v16+s21+$0x0], $0xffff  }
0x168: {  	v20 =	vmul.f32 v20, v2;
	v19 =	vadd.f32 v32, v19;
	[tilespmem:s9+$0x80] =	vst v13;
	v13 =	vld.idx.msk [tilespmem:v30+s21+$0x0], $0xffff  }
0x169: {  	v58 =	vor.u32 $0x6, v12;
	v30 =	vld.idx.msk [tilespmem:v29+s13+$0x0], $0xffff;
	v15 =	vmul.f32 v15, v25;
	v14 =	vmul.f32 v14, v26  }
0x16a: {  	v17 =	vmul.f32 v17, v7;
	v33 =	vmul.f32 v57, v8;
	v19 =	vadd.f32 v20, v19;
	v20 =	vld.idx.msk [tilespmem:v29+s15+$0x0], $0xffff  }
0x16b: {  	v59 =	vld.idx.msk [tilespmem:v29+s19+$0x0], $0xffff;
	v14 =	vadd.f32 v14, v15;
	v15 =	vmul.f32 v18, v24  }
0x16c: {  	v17 =	vadd.f32 v33, v17;
	v18 =	vld.idx.msk [tilespmem:v29+s21+$0x0], $0xffff;
	v29 =	vmul.f32 v31, v3  }
0x16d: {  	v41 =	vld [tilespmem:s0+$0x3800];
	v11 =	vor.u32 $0x7, v11;
	[tilespmem:s20+$0x280] =	vst v19;
	v14 =	vadd.f32 v15, v14;
	v13 =	vmul.f32 v13, v23  }
0x16e: {  	v16 =	vmul.f32 v16, v6;
	v19 =	vor.u32 $0x3, v27;
	v60 =	vld.idx.msk [tilespmem:v58+s15+$0x0], $0xffff;
	v17 =	vadd.f32 v29, v17  }
0x16f: {  	v36 =	vld.idx.msk [tilespmem:v58+s21+$0x0], $0xffff;
	v20 =	vmul.f32 v20, v9;
	v13 =	vadd.f32 v13, v14;
	v14 =	vmul.f32 v30, v5  }
0x170: {  	v15 =	vld.idx.msk [tilespmem:v58+s13+$0x0], $0xffff  }
0x171: {  	v34 =	vld [tilespmem:s25+$0x3000];
	v16 =	vadd.f32 v16, v17;
	[tilespmem:s28+$0x300] =	vst v13;
	v13 =	vmul.f32 v59, v4;
	v14 =	vadd.f32 v20, v14  }
0x172: {  	v32 =	vld.idx.msk [tilespmem:v11+s13+$0x0], $0xffff  }
0x173: {  	v17 =	vmul.f32 v18, v10;
	[tilespmem:s2+$0x100] =	vst v16;
	v33 =	vld.idx.msk [tilespmem:v11+s15+$0x0], $0xffff;
	v13 =	vadd.f32 v13, v14  }
0x174: {  	v14 =	vld.idx.msk [tilespmem:v19+s13+$0x0], $0xffff  }
0x175: {  	v13 =	vadd.f32 v17, v13;
	v17 =	vld.idx.msk [tilespmem:v19+s15+$0x0], $0xffff  }
0x176: {  	v16 =	vor.u32 $0x3, v28;
	v31 =	vld.idx.msk [tilespmem:v11+s19+$0x0], $0xffff  }
0x177: {  	[tilespmem:s9+$0x100] =	vst v13;
	v13 =	vld.idx.msk [tilespmem:v19+s19+$0x0], $0xffff  }
0x178: {  	v30 =	vld.idx.msk [tilespmem:v11+s21+$0x0], $0xffff;
	v11 =	vmov s0  }
0x179: {  	v11 =	vshll.u32 v11, $0x3;
	v19 =	vld.idx.msk [tilespmem:v19+s21+$0x0], $0xffff  }
0x17a: {  	v29 =	vld.idx.msk [tilespmem:v58+s19+$0x0], $0xffff;
	v11 =	vor.u32 v0, v11;
	v14 =	vmul.f32 v14, v7;
	v17 =	vmul.f32 v17, v8  }
0x17b: {  	v18 =	vld.idx.msk [tilespmem:v16+s13+$0x0], $0xffff  }
0x17c: {  	v20 =	vld.idx.msk [tilespmem:v16+s15+$0x0], $0xffff;
	v14 =	vadd.f32 v17, v14;
	v13 =	vmul.f32 v13, v3  }
0x17d: {  	v38 =	vld.idx.msk [tilespmem:v16+s19+$0x0], $0xffff  }
0x17e: {  	v40 =	vor.u32 $0x4, v27;
	v16 =	vld.idx.msk [tilespmem:v16+s21+$0x0], $0xffff;
	v13 =	vadd.f32 v13, v14;
	v14 =	vmul.f32 v19, v6  }
0x17f: {  	v42 =	vld.idx.msk [tilespmem:v11+s19+$0x0], $0xffff;
	v17 =	vmov s25  }
0x180: {  	v43 =	vld.idx.msk [tilespmem:v11+s13+$0x0], $0xffff;
	v17 =	vshll.u32 v17, $0x3;
	v13 =	vadd.f32 v14, v13  }
0x181: {  	v46 =	vsub.f32 $1.000000000e+00, v39;
	v61 =	vmul.f32 v29, v1;
	v45 =	vld.idx.msk [tilespmem:v11+s15+$0x0], $0xffff;
	v29 =	vor.u32 v0, v17  }
0x182: {  	v15 =	vmul.f32 v15, v21;
	v47 =	vld.idx.msk [tilespmem:v11+s21+$0x0], $0xffff;
	v17 =	vmul.f32 v18, v5;
	v19 =	vsub.f32 $1.000000000e+00, v41;
	[tilespmem:s2+$0x180] =	vst v13  }
0x183: {  	v44 =	vor.u32 $0x4, v28;
	v14 =	vmul.f32 v60, v22;
	v13 =	vmul.f32 v20, v9;
	v20 =	vld.idx.msk [tilespmem:v40+s13+$0x0], $0xffff  }
0x184: {  	v56 =	vsub.f32 $1.000000000e+00, v34;
	v18 =	vmul.f32 v19, v46;
	v19 =	vmul.f32 v19, v39;
	v62 =	vld.idx.msk [tilespmem:v40+s15+$0x0], $0xffff  }
0x185: {  	v14 =	vadd.f32 v14, v15;
	v15 =	vmul.f32 v38, v4;
	v48 =	vld.idx.msk [tilespmem:v40+s19+$0x0], $0xffff;
	v13 =	vadd.f32 v13, v17  }
0x186: {  	v58 =	vsub.f32 $1.000000000e+00, v37;
	v43 =	vmul.f32 v18, v43;
	v45 =	vmul.f32 v19, v45;
	v52 =	vld.idx.msk [tilespmem:v29+s13+$0x0], $0xffff  }
0x187: {  	v63 =	vmul.f32 v16, v10;
	v53 =	vld.idx.msk [tilespmem:v40+s21+$0x0], $0xffff;
	v17 =	vmul.f32 v41, v46;
	v13 =	vadd.f32 v15, v13  }
0x188: {  	v36 =	vmul.f32 v36, v2;
	v16 =	vmul.f32 v41, v39;
	v54 =	vld.idx.msk [tilespmem:v29+s15+$0x0], $0xffff;
	v55 =	vadd.f32 v45, v43  }
0x189: {  	v57 =	vld.idx.msk [tilespmem:v29+s19+$0x0], $0xffff;
	v15 =	vor.u32 $0x7, v12;
	v12 =	vmul.f32 v42, v17;
	v13 =	vadd.f32 v63, v13  }
0x18a: {  	v60 =	vmul.f32 v47, v16;
	v47 =	vor.u32 $0x1, v11;
	v59 =	vld.idx.msk [tilespmem:v29+s21+$0x0], $0xffff;
	v14 =	vadd.f32 v61, v14  }
0x18b: {  	s30 =	simm.s32 $0x200;
	v20 =	vmul.f32 v20, v7;
	v38 =	vmul.f32 v62, v8;
	v35 =	vadd.f32 v12, v55;
	[tilespmem:s9+$0x180] =	vst v13  }
0x18c: {  	s0 =	sand.u32 $0x3FFFFC00, s30;
	v14 =	vadd.f32 v36, v14;
	v61 =	vmul.f32 v48, v3;
	v12 =	vmul.f32 v58, v56;
	v49 =	vld.idx.msk [tilespmem:v44+s13+$0x0], $0xffff  }
0x18d: {  	s0 =	sadd.s32 $0x14000, s0;
	v36 =	vmul.f32 v53, v6;
	v20 =	vadd.f32 v38, v20;
	v35 =	vadd.f32 v60, v35;
	v62 =	vld.idx.msk [tilespmem:v44+s15+$0x0], $0xffff  }
0x18e: {  	s23 =	sor.u32 s23, s0;
	[tilespmem:s20+$0x300] =	vst v14;
	v14 =	vmul.f32 v37, v34;
	v13 =	vmul.f32 v58, v34;
	v63 =	vld.idx.msk [tilespmem:v44+s19+$0x0], $0xffff  }
0x18f: {  	v50 =	vmul.f32 v12, v52;
	v44 =	vld.idx.msk [tilespmem:v44+s21+$0x0], $0xffff;
	v38 =	vadd.f32 v61, v20;
	[tilespmem:s23+$0x0] =	vst v35  }
0x190: {  	v45 =	vor.u32 $0x5, v27;
	v20 =	vmul.f32 v37, v56;
	v39 =	vmul.f32 v13, v54;
	v34 =	vld.idx.msk [tilespmem:v47+s13+$0x0], $0xffff  }
0x191: {  	v54 =	vld.idx.msk [tilespmem:v47+s15+$0x0], $0xffff;
	v51 =	vadd.f32 v36, v38  }
0x192: {  	v60 =	vld.idx.msk [tilespmem:v47+s19+$0x0], $0xffff;
	v52 =	vmul.f32 v57, v20;
	v53 =	vadd.f32 v39, v50  }
0x193: {  	v55 =	vmul.f32 v59, v14;
	v35 =	vor.u32 $0x1, v29;
	v36 =	vld.idx.msk [tilespmem:v15+s13+$0x0], $0xffff;
	[tilespmem:s2+$0x200] =	vst v51  }
0x194: {  	v57 =	vmul.f32 v49, v5;
	v37 =	vadd.f32 v52, v53;
	v58 =	vmul.f32 v62, v9;
	v62 =	vld.idx.msk [tilespmem:v47+s21+$0x0], $0xffff  }
0x195: {  	v56 =	vld.idx.msk [tilespmem:v45+s13+$0x0], $0xffff  }
0x196: {  	v48 =	vmul.f32 v63, v4;
	v59 =	vld.idx.msk [tilespmem:v45+s15+$0x0], $0xffff;
	v37 =	vadd.f32 v55, v37;
	v38 =	vadd.f32 v58, v57  }
0x197: {  	s25 =	sor.u32 s18, s0;
	v61 =	vld.idx.msk [tilespmem:v45+s19+$0x0], $0xffff  }
0x198: {  	v63 =	vor.u32 $0x5, v28;
	v44 =	vmul.f32 v44, v10;
	v52 =	vld.idx.msk [tilespmem:v45+s21+$0x0], $0xffff;
	[tilespmem:s25+$0x0] =	vst v37;
	v51 =	vadd.f32 v48, v38  }
0x199: {  	v34 =	vmul.f32 v34, v18;
	v39 =	vmul.f32 v54, v19;
	v53 =	vld.idx.msk [tilespmem:v35+s13+$0x0], $0xffff  }
0x19a: {  	v54 =	vld.idx.msk [tilespmem:v35+s15+$0x0], $0xffff;
	v37 =	vadd.f32 v44, v51;
	v41 =	vmul.f32 v56, v7  }
0x19b: {  	v34 =	vadd.f32 v39, v34;
	v55 =	vld.idx.msk [tilespmem:v35+s19+$0x0], $0xffff;
	v42 =	vmul.f32 v59, v8;
	v56 =	vmul.f32 v60, v17  }
0x19c: {  	v35 =	vld.idx.msk [tilespmem:v35+s21+$0x0], $0xffff;
	v58 =	vmul.f32 v62, v16;
	v40 =	vmul.f32 v61, v3;
	[tilespmem:s9+$0x200] =	vst v37  }
0x19d: {  	v57 =	vadd.f32 v42, v41;
	v34 =	vadd.f32 v56, v34;
	v41 =	vor.u32 $0x2, v11;
	v59 =	vld.idx.msk [tilespmem:v63+s13+$0x0], $0xffff  }
0x19e: {  	v38 =	vmul.f32 v52, v6;
	v60 =	vld.idx.msk [tilespmem:v63+s15+$0x0], $0xffff  }
0x19f: {  	v61 =	vor.u32 $0x6, v27;
	v62 =	vld.idx.msk [tilespmem:v63+s19+$0x0], $0xffff;
	v37 =	vadd.f32 v40, v57;
	v34 =	vadd.f32 v58, v34  }
0x1a0: {  	v63 =	vld.idx.msk [tilespmem:v63+s21+$0x0], $0xffff;
	v45 =	vmul.f32 v53, v12  }
0x1a1: {  	v44 =	vmul.f32 v54, v13;
	v37 =	vadd.f32 v38, v37;
	[tilespmem:s23+$0x80] =	vst v34;
	v38 =	vld.idx.msk [tilespmem:v15+s15+$0x0], $0xffff  }
0x1a2: {  	v52 =	vld.idx.msk [tilespmem:v41+s13+$0x0], $0xffff  }
0x1a3: {  	v51 =	vmul.f32 v55, v20;
	v44 =	vadd.f32 v44, v45;
	v54 =	vld.idx.msk [tilespmem:v41+s15+$0x0], $0xffff;
	[tilespmem:s2+$0x280] =	vst v37  }
0x1a4: {  	v47 =	vor.u32 $0x2, v29;
	v35 =	vmul.f32 v35, v14;
	v37 =	vld.idx.msk [tilespmem:v61+s13+$0x0], $0xffff  }
0x1a5: {  	v34 =	vadd.f32 v51, v44;
	v42 =	vmul.f32 v59, v5;
	v43 =	vmul.f32 v60, v9;
	v53 =	vld.idx.msk [tilespmem:v61+s15+$0x0], $0xffff  }
0x1a6: {  	v25 =	vmul.f32 v32, v25;
	v26 =	vmul.f32 v33, v26;
	v59 =	vld.idx.msk [tilespmem:v41+s19+$0x0], $0xffff  }
0x1a7: {  	v57 =	vmul.f32 v62, v4;
	v56 =	vld.idx.msk [tilespmem:v61+s19+$0x0], $0xffff;
	v55 =	vadd.f32 v35, v34;
	v58 =	vadd.f32 v43, v42  }
0x1a8: {  	v24 =	vmul.f32 v31, v24;
	v25 =	vadd.f32 v26, v25;
	v31 =	vmul.f32 v63, v10;
	v63 =	vld.idx.msk [tilespmem:v41+s21+$0x0], $0xffff  }
0x1a9: {  	v60 =	vor.u32 $0x6, v28;
	v26 =	vld.idx.msk [tilespmem:v61+s21+$0x0], $0xffff;
	[tilespmem:s25+$0x80] =	vst v55;
	v61 =	vadd.f32 v57, v58  }
0x1aa: {  	v24 =	vadd.f32 v24, v25;
	v62 =	vld.idx.msk [tilespmem:v47+s13+$0x0], $0xffff;
	v46 =	vmul.f32 v37, v7;
	v49 =	vmul.f32 v53, v8  }
0x1ab: {  	v36 =	vmul.f32 v36, v21;
	v50 =	vmul.f32 v52, v18;
	v51 =	vld.idx.msk [tilespmem:v47+s19+$0x0], $0xffff;
	v25 =	vadd.f32 v31, v61  }
0x1ac: {  	v52 =	vmul.f32 v54, v19;
	v31 =	vld.idx.msk [tilespmem:v47+s15+$0x0], $0xffff;
	v33 =	vmul.f32 v56, v3;
	v34 =	vadd.f32 v49, v46  }
0x1ad: {  	v54 =	vld.idx.msk [tilespmem:v47+s21+$0x0], $0xffff;
	v39 =	vmul.f32 v59, v17;
	v53 =	vmul.f32 v30, v23;
	v30 =	vor.u32 $0x7, v27;
	[tilespmem:s9+$0x280] =	vst v25  }
0x1ae: {  	v26 =	vmul.f32 v26, v6;
	v25 =	vadd.f32 v52, v50;
	v55 =	vld.idx.msk [tilespmem:v60+s13+$0x0], $0xffff;
	v27 =	vadd.f32 v33, v34  }
0x1af: {  	v38 =	vmul.f32 v38, v22;
	v57 =	vmul.f32 v63, v16;
	v56 =	vld.idx.msk [tilespmem:v60+s15+$0x0], $0xffff  }
0x1b0: {  	v58 =	vld.idx.msk [tilespmem:v60+s19+$0x0], $0xffff;
	v34 =	vor.u32 $0x3, v11;
	v32 =	vadd.f32 v39, v25;
	v27 =	vadd.f32 v26, v27  }
0x1b1: {  	v21 =	vor.u32 $0x6, v29;
	v42 =	vld.idx.msk [tilespmem:v60+s21+$0x0], $0xffff;
	v35 =	vmul.f32 v62, v12;
	v59 =	vmul.f32 v31, v13  }
0x1b2: {  	v22 =	vor.u32 $0x7, v29;
	v23 =	vor.u32 $0x7, v28;
	v31 =	vld.idx.msk [tilespmem:v15+s19+$0x0], $0xffff;
	v32 =	vadd.f32 v57, v32;
	[tilespmem:s2+$0x300] =	vst v27  }
0x1b3: {  	v28 =	vadd.f32 v53, v24;
	v60 =	vmul.f32 v51, v20;
	v35 =	vadd.f32 v59, v35;
	v27 =	vld.idx.msk [tilespmem:v30+s13+$0x0], $0xffff  }
0x1b4: {  	v24 =	vor.u32 $0x5, v29;
	v25 =	vor.u32 $0x4, v29;
	v61 =	vmul.f32 v54, v14;
	[tilespmem:s23+$0x100] =	vst v32;
	v32 =	vld.idx.msk [tilespmem:v30+s15+$0x0], $0xffff  }
0x1b5: {  	v62 =	vmul.f32 v55, v5;
	v33 =	vmul.f32 v56, v9;
	v63 =	vadd.f32 v60, v35;
	v37 =	vld.idx.msk [tilespmem:v34+s13+$0x0], $0xffff  }
0x1b6: {  	[tilespmem:s28+$0x380] =	vst v28;
	v28 =	vadd.f32 v38, v36;
	v26 =	vor.u32 $0x3, v29;
	v35 =	vmul.f32 v58, v4;
	v29 =	vld.idx.msk [tilespmem:v30+s19+$0x0], $0xffff  }
0x1b7: {  	s11 =	simm.s32 $0x0;
	s28 =	simm.s32 $0x4;
	v38 =	vld.idx.msk [tilespmem:v34+s15+$0x0], $0xffff;
	v36 =	vadd.f32 v33, v62;
	v33 =	vmul.f32 v42, v10;
	v39 =	vadd.f32 v61, v63  }
.LBB2_7:
0x1b8: {  	s28 =	sadd.s32 $0x2, s28;
	s22 =	sadd.s32 $0x20, s22;
	v30 =	vld.idx.msk [tilespmem:v30+s21+$0x0], $0xffff;
	v31 =	vmul.f32 v31, v1;
	v1 =	vmov v4;
	v4 =	vmov v20  }
0x1b9: {  	s0 =	sshll.u32 s28, $0x4;
	s1 =	sand.u32 $0x60, s22;
	p0 =	slt.u32 s28, $0x3E;
	[tilespmem:s25+$0x100] =	vst v39;
	v20 =	vadd.f32 v35, v36;
	v35 =	vld.idx.msk [tilespmem:v15+s21+$0x0], $0xffff;
	v15 =	vmov v23;
	v23 =	vmov v22  }
0x1ba: {  	v27 =	vmul.f32 v27, v7;
	v32 =	vmul.f32 v32, v8;
	s0 =	sand.u32 $0xFFFFFF80, s0;
	s3 =	sor.u32 $0x10, s1;
	v22 =	vld.idx.msk [tilespmem:v34+s19+$0x0], $0xffff;
	v28 =	vadd.f32 v31, v28  }
0x1bb: {  	v7 =	vmov v18;
	v8 =	vmov v19;
	s4 =	sor.u32 s1, s0;
	s0 =	sor.u32 s0, s3;
	v31 =	vld.idx.msk [tilespmem:v26+s13+$0x0], $0xffff;
	v20 =	vadd.f32 v33, v20  }
0x1bc: {  	v27 =	vadd.f32 v32, v27;
	v29 =	vmul.f32 v29, v3;
	v3 =	vmovc v17;
	v18 =	vmov s0;
	v19 =	vld.idx.msk [tilespmem:v34+s21+$0x0], $0xffff  }
0x1bd: {  	v32 =	vmul.f32 v37, v7;
	v17 =	vmov s4;
	v33 =	vld [tilespmem:s4+$0x3000];
	v18 =	vshll.u32 v18, $0x3;
	[tilespmem:s9+$0x300] =	vst v20  }
0x1be: {  	v34 =	vmul.f32 v38, v8;
	v29 =	vadd.f32 v29, v27;
	v30 =	vmul.f32 v30, v6;
	v6 =	vmovc v16;
	v20 =	vld [tilespmem:s4+$0x3800]  }
0x1bf: {  	v16 =	vshll.u32 v17, $0x3;
	v27 =	vor.u32 v0, v18;
	v18 =	vmul.f32 v35, v2;
	v2 =	vmovc v10;
	v17 =	vld.idx.msk [tilespmem:v26+s15+$0x0], $0xffff  }
0x1c0: {  	v32 =	vadd.f32 v34, v32;
	v22 =	vmul.f32 v22, v3;
	v29 =	vadd.f32 v30, v29;
	v35 =	vld.idx.msk [tilespmem:v26+s19+$0x0], $0xffff  }
0x1c1: {  	v34 =	vor.u32 v0, v16;
	v36 =	vmul.f32 v31, v12;
	v18 =	vadd.f32 v18, v28;
	v16 =	vld.idx.msk [tilespmem:v26+s21+$0x0], $0xffff  }
0x1c2: {  	v38 =	vor.u32 $0x4, v11;
	v10 =	vmovc v14;
	v22 =	vadd.f32 v22, v32;
	v19 =	vmul.f32 v19, v6;
	v37 =	vld [tilespmem:s0+$0x3000];
	[tilespmem:s2+$0x380] =	vst v29;
	s2 =	smov.u32 s23  }
0x1c3: {  	v29 =	vsub.f32 $1.000000000e+00, v33;
	v26 =	vsub.f32 $1.000000000e+00, v20;
	v14 =	vmul.f32 v20, v33;
	v39 =	vld [tilespmem:s0+$0x3800];
	[tilespmem:s20+$0x380] =	vst v18;
	s20 =	smov.u32 s9;
	s9 =	smov.u32 s25  }
0x1c4: {  	v30 =	vor.u32 $0x2, v34;
	v32 =	vor.u32 $0x1, v34;
	v18 =	vadd.f32 v19, v22;
	v40 =	vld.idx.msk [tilespmem:v27+s19+$0x0], $0xffff  }
0x1c5: {  	v41 =	vmul.f32 v26, v29;
	v28 =	vmul.f32 v26, v33;
	v26 =	vor.u32 $0x3, v34;
	v33 =	vld.idx.msk [tilespmem:v27+s13+$0x0], $0xffff  }
0x1c6: {  	v42 =	vor.u32 $0x4, v34;
	v20 =	vmul.f32 v20, v29;
	v17 =	vmul.f32 v17, v13;
	v43 =	vld.idx.msk [tilespmem:v27+s15+$0x0], $0xffff;
	[tilespmem:s2+$0x180] =	vst v18  }
0x1c7: {  	v31 =	vor.u32 $0x5, v34;
	v35 =	vmul.f32 v35, v4;
	v44 =	vmul.f32 v16, v10;
	v45 =	vld.idx.msk [tilespmem:v38+s13+$0x0], $0xffff  }
0x1c8: {  	v29 =	vor.u32 $0x6, v34;
	v16 =	vsub.f32 $1.000000000e+00, v37;
	v19 =	vsub.f32 $1.000000000e+00, v39;
	v46 =	vld.idx.msk [tilespmem:v38+s15+$0x0], $0xffff  }
0x1c9: {  	v22 =	vor.u32 $0x7, v34;
	v36 =	vadd.f32 v17, v36;
	v47 =	vld.idx.msk [tilespmem:v27+s21+$0x0], $0xffff  }
0x1ca: {  	v18 =	vmul.f32 v19, v16;
	v19 =	vmul.f32 v19, v37;
	v48 =	vld.idx.msk [tilespmem:v38+s19+$0x0], $0xffff  }
0x1cb: {  	v35 =	vadd.f32 v35, v36;
	v17 =	vmul.f32 v39, v16;
	v49 =	vld.idx.msk [tilespmem:v34+s13+$0x0], $0xffff  }
0x1cc: {  	v33 =	vmul.f32 v18, v33;
	v36 =	vmul.f32 v19, v43;
	v38 =	vld.idx.msk [tilespmem:v38+s21+$0x0], $0xffff  }
0x1cd: {  	v16 =	vmul.f32 v39, v37;
	v35 =	vadd.f32 v44, v35;
	v37 =	vmul.f32 v40, v17;
	v43 =	vld.idx.msk [tilespmem:v34+s15+$0x0], $0xffff  }
0x1ce: {  	v40 =	vmul.f32 v46, v8;
	v39 =	vld.idx.msk [tilespmem:v34+s19+$0x0], $0xffff;
	v33 =	vadd.f32 v36, v33;
	v36 =	vmul.f32 v45, v7  }
0x1cf: {  	v44 =	vmul.f32 v47, v16;
	v45 =	vor.u32 $0x1, v27;
	v34 =	vld.idx.msk [tilespmem:v34+s21+$0x0], $0xffff;
	[tilespmem:s9+$0x180] =	vst v35  }
0x1d0: {  	s0 =	sshll.u32 s28, $0x7;
	v33 =	vadd.f32 v37, v33;
	v35 =	vld.idx.msk [tilespmem:v25+s13+$0x0], $0xffff;
	v36 =	vadd.f32 v40, v36;
	v37 =	vmul.f32 v48, v3  }
0x1d1: {  	s0 =	sand.u32 $0x3FFFFC00, s0;
	v47 =	vor.u32 $0x5, v11;
	v40 =	vmul.f32 v41, v49;
	v46 =	vld.idx.msk [tilespmem:v25+s15+$0x0], $0xffff  }
0x1d2: {  	s0 =	sadd.s32 $0x14000, s0;
	v33 =	vadd.f32 v44, v33;
	v44 =	vld.idx.msk [tilespmem:v25+s19+$0x0], $0xffff;
	v36 =	vadd.f32 v37, v36;
	v37 =	vmul.f32 v38, v6  }
0x1d3: {  	s25 =	sor.u32 s1, s0;
	s23 =	sor.u32 s3, s0;
	v38 =	vmul.f32 v28, v43;
	v43 =	vld.idx.msk [tilespmem:v25+s21+$0x0], $0xffff;
	v25 =	vmov v42  }
0x1d4: {  	v39 =	vmul.f32 v39, v20;
	[tilespmem:s23+$0x0] =	vst v33;
	v33 =	vadd.f32 v37, v36;
	v36 =	vld.idx.msk [tilespmem:v15+s13+$0x0], $0xffff  }
0x1d5: {  	v37 =	vadd.f32 v38, v40;
	v34 =	vmul.f32 v34, v14;
	v38 =	vld.idx.msk [tilespmem:v45+s13+$0x0], $0xffff  }
0x1d6: {  	v35 =	vmul.f32 v35, v12;
	v40 =	vld.idx.msk [tilespmem:v45+s15+$0x0], $0xffff;
	[tilespmem:s2+$0x200] =	vst v33  }
0x1d7: {  	v33 =	vadd.f32 v39, v37;
	v37 =	vmul.f32 v46, v13;
	v39 =	vld.idx.msk [tilespmem:v47+s13+$0x0], $0xffff  }
0x1d8: {  	v42 =	vmul.f32 v44, v4;
	v44 =	vld.idx.msk [tilespmem:v47+s15+$0x0], $0xffff  }
0x1d9: {  	v33 =	vadd.f32 v34, v33;
	v35 =	vadd.f32 v37, v35;
	v37 =	vmul.f32 v43, v10;
	v34 =	vld.idx.msk [tilespmem:v45+s19+$0x0], $0xffff  }
0x1da: {  	v36 =	vmul.f32 v36, v5;
	v5 =	vmov v12;
	v12 =	vmov v41;
	v43 =	vld.idx.msk [tilespmem:v47+s19+$0x0], $0xffff  }
0x1db: {  	v35 =	vadd.f32 v42, v35;
	[tilespmem:s25+$0x0] =	vst v33;
	v33 =	vld.idx.msk [tilespmem:v45+s21+$0x0], $0xffff  }
0x1dc: {  	v41 =	vld.idx.msk [tilespmem:v47+s21+$0x0], $0xffff  }
0x1dd: {  	v38 =	vmul.f32 v38, v18;
	v40 =	vmul.f32 v40, v19;
	v35 =	vadd.f32 v37, v35;
	v42 =	vld.idx.msk [tilespmem:v32+s13+$0x0], $0xffff  }
0x1de: {  	v39 =	vmul.f32 v39, v7;
	v44 =	vmul.f32 v44, v8;
	v37 =	vld.idx.msk [tilespmem:v32+s15+$0x0], $0xffff  }
0x1df: {  	v38 =	vadd.f32 v40, v38;
	v34 =	vmul.f32 v34, v17;
	v45 =	vld.idx.msk [tilespmem:v32+s19+$0x0], $0xffff;
	[tilespmem:s9+$0x200] =	vst v35  }
0x1e0: {  	v35 =	vadd.f32 v44, v39;
	v39 =	vmul.f32 v43, v3;
	v32 =	vld.idx.msk [tilespmem:v32+s21+$0x0], $0xffff  }
0x1e1: {  	v34 =	vadd.f32 v34, v38;
	v33 =	vmul.f32 v33, v16;
	v38 =	vor.u32 $0x2, v27;
	v40 =	vld.idx.msk [tilespmem:v24+s13+$0x0], $0xffff  }
0x1e2: {  	v35 =	vadd.f32 v39, v35;
	v39 =	vmul.f32 v41, v6;
	v41 =	vor.u32 $0x6, v11;
	v43 =	vld.idx.msk [tilespmem:v24+s15+$0x0], $0xffff  }
0x1e3: {  	v42 =	vmul.f32 v42, v12;
	v33 =	vadd.f32 v33, v34;
	v34 =	vld.idx.msk [tilespmem:v24+s19+$0x0], $0xffff  }
0x1e4: {  	v37 =	vmul.f32 v37, v28;
	v35 =	vadd.f32 v39, v35;
	v44 =	vld.idx.msk [tilespmem:v24+s21+$0x0], $0xffff;
	v24 =	vmov v31  }
0x1e5: {  	v31 =	vmul.f32 v45, v20;
	[tilespmem:s23+$0x80] =	vst v33;
	v33 =	vld.idx.msk [tilespmem:v15+s15+$0x0], $0xffff  }
0x1e6: {  	v37 =	vadd.f32 v37, v42;
	v32 =	vmul.f32 v32, v14;
	v39 =	vld.idx.msk [tilespmem:v38+s13+$0x0], $0xffff;
	[tilespmem:s2+$0x280] =	vst v35  }
0x1e7: {  	v35 =	vmul.f32 v40, v5;
	v40 =	vld.idx.msk [tilespmem:v41+s13+$0x0], $0xffff  }
0x1e8: {  	v31 =	vadd.f32 v31, v37;
	v37 =	vmul.f32 v43, v13;
	v42 =	vld.idx.msk [tilespmem:v41+s15+$0x0], $0xffff  }
0x1e9: {  	v34 =	vmul.f32 v34, v4;
	v43 =	vld.idx.msk [tilespmem:v38+s15+$0x0], $0xffff  }
0x1ea: {  	v31 =	vadd.f32 v32, v31;
	v32 =	vadd.f32 v37, v35;
	v35 =	vmul.f32 v44, v10;
	v37 =	vld.idx.msk [tilespmem:v41+s19+$0x0], $0xffff  }
0x1eb: {  	v33 =	vmul.f32 v33, v9;
	v9 =	vmov v13;
	v13 =	vmov v28;
	v44 =	vld.idx.msk [tilespmem:v38+s19+$0x0], $0xffff  }
0x1ec: {  	[tilespmem:s25+$0x80] =	vst v31;
	v31 =	vadd.f32 v34, v32;
	v32 =	vld.idx.msk [tilespmem:v41+s21+$0x0], $0xffff  }
0x1ed: {  	v28 =	vadd.f32 v33, v36;
	v34 =	vld.idx.msk [tilespmem:v30+s13+$0x0], $0xffff  }
0x1ee: {  	v36 =	vmul.f32 v42, v8;
	v33 =	vld.idx.msk [tilespmem:v38+s21+$0x0], $0xffff;
	v31 =	vadd.f32 v35, v31;
	v35 =	vmul.f32 v40, v7  }
0x1ef: {  	v39 =	vmul.f32 v39, v18;
	v38 =	vld.idx.msk [tilespmem:v30+s15+$0x0], $0xffff  }
0x1f0: {  	v41 =	vmul.f32 v43, v19;
	v40 =	vld.idx.msk [tilespmem:v30+s19+$0x0], $0xffff;
	v35 =	vadd.f32 v36, v35;
	v36 =	vmul.f32 v37, v3  }
0x1f1: {  	v42 =	vmul.f32 v44, v17;
	v37 =	vld.idx.msk [tilespmem:v30+s21+$0x0], $0xffff;
	[tilespmem:s9+$0x280] =	vst v31;
	v30 =	vor.u32 $0x7, v11;
	v11 =	vmov v27  }
0x1f2: {  	v27 =	vadd.f32 v41, v39;
	v32 =	vmul.f32 v32, v6;
	v39 =	vld.idx.msk [tilespmem:v21+s13+$0x0], $0xffff;
	v31 =	vadd.f32 v36, v35  }
0x1f3: {  	v35 =	vmul.f32 v34, v12;
	v34 =	vor.u32 $0x3, v11;
	v36 =	vld.idx.msk [tilespmem:v21+s15+$0x0], $0xffff  }
0x1f4: {  	v27 =	vadd.f32 v42, v27;
	v33 =	vmul.f32 v33, v16;
	v41 =	vld.idx.msk [tilespmem:v21+s19+$0x0], $0xffff;
	v31 =	vadd.f32 v32, v31  }
0x1f5: {  	v32 =	vmul.f32 v38, v13;
	v42 =	vld.idx.msk [tilespmem:v21+s21+$0x0], $0xffff;
	v21 =	vmov v29  }
0x1f6: {  	v29 =	vmul.f32 v40, v20;
	v33 =	vadd.f32 v33, v27;
	[tilespmem:s2+$0x300] =	vst v31;
	v31 =	vld.idx.msk [tilespmem:v15+s19+$0x0], $0xffff  }
.Ltmp2:
0x1f7: {  	v35 =	vadd.f32 v32, v35;
	v38 =	vmul.f32 v37, v14;
	v27 =	vld.idx.msk [tilespmem:v30+s13+$0x0], $0xffff;
	(pc) =	sbr.rel @p0 .LBB2_7-.Ltmp2, $4  }
0x1f8: {  	[tilespmem:s23+$0x100] =	vst v33;
	v33 =	vmul.f32 v39, v5;
	v32 =	vld.idx.msk [tilespmem:v30+s15+$0x0], $0xffff  }
0x1f9: {  	v39 =	vadd.f32 v29, v35;
	v36 =	vmul.f32 v36, v9;
	v37 =	vld.idx.msk [tilespmem:v34+s13+$0x0], $0xffff  }
0x1fa: {  	v35 =	vmul.f32 v41, v4;
	v29 =	vld.idx.msk [tilespmem:v30+s19+$0x0], $0xffff  }
0x1fb: {  	v39 =	vadd.f32 v38, v39;
	v36 =	vadd.f32 v36, v33;
	v33 =	vmul.f32 v42, v10;
	v38 =	vld.idx.msk [tilespmem:v34+s15+$0x0], $0xffff  }
0x1fc: {  	_ =	sdelay $0x3  }
0x1fd: {  	v51 =	vld.idx.msk [tilespmem:v34+s19+$0x0], $0xffff;
	[tilespmem:s25+$0x100] =	vst v39  }
0x1fe: {  	v40 =	vld.idx.msk [tilespmem:v26+s13+$0x0], $0xffff  }
0x1ff: {  	v41 =	vld.idx.msk [tilespmem:v26+s15+$0x0], $0xffff  }
0x200: {  	v52 =	vld.idx.msk [tilespmem:v34+s21+$0x0], $0xffff  }
0x201: {  	v37 =	vmul.f32 v37, v18;
	v42 =	vld.idx.msk [tilespmem:v26+s19+$0x0], $0xffff;
	v38 =	vmul.f32 v38, v19;
	_ =	sdelay $0x1  }
0x202: {  	v54 =	vld.idx.msk [tilespmem:v26+s21+$0x0], $0xffff;
	v53 =	vmul.f32 v51, v17;
	v37 =	vadd.f32 v38, v37  }
0x203: {  	v55 =	vmul.f32 v40, v12;
	v56 =	vmul.f32 v41, v13  }
0x204: {  	v57 =	vor.u32 $0x4, v11;
	v34 =	vmul.f32 v52, v16;
	v37 =	vadd.f32 v53, v37  }
0x205: {  	v58 =	vmul.f32 v42, v20;
	v39 =	vadd.f32 v56, v55  }
0x206: {  	v34 =	vadd.f32 v34, v37  }
0x207: {  	v26 =	vmul.f32 v54, v14;
	v59 =	vadd.f32 v58, v39  }
0x208: {  	[tilespmem:s23+$0x180] =	vst v34  }
0x209: {  	v34 =	vld.idx.msk [tilespmem:v57+s13+$0x0], $0xffff;
	v26 =	vadd.f32 v26, v59  }
0x20a: {  	v60 =	vld.idx.msk [tilespmem:v57+s15+$0x0], $0xffff  }
0x20b: {  	v61 =	vld.idx.msk [tilespmem:v57+s19+$0x0], $0xffff;
	[tilespmem:s25+$0x180] =	vst v26  }
0x20c: {  	v26 =	vld.idx.msk [tilespmem:v25+s13+$0x0], $0xffff  }
0x20d: {  	v62 =	vld.idx.msk [tilespmem:v25+s15+$0x0], $0xffff  }
0x20e: {  	v38 =	vld.idx.msk [tilespmem:v57+s21+$0x0], $0xffff  }
0x20f: {  	v63 =	vld.idx.msk [tilespmem:v25+s19+$0x0], $0xffff;
	v34 =	vmul.f32 v34, v18;
	v37 =	vmul.f32 v60, v19;
	_ =	sdelay $0x1  }
0x210: {  	v45 =	vld.idx.msk [tilespmem:v25+s21+$0x0], $0xffff;
	v44 =	vmul.f32 v61, v17;
	v34 =	vadd.f32 v37, v34  }
0x211: {  	v26 =	vmul.f32 v26, v12;
	v46 =	vmul.f32 v62, v13  }
0x212: {  	v47 =	vor.u32 $0x5, v11;
	v38 =	vmul.f32 v38, v16;
	v34 =	vadd.f32 v44, v34  }
0x213: {  	v48 =	vmul.f32 v63, v20;
	v26 =	vadd.f32 v46, v26  }
0x214: {  	v34 =	vadd.f32 v38, v34  }
0x215: {  	v25 =	vmul.f32 v45, v14;
	v26 =	vadd.f32 v48, v26  }
0x216: {  	[tilespmem:s23+$0x200] =	vst v34  }
0x217: {  	v34 =	vld.idx.msk [tilespmem:v47+s13+$0x0], $0xffff;
	v25 =	vadd.f32 v25, v26  }
0x218: {  	v49 =	vld.idx.msk [tilespmem:v47+s15+$0x0], $0xffff  }
0x219: {  	v50 =	vld.idx.msk [tilespmem:v47+s19+$0x0], $0xffff;
	[tilespmem:s25+$0x200] =	vst v25  }
0x21a: {  	v25 =	vld.idx.msk [tilespmem:v24+s13+$0x0], $0xffff  }
0x21b: {  	v51 =	vld.idx.msk [tilespmem:v24+s15+$0x0], $0xffff  }
0x21c: {  	v37 =	vld.idx.msk [tilespmem:v47+s21+$0x0], $0xffff  }
0x21d: {  	v52 =	vld.idx.msk [tilespmem:v24+s19+$0x0], $0xffff;
	v34 =	vmul.f32 v34, v18;
	v26 =	vmul.f32 v49, v19;
	_ =	sdelay $0x1  }
0x21e: {  	v54 =	vld.idx.msk [tilespmem:v24+s21+$0x0], $0xffff;
	v53 =	vmul.f32 v50, v17;
	v26 =	vadd.f32 v26, v34  }
0x21f: {  	v25 =	vmul.f32 v25, v12;
	v55 =	vmul.f32 v51, v13  }
0x220: {  	v57 =	vor.u32 $0x6, v11;
	v56 =	vmul.f32 v37, v16;
	v26 =	vadd.f32 v53, v26  }
0x221: {  	v58 =	vmul.f32 v52, v20;
	v25 =	vadd.f32 v55, v25  }
0x222: {  	v26 =	vadd.f32 v56, v26  }
0x223: {  	v24 =	vmul.f32 v54, v14;
	v25 =	vadd.f32 v58, v25  }
0x224: {  	[tilespmem:s23+$0x280] =	vst v26  }
0x225: {  	v26 =	vld.idx.msk [tilespmem:v57+s13+$0x0], $0xffff;
	v24 =	vadd.f32 v24, v25  }
0x226: {  	v59 =	vld.idx.msk [tilespmem:v57+s15+$0x0], $0xffff  }
0x227: {  	v60 =	vld.idx.msk [tilespmem:v57+s19+$0x0], $0xffff;
	[tilespmem:s25+$0x280] =	vst v24  }
0x228: {  	v24 =	vld.idx.msk [tilespmem:v21+s13+$0x0], $0xffff  }
0x229: {  	v61 =	vld.idx.msk [tilespmem:v21+s15+$0x0], $0xffff  }
0x22a: {  	v37 =	vld.idx.msk [tilespmem:v57+s21+$0x0], $0xffff  }
0x22b: {  	v35 =	vadd.f32 v35, v36;
	v62 =	vld.idx.msk [tilespmem:v21+s19+$0x0], $0xffff  }
0x22c: {  	v26 =	vmul.f32 v26, v18;
	v25 =	vmul.f32 v59, v19  }
0x22d: {  	v33 =	vadd.f32 v33, v35;
	v36 =	vld.idx.msk [tilespmem:v21+s21+$0x0], $0xffff;
	v63 =	vmul.f32 v60, v17  }
0x22e: {  	v30 =	vld.idx.msk [tilespmem:v30+s21+$0x0], $0xffff;
	v25 =	vadd.f32 v25, v26;
	v24 =	vmul.f32 v24, v12;
	v38 =	vmul.f32 v61, v13  }
0x22f: {  	v15 =	vld.idx.msk [tilespmem:v15+s21+$0x0], $0xffff;
	v40 =	vor.u32 $0x7, v11;
	v41 =	vmul.f32 v37, v16  }
0x230: {  	[tilespmem:s9+$0x300] =	vst v33;
	v42 =	vmul.f32 v62, v20;
	v25 =	vadd.f32 v63, v25;
	v24 =	vadd.f32 v38, v24  }
0x231: {  	v43 =	vld.idx.msk [tilespmem:v23+s13+$0x0], $0xffff  }
0x232: {  	v45 =	vld.idx.msk [tilespmem:v23+s19+$0x0], $0xffff;
	v21 =	vmul.f32 v36, v14;
	v25 =	vadd.f32 v41, v25;
	v24 =	vadd.f32 v42, v24  }
0x233: {  	v44 =	vld.idx.msk [tilespmem:v23+s15+$0x0], $0xffff  }
0x234: {  	v54 =	vld.idx.msk [tilespmem:v23+s21+$0x0], $0xffff;
	[tilespmem:s23+$0x300] =	vst v25;
	v21 =	vadd.f32 v21, v24  }
0x235: {  	v7 =	vmul.f32 v27, v7;
	v8 =	vmul.f32 v32, v8;
	v46 =	vld.idx.msk [tilespmem:v40+s13+$0x0], $0xffff  }
0x236: {  	v47 =	vld.idx.msk [tilespmem:v40+s15+$0x0], $0xffff;
	[tilespmem:s25+$0x300] =	vst v21  }
0x237: {  	v7 =	vadd.f32 v8, v7;
	v3 =	vmul.f32 v29, v3;
	v21 =	vld.idx.msk [tilespmem:v22+s13+$0x0], $0xffff  }
0x238: {  	v1 =	vmul.f32 v31, v1;
	v49 =	vld.idx.msk [tilespmem:v22+s15+$0x0], $0xffff  }
0x239: {  	v6 =	vmul.f32 v30, v6;
	v3 =	vadd.f32 v3, v7;
	v48 =	vld.idx.msk [tilespmem:v40+s19+$0x0], $0xffff  }
0x23a: {  	v1 =	vadd.f32 v1, v28;
	v5 =	vmul.f32 v43, v5;
	v9 =	vmul.f32 v44, v9;
	v53 =	vld.idx.msk [tilespmem:v22+s19+$0x0], $0xffff  }
0x23b: {  	v2 =	vmul.f32 v15, v2;
	v3 =	vadd.f32 v6, v3;
	v4 =	vmul.f32 v45, v4;
	v50 =	vld.idx.msk [tilespmem:v40+s21+$0x0], $0xffff  }
0x23c: {  	v5 =	vadd.f32 v9, v5;
	v56 =	vld.idx.msk [tilespmem:v22+s21+$0x0], $0xffff;
	v51 =	vmul.f32 v46, v18;
	v52 =	vmul.f32 v47, v19  }
0x23d: {  	v1 =	vadd.f32 v2, v1;
	v57 =	vmul.f32 v21, v12;
	v58 =	vmul.f32 v49, v13  }
0x23e: {  	v2 =	vadd.f32 v4, v5;
	v55 =	vmul.f32 v48, v17;
	v11 =	vadd.f32 v52, v51  }
0x23f: {  	v61 =	vmul.f32 v54, v10;
	v60 =	vmul.f32 v53, v20;
	v6 =	vadd.f32 v58, v57  }
0x240: {  	v8 =	vmul.f32 v50, v16;
	v59 =	vadd.f32 v55, v11  }
0x241: {  	[tilespmem:s20+$0x380] =	vst v1;
	v1 =	vadd.f32 v61, v2;
	v63 =	vmul.f32 v56, v14;
	v62 =	vadd.f32 v60, v6  }
0x242: {  	[tilespmem:s2+$0x380] =	vst v3;
	v3 =	vadd.f32 v8, v59  }
0x243: {  	[tilespmem:s9+$0x380] =	vst v1;
	v2 =	vadd.f32 v63, v62  }
0x244: {  	[tilespmem:s23+$0x380] =	vst v3  }
0x245: {  	s2 =	rddreg [dreg:$0xd];
	[tilespmem:s25+$0x380] =	vst v2  }
0x246: {  	s0 =	smin.u32 s2, $0x7680;
	s1 =	rddreg [dreg:$0x7]  }
0x247: {  	s30 =	simm.s32 $0x14000;
	s12 =	simm.s32 $0x3;
	s0 =	sadd.s32 s0, s1  }
0x248: {  	[hbm4b:s0+s11] =	stream.linear.scatter [tilespmem:s30], [sflag:$0x3], $0x2000, $0x38;
	[tilespmem:$0x18000] =	vst v63  }
0x249: {  	_ =	swait.ge [sflag:s12], $0x2000  }
0x24a: {  	s14 =	rddreg [dreg:$0xb]  }
0x24b: {  	p0 =	seq.s32 s14, $0xF  }
.Ltmp3:
0x24c: {  	_ = 	snop;
	(pc) =	sbr.rel @p0 .LBB2_12-.Ltmp3, $3  }
0x24d: {  	_ =	sdelay $0x1  }
0x24e: {  	[sflag:s12] =	ssyncset.done $0x0  }
0x24f: {  	[sflag:s12] =	ssyncadd.s32 $0xFFFFE000  }
0x250: {  	s0 =	smin.u32 s2, $0x6E80;
	s1 =	rddreg [dreg:$0x8]  }
0x251: {  	s18 =	rddreg [dreg:$0x4];
	s20 =	simm.s32 $0x0;
	s0 =	sadd.s32 s0, s1  }
0x252: {  	p0 =	por $0x0, $0x0;
	s2 =	simm.s32 $0x1;
	s0 =	sshrl.u32 s0, $0x2  }
0x253: {  	s4 =	simm.s32 $0x30;
	s22 =	sand.u32 $0x7, s20;
	s0 =	sadd.s32 s18, s0  }
0x254: {  	[tilespmem:s20], [sflag:$0x3] =	stream.linear.gather [hbm4b:s0+s20], $0x800, $0x38;
	[tilespmem:$0x18000] =	vst v63  }
0x255: {  	s2 =	simm.s32 @!p0 $0x0;
	s3 =	sand.u32 $0x3, s20;
	s0 =	sshll.u32 s22, $0x4  }
0x256: {  	s6 =	sand.u32 $0x700, s20;
	_ =	swait.ge [sflag:s12], $0x800;
	s0 =	sadd.s32 $0x0, s0  }
0x257: {  	s4 =	sand.u32 $0x70, s4;
	[sflag:s12] =	ssyncset.done $0x0;
	s5 =	sadd.s32 $0x30, s0  }
0x258: {  	s3 =	sshll.u32 s3, $0x5;
	[sflag:s12] =	ssyncadd.s32 $0xFFFFF800;
	s5 =	sor.u32 $0x80, s5  }
0x259: {  	s4 =	sor.u32 s4, s6;
	s3 =	sadd.s32 $0x0, s3;
	s0 =	sadd.s32 $0x10, s0;
	v1 =	vld [tilespmem:s5+$0x0]  }
0x25a: {  	s2 =	sshll.u32 s2, $0x6;
	s3 =	sadd.s32 $0x20, s3;
	s0 =	sor.u32 $0x80, s0;
	v2 =	vld [tilespmem:s4+$0x0]  }
0x25b: {  	s2 =	sadd.s32 $0x0, s2;
	s25 =	sor.u32 $0x80, s3;
	v3 =	vld [tilespmem:s0+$0x0]  }
0x25c: {  	s23 =	simm.s32 $0x10;
	s1 =	sand.u32 $0x40, s20;
	s2 =	sor.u32 $0x80, s2;
	v4 =	vld [tilespmem:s25+$0x0]  }
0x25d: {  	s28 =	simm.s32 $0x20;
	s4 =	sand.u32 $0x50, s23;
	v5 =	vld [tilespmem:s2+$0x0];
	s5 =	sor.u32 s1, s6  }
0x25e: {  	s3 =	sand.u32 $0x60, s28;
	s30 =	sor.u32 s4, s6;
	v8 =	vld [tilespmem:s5+$0x0]  }
0x25f: {  	s4 =	sor.u32 s3, s6;
	v6 =	vld [tilespmem:s30+$0x0]  }
0x260: {  	v7 =	vld [tilespmem:s4+$0x0];
	v1 =	vmul.f32 $2.047000000e+03, v1  }
0x261: {  	v2 =	vmul.f32 $2.047000000e+03, v2;
	v3 =	vmul.f32 $2.047000000e+03, v3  }
0x262: {  	v4 =	vmul.f32 $2.047000000e+03, v4;
	v5 =	vmul.f32 $2.047000000e+03, v5  }
0x263: {  	v8 =	vmul.f32 $2.047000000e+03, v8;
	v9 =	vtrunc.f32 v1  }
0x264: {  	v10 =	vtrunc.f32 v2;
	v6 =	vmul.f32 $2.047000000e+03, v6  }
0x265: {  	v12 =	vtrunc.f32 v3;
	v7 =	vmul.f32 $2.047000000e+03, v7  }
0x266: {  	v13 =	vtrunc.f32 v4;
	v14 =	vtrunc.f32 v5  }
0x267: {  	v9 =	vcvt.f32.s32 v9;
	v10 =	vcvt.f32.s32 v10  }
0x268: {  	v12 =	vcvt.f32.s32 v12;
	v14 =	vcvt.f32.s32 v14  }
0x269: {  	v13 =	vcvt.f32.s32 v13;
	v18 =	vtrunc.f32 v8  }
0x26a: {  	v16 =	vtrunc.f32 v7;
	v18 =	vcvt.f32.s32 v18  }
0x26b: {  	v11 =	vshll.u32 v9, $0xB;
	v19 =	vshll.u32 v12, $0xB;
	v16 =	vcvt.f32.s32 v16  }
0x26c: {  	v20 =	vshll.u32 v13, $0xB;
	v21 =	vshll.u32 v14, $0xB;
	v12 =	vcvt.s32.f32 v12  }
0x26d: {  	v13 =	vcvt.s32.f32 v13;
	v14 =	vcvt.s32.f32 v14;
	v11 =	vadd.s32 v10, v11  }
0x26e: {  	v9 =	vcvt.s32.f32 v9;
	v21 =	vadd.s32 v18, v21;
	vm0 =	vgt.s32 v11, $0x0  }
0x26f: {  	s2 =	simm.s32 $0x4;
	v20 =	vadd.s32 v16, v20;
	vm1 =	vgt.s32 v21, $0x0;
	v22 =	vcvt.s32.f32 v16  }
0x270: {  	s6 =	sand.u32 $0x7, s2;
	v25 =	vsub.f32 v3, v12;
	v12 =	vsub.f32 v4, v13;
	v11 =	vnsel vm0, $0x0, v11  }
0x271: {  	s9 =	simm.s32 $0x2;
	s8 =	simm.s32 $0x70;
	s0 =	sshll.u32 s6, $0x4;
	vm2 =	vgt.s32 v20, $0x0;
	v15 =	vmin.u32 v11, $0x3FF7FE;
	v11 =	vtrunc.f32 v6  }
0x272: {  	p0 =	por !p0, !p0;
	s18 =	simm.s32 $0x0;
	s0 =	sadd.s32 $0x80, s0;
	v16 =	vnsel vm2, $0x0, v20;
	v17 =	vadd.s32 $0x801, v15;
	v11 =	vcvt.f32.s32 v11  }
0x273: {  	s20 =	simm.s32 $0x80;
	s10 =	sadd.s32 $0x30, s0;
	s0 =	sadd.s32 $0x10, s0;
	v20 =	vcvt.s32.f32 v10;
	v10 =	vsub.f32 v5, v14;
	[tilespmem:s18+$0x2830] =	vst v17;
	v17 =	vcvt.s32.f32 v18  }
0x274: {  	s7 =	sand.u32 $0x3, s9;
	s16 =	sand.u32 $0x700, s20;
	s0 =	sor.u32 $0x80, s0;
	v18 =	vnsel vm1, $0x0, v21;
	v19 =	vadd.s32 v11, v19;
	v11 =	vcvt.s32.f32 v11  }
0x275: {  	s3 =	sshll.u32 s7, $0x5;
	s4 =	sand.u32 $0x70, s8;
	s5 =	sor.u32 $0x80, s10;
	v4 =	vld [tilespmem:s0+$0x0];
	v14 =	vsub.f32 v2, v20;
	v20 =	vadd.s32 $0x800, v15;
	vm14 =	vgt.s32 v19, $0x0  }
0x276: {  	s1 =	simm.s32 $0x1;
	s3 =	sadd.s32 $0x80, s3;
	s4 =	sor.u32 s4, s16;
	[tilespmem:s18+$0x1030] =	vst v15;
	v21 =	vld [tilespmem:s5+$0x0];
	v23 =	vmin.u32 v18, $0x3FF7FE;
	v19 =	vnsel vm14, $0x0, v19;
	v13 =	vsub.f32 v6, v11  }
0x277: {  	s17 =	simm.s32 $0x50;
	s1 =	simm.s32 @!p0 $0x0;
	s3 =	sadd.s32 $0x20, s3;
	v24 =	vld [tilespmem:s4+$0x0];
	[tilespmem:s18+$0x2030] =	vst v20;
	v11 =	vsub.f32 v7, v22;
	v22 =	vadd.s32 $0x1, v23;
	v18 =	vmin.u32 v19, $0x3FF7FE  }
0x278: {  	s1 =	sshll.u32 s1, $0x6;
	s22 =	sor.u32 $0x80, s3;
	s4 =	sand.u32 $0x50, s17;
	[tilespmem:s18+$0x1800] =	vst v22;
	v3 =	vadd.s32 $0x1, v18  }
0x279: {  	s23 =	simm.s32 $0x60;
	s1 =	sadd.s32 $0x80, s1;
	s25 =	sor.u32 s4, s16;
	v5 =	vld [tilespmem:s22+$0x0];
	v19 =	vmin.u32 v16, $0x3FF7FE;
	v16 =	vsub.f32 v1, v9;
	v1 =	vadd.s32 $0x801, v18;
	[tilespmem:s18+$0x1810] =	vst v3  }
0x27a: {  	s1 =	sor.u32 $0x80, s1;
	s3 =	sand.u32 $0x60, s23;
	s22 =	simm.s32 $0x40;
	v6 =	vld [tilespmem:s25+$0x0];
	v3 =	vadd.s32 $0x800, v18;
	[tilespmem:s18+$0x2810] =	vst v1  }
0x27b: {  	s3 =	sor.u32 s3, s16;
	s28 =	sand.u32 $0x40, s22;
	v4 =	vmul.f32 $2.047000000e+03, v4;
	v2 =	vmul.f32 $2.047000000e+03, v21;
	v1 =	vadd.s32 $0x1, v19;
	[tilespmem:s18+$0x2010] =	vst v3;
	v3 =	vld [tilespmem:s1+$0x0]  }
0x27c: {  	s30 =	sor.u32 s28, s16;
	v7 =	vsub.f32 v8, v17;
	v17 =	vld [tilespmem:s3+$0x0];
	v8 =	vadd.s32 $0x800, v19;
	[tilespmem:s18+$0x1820] =	vst v1;
	v1 =	vmul.f32 $2.047000000e+03, v24  }
0x27d: {  	v20 =	vtrunc.f32 v4;
	v21 =	vld [tilespmem:s30+$0x0];
	[tilespmem:s18+$0x2020] =	vst v8;
	v8 =	vadd.s32 $0x1, v15;
	v15 =	vtrunc.f32 v2  }
0x27e: {  	[tilespmem:s18+$0x1010] =	vst v18;
	v9 =	vadd.s32 $0x801, v19;
	v18 =	vcvt.f32.s32 v15;
	v24 =	vtrunc.f32 v1  }
0x27f: {  	v26 =	vadd.s32 $0x800, v23;
	v22 =	vcvt.f32.s32 v20;
	[tilespmem:s18+$0x2820] =	vst v9;
	v15 =	vcvt.f32.s32 v24  }
0x280: {  	v9 =	vmul.f32 $2.047000000e+03, v5;
	[tilespmem:s18+$0x1830] =	vst v8;
	v5 =	vshll.u32 v18, $0xB;
	v8 =	vmul.f32 $2.047000000e+03, v3  }
0x281: {  	[tilespmem:s18+$0x3810] =	vst v25;
	v3 =	vmul.f32 $2.047000000e+03, v6;
	v6 =	vmul.f32 $2.047000000e+03, v17;
	v17 =	vadd.s32 v15, v5  }
0x282: {  	[tilespmem:s18+$0x1000] =	vst v23;
	v5 =	vmul.f32 $2.047000000e+03, v21;
	v21 =	vtrunc.f32 v9;
	vm15 =	vgt.s32 v17, $0x0  }
0x283: {  	[tilespmem:s18+$0x2000] =	vst v26;
	v24 =	vadd.s32 $0x801, v23;
	v21 =	vcvt.f32.s32 v21;
	v17 =	vnsel vm15, $0x0, v17  }
0x284: {  	[tilespmem:s18+$0x2800] =	vst v24;
	v24 =	vtrunc.f32 v8;
	v20 =	vtrunc.f32 v3;
	v17 =	vmin.u32 v17, $0x3FF7FE  }
0x285: {  	s23 =	simm.s32 $0x40;
	[tilespmem:s18+$0x1020] =	vst v19;
	v23 =	vtrunc.f32 v5;
	v19 =	vcvt.f32.s32 v24;
	v26 =	vadd.s32 $0x801, v17  }
0x286: {  	p0 =	por !p0, !p0;
	s3 =	simm.s32 $0x100;
	v25 =	vshll.u32 v22, $0xB;
	s1 =	simm.s32 $0x4;
	v24 =	vtrunc.f32 v6;
	v20 =	vcvt.f32.s32 v20;
	[tilespmem:s23+$0x2830] =	vst v26  }
.LBB2_10:
0x287: {  	s0 =	simm.s32 $0x1  }
0x288: {  	v23 =	vcvt.f32.s32 v23;
	v24 =	vcvt.f32.s32 v24;
	v26 =	vshll.u32 v21, $0xB;
	[tilespmem:s23+$0x1030] =	vst v17;
	s9 =	sadd.s32 $0x2, s9;
	s0 =	simm.s32 @!p0 $0x0  }
0x289: {  	v27 =	vshll.u32 v19, $0xB;
	v22 =	vcvt.s32.f32 v22;
	s2 =	sadd.s32 $0x4, s2;
	s4 =	sand.u32 $0x3, s9;
	v25 =	vadd.s32 v20, v25;
	s0 =	sshll.u32 s0, $0x6;
	[tilespmem:s18+$0x3820] =	vst v12  }
0x28a: {  	s1 =	sadd.s32 $0x4, s1;
	s5 =	sand.u32 $0x7, s2;
	s4 =	sshll.u32 s4, $0x5;
	v12 =	vadd.s32 v23, v27;
	vm0 =	vgt.s32 v25, $0x0;
	v26 =	vadd.s32 v24, v26;
	[tilespmem:s18+$0x3830] =	vst v16  }
0x28b: {  	s20 =	sadd.s32 $0x80, s20;
	p1 =	slt.u32 s1, $0x3C;
	s5 =	sshll.u32 s5, $0x4;
	vm1 =	vgt.s32 v12, $0x0;
	v16 =	vcvt.s32.f32 v21;
	vm2 =	vgt.s32 v26, $0x0;
	[tilespmem:s18+$0x3800] =	vst v10  }
0x28c: {  	v18 =	vcvt.s32.f32 v18;
	s22 =	sadd.s32 $0x40, s22;
	s5 =	sadd.s32 s20, s5;
	s4 =	sadd.s32 s20, s4;
	v10 =	vcvt.s32.f32 v19;
	v19 =	vnsel vm0, $0x0, v25;
	[tilespmem:s18+$0x3010] =	vst v13  }
0x28d: {  	s7 =	sadd.s32 $0x30, s22;
	s6 =	sadd.s32 $0x10, s5;
	s5 =	sadd.s32 $0x30, s5;
	v21 =	vnsel vm2, $0x0, v26;
	v13 =	vcvt.s32.f32 v20;
	v20 =	vcvt.s32.f32 v24;
	[tilespmem:s18+$0x3020] =	vst v11  }
0x28e: {  	v15 =	vcvt.s32.f32 v15;
	s8 =	sand.u32 $0x700, s20;
	s7 =	sand.u32 $0x70, s7;
	v23 =	vcvt.s32.f32 v23;
	s5 =	sor.u32 $0x80, s5;
	v11 =	vnsel vm1, $0x0, v12;
	[tilespmem:s18+$0x3030] =	vst v14  }
0x28f: {  	s0 =	sadd.s32 s0, s20;
	s7 =	sor.u32 s7, s8;
	s4 =	sadd.s32 $0x20, s4;
	v25 =	vmin.u32 v11, $0x3FF7FE;
	v11 =	vmin.u32 v19, $0x3FF7FE;
	v19 =	vmin.u32 v21, $0x3FF7FE;
	v24 =	vld [tilespmem:s5+$0x0];
	[tilespmem:s18+$0x3000] =	vst v7  }
0x290: {  	s10 =	sadd.s32 $0x20, s22;
	v26 =	vsub.f32 v4, v22;
	s6 =	sor.u32 $0x80, s6;
	v12 =	vsub.f32 v9, v16;
	s5 =	sadd.s32 $0x10, s22;
	v4 =	vadd.s32 $0x1, v11;
	v21 =	vld [tilespmem:s7+$0x0];
	[tilespmem:s23+$0x1010] =	vst v11  }
0x291: {  	s0 =	sor.u32 $0x80, s0;
	s4 =	sor.u32 $0x80, s4;
	v10 =	vsub.f32 v8, v10;
	v16 =	vsub.f32 v2, v18;
	s5 =	sand.u32 $0x50, s5;
	v9 =	vld [tilespmem:s6+$0x0];
	[tilespmem:s23+$0x1810] =	vst v4;
	v4 =	vadd.s32 $0x800, v11  }
0x292: {  	v13 =	vsub.f32 v3, v13;
	v2 =	vadd.s32 $0x801, v11;
	s7 =	sand.u32 $0x60, s10;
	s6 =	sand.u32 $0x40, s22;
	s5 =	sor.u32 s5, s8;
	v11 =	vsub.f32 v6, v20;
	v8 =	vld [tilespmem:s4+$0x0];
	[tilespmem:s23+$0x2010] =	vst v4  }
0x293: {  	v14 =	vsub.f32 v1, v15;
	v7 =	vsub.f32 v5, v23;
	s18 =	smov.u32 s23;
	s4 =	sor.u32 s6, s8;
	v4 =	vadd.s32 $0x1, v19;
	v3 =	vld [tilespmem:s0+$0x0];
	s0 =	sor.u32 s7, s8;
	[tilespmem:s23+$0x2810] =	vst v2  }
0x294: {  	v6 =	vadd.s32 $0x801, v19;
	v5 =	vld [tilespmem:s5+$0x0];
	v2 =	vmul.f32 $2.047000000e+03, v24;
	[tilespmem:s18+$0x1820] =	vst v4;
	v4 =	vadd.s32 $0x800, v19  }
0x295: {  	v15 =	vadd.s32 $0x1, v17;
	v17 =	vadd.s32 $0x800, v17;
	v20 =	vld [tilespmem:s0+$0x0];
	v1 =	vmul.f32 $2.047000000e+03, v21;
	[tilespmem:s18+$0x2020] =	vst v4  }
0x296: {  	v22 =	vadd.s32 $0x1, v25;
	v21 =	vld [tilespmem:s4+$0x0];
	v4 =	vmul.f32 $2.047000000e+03, v9;
	v9 =	vtrunc.f32 v2;
	[tilespmem:s18+$0x2820] =	vst v6  }
0x297: {  	v23 =	vadd.s32 $0x800, v25;
	v6 =	vtrunc.f32 v1;
	v18 =	vcvt.f32.s32 v9;
	[tilespmem:s18+$0x1830] =	vst v15  }
0x298: {  	v24 =	vadd.s32 $0x801, v25;
	v9 =	vmul.f32 $2.047000000e+03, v8;
	v15 =	vcvt.f32.s32 v6;
	[tilespmem:s18+$0x2030] =	vst v17  }
0x299: {  	v8 =	vmul.f32 $2.047000000e+03, v3;
	v3 =	vmul.f32 $2.047000000e+03, v5;
	v5 =	vshll.u32 v18, $0xB;
	[tilespmem:s18+$0x1800] =	vst v22  }
0x29a: {  	v17 =	vtrunc.f32 v4;
	v6 =	vmul.f32 $2.047000000e+03, v20;
	v20 =	vadd.s32 v15, v5;
	[tilespmem:s18+$0x2000] =	vst v23  }
.Ltmp4:
0x29b: {  	v5 =	vmul.f32 $2.047000000e+03, v21;
	v21 =	vtrunc.f32 v9;
	vm0 =	vgt.s32 v20, $0x0;
	[tilespmem:s18+$0x2800] =	vst v24;
	(pc) =	sbr.rel @p1 .LBB2_10-.Ltmp4, $4  }
0x29c: {  	v22 =	vcvt.f32.s32 v17;
	v23 =	vtrunc.f32 v8;
	v17 =	vnsel vm0, $0x0, v20;
	[tilespmem:s18+$0x1020] =	vst v19  }
0x29d: {  	s3 =	sadd.s32 $0x100, s3;
	v19 =	vcvt.f32.s32 v23;
	v21 =	vcvt.f32.s32 v21;
	v17 =	vmin.u32 v17, $0x3FF7FE;
	[tilespmem:s18+$0x1000] =	vst v25  }
0x29e: {  	s23 =	sshra.s32 s3, $0x2;
	v20 =	vtrunc.f32 v3;
	v24 =	vtrunc.f32 v6;
	v27 =	vadd.s32 $0x801, v17;
	[tilespmem:s18+$0x3810] =	vst v26  }
0x29f: {  	p0 =	por !p0, !p0;
	v23 =	vtrunc.f32 v5;
	v20 =	vcvt.f32.s32 v20;
	v25 =	vshll.u32 v22, $0xB;
	[tilespmem:s23+$0x2830] =	vst v27  }
0x2a0: {  	[tilespmem:s23+$0x1030] =	vst v17  }
0x2a1: {  	[tilespmem:s18+$0x3820] =	vst v12  }
0x2a2: {  	[tilespmem:s18+$0x3830] =	vst v16  }
0x2a3: {  	[tilespmem:s18+$0x3800] =	vst v10  }
0x2a4: {  	[tilespmem:s18+$0x3010] =	vst v13  }
0x2a5: {  	[tilespmem:s18+$0x3020] =	vst v11  }
0x2a6: {  	[tilespmem:s18+$0x3030] =	vst v14;
	v56 =	vcvt.s32.f32 v22  }
0x2a7: {  	[tilespmem:s18+$0x3000] =	vst v7;
	v52 =	vadd.s32 $0x1, v17;
	v58 =	vcvt.s32.f32 v21  }
0x2a8: {  	v53 =	vadd.s32 $0x800, v17;
	v59 =	vcvt.s32.f32 v18;
	[tilespmem:s23+$0x1830] =	vst v52;
	v4 =	vsub.f32 v4, v56  }
0x2a9: {  	v60 =	vcvt.s32.f32 v19;
	[tilespmem:s23+$0x2030] =	vst v53;
	v9 =	vsub.f32 v9, v58  }
0x2aa: {  	v63 =	vcvt.s32.f32 v15;
	v2 =	vsub.f32 v2, v59;
	[tilespmem:s23+$0x3810] =	vst v4  }
0x2ab: {  	v40 =	vadd.s32 v20, v25;
	v8 =	vsub.f32 v8, v60;
	[tilespmem:s23+$0x3820] =	vst v9  }
0x2ac: {  	v61 =	vcvt.s32.f32 v20;
	vm0 =	vgt.s32 v40, $0x0;
	v1 =	vsub.f32 v1, v63;
	[tilespmem:s23+$0x3830] =	vst v2  }
0x2ad: {  	v10 =	vnsel vm0, $0x0, v40;
	[tilespmem:s23+$0x3800] =	vst v8  }
0x2ae: {  	v41 =	vcvt.f32.s32 v24;
	v3 =	vsub.f32 v3, v61;
	v10 =	vmin.u32 v10, $0x3FF7FE;
	[tilespmem:s23+$0x3030] =	vst v1  }
0x2af: {  	v42 =	vshll.u32 v21, $0xB;
	[tilespmem:s23+$0x1010] =	vst v10  }
0x2b0: {  	v11 =	vadd.s32 v41, v42;
	v43 =	vadd.s32 $0x1, v10;
	[tilespmem:s23+$0x3010] =	vst v3  }
0x2b1: {  	v62 =	vcvt.s32.f32 v41;
	vm14 =	vgt.s32 v11, $0x0;
	v44 =	vadd.s32 $0x800, v10;
	[tilespmem:s23+$0x1810] =	vst v43  }
0x2b2: {  	v11 =	vnsel vm14, $0x0, v11;
	v46 =	vadd.s32 $0x801, v10;
	[tilespmem:s23+$0x2010] =	vst v44  }
0x2b3: {  	v45 =	vcvt.f32.s32 v23;
	v4 =	vsub.f32 v6, v62;
	v11 =	vmin.u32 v11, $0x3FF7FE;
	[tilespmem:s23+$0x2810] =	vst v46  }
0x2b4: {  	[tilespmem:s23+$0x1020] =	vst v11  }
0x2b5: {  	v47 =	vshll.u32 v19, $0xB;
	v2 =	vcvt.s32.f32 v45;
	v48 =	vadd.s32 $0x1, v11;
	[tilespmem:s23+$0x3020] =	vst v4  }
0x2b6: {  	v10 =	vadd.s32 v45, v47;
	v49 =	vadd.s32 $0x800, v11;
	[tilespmem:s23+$0x1820] =	vst v48  }
0x2b7: {  	vm15 =	vgt.s32 v10, $0x0;
	v50 =	vadd.s32 $0x801, v11;
	v2 =	vsub.f32 v5, v2;
	[tilespmem:s23+$0x2020] =	vst v49  }
0x2b8: {  	v51 =	vnsel vm15, $0x0, v10;
	[tilespmem:s23+$0x2820] =	vst v50  }
0x2b9: {  	v7 =	vmin.u32 v51, $0x3FF7FE;
	[tilespmem:s23+$0x3000] =	vst v2  }
0x2ba: {  	v54 =	vadd.s32 $0x1, v7;
	[tilespmem:s23+$0x1000] =	vst v7  }
0x2bb: {  	v55 =	vadd.s32 $0x800, v7;
	[tilespmem:s23+$0x1800] =	vst v54  }
0x2bc: {  	v57 =	vadd.s32 $0x801, v7;
	[tilespmem:s23+$0x2000] =	vst v55  }
0x2bd: {  	[tilespmem:s23+$0x2800] =	vst v57  }
0x2be: {  	s1 =	simm.s32 $0x400;
	s2 =	simm.s32 $0x1000;
	s0 =	rddreg [dreg:$0x5]  }
0x2bf: {  	[tilespmem:s13], [sflag:$0x1] =	stream.indirect.gather [hbm4b:s0+s1], $0x8, s2, s1, $0xb8;
	[tilespmem:$0x18000] =	vst v63  }
0x2c0: {  	s25 =	simm.s32 $0x1800  }
0x2c1: {  	[tilespmem:s15], [sflag:$0x1] =	stream.indirect.gather [hbm4b:s0+s1], $0x8, s25, s1, $0xb8;
	[tilespmem:$0x18000] =	vst v63  }
0x2c2: {  	s28 =	simm.s32 $0x2000  }
0x2c3: {  	[tilespmem:s19], [sflag:$0x1] =	stream.indirect.gather [hbm4b:s0+s1], $0x8, s28, s1, $0xb8;
	[tilespmem:$0x18000] =	vst v63  }
0x2c4: {  	s30 =	simm.s32 $0x2800  }
0x2c5: {  	[tilespmem:s21], [sflag:$0x1] =	stream.indirect.gather [hbm4b:s0+s1], $0x8, s30, s1, $0xb8;
	[tilespmem:$0x18000] =	vst v63  }
.LBB2_12:
0x2c6: {  	s4 =	simm.s32 $0x2  }
0x2c7: {  	_ =	swait.ge [sflag:s4], $0x2000  }
0x2c8: {  	[sflag:s4] =	ssyncset.done $0x0  }
0x2c9: {  	[sflag:s4] =	ssyncadd.s32 $0xFFFFE000  }
0x2ca: {  	_ =	swait.ge [sflag:s4], $0x2000  }
0x2cb: {  	[sflag:s4] =	ssyncset.done $0x0  }
0x2cc: {  	s0 =	simm.s32 $0x0;
	[sflag:s4] =	ssyncadd.s32 $0xFFFFE000  }
0x2cd: {  	s1 =	simm.s32 $0x0;
	s0 =	sand.u32 $0x60, s0;
	_ =	swait.ge [sflag:s4], $0x2000  }
0x2ce: {  	s1 =	sand.u32 $0xFFFFFF80, s1;
	s2 =	sor.u32 $0x10, s0;
	[sflag:s4] =	ssyncset.done $0x0  }
0x2cf: {  	s3 =	sor.u32 s1, s2;
	[sflag:s4] =	ssyncadd.s32 $0xFFFFE000  }
0x2d0: {  	v1 =	vmov s3;
	_ =	swait.ge [sflag:s4], $0x2000  }
0x2d1: {  	v1 =	vshll.u32 v1, $0x3;
	[sflag:s4] =	ssyncset.done $0x0  }
0x2d2: {  	s1 =	sor.u32 s0, s1;
	v11 =	vor.u32 v0, v1;
	[sflag:s4] =	ssyncadd.s32 $0xFFFFE000  }
0x2d3: {  	v1 =	vmov s1;
	v3 =	vld [tilespmem:s3+$0x3400]  }
0x2d4: {  	v1 =	vshll.u32 v1, $0x3;
	v4 =	vld [tilespmem:s3+$0x3C00]  }
0x2d5: {  	v12 =	vor.u32 v0, v1;
	v2 =	vld [tilespmem:s1+$0x3400]  }
0x2d6: {  	v5 =	vld [tilespmem:s1+$0x3C00]  }
0x2d7: {  	v1 =	vld.idx.msk [tilespmem:v11+s24+$0x0], $0xffff  }
0x2d8: {  	v6 =	vld.idx.msk [tilespmem:v11+s26+$0x0], $0xffff  }
0x2d9: {  	v7 =	vld.idx.msk [tilespmem:v11+s29+$0x0], $0xffff;
	v8 =	vsub.f32 $1.000000000e+00, v3;
	v9 =	vsub.f32 $1.000000000e+00, v4  }
0x2da: {  	v14 =	vld.idx.msk [tilespmem:v12+s24+$0x0], $0xffff  }
0x2db: {  	v10 =	vsub.f32 $1.000000000e+00, v2;
	v25 =	vmul.f32 v9, v8;
	v26 =	vmul.f32 v9, v3;
	v9 =	vld.idx.msk [tilespmem:v12+s26+$0x0], $0xffff  }
0x2dc: {  	v15 =	vld.idx.msk [tilespmem:v11+s31+$0x0], $0xffff;
	v13 =	vsub.f32 $1.000000000e+00, v5;
	v23 =	vmul.f32 v4, v3;
	v24 =	vmul.f32 v4, v8  }
0x2dd: {  	v16 =	vld.idx.msk [tilespmem:v12+s29+$0x0], $0xffff;
	v8 =	vmul.f32 v25, v1;
	v6 =	vmul.f32 v26, v6  }
0x2de: {  	v21 =	vmul.f32 v13, v10;
	v22 =	vmul.f32 v13, v2  }
0x2df: {  	v1 =	vmul.f32 v5, v10;
	v3 =	vmul.f32 v7, v24;
	v4 =	vadd.f32 v6, v8;
	v6 =	vld.idx.msk [tilespmem:v12+s31+$0x0], $0xffff  }
0x2e0: {  	v7 =	vmul.f32 v21, v14;
	v8 =	vmul.f32 v22, v9  }
0x2e1: {  	s4 =	simm.s32 $0x0;
	v10 =	vor.u32 $0x1, v11;
	v9 =	vmul.f32 v15, v23;
	v3 =	vadd.f32 v3, v4  }
0x2e2: {  	s1 =	sand.u32 $0x3FFFFC00, s4;
	v2 =	vmul.f32 v5, v2;
	v4 =	vmul.f32 v16, v1;
	v5 =	vadd.f32 v8, v7  }
0x2e3: {  	s1 =	sadd.s32 $0x14000, s1;
	v3 =	vadd.f32 v9, v3  }
0x2e4: {  	s25 =	sor.u32 s2, s1;
	v7 =	vor.u32 $0x1, v12;
	v6 =	vmul.f32 v6, v2;
	v4 =	vadd.f32 v4, v5  }
0x2e5: {  	[tilespmem:s25+$0x2000] =	vst v3  }
0x2e6: {  	v3 =	vld.idx.msk [tilespmem:v10+s24+$0x0], $0xffff;
	v4 =	vadd.f32 v6, v4  }
0x2e7: {  	s18 =	sor.u32 s0, s1;
	v5 =	vld.idx.msk [tilespmem:v10+s26+$0x0], $0xffff  }
0x2e8: {  	v6 =	vld.idx.msk [tilespmem:v10+s29+$0x0], $0xffff;
	[tilespmem:s18+$0x2000] =	vst v4  }
0x2e9: {  	v4 =	vld.idx.msk [tilespmem:v7+s24+$0x0], $0xffff  }
0x2ea: {  	v8 =	vld.idx.msk [tilespmem:v7+s26+$0x0], $0xffff  }
0x2eb: {  	v9 =	vld.idx.msk [tilespmem:v10+s31+$0x0], $0xffff  }
0x2ec: {  	v10 =	vld.idx.msk [tilespmem:v7+s29+$0x0], $0xffff;
	v3 =	vmul.f32 v3, v25;
	v5 =	vmul.f32 v5, v26;
	_ =	sdelay $0x1  }
0x2ed: {  	v3 =	vadd.f32 v5, v3;
	v5 =	vmul.f32 v6, v24;
	v6 =	vld.idx.msk [tilespmem:v7+s31+$0x0], $0xffff  }
0x2ee: {  	v4 =	vmul.f32 v4, v21;
	v7 =	vmul.f32 v8, v22  }
0x2ef: {  	v8 =	vor.u32 $0x2, v11;
	v3 =	vadd.f32 v5, v3;
	v5 =	vmul.f32 v9, v23  }
0x2f0: {  	v9 =	vmul.f32 v10, v1;
	v4 =	vadd.f32 v7, v4  }
0x2f1: {  	v3 =	vadd.f32 v5, v3  }
0x2f2: {  	v5 =	vor.u32 $0x2, v12;
	v6 =	vmul.f32 v6, v2;
	v4 =	vadd.f32 v9, v4  }
0x2f3: {  	[tilespmem:s25+$0x2080] =	vst v3  }
0x2f4: {  	v3 =	vld.idx.msk [tilespmem:v8+s24+$0x0], $0xffff;
	v4 =	vadd.f32 v6, v4  }
0x2f5: {  	v6 =	vld.idx.msk [tilespmem:v8+s26+$0x0], $0xffff  }
0x2f6: {  	v7 =	vld.idx.msk [tilespmem:v8+s29+$0x0], $0xffff;
	[tilespmem:s18+$0x2080] =	vst v4  }
0x2f7: {  	v4 =	vld.idx.msk [tilespmem:v5+s24+$0x0], $0xffff  }
0x2f8: {  	v9 =	vld.idx.msk [tilespmem:v5+s26+$0x0], $0xffff  }
0x2f9: {  	v8 =	vld.idx.msk [tilespmem:v8+s31+$0x0], $0xffff  }
0x2fa: {  	v3 =	vmul.f32 v3, v25;
	v6 =	vmul.f32 v6, v26  }
0x2fb: {  	v10 =	vld.idx.msk [tilespmem:v5+s29+$0x0], $0xffff  }
0x2fc: {  	v7 =	vmul.f32 v7, v24;
	v3 =	vadd.f32 v6, v3  }
0x2fd: {  	v5 =	vld.idx.msk [tilespmem:v5+s31+$0x0], $0xffff;
	v4 =	vmul.f32 v4, v21;
	v6 =	vmul.f32 v9, v22  }
0x2fe: {  	s5 =	simm.s32 $0x20;
	s6 =	simm.s32 $0x20;
	v9 =	vor.u32 $0x3, v11;
	v3 =	vadd.f32 v7, v3;
	v7 =	vmul.f32 v8, v23  }
0x2ff: {  	s7 =	sand.u32 $0x60, s5;
	s2 =	sand.u32 $0xFFFFFF80, s6  }
0x300: {  	s0 =	sor.u32 $0x10, s7;
	s8 =	sor.u32 s7, s2;
	v8 =	vmul.f32 v10, v1;
	v4 =	vadd.f32 v6, v4;
	v3 =	vadd.f32 v7, v3  }
0x301: {  	s2 =	sor.u32 s2, s0;
	v13 =	vld [tilespmem:s8+$0x3C00]  }
0x302: {  	v16 =	vld [tilespmem:s2+$0x3C00];
	v5 =	vmul.f32 v5, v2;
	v4 =	vadd.f32 v8, v4;
	[tilespmem:s25+$0x2100] =	vst v3  }
0x303: {  	v6 =	vor.u32 $0x3, v12;
	v3 =	vld.idx.msk [tilespmem:v9+s24+$0x0], $0xffff  }
0x304: {  	v4 =	vadd.f32 v5, v4;
	v5 =	vld.idx.msk [tilespmem:v9+s26+$0x0], $0xffff  }
0x305: {  	v8 =	vld.idx.msk [tilespmem:v9+s31+$0x0], $0xffff  }
0x306: {  	[tilespmem:s18+$0x2100] =	vst v4;
	v4 =	vld.idx.msk [tilespmem:v9+s29+$0x0], $0xffff;
	v9 =	vmov s2  }
0x307: {  	v10 =	vld [tilespmem:s8+$0x3400];
	v9 =	vshll.u32 v9, $0x3  }
0x308: {  	v7 =	vld.idx.msk [tilespmem:v6+s24+$0x0], $0xffff;
	v27 =	vor.u32 v0, v9  }
0x309: {  	v14 =	vld.idx.msk [tilespmem:v6+s29+$0x0], $0xffff;
	v3 =	vmul.f32 v3, v25;
	v5 =	vmul.f32 v5, v26  }
0x30a: {  	v9 =	vld.idx.msk [tilespmem:v6+s26+$0x0], $0xffff  }
0x30b: {  	s9 =	simm.s32 $0x100;
	v3 =	vadd.f32 v5, v3;
	v4 =	vmul.f32 v4, v24;
	v5 =	vld.idx.msk [tilespmem:v6+s31+$0x0], $0xffff  }
0x30c: {  	v6 =	vld [tilespmem:s2+$0x3400];
	s2 =	sand.u32 $0x3FFFFC00, s9  }
0x30d: {  	s20 =	simm.s32 $0x40;
	s16 =	simm.s32 $0x40;
	v15 =	vor.u32 $0x4, v11;
	s10 =	sadd.s32 $0x14000, s2;
	v3 =	vadd.f32 v4, v3;
	v4 =	vmul.f32 v8, v23;
	v17 =	vld.idx.msk [tilespmem:v27+s29+$0x0], $0xffff  }
0x30e: {  	s17 =	sand.u32 $0x60, s20;
	v8 =	vmov s8;
	v18 =	vld.idx.msk [tilespmem:v27+s24+$0x0], $0xffff;
	s2 =	sor.u32 s0, s10;
	s0 =	sand.u32 $0xFFFFFF80, s16  }
0x30f: {  	v30 =	vld.idx.msk [tilespmem:v27+s31+$0x0], $0xffff;
	s28 =	sor.u32 s17, s0;
	v3 =	vadd.f32 v4, v3;
	v4 =	vshll.u32 v8, $0x3  }
0x310: {  	v37 =	vld [tilespmem:s28+$0x3C00];
	v28 =	vor.u32 v0, v4  }
0x311: {  	v4 =	vld.idx.msk [tilespmem:v27+s26+$0x0], $0xffff;
	[tilespmem:s25+$0x2180] =	vst v3;
	v3 =	vmul.f32 v7, v21;
	v7 =	vmul.f32 v9, v22  }
0x312: {  	v8 =	vsub.f32 $1.000000000e+00, v16;
	v19 =	vsub.f32 $1.000000000e+00, v6;
	v9 =	vld.idx.msk [tilespmem:v15+s24+$0x0], $0xffff  }
0x313: {  	v29 =	vor.u32 $0x4, v12;
	v14 =	vmul.f32 v14, v1;
	v20 =	vld.idx.msk [tilespmem:v15+s26+$0x0], $0xffff;
	v31 =	vadd.f32 v7, v3  }
0x314: {  	v32 =	vsub.f32 $1.000000000e+00, v10;
	v33 =	vld.idx.msk [tilespmem:v15+s29+$0x0], $0xffff;
	v7 =	vmul.f32 v8, v19;
	v8 =	vmul.f32 v8, v6  }
0x315: {  	v5 =	vmul.f32 v5, v2;
	v15 =	vld.idx.msk [tilespmem:v15+s31+$0x0], $0xffff;
	v3 =	vmul.f32 v16, v19;
	v14 =	vadd.f32 v14, v31  }
0x316: {  	v19 =	vsub.f32 $1.000000000e+00, v13;
	v34 =	vld.idx.msk [tilespmem:v28+s24+$0x0], $0xffff;
	v18 =	vmul.f32 v7, v18;
	v4 =	vmul.f32 v8, v4  }
0x317: {  	v6 =	vmul.f32 v16, v6;
	v31 =	vld.idx.msk [tilespmem:v28+s26+$0x0], $0xffff;
	v16 =	vmul.f32 v17, v3;
	v14 =	vadd.f32 v5, v14  }
0x318: {  	s23 =	sor.u32 $0x10, s17;
	v17 =	vld.idx.msk [tilespmem:v28+s29+$0x0], $0xffff;
	v4 =	vadd.f32 v4, v18;
	v9 =	vmul.f32 v9, v25;
	v18 =	vmul.f32 v20, v26  }
0x319: {  	v35 =	vor.u32 $0x1, v27;
	s0 =	sor.u32 s0, s23;
	v30 =	vmul.f32 v30, v6;
	v5 =	vmul.f32 v19, v32;
	v20 =	vld.idx.msk [tilespmem:v28+s31+$0x0], $0xffff  }
0x31a: {  	v39 =	vld [tilespmem:s0+$0x3400];
	[tilespmem:s18+$0x2180] =	vst v14;
	v14 =	vadd.f32 v16, v4;
	v16 =	vadd.f32 v18, v9;
	v18 =	vmul.f32 v33, v24  }
0x31b: {  	v52 =	vor.u32 $0x5, v11;
	v15 =	vmul.f32 v15, v23;
	v9 =	vmul.f32 v19, v10;
	v19 =	vld.idx.msk [tilespmem:v29+s24+$0x0], $0xffff  }
0x31c: {  	v4 =	vmul.f32 v13, v32;
	v53 =	vld.idx.msk [tilespmem:v29+s26+$0x0], $0xffff;
	v14 =	vadd.f32 v30, v14;
	v16 =	vadd.f32 v18, v16  }
0x31d: {  	v18 =	vmul.f32 v5, v34;
	v30 =	vld.idx.msk [tilespmem:v29+s29+$0x0], $0xffff;
	v31 =	vmul.f32 v9, v31  }
0x31e: {  	v29 =	vld.idx.msk [tilespmem:v29+s31+$0x0], $0xffff;
	[tilespmem:s2+$0x2000] =	vst v14;
	v14 =	vadd.f32 v15, v16  }
0x31f: {  	v10 =	vmul.f32 v13, v10;
	v13 =	vmul.f32 v17, v4;
	v15 =	vadd.f32 v31, v18;
	v16 =	vld.idx.msk [tilespmem:v35+s24+$0x0], $0xffff  }
0x320: {  	v17 =	vld.idx.msk [tilespmem:v35+s26+$0x0], $0xffff;
	[tilespmem:s25+$0x2200] =	vst v14  }
0x321: {  	v14 =	vmul.f32 v20, v10;
	v13 =	vadd.f32 v13, v15;
	v15 =	vld.idx.msk [tilespmem:v52+s24+$0x0], $0xffff  }
0x322: {  	v18 =	vor.u32 $0x1, v28;
	v19 =	vmul.f32 v19, v21;
	v20 =	vmul.f32 v53, v22;
	v31 =	vld.idx.msk [tilespmem:v52+s26+$0x0], $0xffff  }
0x323: {  	v13 =	vadd.f32 v14, v13;
	v14 =	vld.idx.msk [tilespmem:v35+s29+$0x0], $0xffff  }
0x324: {  	s9 =	sor.u32 s7, s10;
	v30 =	vmul.f32 v30, v1;
	v19 =	vadd.f32 v20, v19;
	v20 =	vld.idx.msk [tilespmem:v52+s29+$0x0], $0xffff  }
0x325: {  	v54 =	vor.u32 $0x5, v12;
	v29 =	vmul.f32 v29, v2;
	[tilespmem:s9+$0x2000] =	vst v13;
	v13 =	vld.idx.msk [tilespmem:v35+s31+$0x0], $0xffff  }
0x326: {  	v19 =	vadd.f32 v30, v19;
	v30 =	vld.idx.msk [tilespmem:v52+s31+$0x0], $0xffff;
	v16 =	vmul.f32 v16, v7;
	v17 =	vmul.f32 v17, v8  }
0x327: {  	v55 =	vld.idx.msk [tilespmem:v18+s24+$0x0], $0xffff;
	v15 =	vmul.f32 v15, v25;
	v31 =	vmul.f32 v31, v26  }
0x328: {  	v19 =	vadd.f32 v29, v19;
	v29 =	vld.idx.msk [tilespmem:v18+s26+$0x0], $0xffff;
	v16 =	vadd.f32 v17, v16;
	v14 =	vmul.f32 v14, v3  }
0x329: {  	v17 =	vld.idx.msk [tilespmem:v18+s29+$0x0], $0xffff;
	v20 =	vmul.f32 v20, v24;
	v15 =	vadd.f32 v31, v15  }
0x32a: {  	v18 =	vld.idx.msk [tilespmem:v18+s31+$0x0], $0xffff;
	[tilespmem:s18+$0x2200] =	vst v19;
	v14 =	vadd.f32 v14, v16;
	v13 =	vmul.f32 v13, v6;
	v16 =	vor.u32 $0x2, v27  }
0x32b: {  	v19 =	vld.idx.msk [tilespmem:v54+s24+$0x0], $0xffff;
	v15 =	vadd.f32 v20, v15  }
0x32c: {  	v31 =	vld.idx.msk [tilespmem:v54+s26+$0x0], $0xffff;
	v20 =	vmul.f32 v30, v23;
	v30 =	vor.u32 $0x6, v11;
	v13 =	vadd.f32 v13, v14  }
0x32d: {  	v56 =	vld.idx.msk [tilespmem:v54+s29+$0x0], $0xffff;
	v14 =	vmul.f32 v55, v5  }
0x32e: {  	v29 =	vmul.f32 v29, v9;
	v15 =	vadd.f32 v20, v15;
	v20 =	vld.idx.msk [tilespmem:v54+s31+$0x0], $0xffff;
	[tilespmem:s2+$0x2080] =	vst v13  }
0x32f: {  	v13 =	vmul.f32 v17, v4;
	v17 =	vld.idx.msk [tilespmem:v16+s24+$0x0], $0xffff  }
0x330: {  	v14 =	vadd.f32 v29, v14;
	[tilespmem:s25+$0x2280] =	vst v15;
	v57 =	vld.idx.msk [tilespmem:v16+s26+$0x0], $0xffff  }
0x331: {  	v19 =	vmul.f32 v19, v21;
	v31 =	vmul.f32 v31, v22;
	v15 =	vld.idx.msk [tilespmem:v30+s24+$0x0], $0xffff  }
0x332: {  	v18 =	vmul.f32 v18, v10;
	v29 =	vor.u32 $0x2, v28;
	v13 =	vadd.f32 v13, v14;
	v14 =	vld.idx.msk [tilespmem:v30+s26+$0x0], $0xffff  }
0x333: {  	v19 =	vadd.f32 v31, v19;
	v31 =	vld.idx.msk [tilespmem:v16+s29+$0x0], $0xffff  }
0x334: {  	v32 =	vmul.f32 v56, v1;
	v13 =	vadd.f32 v18, v13;
	v18 =	vld.idx.msk [tilespmem:v30+s29+$0x0], $0xffff  }
0x335: {  	v16 =	vld.idx.msk [tilespmem:v16+s31+$0x0], $0xffff  }
0x336: {  	v20 =	vmul.f32 v20, v2;
	v19 =	vadd.f32 v32, v19;
	[tilespmem:s9+$0x2080] =	vst v13;
	v13 =	vld.idx.msk [tilespmem:v30+s31+$0x0], $0xffff  }
0x337: {  	v58 =	vor.u32 $0x6, v12;
	v30 =	vld.idx.msk [tilespmem:v29+s24+$0x0], $0xffff;
	v15 =	vmul.f32 v15, v25;
	v14 =	vmul.f32 v14, v26  }
0x338: {  	v17 =	vmul.f32 v17, v7;
	v33 =	vmul.f32 v57, v8;
	v19 =	vadd.f32 v20, v19;
	v20 =	vld.idx.msk [tilespmem:v29+s26+$0x0], $0xffff  }
0x339: {  	v59 =	vld.idx.msk [tilespmem:v29+s29+$0x0], $0xffff;
	v14 =	vadd.f32 v14, v15;
	v15 =	vmul.f32 v18, v24  }
0x33a: {  	v17 =	vadd.f32 v33, v17;
	v18 =	vld.idx.msk [tilespmem:v29+s31+$0x0], $0xffff;
	v29 =	vmul.f32 v31, v3  }
0x33b: {  	v41 =	vld [tilespmem:s0+$0x3C00];
	v11 =	vor.u32 $0x7, v11;
	[tilespmem:s18+$0x2280] =	vst v19;
	v14 =	vadd.f32 v15, v14;
	v13 =	vmul.f32 v13, v23  }
0x33c: {  	v16 =	vmul.f32 v16, v6;
	v19 =	vor.u32 $0x3, v27;
	v60 =	vld.idx.msk [tilespmem:v58+s26+$0x0], $0xffff;
	v17 =	vadd.f32 v29, v17  }
0x33d: {  	v36 =	vld.idx.msk [tilespmem:v58+s31+$0x0], $0xffff;
	v20 =	vmul.f32 v20, v9;
	v13 =	vadd.f32 v13, v14;
	v14 =	vmul.f32 v30, v5  }
0x33e: {  	v15 =	vld.idx.msk [tilespmem:v58+s24+$0x0], $0xffff  }
0x33f: {  	v34 =	vld [tilespmem:s28+$0x3400];
	v16 =	vadd.f32 v16, v17;
	[tilespmem:s25+$0x2300] =	vst v13;
	v13 =	vmul.f32 v59, v4;
	v14 =	vadd.f32 v20, v14  }
0x340: {  	v32 =	vld.idx.msk [tilespmem:v11+s24+$0x0], $0xffff  }
0x341: {  	v17 =	vmul.f32 v18, v10;
	[tilespmem:s2+$0x2100] =	vst v16;
	v33 =	vld.idx.msk [tilespmem:v11+s26+$0x0], $0xffff;
	v13 =	vadd.f32 v13, v14  }
0x342: {  	v14 =	vld.idx.msk [tilespmem:v19+s24+$0x0], $0xffff  }
0x343: {  	v13 =	vadd.f32 v17, v13;
	v17 =	vld.idx.msk [tilespmem:v19+s26+$0x0], $0xffff  }
0x344: {  	v16 =	vor.u32 $0x3, v28;
	v31 =	vld.idx.msk [tilespmem:v11+s29+$0x0], $0xffff  }
0x345: {  	[tilespmem:s9+$0x2100] =	vst v13;
	v13 =	vld.idx.msk [tilespmem:v19+s29+$0x0], $0xffff  }
0x346: {  	v30 =	vld.idx.msk [tilespmem:v11+s31+$0x0], $0xffff;
	v11 =	vmov s0  }
0x347: {  	v11 =	vshll.u32 v11, $0x3;
	v19 =	vld.idx.msk [tilespmem:v19+s31+$0x0], $0xffff  }
0x348: {  	v29 =	vld.idx.msk [tilespmem:v58+s29+$0x0], $0xffff;
	v11 =	vor.u32 v0, v11;
	v14 =	vmul.f32 v14, v7;
	v17 =	vmul.f32 v17, v8  }
0x349: {  	v18 =	vld.idx.msk [tilespmem:v16+s24+$0x0], $0xffff  }
0x34a: {  	v20 =	vld.idx.msk [tilespmem:v16+s26+$0x0], $0xffff;
	v14 =	vadd.f32 v17, v14;
	v13 =	vmul.f32 v13, v3  }
0x34b: {  	v38 =	vld.idx.msk [tilespmem:v16+s29+$0x0], $0xffff  }
0x34c: {  	v40 =	vor.u32 $0x4, v27;
	v16 =	vld.idx.msk [tilespmem:v16+s31+$0x0], $0xffff;
	v13 =	vadd.f32 v13, v14;
	v14 =	vmul.f32 v19, v6  }
0x34d: {  	v42 =	vld.idx.msk [tilespmem:v11+s29+$0x0], $0xffff;
	v17 =	vmov s28  }
0x34e: {  	v43 =	vld.idx.msk [tilespmem:v11+s24+$0x0], $0xffff;
	v17 =	vshll.u32 v17, $0x3;
	v13 =	vadd.f32 v14, v13  }
0x34f: {  	v46 =	vsub.f32 $1.000000000e+00, v39;
	v61 =	vmul.f32 v29, v1;
	v45 =	vld.idx.msk [tilespmem:v11+s26+$0x0], $0xffff;
	v29 =	vor.u32 v0, v17  }
0x350: {  	v15 =	vmul.f32 v15, v21;
	v47 =	vld.idx.msk [tilespmem:v11+s31+$0x0], $0xffff;
	v17 =	vmul.f32 v18, v5;
	v19 =	vsub.f32 $1.000000000e+00, v41;
	[tilespmem:s2+$0x2180] =	vst v13  }
0x351: {  	v44 =	vor.u32 $0x4, v28;
	v14 =	vmul.f32 v60, v22;
	v13 =	vmul.f32 v20, v9;
	v20 =	vld.idx.msk [tilespmem:v40+s24+$0x0], $0xffff  }
0x352: {  	v56 =	vsub.f32 $1.000000000e+00, v34;
	v18 =	vmul.f32 v19, v46;
	v19 =	vmul.f32 v19, v39;
	v62 =	vld.idx.msk [tilespmem:v40+s26+$0x0], $0xffff  }
0x353: {  	v14 =	vadd.f32 v14, v15;
	v15 =	vmul.f32 v38, v4;
	v48 =	vld.idx.msk [tilespmem:v40+s29+$0x0], $0xffff;
	v13 =	vadd.f32 v13, v17  }
0x354: {  	v58 =	vsub.f32 $1.000000000e+00, v37;
	v43 =	vmul.f32 v18, v43;
	v45 =	vmul.f32 v19, v45;
	v52 =	vld.idx.msk [tilespmem:v29+s24+$0x0], $0xffff  }
0x355: {  	v63 =	vmul.f32 v16, v10;
	v53 =	vld.idx.msk [tilespmem:v40+s31+$0x0], $0xffff;
	v17 =	vmul.f32 v41, v46;
	v13 =	vadd.f32 v15, v13  }
0x356: {  	v36 =	vmul.f32 v36, v2;
	v16 =	vmul.f32 v41, v39;
	v54 =	vld.idx.msk [tilespmem:v29+s26+$0x0], $0xffff;
	v55 =	vadd.f32 v45, v43  }
0x357: {  	v57 =	vld.idx.msk [tilespmem:v29+s29+$0x0], $0xffff;
	v15 =	vor.u32 $0x7, v12;
	v12 =	vmul.f32 v42, v17;
	v13 =	vadd.f32 v63, v13  }
0x358: {  	v60 =	vmul.f32 v47, v16;
	v47 =	vor.u32 $0x1, v11;
	v59 =	vld.idx.msk [tilespmem:v29+s31+$0x0], $0xffff;
	v14 =	vadd.f32 v61, v14  }
0x359: {  	s30 =	simm.s32 $0x200;
	v20 =	vmul.f32 v20, v7;
	v38 =	vmul.f32 v62, v8;
	v35 =	vadd.f32 v12, v55;
	[tilespmem:s9+$0x2180] =	vst v13  }
0x35a: {  	s0 =	sand.u32 $0x3FFFFC00, s30;
	v14 =	vadd.f32 v36, v14;
	v61 =	vmul.f32 v48, v3;
	v12 =	vmul.f32 v58, v56;
	v49 =	vld.idx.msk [tilespmem:v44+s24+$0x0], $0xffff  }
0x35b: {  	s0 =	sadd.s32 $0x14000, s0;
	v36 =	vmul.f32 v53, v6;
	v20 =	vadd.f32 v38, v20;
	v35 =	vadd.f32 v60, v35;
	v62 =	vld.idx.msk [tilespmem:v44+s26+$0x0], $0xffff  }
0x35c: {  	s22 =	sor.u32 s23, s0;
	[tilespmem:s18+$0x2300] =	vst v14;
	v14 =	vmul.f32 v37, v34;
	v13 =	vmul.f32 v58, v34;
	v63 =	vld.idx.msk [tilespmem:v44+s29+$0x0], $0xffff  }
0x35d: {  	v50 =	vmul.f32 v12, v52;
	v44 =	vld.idx.msk [tilespmem:v44+s31+$0x0], $0xffff;
	v38 =	vadd.f32 v61, v20;
	[tilespmem:s22+$0x2000] =	vst v35  }
0x35e: {  	v45 =	vor.u32 $0x5, v27;
	v20 =	vmul.f32 v37, v56;
	v39 =	vmul.f32 v13, v54;
	v34 =	vld.idx.msk [tilespmem:v47+s24+$0x0], $0xffff  }
0x35f: {  	v54 =	vld.idx.msk [tilespmem:v47+s26+$0x0], $0xffff;
	v51 =	vadd.f32 v36, v38  }
0x360: {  	v60 =	vld.idx.msk [tilespmem:v47+s29+$0x0], $0xffff;
	v52 =	vmul.f32 v57, v20;
	v53 =	vadd.f32 v39, v50  }
0x361: {  	v55 =	vmul.f32 v59, v14;
	v35 =	vor.u32 $0x1, v29;
	v36 =	vld.idx.msk [tilespmem:v15+s24+$0x0], $0xffff;
	[tilespmem:s2+$0x2200] =	vst v51  }
0x362: {  	v57 =	vmul.f32 v49, v5;
	v37 =	vadd.f32 v52, v53;
	v58 =	vmul.f32 v62, v9;
	v62 =	vld.idx.msk [tilespmem:v47+s31+$0x0], $0xffff  }
0x363: {  	v56 =	vld.idx.msk [tilespmem:v45+s24+$0x0], $0xffff  }
0x364: {  	v48 =	vmul.f32 v63, v4;
	v59 =	vld.idx.msk [tilespmem:v45+s26+$0x0], $0xffff;
	v37 =	vadd.f32 v55, v37;
	v38 =	vadd.f32 v58, v57  }
0x365: {  	s23 =	sor.u32 s17, s0;
	v61 =	vld.idx.msk [tilespmem:v45+s29+$0x0], $0xffff  }
0x366: {  	v63 =	vor.u32 $0x5, v28;
	v44 =	vmul.f32 v44, v10;
	v52 =	vld.idx.msk [tilespmem:v45+s31+$0x0], $0xffff;
	[tilespmem:s23+$0x2000] =	vst v37;
	v51 =	vadd.f32 v48, v38  }
0x367: {  	v34 =	vmul.f32 v34, v18;
	v39 =	vmul.f32 v54, v19;
	v53 =	vld.idx.msk [tilespmem:v35+s24+$0x0], $0xffff  }
0x368: {  	v54 =	vld.idx.msk [tilespmem:v35+s26+$0x0], $0xffff;
	v37 =	vadd.f32 v44, v51;
	v41 =	vmul.f32 v56, v7  }
0x369: {  	v34 =	vadd.f32 v39, v34;
	v55 =	vld.idx.msk [tilespmem:v35+s29+$0x0], $0xffff;
	v42 =	vmul.f32 v59, v8;
	v56 =	vmul.f32 v60, v17  }
0x36a: {  	v35 =	vld.idx.msk [tilespmem:v35+s31+$0x0], $0xffff;
	v58 =	vmul.f32 v62, v16;
	v40 =	vmul.f32 v61, v3;
	[tilespmem:s9+$0x2200] =	vst v37  }
0x36b: {  	v57 =	vadd.f32 v42, v41;
	v34 =	vadd.f32 v56, v34;
	v41 =	vor.u32 $0x2, v11;
	v59 =	vld.idx.msk [tilespmem:v63+s24+$0x0], $0xffff  }
0x36c: {  	v38 =	vmul.f32 v52, v6;
	v60 =	vld.idx.msk [tilespmem:v63+s26+$0x0], $0xffff  }
0x36d: {  	v61 =	vor.u32 $0x6, v27;
	v62 =	vld.idx.msk [tilespmem:v63+s29+$0x0], $0xffff;
	v37 =	vadd.f32 v40, v57;
	v34 =	vadd.f32 v58, v34  }
0x36e: {  	v63 =	vld.idx.msk [tilespmem:v63+s31+$0x0], $0xffff;
	v45 =	vmul.f32 v53, v12  }
0x36f: {  	v44 =	vmul.f32 v54, v13;
	v37 =	vadd.f32 v38, v37;
	[tilespmem:s22+$0x2080] =	vst v34;
	v38 =	vld.idx.msk [tilespmem:v15+s26+$0x0], $0xffff  }
0x370: {  	v52 =	vld.idx.msk [tilespmem:v41+s24+$0x0], $0xffff  }
0x371: {  	v51 =	vmul.f32 v55, v20;
	v44 =	vadd.f32 v44, v45;
	v54 =	vld.idx.msk [tilespmem:v41+s26+$0x0], $0xffff;
	[tilespmem:s2+$0x2280] =	vst v37  }
0x372: {  	v47 =	vor.u32 $0x2, v29;
	v35 =	vmul.f32 v35, v14;
	v37 =	vld.idx.msk [tilespmem:v61+s24+$0x0], $0xffff  }
0x373: {  	v34 =	vadd.f32 v51, v44;
	v42 =	vmul.f32 v59, v5;
	v43 =	vmul.f32 v60, v9;
	v53 =	vld.idx.msk [tilespmem:v61+s26+$0x0], $0xffff  }
0x374: {  	v25 =	vmul.f32 v32, v25;
	v26 =	vmul.f32 v33, v26;
	v59 =	vld.idx.msk [tilespmem:v41+s29+$0x0], $0xffff  }
0x375: {  	v57 =	vmul.f32 v62, v4;
	v56 =	vld.idx.msk [tilespmem:v61+s29+$0x0], $0xffff;
	v55 =	vadd.f32 v35, v34;
	v58 =	vadd.f32 v43, v42  }
0x376: {  	v24 =	vmul.f32 v31, v24;
	v25 =	vadd.f32 v26, v25;
	v31 =	vmul.f32 v63, v10;
	v63 =	vld.idx.msk [tilespmem:v41+s31+$0x0], $0xffff  }
0x377: {  	v60 =	vor.u32 $0x6, v28;
	v26 =	vld.idx.msk [tilespmem:v61+s31+$0x0], $0xffff;
	[tilespmem:s23+$0x2080] =	vst v55;
	v61 =	vadd.f32 v57, v58  }
0x378: {  	v24 =	vadd.f32 v24, v25;
	v62 =	vld.idx.msk [tilespmem:v47+s24+$0x0], $0xffff;
	v46 =	vmul.f32 v37, v7;
	v49 =	vmul.f32 v53, v8  }
0x379: {  	v36 =	vmul.f32 v36, v21;
	v50 =	vmul.f32 v52, v18;
	v51 =	vld.idx.msk [tilespmem:v47+s29+$0x0], $0xffff;
	v25 =	vadd.f32 v31, v61  }
0x37a: {  	v52 =	vmul.f32 v54, v19;
	v31 =	vld.idx.msk [tilespmem:v47+s26+$0x0], $0xffff;
	v33 =	vmul.f32 v56, v3;
	v34 =	vadd.f32 v49, v46  }
0x37b: {  	v54 =	vld.idx.msk [tilespmem:v47+s31+$0x0], $0xffff;
	v39 =	vmul.f32 v59, v17;
	v53 =	vmul.f32 v30, v23;
	v30 =	vor.u32 $0x7, v27;
	[tilespmem:s9+$0x2280] =	vst v25  }
0x37c: {  	v26 =	vmul.f32 v26, v6;
	v25 =	vadd.f32 v52, v50;
	v55 =	vld.idx.msk [tilespmem:v60+s24+$0x0], $0xffff;
	v27 =	vadd.f32 v33, v34  }
0x37d: {  	v38 =	vmul.f32 v38, v22;
	v57 =	vmul.f32 v63, v16;
	v56 =	vld.idx.msk [tilespmem:v60+s26+$0x0], $0xffff  }
0x37e: {  	v58 =	vld.idx.msk [tilespmem:v60+s29+$0x0], $0xffff;
	v34 =	vor.u32 $0x3, v11;
	v32 =	vadd.f32 v39, v25;
	v27 =	vadd.f32 v26, v27  }
0x37f: {  	v21 =	vor.u32 $0x6, v29;
	v42 =	vld.idx.msk [tilespmem:v60+s31+$0x0], $0xffff;
	v35 =	vmul.f32 v62, v12;
	v59 =	vmul.f32 v31, v13  }
0x380: {  	v22 =	vor.u32 $0x7, v29;
	v23 =	vor.u32 $0x7, v28;
	v31 =	vld.idx.msk [tilespmem:v15+s29+$0x0], $0xffff;
	v32 =	vadd.f32 v57, v32;
	[tilespmem:s2+$0x2300] =	vst v27  }
0x381: {  	v28 =	vadd.f32 v53, v24;
	v60 =	vmul.f32 v51, v20;
	v35 =	vadd.f32 v59, v35;
	v27 =	vld.idx.msk [tilespmem:v30+s24+$0x0], $0xffff  }
0x382: {  	v24 =	vor.u32 $0x5, v29;
	v25 =	vor.u32 $0x4, v29;
	v61 =	vmul.f32 v54, v14;
	[tilespmem:s22+$0x2100] =	vst v32;
	v32 =	vld.idx.msk [tilespmem:v30+s26+$0x0], $0xffff  }
0x383: {  	v62 =	vmul.f32 v55, v5;
	v33 =	vmul.f32 v56, v9;
	v63 =	vadd.f32 v60, v35;
	v37 =	vld.idx.msk [tilespmem:v34+s24+$0x0], $0xffff  }
0x384: {  	[tilespmem:s25+$0x2380] =	vst v28;
	v28 =	vadd.f32 v38, v36;
	v26 =	vor.u32 $0x3, v29;
	v35 =	vmul.f32 v58, v4;
	v29 =	vld.idx.msk [tilespmem:v30+s29+$0x0], $0xffff  }
0x385: {  	s25 =	simm.s32 $0x4;
	v38 =	vld.idx.msk [tilespmem:v34+s26+$0x0], $0xffff;
	v36 =	vadd.f32 v33, v62;
	v33 =	vmul.f32 v42, v10;
	v39 =	vadd.f32 v61, v63  }
.LBB2_13:
0x386: {  	s25 =	sadd.s32 $0x2, s25;
	s20 =	sadd.s32 $0x20, s20;
	v30 =	vld.idx.msk [tilespmem:v30+s31+$0x0], $0xffff;
	v31 =	vmul.f32 v31, v1;
	v1 =	vmov v4;
	v4 =	vmov v20  }
0x387: {  	s0 =	sshll.u32 s25, $0x4;
	s1 =	sand.u32 $0x60, s20;
	p0 =	slt.u32 s25, $0x3E;
	[tilespmem:s23+$0x2100] =	vst v39;
	v20 =	vadd.f32 v35, v36;
	v35 =	vld.idx.msk [tilespmem:v15+s31+$0x0], $0xffff;
	v15 =	vmov v23;
	v23 =	vmov v22  }
0x388: {  	v27 =	vmul.f32 v27, v7;
	v32 =	vmul.f32 v32, v8;
	s0 =	sand.u32 $0xFFFFFF80, s0;
	s3 =	sor.u32 $0x10, s1;
	v22 =	vld.idx.msk [tilespmem:v34+s29+$0x0], $0xffff;
	v28 =	vadd.f32 v31, v28  }
0x389: {  	v7 =	vmov v18;
	v8 =	vmov v19;
	s4 =	sor.u32 s1, s0;
	s0 =	sor.u32 s0, s3;
	v31 =	vld.idx.msk [tilespmem:v26+s24+$0x0], $0xffff;
	v20 =	vadd.f32 v33, v20  }
0x38a: {  	v27 =	vadd.f32 v32, v27;
	v29 =	vmul.f32 v29, v3;
	v3 =	vmovc v17;
	v18 =	vmov s0;
	v19 =	vld.idx.msk [tilespmem:v34+s31+$0x0], $0xffff  }
0x38b: {  	v32 =	vmul.f32 v37, v7;
	v17 =	vmov s4;
	v33 =	vld [tilespmem:s4+$0x3400];
	v18 =	vshll.u32 v18, $0x3;
	[tilespmem:s9+$0x2300] =	vst v20  }
0x38c: {  	v34 =	vmul.f32 v38, v8;
	v29 =	vadd.f32 v29, v27;
	v30 =	vmul.f32 v30, v6;
	v6 =	vmovc v16;
	v20 =	vld [tilespmem:s4+$0x3C00]  }
0x38d: {  	v16 =	vshll.u32 v17, $0x3;
	v27 =	vor.u32 v0, v18;
	v18 =	vmul.f32 v35, v2;
	v2 =	vmovc v10;
	v17 =	vld.idx.msk [tilespmem:v26+s26+$0x0], $0xffff  }
0x38e: {  	v32 =	vadd.f32 v34, v32;
	v22 =	vmul.f32 v22, v3;
	v29 =	vadd.f32 v30, v29;
	v35 =	vld.idx.msk [tilespmem:v26+s29+$0x0], $0xffff  }
0x38f: {  	v34 =	vor.u32 v0, v16;
	v36 =	vmul.f32 v31, v12;
	v18 =	vadd.f32 v18, v28;
	v16 =	vld.idx.msk [tilespmem:v26+s31+$0x0], $0xffff  }
0x390: {  	v38 =	vor.u32 $0x4, v11;
	v10 =	vmovc v14;
	v22 =	vadd.f32 v22, v32;
	v19 =	vmul.f32 v19, v6;
	v37 =	vld [tilespmem:s0+$0x3400];
	[tilespmem:s2+$0x2380] =	vst v29;
	s2 =	smov.u32 s22  }
0x391: {  	v29 =	vsub.f32 $1.000000000e+00, v33;
	v26 =	vsub.f32 $1.000000000e+00, v20;
	v14 =	vmul.f32 v20, v33;
	v39 =	vld [tilespmem:s0+$0x3C00];
	[tilespmem:s18+$0x2380] =	vst v18;
	s18 =	smov.u32 s9;
	s9 =	smov.u32 s23  }
0x392: {  	v30 =	vor.u32 $0x2, v34;
	v32 =	vor.u32 $0x1, v34;
	v18 =	vadd.f32 v19, v22;
	v40 =	vld.idx.msk [tilespmem:v27+s29+$0x0], $0xffff  }
0x393: {  	v41 =	vmul.f32 v26, v29;
	v28 =	vmul.f32 v26, v33;
	v26 =	vor.u32 $0x3, v34;
	v33 =	vld.idx.msk [tilespmem:v27+s24+$0x0], $0xffff  }
0x394: {  	v42 =	vor.u32 $0x4, v34;
	v20 =	vmul.f32 v20, v29;
	v17 =	vmul.f32 v17, v13;
	v43 =	vld.idx.msk [tilespmem:v27+s26+$0x0], $0xffff;
	[tilespmem:s2+$0x2180] =	vst v18  }
0x395: {  	v31 =	vor.u32 $0x5, v34;
	v35 =	vmul.f32 v35, v4;
	v44 =	vmul.f32 v16, v10;
	v45 =	vld.idx.msk [tilespmem:v38+s24+$0x0], $0xffff  }
0x396: {  	v29 =	vor.u32 $0x6, v34;
	v16 =	vsub.f32 $1.000000000e+00, v37;
	v19 =	vsub.f32 $1.000000000e+00, v39;
	v46 =	vld.idx.msk [tilespmem:v38+s26+$0x0], $0xffff  }
0x397: {  	v22 =	vor.u32 $0x7, v34;
	v36 =	vadd.f32 v17, v36;
	v47 =	vld.idx.msk [tilespmem:v27+s31+$0x0], $0xffff  }
0x398: {  	v18 =	vmul.f32 v19, v16;
	v19 =	vmul.f32 v19, v37;
	v48 =	vld.idx.msk [tilespmem:v38+s29+$0x0], $0xffff  }
0x399: {  	v35 =	vadd.f32 v35, v36;
	v17 =	vmul.f32 v39, v16;
	v49 =	vld.idx.msk [tilespmem:v34+s24+$0x0], $0xffff  }
0x39a: {  	v33 =	vmul.f32 v18, v33;
	v36 =	vmul.f32 v19, v43;
	v38 =	vld.idx.msk [tilespmem:v38+s31+$0x0], $0xffff  }
0x39b: {  	v16 =	vmul.f32 v39, v37;
	v35 =	vadd.f32 v44, v35;
	v37 =	vmul.f32 v40, v17;
	v43 =	vld.idx.msk [tilespmem:v34+s26+$0x0], $0xffff  }
0x39c: {  	v40 =	vmul.f32 v46, v8;
	v39 =	vld.idx.msk [tilespmem:v34+s29+$0x0], $0xffff;
	v33 =	vadd.f32 v36, v33;
	v36 =	vmul.f32 v45, v7  }
0x39d: {  	v44 =	vmul.f32 v47, v16;
	v45 =	vor.u32 $0x1, v27;
	v34 =	vld.idx.msk [tilespmem:v34+s31+$0x0], $0xffff;
	[tilespmem:s9+$0x2180] =	vst v35  }
0x39e: {  	s0 =	sshll.u32 s25, $0x7;
	v33 =	vadd.f32 v37, v33;
	v35 =	vld.idx.msk [tilespmem:v25+s24+$0x0], $0xffff;
	v36 =	vadd.f32 v40, v36;
	v37 =	vmul.f32 v48, v3  }
0x39f: {  	s0 =	sand.u32 $0x3FFFFC00, s0;
	v47 =	vor.u32 $0x5, v11;
	v40 =	vmul.f32 v41, v49;
	v46 =	vld.idx.msk [tilespmem:v25+s26+$0x0], $0xffff  }
0x3a0: {  	s0 =	sadd.s32 $0x14000, s0;
	v33 =	vadd.f32 v44, v33;
	v44 =	vld.idx.msk [tilespmem:v25+s29+$0x0], $0xffff;
	v36 =	vadd.f32 v37, v36;
	v37 =	vmul.f32 v38, v6  }
0x3a1: {  	s23 =	sor.u32 s1, s0;
	s22 =	sor.u32 s3, s0;
	v38 =	vmul.f32 v28, v43;
	v43 =	vld.idx.msk [tilespmem:v25+s31+$0x0], $0xffff;
	v25 =	vmov v42  }
0x3a2: {  	v39 =	vmul.f32 v39, v20;
	[tilespmem:s22+$0x2000] =	vst v33;
	v33 =	vadd.f32 v37, v36;
	v36 =	vld.idx.msk [tilespmem:v15+s24+$0x0], $0xffff  }
0x3a3: {  	v37 =	vadd.f32 v38, v40;
	v34 =	vmul.f32 v34, v14;
	v38 =	vld.idx.msk [tilespmem:v45+s24+$0x0], $0xffff  }
0x3a4: {  	v35 =	vmul.f32 v35, v12;
	v40 =	vld.idx.msk [tilespmem:v45+s26+$0x0], $0xffff;
	[tilespmem:s2+$0x2200] =	vst v33  }
0x3a5: {  	v33 =	vadd.f32 v39, v37;
	v37 =	vmul.f32 v46, v13;
	v39 =	vld.idx.msk [tilespmem:v47+s24+$0x0], $0xffff  }
0x3a6: {  	v42 =	vmul.f32 v44, v4;
	v44 =	vld.idx.msk [tilespmem:v47+s26+$0x0], $0xffff  }
0x3a7: {  	v33 =	vadd.f32 v34, v33;
	v35 =	vadd.f32 v37, v35;
	v37 =	vmul.f32 v43, v10;
	v34 =	vld.idx.msk [tilespmem:v45+s29+$0x0], $0xffff  }
0x3a8: {  	v36 =	vmul.f32 v36, v5;
	v5 =	vmov v12;
	v12 =	vmov v41;
	v43 =	vld.idx.msk [tilespmem:v47+s29+$0x0], $0xffff  }
0x3a9: {  	v35 =	vadd.f32 v42, v35;
	[tilespmem:s23+$0x2000] =	vst v33;
	v33 =	vld.idx.msk [tilespmem:v45+s31+$0x0], $0xffff  }
0x3aa: {  	v41 =	vld.idx.msk [tilespmem:v47+s31+$0x0], $0xffff  }
0x3ab: {  	v38 =	vmul.f32 v38, v18;
	v40 =	vmul.f32 v40, v19;
	v35 =	vadd.f32 v37, v35;
	v42 =	vld.idx.msk [tilespmem:v32+s24+$0x0], $0xffff  }
0x3ac: {  	v39 =	vmul.f32 v39, v7;
	v44 =	vmul.f32 v44, v8;
	v37 =	vld.idx.msk [tilespmem:v32+s26+$0x0], $0xffff  }
0x3ad: {  	v38 =	vadd.f32 v40, v38;
	v34 =	vmul.f32 v34, v17;
	v45 =	vld.idx.msk [tilespmem:v32+s29+$0x0], $0xffff;
	[tilespmem:s9+$0x2200] =	vst v35  }
0x3ae: {  	v35 =	vadd.f32 v44, v39;
	v39 =	vmul.f32 v43, v3;
	v32 =	vld.idx.msk [tilespmem:v32+s31+$0x0], $0xffff  }
0x3af: {  	v34 =	vadd.f32 v34, v38;
	v33 =	vmul.f32 v33, v16;
	v38 =	vor.u32 $0x2, v27;
	v40 =	vld.idx.msk [tilespmem:v24+s24+$0x0], $0xffff  }
0x3b0: {  	v35 =	vadd.f32 v39, v35;
	v39 =	vmul.f32 v41, v6;
	v41 =	vor.u32 $0x6, v11;
	v43 =	vld.idx.msk [tilespmem:v24+s26+$0x0], $0xffff  }
0x3b1: {  	v42 =	vmul.f32 v42, v12;
	v33 =	vadd.f32 v33, v34;
	v34 =	vld.idx.msk [tilespmem:v24+s29+$0x0], $0xffff  }
0x3b2: {  	v37 =	vmul.f32 v37, v28;
	v35 =	vadd.f32 v39, v35;
	v44 =	vld.idx.msk [tilespmem:v24+s31+$0x0], $0xffff;
	v24 =	vmov v31  }
0x3b3: {  	v31 =	vmul.f32 v45, v20;
	[tilespmem:s22+$0x2080] =	vst v33;
	v33 =	vld.idx.msk [tilespmem:v15+s26+$0x0], $0xffff  }
0x3b4: {  	v37 =	vadd.f32 v37, v42;
	v32 =	vmul.f32 v32, v14;
	v39 =	vld.idx.msk [tilespmem:v38+s24+$0x0], $0xffff;
	[tilespmem:s2+$0x2280] =	vst v35  }
0x3b5: {  	v35 =	vmul.f32 v40, v5;
	v40 =	vld.idx.msk [tilespmem:v41+s24+$0x0], $0xffff  }
0x3b6: {  	v31 =	vadd.f32 v31, v37;
	v37 =	vmul.f32 v43, v13;
	v42 =	vld.idx.msk [tilespmem:v41+s26+$0x0], $0xffff  }
0x3b7: {  	v34 =	vmul.f32 v34, v4;
	v43 =	vld.idx.msk [tilespmem:v38+s26+$0x0], $0xffff  }
0x3b8: {  	v31 =	vadd.f32 v32, v31;
	v32 =	vadd.f32 v37, v35;
	v35 =	vmul.f32 v44, v10;
	v37 =	vld.idx.msk [tilespmem:v41+s29+$0x0], $0xffff  }
0x3b9: {  	v33 =	vmul.f32 v33, v9;
	v9 =	vmov v13;
	v13 =	vmov v28;
	v44 =	vld.idx.msk [tilespmem:v38+s29+$0x0], $0xffff  }
0x3ba: {  	[tilespmem:s23+$0x2080] =	vst v31;
	v31 =	vadd.f32 v34, v32;
	v32 =	vld.idx.msk [tilespmem:v41+s31+$0x0], $0xffff  }
0x3bb: {  	v28 =	vadd.f32 v33, v36;
	v34 =	vld.idx.msk [tilespmem:v30+s24+$0x0], $0xffff  }
0x3bc: {  	v36 =	vmul.f32 v42, v8;
	v33 =	vld.idx.msk [tilespmem:v38+s31+$0x0], $0xffff;
	v31 =	vadd.f32 v35, v31;
	v35 =	vmul.f32 v40, v7  }
0x3bd: {  	v39 =	vmul.f32 v39, v18;
	v38 =	vld.idx.msk [tilespmem:v30+s26+$0x0], $0xffff  }
0x3be: {  	v41 =	vmul.f32 v43, v19;
	v40 =	vld.idx.msk [tilespmem:v30+s29+$0x0], $0xffff;
	v35 =	vadd.f32 v36, v35;
	v36 =	vmul.f32 v37, v3  }
0x3bf: {  	v42 =	vmul.f32 v44, v17;
	v37 =	vld.idx.msk [tilespmem:v30+s31+$0x0], $0xffff;
	[tilespmem:s9+$0x2280] =	vst v31;
	v30 =	vor.u32 $0x7, v11;
	v11 =	vmov v27  }
0x3c0: {  	v27 =	vadd.f32 v41, v39;
	v32 =	vmul.f32 v32, v6;
	v39 =	vld.idx.msk [tilespmem:v21+s24+$0x0], $0xffff;
	v31 =	vadd.f32 v36, v35  }
0x3c1: {  	v35 =	vmul.f32 v34, v12;
	v34 =	vor.u32 $0x3, v11;
	v36 =	vld.idx.msk [tilespmem:v21+s26+$0x0], $0xffff  }
0x3c2: {  	v27 =	vadd.f32 v42, v27;
	v33 =	vmul.f32 v33, v16;
	v41 =	vld.idx.msk [tilespmem:v21+s29+$0x0], $0xffff;
	v31 =	vadd.f32 v32, v31  }
0x3c3: {  	v32 =	vmul.f32 v38, v13;
	v42 =	vld.idx.msk [tilespmem:v21+s31+$0x0], $0xffff;
	v21 =	vmov v29  }
0x3c4: {  	v29 =	vmul.f32 v40, v20;
	v33 =	vadd.f32 v33, v27;
	[tilespmem:s2+$0x2300] =	vst v31;
	v31 =	vld.idx.msk [tilespmem:v15+s29+$0x0], $0xffff  }
.Ltmp5:
0x3c5: {  	v35 =	vadd.f32 v32, v35;
	v38 =	vmul.f32 v37, v14;
	v27 =	vld.idx.msk [tilespmem:v30+s24+$0x0], $0xffff;
	(pc) =	sbr.rel @p0 .LBB2_13-.Ltmp5, $4  }
0x3c6: {  	[tilespmem:s22+$0x2100] =	vst v33;
	v33 =	vmul.f32 v39, v5;
	v32 =	vld.idx.msk [tilespmem:v30+s26+$0x0], $0xffff  }
0x3c7: {  	v39 =	vadd.f32 v29, v35;
	v36 =	vmul.f32 v36, v9;
	v37 =	vld.idx.msk [tilespmem:v34+s24+$0x0], $0xffff  }
0x3c8: {  	v35 =	vmul.f32 v41, v4;
	v29 =	vld.idx.msk [tilespmem:v30+s29+$0x0], $0xffff  }
0x3c9: {  	v39 =	vadd.f32 v38, v39;
	v36 =	vadd.f32 v36, v33;
	v33 =	vmul.f32 v42, v10;
	v38 =	vld.idx.msk [tilespmem:v34+s26+$0x0], $0xffff  }
0x3ca: {  	_ =	sdelay $0x3  }
0x3cb: {  	v51 =	vld.idx.msk [tilespmem:v34+s29+$0x0], $0xffff;
	[tilespmem:s23+$0x2100] =	vst v39  }
0x3cc: {  	v40 =	vld.idx.msk [tilespmem:v26+s24+$0x0], $0xffff  }
0x3cd: {  	v41 =	vld.idx.msk [tilespmem:v26+s26+$0x0], $0xffff  }
0x3ce: {  	v52 =	vld.idx.msk [tilespmem:v34+s31+$0x0], $0xffff  }
0x3cf: {  	v37 =	vmul.f32 v37, v18;
	v42 =	vld.idx.msk [tilespmem:v26+s29+$0x0], $0xffff;
	v38 =	vmul.f32 v38, v19;
	_ =	sdelay $0x1  }
0x3d0: {  	v54 =	vld.idx.msk [tilespmem:v26+s31+$0x0], $0xffff;
	v53 =	vmul.f32 v51, v17;
	v37 =	vadd.f32 v38, v37  }
0x3d1: {  	v55 =	vmul.f32 v40, v12;
	v56 =	vmul.f32 v41, v13  }
0x3d2: {  	v57 =	vor.u32 $0x4, v11;
	v34 =	vmul.f32 v52, v16;
	v37 =	vadd.f32 v53, v37  }
0x3d3: {  	v58 =	vmul.f32 v42, v20;
	v39 =	vadd.f32 v56, v55  }
0x3d4: {  	v34 =	vadd.f32 v34, v37  }
0x3d5: {  	v26 =	vmul.f32 v54, v14;
	v59 =	vadd.f32 v58, v39  }
0x3d6: {  	[tilespmem:s22+$0x2180] =	vst v34  }
0x3d7: {  	v34 =	vld.idx.msk [tilespmem:v57+s24+$0x0], $0xffff;
	v26 =	vadd.f32 v26, v59  }
0x3d8: {  	v60 =	vld.idx.msk [tilespmem:v57+s26+$0x0], $0xffff  }
0x3d9: {  	v61 =	vld.idx.msk [tilespmem:v57+s29+$0x0], $0xffff;
	[tilespmem:s23+$0x2180] =	vst v26  }
0x3da: {  	v26 =	vld.idx.msk [tilespmem:v25+s24+$0x0], $0xffff  }
0x3db: {  	v62 =	vld.idx.msk [tilespmem:v25+s26+$0x0], $0xffff  }
0x3dc: {  	v38 =	vld.idx.msk [tilespmem:v57+s31+$0x0], $0xffff  }
0x3dd: {  	v63 =	vld.idx.msk [tilespmem:v25+s29+$0x0], $0xffff;
	v34 =	vmul.f32 v34, v18;
	v37 =	vmul.f32 v60, v19;
	_ =	sdelay $0x1  }
0x3de: {  	v45 =	vld.idx.msk [tilespmem:v25+s31+$0x0], $0xffff;
	v44 =	vmul.f32 v61, v17;
	v34 =	vadd.f32 v37, v34  }
0x3df: {  	v26 =	vmul.f32 v26, v12;
	v46 =	vmul.f32 v62, v13  }
0x3e0: {  	v47 =	vor.u32 $0x5, v11;
	v38 =	vmul.f32 v38, v16;
	v34 =	vadd.f32 v44, v34  }
0x3e1: {  	v48 =	vmul.f32 v63, v20;
	v26 =	vadd.f32 v46, v26  }
0x3e2: {  	v34 =	vadd.f32 v38, v34  }
0x3e3: {  	v25 =	vmul.f32 v45, v14;
	v26 =	vadd.f32 v48, v26  }
0x3e4: {  	[tilespmem:s22+$0x2200] =	vst v34  }
0x3e5: {  	v34 =	vld.idx.msk [tilespmem:v47+s24+$0x0], $0xffff;
	v25 =	vadd.f32 v25, v26  }
0x3e6: {  	v49 =	vld.idx.msk [tilespmem:v47+s26+$0x0], $0xffff  }
0x3e7: {  	v50 =	vld.idx.msk [tilespmem:v47+s29+$0x0], $0xffff;
	[tilespmem:s23+$0x2200] =	vst v25  }
0x3e8: {  	v25 =	vld.idx.msk [tilespmem:v24+s24+$0x0], $0xffff  }
0x3e9: {  	v51 =	vld.idx.msk [tilespmem:v24+s26+$0x0], $0xffff  }
0x3ea: {  	v37 =	vld.idx.msk [tilespmem:v47+s31+$0x0], $0xffff  }
0x3eb: {  	v52 =	vld.idx.msk [tilespmem:v24+s29+$0x0], $0xffff;
	v34 =	vmul.f32 v34, v18;
	v26 =	vmul.f32 v49, v19;
	_ =	sdelay $0x1  }
0x3ec: {  	v54 =	vld.idx.msk [tilespmem:v24+s31+$0x0], $0xffff;
	v53 =	vmul.f32 v50, v17;
	v26 =	vadd.f32 v26, v34  }
0x3ed: {  	v25 =	vmul.f32 v25, v12;
	v55 =	vmul.f32 v51, v13  }
0x3ee: {  	v57 =	vor.u32 $0x6, v11;
	v56 =	vmul.f32 v37, v16;
	v26 =	vadd.f32 v53, v26  }
0x3ef: {  	v58 =	vmul.f32 v52, v20;
	v25 =	vadd.f32 v55, v25  }
0x3f0: {  	v26 =	vadd.f32 v56, v26  }
0x3f1: {  	v24 =	vmul.f32 v54, v14;
	v25 =	vadd.f32 v58, v25  }
0x3f2: {  	[tilespmem:s22+$0x2280] =	vst v26  }
0x3f3: {  	v26 =	vld.idx.msk [tilespmem:v57+s24+$0x0], $0xffff;
	v24 =	vadd.f32 v24, v25  }
0x3f4: {  	v59 =	vld.idx.msk [tilespmem:v57+s26+$0x0], $0xffff  }
0x3f5: {  	v60 =	vld.idx.msk [tilespmem:v57+s29+$0x0], $0xffff;
	[tilespmem:s23+$0x2280] =	vst v24  }
0x3f6: {  	v24 =	vld.idx.msk [tilespmem:v21+s24+$0x0], $0xffff  }
0x3f7: {  	v61 =	vld.idx.msk [tilespmem:v21+s26+$0x0], $0xffff  }
0x3f8: {  	v37 =	vld.idx.msk [tilespmem:v57+s31+$0x0], $0xffff  }
0x3f9: {  	v35 =	vadd.f32 v35, v36;
	v62 =	vld.idx.msk [tilespmem:v21+s29+$0x0], $0xffff  }
0x3fa: {  	v26 =	vmul.f32 v26, v18;
	v25 =	vmul.f32 v59, v19  }
0x3fb: {  	v33 =	vadd.f32 v33, v35;
	v36 =	vld.idx.msk [tilespmem:v21+s31+$0x0], $0xffff;
	v63 =	vmul.f32 v60, v17  }
0x3fc: {  	v30 =	vld.idx.msk [tilespmem:v30+s31+$0x0], $0xffff;
	v25 =	vadd.f32 v25, v26;
	v24 =	vmul.f32 v24, v12;
	v38 =	vmul.f32 v61, v13  }
0x3fd: {  	v15 =	vld.idx.msk [tilespmem:v15+s31+$0x0], $0xffff;
	v40 =	vor.u32 $0x7, v11;
	v41 =	vmul.f32 v37, v16  }
0x3fe: {  	[tilespmem:s9+$0x2300] =	vst v33;
	v42 =	vmul.f32 v62, v20;
	v25 =	vadd.f32 v63, v25;
	v24 =	vadd.f32 v38, v24  }
0x3ff: {  	v43 =	vld.idx.msk [tilespmem:v23+s24+$0x0], $0xffff  }
0x400: {  	v45 =	vld.idx.msk [tilespmem:v23+s29+$0x0], $0xffff;
	v21 =	vmul.f32 v36, v14;
	v25 =	vadd.f32 v41, v25;
	v24 =	vadd.f32 v42, v24  }
0x401: {  	v44 =	vld.idx.msk [tilespmem:v23+s26+$0x0], $0xffff  }
0x402: {  	v54 =	vld.idx.msk [tilespmem:v23+s31+$0x0], $0xffff;
	[tilespmem:s22+$0x2300] =	vst v25;
	v21 =	vadd.f32 v21, v24  }
0x403: {  	v7 =	vmul.f32 v27, v7;
	v8 =	vmul.f32 v32, v8;
	v46 =	vld.idx.msk [tilespmem:v40+s24+$0x0], $0xffff  }
0x404: {  	v47 =	vld.idx.msk [tilespmem:v40+s26+$0x0], $0xffff;
	[tilespmem:s23+$0x2300] =	vst v21  }
0x405: {  	v7 =	vadd.f32 v8, v7;
	v3 =	vmul.f32 v29, v3;
	v21 =	vld.idx.msk [tilespmem:v22+s24+$0x0], $0xffff  }
0x406: {  	v1 =	vmul.f32 v31, v1;
	v49 =	vld.idx.msk [tilespmem:v22+s26+$0x0], $0xffff  }
0x407: {  	v6 =	vmul.f32 v30, v6;
	v3 =	vadd.f32 v3, v7;
	v48 =	vld.idx.msk [tilespmem:v40+s29+$0x0], $0xffff  }
0x408: {  	v1 =	vadd.f32 v1, v28;
	v5 =	vmul.f32 v43, v5;
	v9 =	vmul.f32 v44, v9;
	v53 =	vld.idx.msk [tilespmem:v22+s29+$0x0], $0xffff  }
0x409: {  	v2 =	vmul.f32 v15, v2;
	v3 =	vadd.f32 v6, v3;
	v4 =	vmul.f32 v45, v4;
	v50 =	vld.idx.msk [tilespmem:v40+s31+$0x0], $0xffff  }
0x40a: {  	v5 =	vadd.f32 v9, v5;
	v56 =	vld.idx.msk [tilespmem:v22+s31+$0x0], $0xffff;
	v51 =	vmul.f32 v46, v18;
	v52 =	vmul.f32 v47, v19  }
0x40b: {  	v1 =	vadd.f32 v2, v1;
	v57 =	vmul.f32 v21, v12;
	v58 =	vmul.f32 v49, v13  }
0x40c: {  	v2 =	vadd.f32 v4, v5;
	v55 =	vmul.f32 v48, v17;
	v11 =	vadd.f32 v52, v51  }
0x40d: {  	v61 =	vmul.f32 v54, v10;
	v60 =	vmul.f32 v53, v20;
	v6 =	vadd.f32 v58, v57  }
0x40e: {  	v8 =	vmul.f32 v50, v16;
	v59 =	vadd.f32 v55, v11  }
0x40f: {  	[tilespmem:s18+$0x2380] =	vst v1;
	v1 =	vadd.f32 v61, v2;
	v63 =	vmul.f32 v56, v14;
	v62 =	vadd.f32 v60, v6  }
0x410: {  	[tilespmem:s2+$0x2380] =	vst v3;
	v3 =	vadd.f32 v8, v59  }
0x411: {  	[tilespmem:s9+$0x2380] =	vst v1;
	v2 =	vadd.f32 v63, v62  }
0x412: {  	[tilespmem:s22+$0x2380] =	vst v3  }
0x413: {  	s0 =	rddreg [dreg:$0x1];
	s14 =	sadd.s32 $0x1, s14;
	[tilespmem:s23+$0x2380] =	vst v2  }
0x414: {  	p0 =	sne.s32 s14, $0x10;
	s1 =	rddreg [dreg:$0xc]  }
.Ltmp6:
0x415: {  	s30 =	simm.s32 $0x16000;
	s0 =	sadd.s32 s0, s1;
	(pc) =	sbr.rel @p0 .LBB2_4-.Ltmp6, $4  }
0x416: {  	[hbm4b:s0+s11] =	stream.linear.scatter [tilespmem:s30], [sflag:$0x3], $0x2000, $0x38;
	[tilespmem:$0x18000] =	vst v63  }
0x417: {  	_ =	swait.ge [sflag:s12], $0x2000  }
0x418: {  	[sflag:s12] =	ssyncset.done $0x0  }
0x419: {  	[sflag:s12] =	ssyncadd.s32 $0xFFFFE000  }
0x41a: {  	s1 =	rddreg [dreg:$0xa]  }
0x41b: {  	s0 =	rddreg [dreg:$0x9];
	s1 =	sadd.s32 $0x1, s1  }
0x41c: {  	p0 =	sne.s32 s1, s0  }
.Ltmp7:
0x41d: {  	_ = 	snop;
	(pc) =	sbr.rel @p0 .LBB2_1-.Ltmp7, $1  }
0x41e: {  	_ =	sdelay $0x3  }
0x41f: {  	_ =	sfence.sel $0x180000  }
0x420: {  	[bflag:$0x0] =	sbarrier.arrive $0xFFFF  }
0x421: {  	_ =	strace $0x9000004A  }
0x422: {  	s0 =	stileid.u32;
	[bflag:$0x2] =	sbarrier.arrive $0xFFFF  }
0x423: {  	p0 =	sne.s32 s0, $0x0;
	s0 =	rddreg [dreg:$0x2]  }
0x424: {  	s0 =	sadd.s32 @!p0 $0x100000, s0  }
0x425: {  	[sflag:s0] =	ssyncadd.tile.s32 @!p0 $0x1;
	_ =	shalt  }
.Lfunc_end2:
_tile_overlayer_lowered:
.L_overlay_start_2:
0x426: {  	(tag) =	ssettag $0x2  }
0x427: {  	s0 =	rddreg [dreg:$0x0];
	s2 =	stileid.u32  }
0x428: {  	s1 =	rddreg [dreg:$0x1];
	p0 =	sne.s32 s2, $0x0  }
0x429: {  	s3 =	rddreg [dreg:$0x2];
	[bflag:$0x3] =	sbarrier.arrive $0xFFFF;
	s2 =	simm.s32 @!p0 $0x1C03  }
0x42a: {  	[timem:s3], [sflag:s2] =	dma.local @!p0 [hbm:s0], s1  }
0x42b: {  	s0 =	simm.s32 @!p0 $0x3  }
0x42c: {  	_ =	swait.ge @!p0 [sflag:s0], s1  }
0x42d: {  	s1 =	ssub.s32 @!p0 $0x0, s1;
	[sflag:s0] =	ssyncset.done @!p0 $0x0  }
0x42e: {  	[sflag:s0] =	ssyncadd.s32 @!p0 s1  }
0x42f: {  	[bflag:$0x3] =	sbarrier.arrive $0xFFFF  }
0x430: {  	_ =	shalt  }

</sc_bundles>
